<compile_context>
chip_gen: v7x
topology: tpu7x:2x2x1
jax: 0.10.2.dev20260603
libtpu: 0.0.44.dev20260713+nightly
codegen_flags: <defaults>
</compile_context>

<pallas_src>
import functools

import jax
import jax.numpy as jnp
from jax import lax
from jax.experimental import pallas as pl
from jax.experimental.pallas import tpu as pltpu
from jax.experimental.pallas import tpu_sc as plsc

N = 10000
D = 256
E_PAD = 163840
L = 16
NW = 32
EPT = E_PAD // NW
CHUNK = 1280
NCHUNK = E_PAD // CHUNK
PPT = 4


def _wid():
    return lax.axis_index("s") * 2 + lax.axis_index("c")


def _zero_fill(ref, n, unroll):
    zero = jnp.zeros((L,), jnp.float32)

    @plsc.parallel_loop(0, n // L, unroll=unroll)
    def _(i):
        ref[pl.ds(i * L, L)] = zero


@functools.cache
def _build():
    mesh = plsc.VectorSubcoreMesh(core_axis_name="c", subcore_axis_name="s")
    sc_params = pltpu.CompilerParams(needs_layout_passes=False)

    @functools.partial(
        pl.kernel,
        out_type=jax.ShapeDtypeStruct((NW * N,), jnp.float32),
        mesh=mesh,
        compiler_params=sc_params,
        scratch_types=[
            pltpu.VMEM((N,), jnp.float32),
            pltpu.VMEM((EPT,), jnp.int32),
            pltpu.VMEM((EPT,), jnp.float32),
        ],
    )
    def _deg_kernel(dst_hbm, ew_hbm, out_hbm, deg_v, dst_v, ew_v):
        wid = _wid()
        base = wid * EPT
        pltpu.sync_copy(dst_hbm.at[pl.ds(base, EPT)], dst_v)
        pltpu.sync_copy(ew_hbm.at[pl.ds(base, EPT)], ew_v)
        _zero_fill(deg_v, N, 5)

        @plsc.parallel_loop(0, EPT // L, unroll=4)
        def _(k):
            d16 = dst_v[pl.ds(k * L, L)]
            w16 = ew_v[pl.ds(k * L, L)]
            plsc.addupdate_scatter(deg_v, [d16], w16)

        pltpu.sync_copy(deg_v, out_hbm.at[pl.ds(wid * N, N)])

    @functools.partial(
        pl.kernel,
        out_type=jax.ShapeDtypeStruct((3 * E_PAD,), jnp.int32),
        mesh=mesh,
        compiler_params=sc_params,
        scratch_types=[
            pltpu.VMEM((N,), jnp.float32),
            pltpu.VMEM((EPT,), jnp.int32),
            pltpu.VMEM((EPT,), jnp.int32),
            pltpu.VMEM((EPT,), jnp.float32),
            pltpu.VMEM((EPT,), jnp.int32),
        ],
    )
    def _norm_kernel(src_hbm, dst_hbm, ew_hbm, dis_hbm, out_hbm,
                     dis_v, src_v, dst_v, ew_v, nrm_v):
        wid = _wid()
        base = wid * EPT
        pltpu.sync_copy(dis_hbm, dis_v)
        pltpu.sync_copy(src_hbm.at[pl.ds(base, EPT)], src_v)
        pltpu.sync_copy(dst_hbm.at[pl.ds(base, EPT)], dst_v)
        pltpu.sync_copy(ew_hbm.at[pl.ds(base, EPT)], ew_v)

        @plsc.parallel_loop(0, EPT // L, unroll=4)
        def _(k):
            s16 = src_v[pl.ds(k * L, L)]
            d16 = dst_v[pl.ds(k * L, L)]
            w16 = ew_v[pl.ds(k * L, L)]
            a = plsc.load_gather(dis_v, [s16])
            b = plsc.load_gather(dis_v, [d16])
            nrm_v[pl.ds(k * L, L)] = plsc.bitcast(a * w16 * b, jnp.int32)

        for cc in range(4):
            ob = (4 * wid + cc) * 3 * CHUNK
            pltpu.sync_copy(src_v.at[pl.ds(cc * CHUNK, CHUNK)],
                            out_hbm.at[pl.ds(ob, CHUNK)])
            pltpu.sync_copy(dst_v.at[pl.ds(cc * CHUNK, CHUNK)],
                            out_hbm.at[pl.ds(ob + CHUNK, CHUNK)])
            pltpu.sync_copy(nrm_v.at[pl.ds(cc * CHUNK, CHUNK)],
                            out_hbm.at[pl.ds(ob + 2 * CHUNK, CHUNK)])

    @functools.partial(
        pl.kernel,
        out_type=jax.ShapeDtypeStruct((D * N,), jnp.float32),
        mesh=mesh,
        compiler_params=sc_params,
        scratch_types=(
            [pltpu.VMEM((N,), jnp.int32) for _ in range(PPT)]
            + [pltpu.VMEM((N,), jnp.float32) for _ in range(2 * PPT)]
            + [pltpu.VMEM((3 * CHUNK,), jnp.int32) for _ in range(2)]
            + [pltpu.SemaphoreType.DMA, pltpu.SemaphoreType.DMA]
        ),
    )
    def _feat_scatter_kernel(hP_hbm, edata_hbm, out_hbm,
                             gp0, gp1, gp2, gp3,
                             t0l, t0h, t1l, t1h, t2l, t2h, t3l, t3h,
                             eb0, eb1, sem0, sem1):
        gps = (gp0, gp1, gp2, gp3)
        tss = ((t0l, t0h), (t1l, t1h), (t2l, t2h), (t3l, t3h))
        ebs = (eb0, eb1)
        sems = (sem0, sem1)
        wid = _wid()

        def _start(ci, b):
            pltpu.async_copy(
                edata_hbm.at[pl.ds(ci * 3 * CHUNK, 3 * CHUNK)], ebs[b], sems[b])

        def _wait(ci, b):
            pltpu.make_async_copy(
                edata_hbm.at[pl.ds(ci * 3 * CHUNK, 3 * CHUNK)], ebs[b], sems[b]
            ).wait()

        pr0 = wid * PPT
        for j in range(PPT):
            pltpu.sync_copy(hP_hbm.at[pl.ds((pr0 + j) * N, N)], gps[j])
            _zero_fill(tss[j][0], N, 5)
            _zero_fill(tss[j][1], N, 5)
        _start(0, 0)

        def cbody(g, c):
            for b in range(2):
                ci = g * 2 + b

                @pl.when(ci + 1 < NCHUNK)
                def _():
                    _start(ci + 1, 1 - b)

                _wait(ci, b)
                ebuf = ebs[b]

                @plsc.parallel_loop(0, CHUNK // L, unroll=16)
                def _(k):
                    s16 = ebuf[pl.ds(k * L, L)]
                    d16 = ebuf[pl.ds(CHUNK + k * L, L)]
                    w16 = plsc.bitcast(
                        ebuf[pl.ds(2 * CHUNK + k * L, L)], jnp.float32)
                    for j in range(PPT):
                        pk = plsc.load_gather(gps[j], [s16])
                        lo, hi = plsc.unpack(
                            plsc.bitcast(pk, jnp.bfloat16),
                            format=plsc.PackFormat.INTERLEAVED)
                        plsc.addupdate_scatter(tss[j][0], [d16], lo * w16)
                        plsc.addupdate_scatter(tss[j][1], [d16], hi * w16)
            return c

        lax.fori_loop(0, NCHUNK // 2, cbody, 0)
        for j in range(PPT):
            pltpu.sync_copy(tss[j][0], out_hbm.at[pl.ds((pr0 + j) * N, N)])
            pltpu.sync_copy(tss[j][1],
                            out_hbm.at[pl.ds((pr0 + j + D // 2) * N, N)])

    def _prep_body(parts_ref, dis_ref, sc_ref):
        deg = jnp.sum(parts_ref[...], axis=0, keepdims=True) + 1.0
        dis_ref[...] = lax.rsqrt(deg)
        sc_ref[...] = 1.0 / deg

    _prep = pl.pallas_call(
        _prep_body,
        out_shape=[jax.ShapeDtypeStruct((1, N), jnp.float32),
                   jax.ShapeDtypeStruct((1, N), jnp.float32)],
    )

    def _pack_pairs(h):
        lo = lax.bitcast_convert_type(
            h[:D // 2].astype(jnp.bfloat16), jnp.uint16).astype(jnp.uint32)
        hi = lax.bitcast_convert_type(
            h[D // 2:].astype(jnp.bfloat16), jnp.uint16).astype(jnp.uint32)
        return lax.bitcast_convert_type(lo | (hi << 16), jnp.int32)

    def _unpack_pairs(p):
        u = lax.bitcast_convert_type(p, jnp.uint32)
        lo = lax.bitcast_convert_type(
            (u & 0xFFFF).astype(jnp.uint16), jnp.bfloat16).astype(jnp.float32)
        hi = lax.bitcast_convert_type(
            (u >> 16).astype(jnp.uint16), jnp.bfloat16).astype(jnp.float32)
        return jnp.concatenate([lo, hi], axis=0)

    def _mm_body(w_ref, x_ref, p_ref):
        h = lax.dot_general(
            w_ref[...], x_ref[...], (((0,), (1,)), ((), ())),
            preferred_element_type=jnp.float32)
        p_ref[...] = _pack_pairs(h)

    _mm1 = pl.pallas_call(
        _mm_body,
        out_shape=jax.ShapeDtypeStruct((D // 2, N), jnp.int32),
    )

    def _epi1_mm2_body(t_ref, hp_ref, sc_ref, b_ref, w_ref, p_ref):
        h = _unpack_pairs(hp_ref[...])
        a = t_ref[...] + sc_ref[...] * h + b_ref[...]
        a = jnp.maximum(a, 0.0)
        h2 = lax.dot_general(
            w_ref[...], a, (((0,), (0,)), ((), ())),
            preferred_element_type=jnp.float32)
        p_ref[...] = _pack_pairs(h2)

    _epi1_mm2 = pl.pallas_call(
        _epi1_mm2_body,
        out_shape=jax.ShapeDtypeStruct((D // 2, N), jnp.int32),
    )

    def _epi2_body(t_ref, hp_ref, sc_ref, b_ref, o_ref):
        h = _unpack_pairs(hp_ref[...])
        r = t_ref[...] + sc_ref[...] * h + b_ref[...]
        o_ref[...] = r.T

    _epi2 = pl.pallas_call(
        _epi2_body,
        out_shape=jax.ShapeDtypeStruct((N, D), jnp.float32),
    )

    return (_deg_kernel, _norm_kernel, _feat_scatter_kernel,
            _prep, _mm1, _epi1_mm2, _epi2)


def kernel(x, edge_index, edge_weight, W1, b1, W2, b2):
    (_deg_kernel, _norm_kernel, _feat_scatter_kernel,
     _prep, _mm1, _epi1_mm2, _epi2) = _build()
    src = edge_index[0].astype(jnp.int32)
    dst = edge_index[1].astype(jnp.int32)
    ew = edge_weight.astype(jnp.float32)
    pe = E_PAD - src.shape[0]
    src_p = jnp.pad(src, (0, pe))
    dst_p = jnp.pad(dst, (0, pe))
    ew_p = jnp.pad(ew, (0, pe))

    parts = _deg_kernel(dst_p, ew_p)
    dis2d, sc2d = _prep(parts.reshape(NW, N))
    edata = _norm_kernel(src_p, dst_p, ew_p, dis2d.reshape(-1))

    h1p = _mm1(W1, x)
    t1 = _feat_scatter_kernel(h1p.reshape(-1), edata)
    h2p = _epi1_mm2(t1.reshape(D, N), h1p, sc2d, b1.reshape(D, 1), W2)
    t2 = _feat_scatter_kernel(h2p.reshape(-1), edata)
    return _epi2(t2.reshape(D, N), h2p, sc2d, b2.reshape(D, 1))

# --- scband reference (transcript-rebuilt; emitter-appended) ---
"""Pipeline reference for scband-gcn-18098992185929 (READ-ONLY COPY).

The authoritative reference and input builder live on the scoring server;
editing this copy changes nothing except your own understanding.
"""

import jax, jax.numpy as jnp
import numpy as np

N_NODES = 10000
N_EDGES = 160000
D_IN = 256
D_HID = 256
D_OUT = 256


def gcn_conv(x, src, dst, ew, W, b, num_nodes):
    # PyG GCNConv defaults: add self-loops (weight 1.0), symmetric normalization, bias.
    loop_idx = jnp.arange(num_nodes, dtype=src.dtype)
    src_f = jnp.concatenate([src, loop_idx])
    dst_f = jnp.concatenate([dst, loop_idx])
    ew_f = jnp.concatenate([ew, jnp.ones((num_nodes,), dtype=ew.dtype)])
    deg = jnp.zeros((num_nodes,), dtype=ew.dtype).at[dst_f].add(ew_f)
    deg_inv_sqrt = jnp.where(deg > 0, 1.0 / jnp.sqrt(jnp.maximum(deg, 1e-12)), 0.0)
    norm = deg_inv_sqrt[src_f] * ew_f * deg_inv_sqrt[dst_f]
    h = x @ W
    msgs = h[src_f] * norm[:, None]
    out = jnp.zeros((num_nodes, W.shape[1]), dtype=h.dtype).at[dst_f].add(msgs)
    return out + b


def setup_inputs(seed: int = 0) -> dict:
    key = jax.random.key(seed)
    k_x, k_ei, k_ew, k_w1, k_b1, k_w2, k_b2 = jax.random.split(key, 7)
    x = jax.random.normal(k_x, (N_NODES, D_IN), dtype=jnp.float32)
    edge_index = jax.random.randint(k_ei, (2, N_EDGES), 0, N_NODES, dtype=jnp.int64)
    edge_weight = jax.random.uniform(k_ew, (N_EDGES,), dtype=jnp.float32)
    s1 = 1.0 / np.sqrt(D_IN)
    s2 = 1.0 / np.sqrt(D_HID)
    W1 = jax.random.uniform(k_w1, (D_IN, D_HID), dtype=jnp.float32, minval=-s1, maxval=s1)
    b1 = jax.random.uniform(k_b1, (D_HID,), dtype=jnp.float32, minval=-s1, maxval=s1)
    W2 = jax.random.uniform(k_w2, (D_HID, D_OUT), dtype=jnp.float32, minval=-s2, maxval=s2)
    b2 = jax.random.uniform(k_b2, (D_OUT,), dtype=jnp.float32, minval=-s2, maxval=s2)
    return {"x": x, "edge_index": edge_index, "edge_weight": edge_weight,
            "W1": W1, "b1": b1, "W2": W2, "b2": b2}


def reference(x, edge_index, edge_weight, W1, b1, W2, b2):
    src = edge_index[0]
    dst = edge_index[1]
    h = gcn_conv(x, src, dst, edge_weight, W1, b1, N_NODES)
    h = jax.nn.relu(h)
    out = gcn_conv(h, src, dst, edge_weight, W2, b2, N_NODES)
    return out

if __name__ == "__main__":
    import jax
    _d = setup_inputs()
    print(jax.jit(kernel)(*tuple(_d.values())))

</pallas_src>

<mosaic_0001>
#map = affine_map<(d0, d1) -> (0)>
module attributes {stable_mosaic.version = 14 : i64} {
  func.func @_feat_scatter_kernel(%arg0: i32, %arg1: i32, %arg2: memref<1280000xi32, #tpu.memory_space<hbm>>, %arg3: memref<491520xi32, #tpu.memory_space<hbm>>, %arg4: memref<2560000xf32, #tpu.memory_space<hbm>>, %arg5: memref<10000xi32, #tpu.memory_space<vmem>>, %arg6: memref<10000xi32, #tpu.memory_space<vmem>>, %arg7: memref<10000xi32, #tpu.memory_space<vmem>>, %arg8: memref<10000xi32, #tpu.memory_space<vmem>>, %arg9: memref<10000xf32, #tpu.memory_space<vmem>>, %arg10: memref<10000xf32, #tpu.memory_space<vmem>>, %arg11: memref<10000xf32, #tpu.memory_space<vmem>>, %arg12: memref<10000xf32, #tpu.memory_space<vmem>>, %arg13: memref<10000xf32, #tpu.memory_space<vmem>>, %arg14: memref<10000xf32, #tpu.memory_space<vmem>>, %arg15: memref<10000xf32, #tpu.memory_space<vmem>>, %arg16: memref<10000xf32, #tpu.memory_space<vmem>>, %arg17: memref<3840xi32, #tpu.memory_space<vmem>>, %arg18: memref<3840xi32, #tpu.memory_space<vmem>>, %arg19: memref<!tpu.dma_semaphore, #tpu.memory_space<semaphore_mem>>, %arg20: memref<!tpu.dma_semaphore, #tpu.memory_space<semaphore_mem>>) attributes {dimension_semantics = [#tpu.dimension_semantics<core_parallel>, #tpu.dimension_semantics<subcore_parallel>], iteration_bounds = array<i64: 2, 16>, scalar_prefetch = 0 : i64, scratch_operands = 16 : i64, tpu.core_type = #tpu.core_type<sc_vector_subcore>, window_params = [{transform_indices = #map}, {transform_indices = #map}, {transform_indices = #map}]} {
    %mul3A = arith.constant 2 : i32
    %mul3A_0 = arith.muli %arg1, %mul3A : i32
    %add3A = arith.addi %mul3A_0, %arg0 : i32
    %mul3A_1 = arith.constant 4 : i32
    %mul3A_2 = arith.muli %add3A, %mul3A_1 : i32
    %add3A_3 = arith.constant 0 : i32
    %add3A_4 = arith.addi %mul3A_2, %add3A_3 : i32
    %mul3A_5 = arith.constant 10000 : i32
    %mul3A_6 = arith.muli %add3A_4, %mul3A_5 : i32
    "tpu.region"() ({
      %run_scoped3A = tpu.sem_alloc : memref<!tpu.dma_semaphore, #tpu.memory_space<semaphore_mem>>
      %dma_start3A_105 = tpu.memref_slice %arg2[%mul3A_6] : memref<1280000xi32, #tpu.memory_space<hbm>> -> memref<10000xi32, #tpu.memory_space<hbm>>
      %dma_start3A_106 = tpu.memref_slice %arg2[%mul3A_6] : memref<1280000xi32, #tpu.memory_space<hbm>> -> memref<10000xi32, #tpu.memory_space<hbm>>
      tpu.enqueue_dma source(%dma_start3A_106 : memref<10000xi32, #tpu.memory_space<hbm>>) target(%arg5 : memref<10000xi32, #tpu.memory_space<vmem>>) target_semaphore(%run_scoped3A : memref<!tpu.dma_semaphore, #tpu.memory_space<semaphore_mem>>)
      %dma_wait3A = tpu.memref_slice %arg2[%mul3A_6] : memref<1280000xi32, #tpu.memory_space<hbm>> -> memref<10000xi32, #tpu.memory_space<hbm>>
      %dma_wait3A_107 = tpu.memref_slice %arg2[%mul3A_6] : memref<1280000xi32, #tpu.memory_space<hbm>> -> memref<10000xi32, #tpu.memory_space<hbm>>
      tpu.wait_dma2 semaphore(%run_scoped3A : memref<!tpu.dma_semaphore, #tpu.memory_space<semaphore_mem>>) src(%dma_wait3A_107 : memref<10000xi32, #tpu.memory_space<hbm>>) dst(%arg5 : memref<10000xi32, #tpu.memory_space<vmem>>)
      tpu.yield
    }) : () -> ()
    %broadcast_in_dim3A = arith.constant 0.000000e+00 : f32
    %broadcast_in_dim3A_7 = vector.broadcast %broadcast_in_dim3A : f32 to vector<16xf32>
    %parallel_loop3A = arith.constant 0 : i32
    %parallel_loop3A_8 = arith.constant 625 : i32
    %parallel_loop3A_9 = arith.constant 1 : i32
    scf.for %parallel_loop3A_105 = %parallel_loop3A to %parallel_loop3A_8 step %parallel_loop3A_9  : i32 {
      %parallel_loop3A_106 = arith.constant 16 : i32
      %parallel_loop3A_107 = arith.muli %parallel_loop3A_105, %parallel_loop3A_106 : i32
      %parallel_loop3A_108 = arith.index_cast %parallel_loop3A_107 : i32 to index
      %parallel_loop3A_109 = tpu.vector_load %arg9[%parallel_loop3A_108] {strides = array<i32>} : memref<10000xf32, #tpu.memory_space<vmem>>, vector<16xf32>,
      tpu.vector_store %arg9[%parallel_loop3A_108], %broadcast_in_dim3A_7 {strides = array<i32>} : memref<10000xf32, #tpu.memory_space<vmem>>, vector<16xf32>,
    } {sc.loop_unroll_factor = 5 : i64, sc.parallel_access}
    %broadcast_in_dim3A_10 = arith.constant 0.000000e+00 : f32
    %broadcast_in_dim3A_11 = vector.broadcast %broadcast_in_dim3A_10 : f32 to vector<16xf32>
    %parallel_loop3A_12 = arith.constant 0 : i32
    %parallel_loop3A_13 = arith.constant 625 : i32
    %parallel_loop3A_14 = arith.constant 1 : i32
    scf.for %parallel_loop3A_105 = %parallel_loop3A_12 to %parallel_loop3A_13 step %parallel_loop3A_14  : i32 {
      %parallel_loop3A_106 = arith.constant 16 : i32
      %parallel_loop3A_107 = arith.muli %parallel_loop3A_105, %parallel_loop3A_106 : i32
      %parallel_loop3A_108 = arith.index_cast %parallel_loop3A_107 : i32 to index
      %parallel_loop3A_109 = tpu.vector_load %arg10[%parallel_loop3A_108] {strides = array<i32>} : memref<10000xf32, #tpu.memory_space<vmem>>, vector<16xf32>,
      tpu.vector_store %arg10[%parallel_loop3A_108], %broadcast_in_dim3A_11 {strides = array<i32>} : memref<10000xf32, #tpu.memory_space<vmem>>, vector<16xf32>,
    } {sc.loop_unroll_factor = 5 : i64, sc.parallel_access}
    %add3A_15 = arith.constant 1 : i32
    %add3A_16 = arith.addi %mul3A_2, %add3A_15 : i32
    %mul3A_17 = arith.constant 10000 : i32
    %mul3A_18 = arith.muli %add3A_16, %mul3A_17 : i32
    "tpu.region"() ({
      %run_scoped3A = tpu.sem_alloc : memref<!tpu.dma_semaphore, #tpu.memory_space<semaphore_mem>>
      %dma_start3A_105 = tpu.memref_slice %arg2[%mul3A_18] : memref<1280000xi32, #tpu.memory_space<hbm>> -> memref<10000xi32, #tpu.memory_space<hbm>>
      %dma_start3A_106 = tpu.memref_slice %arg2[%mul3A_18] : memref<1280000xi32, #tpu.memory_space<hbm>> -> memref<10000xi32, #tpu.memory_space<hbm>>
      tpu.enqueue_dma source(%dma_start3A_106 : memref<10000xi32, #tpu.memory_space<hbm>>) target(%arg6 : memref<10000xi32, #tpu.memory_space<vmem>>) target_semaphore(%run_scoped3A : memref<!tpu.dma_semaphore, #tpu.memory_space<semaphore_mem>>)
      %dma_wait3A = tpu.memref_slice %arg2[%mul3A_18] : memref<1280000xi32, #tpu.memory_space<hbm>> -> memref<10000xi32, #tpu.memory_space<hbm>>
      %dma_wait3A_107 = tpu.memref_slice %arg2[%mul3A_18] : memref<1280000xi32, #tpu.memory_space<hbm>> -> memref<10000xi32, #tpu.memory_space<hbm>>
      tpu.wait_dma2 semaphore(%run_scoped3A : memref<!tpu.dma_semaphore, #tpu.memory_space<semaphore_mem>>) src(%dma_wait3A_107 : memref<10000xi32, #tpu.memory_space<hbm>>) dst(%arg6 : memref<10000xi32, #tpu.memory_space<vmem>>)
      tpu.yield
    }) : () -> ()
    %broadcast_in_dim3A_19 = arith.constant 0.000000e+00 : f32
    %broadcast_in_dim3A_20 = vector.broadcast %broadcast_in_dim3A_19 : f32 to vector<16xf32>
    %parallel_loop3A_21 = arith.constant 0 : i32
    %parallel_loop3A_22 = arith.constant 625 : i32
    %parallel_loop3A_23 = arith.constant 1 : i32
    scf.for %parallel_loop3A_105 = %parallel_loop3A_21 to %parallel_loop3A_22 step %parallel_loop3A_23  : i32 {
      %parallel_loop3A_106 = arith.constant 16 : i32
      %parallel_loop3A_107 = arith.muli %parallel_loop3A_105, %parallel_loop3A_106 : i32
      %parallel_loop3A_108 = arith.index_cast %parallel_loop3A_107 : i32 to index
      %parallel_loop3A_109 = tpu.vector_load %arg11[%parallel_loop3A_108] {strides = array<i32>} : memref<10000xf32, #tpu.memory_space<vmem>>, vector<16xf32>,
      tpu.vector_store %arg11[%parallel_loop3A_108], %broadcast_in_dim3A_20 {strides = array<i32>} : memref<10000xf32, #tpu.memory_space<vmem>>, vector<16xf32>,
    } {sc.loop_unroll_factor = 5 : i64, sc.parallel_access}
    %broadcast_in_dim3A_24 = arith.constant 0.000000e+00 : f32
    %broadcast_in_dim3A_25 = vector.broadcast %broadcast_in_dim3A_24 : f32 to vector<16xf32>
    %parallel_loop3A_26 = arith.constant 0 : i32
    %parallel_loop3A_27 = arith.constant 625 : i32
    %parallel_loop3A_28 = arith.constant 1 : i32
    scf.for %parallel_loop3A_105 = %parallel_loop3A_26 to %parallel_loop3A_27 step %parallel_loop3A_28  : i32 {
      %parallel_loop3A_106 = arith.constant 16 : i32
      %parallel_loop3A_107 = arith.muli %parallel_loop3A_105, %parallel_loop3A_106 : i32
      %parallel_loop3A_108 = arith.index_cast %parallel_loop3A_107 : i32 to index
      %parallel_loop3A_109 = tpu.vector_load %arg12[%parallel_loop3A_108] {strides = array<i32>} : memref<10000xf32, #tpu.memory_space<vmem>>, vector<16xf32>,
      tpu.vector_store %arg12[%parallel_loop3A_108], %broadcast_in_dim3A_25 {strides = array<i32>} : memref<10000xf32, #tpu.memory_space<vmem>>, vector<16xf32>,
    } {sc.loop_unroll_factor = 5 : i64, sc.parallel_access}
    %add3A_29 = arith.constant 2 : i32
    %add3A_30 = arith.addi %mul3A_2, %add3A_29 : i32
    %mul3A_31 = arith.constant 10000 : i32
    %mul3A_32 = arith.muli %add3A_30, %mul3A_31 : i32
    "tpu.region"() ({
      %run_scoped3A = tpu.sem_alloc : memref<!tpu.dma_semaphore, #tpu.memory_space<semaphore_mem>>
      %dma_start3A_105 = tpu.memref_slice %arg2[%mul3A_32] : memref<1280000xi32, #tpu.memory_space<hbm>> -> memref<10000xi32, #tpu.memory_space<hbm>>
      %dma_start3A_106 = tpu.memref_slice %arg2[%mul3A_32] : memref<1280000xi32, #tpu.memory_space<hbm>> -> memref<10000xi32, #tpu.memory_space<hbm>>
      tpu.enqueue_dma source(%dma_start3A_106 : memref<10000xi32, #tpu.memory_space<hbm>>) target(%arg7 : memref<10000xi32, #tpu.memory_space<vmem>>) target_semaphore(%run_scoped3A : memref<!tpu.dma_semaphore, #tpu.memory_space<semaphore_mem>>)
      %dma_wait3A = tpu.memref_slice %arg2[%mul3A_32] : memref<1280000xi32, #tpu.memory_space<hbm>> -> memref<10000xi32, #tpu.memory_space<hbm>>
      %dma_wait3A_107 = tpu.memref_slice %arg2[%mul3A_32] : memref<1280000xi32, #tpu.memory_space<hbm>> -> memref<10000xi32, #tpu.memory_space<hbm>>
      tpu.wait_dma2 semaphore(%run_scoped3A : memref<!tpu.dma_semaphore, #tpu.memory_space<semaphore_mem>>) src(%dma_wait3A_107 : memref<10000xi32, #tpu.memory_space<hbm>>) dst(%arg7 : memref<10000xi32, #tpu.memory_space<vmem>>)
      tpu.yield
    }) : () -> ()
    %broadcast_in_dim3A_33 = arith.constant 0.000000e+00 : f32
    %broadcast_in_dim3A_34 = vector.broadcast %broadcast_in_dim3A_33 : f32 to vector<16xf32>
    %parallel_loop3A_35 = arith.constant 0 : i32
    %parallel_loop3A_36 = arith.constant 625 : i32
    %parallel_loop3A_37 = arith.constant 1 : i32
    scf.for %parallel_loop3A_105 = %parallel_loop3A_35 to %parallel_loop3A_36 step %parallel_loop3A_37  : i32 {
      %parallel_loop3A_106 = arith.constant 16 : i32
      %parallel_loop3A_107 = arith.muli %parallel_loop3A_105, %parallel_loop3A_106 : i32
      %parallel_loop3A_108 = arith.index_cast %parallel_loop3A_107 : i32 to index
      %parallel_loop3A_109 = tpu.vector_load %arg13[%parallel_loop3A_108] {strides = array<i32>} : memref<10000xf32, #tpu.memory_space<vmem>>, vector<16xf32>,
      tpu.vector_store %arg13[%parallel_loop3A_108], %broadcast_in_dim3A_34 {strides = array<i32>} : memref<10000xf32, #tpu.memory_space<vmem>>, vector<16xf32>,
    } {sc.loop_unroll_factor = 5 : i64, sc.parallel_access}
    %broadcast_in_dim3A_38 = arith.constant 0.000000e+00 : f32
    %broadcast_in_dim3A_39 = vector.broadcast %broadcast_in_dim3A_38 : f32 to vector<16xf32>
    %parallel_loop3A_40 = arith.constant 0 : i32
    %parallel_loop3A_41 = arith.constant 625 : i32
    %parallel_loop3A_42 = arith.constant 1 : i32
    scf.for %parallel_loop3A_105 = %parallel_loop3A_40 to %parallel_loop3A_41 step %parallel_loop3A_42  : i32 {
      %parallel_loop3A_106 = arith.constant 16 : i32
      %parallel_loop3A_107 = arith.muli %parallel_loop3A_105, %parallel_loop3A_106 : i32
      %parallel_loop3A_108 = arith.index_cast %parallel_loop3A_107 : i32 to index
      %parallel_loop3A_109 = tpu.vector_load %arg14[%parallel_loop3A_108] {strides = array<i32>} : memref<10000xf32, #tpu.memory_space<vmem>>, vector<16xf32>,
      tpu.vector_store %arg14[%parallel_loop3A_108], %broadcast_in_dim3A_39 {strides = array<i32>} : memref<10000xf32, #tpu.memory_space<vmem>>, vector<16xf32>,
    } {sc.loop_unroll_factor = 5 : i64, sc.parallel_access}
    %add3A_43 = arith.constant 3 : i32
    %add3A_44 = arith.addi %mul3A_2, %add3A_43 : i32
    %mul3A_45 = arith.constant 10000 : i32
    %mul3A_46 = arith.muli %add3A_44, %mul3A_45 : i32
    "tpu.region"() ({
      %run_scoped3A = tpu.sem_alloc : memref<!tpu.dma_semaphore, #tpu.memory_space<semaphore_mem>>
      %dma_start3A_105 = tpu.memref_slice %arg2[%mul3A_46] : memref<1280000xi32, #tpu.memory_space<hbm>> -> memref<10000xi32, #tpu.memory_space<hbm>>
      %dma_start3A_106 = tpu.memref_slice %arg2[%mul3A_46] : memref<1280000xi32, #tpu.memory_space<hbm>> -> memref<10000xi32, #tpu.memory_space<hbm>>
      tpu.enqueue_dma source(%dma_start3A_106 : memref<10000xi32, #tpu.memory_space<hbm>>) target(%arg8 : memref<10000xi32, #tpu.memory_space<vmem>>) target_semaphore(%run_scoped3A : memref<!tpu.dma_semaphore, #tpu.memory_space<semaphore_mem>>)
      %dma_wait3A = tpu.memref_slice %arg2[%mul3A_46] : memref<1280000xi32, #tpu.memory_space<hbm>> -> memref<10000xi32, #tpu.memory_space<hbm>>
      %dma_wait3A_107 = tpu.memref_slice %arg2[%mul3A_46] : memref<1280000xi32, #tpu.memory_space<hbm>> -> memref<10000xi32, #tpu.memory_space<hbm>>
      tpu.wait_dma2 semaphore(%run_scoped3A : memref<!tpu.dma_semaphore, #tpu.memory_space<semaphore_mem>>) src(%dma_wait3A_107 : memref<10000xi32, #tpu.memory_space<hbm>>) dst(%arg8 : memref<10000xi32, #tpu.memory_space<vmem>>)
      tpu.yield
    }) : () -> ()
    %broadcast_in_dim3A_47 = arith.constant 0.000000e+00 : f32
    %broadcast_in_dim3A_48 = vector.broadcast %broadcast_in_dim3A_47 : f32 to vector<16xf32>
    %parallel_loop3A_49 = arith.constant 0 : i32
    %parallel_loop3A_50 = arith.constant 625 : i32
    %parallel_loop3A_51 = arith.constant 1 : i32
    scf.for %parallel_loop3A_105 = %parallel_loop3A_49 to %parallel_loop3A_50 step %parallel_loop3A_51  : i32 {
      %parallel_loop3A_106 = arith.constant 16 : i32
      %parallel_loop3A_107 = arith.muli %parallel_loop3A_105, %parallel_loop3A_106 : i32
      %parallel_loop3A_108 = arith.index_cast %parallel_loop3A_107 : i32 to index
      %parallel_loop3A_109 = tpu.vector_load %arg15[%parallel_loop3A_108] {strides = array<i32>} : memref<10000xf32, #tpu.memory_space<vmem>>, vector<16xf32>,
      tpu.vector_store %arg15[%parallel_loop3A_108], %broadcast_in_dim3A_48 {strides = array<i32>} : memref<10000xf32, #tpu.memory_space<vmem>>, vector<16xf32>,
    } {sc.loop_unroll_factor = 5 : i64, sc.parallel_access}
    %broadcast_in_dim3A_52 = arith.constant 0.000000e+00 : f32
    %broadcast_in_dim3A_53 = vector.broadcast %broadcast_in_dim3A_52 : f32 to vector<16xf32>
    %parallel_loop3A_54 = arith.constant 0 : i32
    %parallel_loop3A_55 = arith.constant 625 : i32
    %parallel_loop3A_56 = arith.constant 1 : i32
    scf.for %parallel_loop3A_105 = %parallel_loop3A_54 to %parallel_loop3A_55 step %parallel_loop3A_56  : i32 {
      %parallel_loop3A_106 = arith.constant 16 : i32
      %parallel_loop3A_107 = arith.muli %parallel_loop3A_105, %parallel_loop3A_106 : i32
      %parallel_loop3A_108 = arith.index_cast %parallel_loop3A_107 : i32 to index
      %parallel_loop3A_109 = tpu.vector_load %arg16[%parallel_loop3A_108] {strides = array<i32>} : memref<10000xf32, #tpu.memory_space<vmem>>, vector<16xf32>,
      tpu.vector_store %arg16[%parallel_loop3A_108], %broadcast_in_dim3A_53 {strides = array<i32>} : memref<10000xf32, #tpu.memory_space<vmem>>, vector<16xf32>,
    } {sc.loop_unroll_factor = 5 : i64, sc.parallel_access}
    %dma_start3A = arith.constant 0 : i32
    %dma_start3A_57 = tpu.memref_slice %arg3[%dma_start3A] : memref<491520xi32, #tpu.memory_space<hbm>> -> memref<3840xi32, #tpu.memory_space<hbm>>
    %dma_start3A_58 = arith.constant 0 : i32
    %dma_start3A_59 = tpu.memref_slice %arg3[%dma_start3A_58] : memref<491520xi32, #tpu.memory_space<hbm>> -> memref<3840xi32, #tpu.memory_space<hbm>>
    tpu.enqueue_dma source(%dma_start3A_59 : memref<3840xi32, #tpu.memory_space<hbm>>) target(%arg17 : memref<3840xi32, #tpu.memory_space<vmem>>) target_semaphore(%arg19 : memref<!tpu.dma_semaphore, #tpu.memory_space<semaphore_mem>>)
    %scan3A = arith.constant 0 : i32
    %scan3A_60 = arith.constant 0 : i32
    %scan3A_61 = arith.constant 64 : i32
    %scan3A_62 = arith.addi %scan3A_60, %scan3A_61 : i32
    %scan3A_63 = arith.constant 1 : i32
    scf.for %scan3A_105 = %scan3A_60 to %scan3A_62 step %scan3A_63  : i32 {
      %mul3A_106 = arith.constant 2 : i32
      %mul3A_107 = arith.muli %scan3A_105, %mul3A_106 : i32
      %add3A_108 = arith.constant 0 : i32
      %add3A_109 = arith.addi %mul3A_107, %add3A_108 : i32
      %add3A_110 = arith.constant 1 : i32
      %add3A_111 = arith.addi %add3A_109, %add3A_110 : i32
      %lt3A = arith.constant 128 : i32
      %lt3A_112 = arith.cmpi slt, %add3A_111, %lt3A : i32
      %convert_element_type3A = arith.extui %lt3A_112 : i1 to i32
      %cond3A = arith.constant 0 : i32
      %cond3A_113 = arith.cmpi ne, %convert_element_type3A, %cond3A : i32
      scf.if %cond3A_113 {
        %add3A_142 = arith.constant 1 : i32
        %add3A_143 = arith.addi %add3A_109, %add3A_142 : i32
        %mul3A_144 = arith.constant 3 : i32
        %mul3A_145 = arith.muli %add3A_143, %mul3A_144 : i32
        %mul3A_146 = arith.constant 1280 : i32
        %mul3A_147 = arith.muli %mul3A_145, %mul3A_146 : i32
        %dma_start3A_148 = tpu.memref_slice %arg3[%mul3A_147] : memref<491520xi32, #tpu.memory_space<hbm>> -> memref<3840xi32, #tpu.memory_space<hbm>>
        %dma_start3A_149 = tpu.memref_slice %arg3[%mul3A_147] : memref<491520xi32, #tpu.memory_space<hbm>> -> memref<3840xi32, #tpu.memory_space<hbm>>
        tpu.enqueue_dma source(%dma_start3A_149 : memref<3840xi32, #tpu.memory_space<hbm>>) target(%arg18 : memref<3840xi32, #tpu.memory_space<vmem>>) target_semaphore(%arg20 : memref<!tpu.dma_semaphore, #tpu.memory_space<semaphore_mem>>)
      } else {
      }
      %mul3A_114 = arith.constant 3 : i32
      %mul3A_115 = arith.muli %add3A_109, %mul3A_114 : i32
      %mul3A_116 = arith.constant 1280 : i32
      %mul3A_117 = arith.muli %mul3A_115, %mul3A_116 : i32
      %dma_wait3A = tpu.memref_slice %arg3[%mul3A_117] : memref<491520xi32, #tpu.memory_space<hbm>> -> memref<3840xi32, #tpu.memory_space<hbm>>
      %dma_wait3A_118 = tpu.memref_slice %arg3[%mul3A_117] : memref<491520xi32, #tpu.memory_space<hbm>> -> memref<3840xi32, #tpu.memory_space<hbm>>
      tpu.wait_dma2 semaphore(%arg19 : memref<!tpu.dma_semaphore, #tpu.memory_space<semaphore_mem>>) src(%dma_wait3A_118 : memref<3840xi32, #tpu.memory_space<hbm>>) dst(%arg17 : memref<3840xi32, #tpu.memory_space<vmem>>)
      %parallel_loop3A_119 = arith.constant 0 : i32
      %parallel_loop3A_120 = arith.constant 80 : i32
      %parallel_loop3A_121 = arith.constant 1 : i32
      scf.for %parallel_loop3A_142 = %parallel_loop3A_119 to %parallel_loop3A_120 step %parallel_loop3A_121  : i32 {
        %parallel_loop3A_143 = arith.constant 16 : i32
        %parallel_loop3A_144 = arith.muli %parallel_loop3A_142, %parallel_loop3A_143 : i32
        %parallel_loop3A_145 = arith.index_cast %parallel_loop3A_144 : i32 to index
        %parallel_loop3A_146 = tpu.vector_load %arg17[%parallel_loop3A_145] {strides = array<i32>} : memref<3840xi32, #tpu.memory_space<vmem>>, vector<16xi32>,
        %parallel_loop3A_147 = arith.constant 16 : i32
        %parallel_loop3A_148 = arith.muli %parallel_loop3A_142, %parallel_loop3A_147 : i32
        %parallel_loop3A_149 = arith.constant 1280 : i32
        %parallel_loop3A_150 = arith.addi %parallel_loop3A_149, %parallel_loop3A_148 : i32
        %parallel_loop3A_151 = arith.index_cast %parallel_loop3A_150 : i32 to index
        %parallel_loop3A_152 = tpu.vector_load %arg17[%parallel_loop3A_151] {strides = array<i32>} : memref<3840xi32, #tpu.memory_space<vmem>>, vector<16xi32>,
        %parallel_loop3A_153 = arith.constant 16 : i32
        %parallel_loop3A_154 = arith.muli %parallel_loop3A_142, %parallel_loop3A_153 : i32
        %parallel_loop3A_155 = arith.constant 2560 : i32
        %parallel_loop3A_156 = arith.addi %parallel_loop3A_155, %parallel_loop3A_154 : i32
        %parallel_loop3A_157 = arith.index_cast %parallel_loop3A_156 : i32 to index
        %parallel_loop3A_158 = tpu.vector_load %arg17[%parallel_loop3A_157] {strides = array<i32>} : memref<3840xi32, #tpu.memory_space<vmem>>, vector<16xi32>,
        %parallel_loop3A_159 = vector.bitcast %parallel_loop3A_158 : vector<16xi32> to vector<16xf32>
        %parallel_loop3A_160 = tpu.vector_load_idx %arg5[%parallel_loop3A_146] : memref<10000xi32, #tpu.memory_space<vmem>>[vector<16xi32>], vector<16xi32>,
        %parallel_loop3A_161 = vector.bitcast %parallel_loop3A_160 : vector<16xi32> to vector<32xbf16>
        %parallel_loop3A_162 = tpu.unpack_subelements %parallel_loop3A_161, 0 {pack_format = #tpu.pack_format<interleaved>} : vector<32xbf16> -> vector<16xf32>
        %parallel_loop3A_163 = tpu.unpack_subelements %parallel_loop3A_161, 1 {pack_format = #tpu.pack_format<interleaved>} : vector<32xbf16> -> vector<16xf32>
        %parallel_loop3A_164 = arith.mulf %parallel_loop3A_162, %parallel_loop3A_159 : vector<16xf32>
        tpu.vector_store_idx %arg9[%parallel_loop3A_152], %parallel_loop3A_164 {add = true} : memref<10000xf32, #tpu.memory_space<vmem>>[vector<16xi32>], vector<16xf32>,
        %parallel_loop3A_165 = arith.mulf %parallel_loop3A_163, %parallel_loop3A_159 : vector<16xf32>
        tpu.vector_store_idx %arg10[%parallel_loop3A_152], %parallel_loop3A_165 {add = true} : memref<10000xf32, #tpu.memory_space<vmem>>[vector<16xi32>], vector<16xf32>,
        %parallel_loop3A_166 = tpu.vector_load_idx %arg6[%parallel_loop3A_146] : memref<10000xi32, #tpu.memory_space<vmem>>[vector<16xi32>], vector<16xi32>,
        %parallel_loop3A_167 = vector.bitcast %parallel_loop3A_166 : vector<16xi32> to vector<32xbf16>
        %parallel_loop3A_168 = tpu.unpack_subelements %parallel_loop3A_167, 0 {pack_format = #tpu.pack_format<interleaved>} : vector<32xbf16> -> vector<16xf32>
        %parallel_loop3A_169 = tpu.unpack_subelements %parallel_loop3A_167, 1 {pack_format = #tpu.pack_format<interleaved>} : vector<32xbf16> -> vector<16xf32>
        %parallel_loop3A_170 = arith.mulf %parallel_loop3A_168, %parallel_loop3A_159 : vector<16xf32>
        tpu.vector_store_idx %arg11[%parallel_loop3A_152], %parallel_loop3A_170 {add = true} : memref<10000xf32, #tpu.memory_space<vmem>>[vector<16xi32>], vector<16xf32>,
        %parallel_loop3A_171 = arith.mulf %parallel_loop3A_169, %parallel_loop3A_159 : vector<16xf32>
        tpu.vector_store_idx %arg12[%parallel_loop3A_152], %parallel_loop3A_171 {add = true} : memref<10000xf32, #tpu.memory_space<vmem>>[vector<16xi32>], vector<16xf32>,
        %parallel_loop3A_172 = tpu.vector_load_idx %arg7[%parallel_loop3A_146] : memref<10000xi32, #tpu.memory_space<vmem>>[vector<16xi32>], vector<16xi32>,
        %parallel_loop3A_173 = vector.bitcast %parallel_loop3A_172 : vector<16xi32> to vector<32xbf16>
        %parallel_loop3A_174 = tpu.unpack_subelements %parallel_loop3A_173, 0 {pack_format = #tpu.pack_format<interleaved>} : vector<32xbf16> -> vector<16xf32>
        %parallel_loop3A_175 = tpu.unpack_subelements %parallel_loop3A_173, 1 {pack_format = #tpu.pack_format<interleaved>} : vector<32xbf16> -> vector<16xf32>
        %parallel_loop3A_176 = arith.mulf %parallel_loop3A_174, %parallel_loop3A_159 : vector<16xf32>
        tpu.vector_store_idx %arg13[%parallel_loop3A_152], %parallel_loop3A_176 {add = true} : memref<10000xf32, #tpu.memory_space<vmem>>[vector<16xi32>], vector<16xf32>,
        %parallel_loop3A_177 = arith.mulf %parallel_loop3A_175, %parallel_loop3A_159 : vector<16xf32>
        tpu.vector_store_idx %arg14[%parallel_loop3A_152], %parallel_loop3A_177 {add = true} : memref<10000xf32, #tpu.memory_space<vmem>>[vector<16xi32>], vector<16xf32>,
        %parallel_loop3A_178 = tpu.vector_load_idx %arg8[%parallel_loop3A_146] : memref<10000xi32, #tpu.memory_space<vmem>>[vector<16xi32>], vector<16xi32>,
        %parallel_loop3A_179 = vector.bitcast %parallel_loop3A_178 : vector<16xi32> to vector<32xbf16>
        %parallel_loop3A_180 = tpu.unpack_subelements %parallel_loop3A_179, 0 {pack_format = #tpu.pack_format<interleaved>} : vector<32xbf16> -> vector<16xf32>
        %parallel_loop3A_181 = tpu.unpack_subelements %parallel_loop3A_179, 1 {pack_format = #tpu.pack_format<interleaved>} : vector<32xbf16> -> vector<16xf32>
        %parallel_loop3A_182 = arith.mulf %parallel_loop3A_180, %parallel_loop3A_159 : vector<16xf32>
        tpu.vector_store_idx %arg15[%parallel_loop3A_152], %parallel_loop3A_182 {add = true} : memref<10000xf32, #tpu.memory_space<vmem>>[vector<16xi32>], vector<16xf32>,
        %parallel_loop3A_183 = arith.mulf %parallel_loop3A_181, %parallel_loop3A_159 : vector<16xf32>
        tpu.vector_store_idx %arg16[%parallel_loop3A_152], %parallel_loop3A_183 {add = true} : memref<10000xf32, #tpu.memory_space<vmem>>[vector<16xi32>], vector<16xf32>,
      } {sc.loop_unroll_factor = 16 : i64, sc.parallel_access}
      %mul3A_122 = arith.constant 2 : i32
      %mul3A_123 = arith.muli %scan3A_105, %mul3A_122 : i32
      %add3A_124 = arith.constant 1 : i32
      %add3A_125 = arith.addi %mul3A_123, %add3A_124 : i32
      %add3A_126 = arith.constant 1 : i32
      %add3A_127 = arith.addi %add3A_125, %add3A_126 : i32
      %lt3A_128 = arith.constant 128 : i32
      %lt3A_129 = arith.cmpi slt, %add3A_127, %lt3A_128 : i32
      %convert_element_type3A_130 = arith.extui %lt3A_129 : i1 to i32
      %cond3A_131 = arith.constant 0 : i32
      %cond3A_132 = arith.cmpi ne, %convert_element_type3A_130, %cond3A_131 : i32
      scf.if %cond3A_132 {
        %add3A_142 = arith.constant 1 : i32
        %add3A_143 = arith.addi %add3A_125, %add3A_142 : i32
        %mul3A_144 = arith.constant 3 : i32
        %mul3A_145 = arith.muli %add3A_143, %mul3A_144 : i32
        %mul3A_146 = arith.constant 1280 : i32
        %mul3A_147 = arith.muli %mul3A_145, %mul3A_146 : i32
        %dma_start3A_148 = tpu.memref_slice %arg3[%mul3A_147] : memref<491520xi32, #tpu.memory_space<hbm>> -> memref<3840xi32, #tpu.memory_space<hbm>>
        %dma_start3A_149 = tpu.memref_slice %arg3[%mul3A_147] : memref<491520xi32, #tpu.memory_space<hbm>> -> memref<3840xi32, #tpu.memory_space<hbm>>
        tpu.enqueue_dma source(%dma_start3A_149 : memref<3840xi32, #tpu.memory_space<hbm>>) target(%arg17 : memref<3840xi32, #tpu.memory_space<vmem>>) target_semaphore(%arg19 : memref<!tpu.dma_semaphore, #tpu.memory_space<semaphore_mem>>)
      } else {
      }
      %mul3A_133 = arith.constant 3 : i32
      %mul3A_134 = arith.muli %add3A_125, %mul3A_133 : i32
      %mul3A_135 = arith.constant 1280 : i32
      %mul3A_136 = arith.muli %mul3A_134, %mul3A_135 : i32
      %dma_wait3A_137 = tpu.memref_slice %arg3[%mul3A_136] : memref<491520xi32, #tpu.memory_space<hbm>> -> memref<3840xi32, #tpu.memory_space<hbm>>
      %dma_wait3A_138 = tpu.memref_slice %arg3[%mul3A_136] : memref<491520xi32, #tpu.memory_space<hbm>> -> memref<3840xi32, #tpu.memory_space<hbm>>
      tpu.wait_dma2 semaphore(%arg20 : memref<!tpu.dma_semaphore, #tpu.memory_space<semaphore_mem>>) src(%dma_wait3A_138 : memref<3840xi32, #tpu.memory_space<hbm>>) dst(%arg18 : memref<3840xi32, #tpu.memory_space<vmem>>)
      %parallel_loop3A_139 = arith.constant 0 : i32
      %parallel_loop3A_140 = arith.constant 80 : i32
      %parallel_loop3A_141 = arith.constant 1 : i32
      scf.for %parallel_loop3A_142 = %parallel_loop3A_139 to %parallel_loop3A_140 step %parallel_loop3A_141  : i32 {
        %parallel_loop3A_143 = arith.constant 16 : i32
        %parallel_loop3A_144 = arith.muli %parallel_loop3A_142, %parallel_loop3A_143 : i32
        %parallel_loop3A_145 = arith.index_cast %parallel_loop3A_144 : i32 to index
        %parallel_loop3A_146 = tpu.vector_load %arg18[%parallel_loop3A_145] {strides = array<i32>} : memref<3840xi32, #tpu.memory_space<vmem>>, vector<16xi32>,
        %parallel_loop3A_147 = arith.constant 16 : i32
        %parallel_loop3A_148 = arith.muli %parallel_loop3A_142, %parallel_loop3A_147 : i32
        %parallel_loop3A_149 = arith.constant 1280 : i32
        %parallel_loop3A_150 = arith.addi %parallel_loop3A_149, %parallel_loop3A_148 : i32
        %parallel_loop3A_151 = arith.index_cast %parallel_loop3A_150 : i32 to index
        %parallel_loop3A_152 = tpu.vector_load %arg18[%parallel_loop3A_151] {strides = array<i32>} : memref<3840xi32, #tpu.memory_space<vmem>>, vector<16xi32>,
        %parallel_loop3A_153 = arith.constant 16 : i32
        %parallel_loop3A_154 = arith.muli %parallel_loop3A_142, %parallel_loop3A_153 : i32
        %parallel_loop3A_155 = arith.constant 2560 : i32
        %parallel_loop3A_156 = arith.addi %parallel_loop3A_155, %parallel_loop3A_154 : i32
        %parallel_loop3A_157 = arith.index_cast %parallel_loop3A_156 : i32 to index
        %parallel_loop3A_158 = tpu.vector_load %arg18[%parallel_loop3A_157] {strides = array<i32>} : memref<3840xi32, #tpu.memory_space<vmem>>, vector<16xi32>,
        %parallel_loop3A_159 = vector.bitcast %parallel_loop3A_158 : vector<16xi32> to vector<16xf32>
        %parallel_loop3A_160 = tpu.vector_load_idx %arg5[%parallel_loop3A_146] : memref<10000xi32, #tpu.memory_space<vmem>>[vector<16xi32>], vector<16xi32>,
        %parallel_loop3A_161 = vector.bitcast %parallel_loop3A_160 : vector<16xi32> to vector<32xbf16>
        %parallel_loop3A_162 = tpu.unpack_subelements %parallel_loop3A_161, 0 {pack_format = #tpu.pack_format<interleaved>} : vector<32xbf16> -> vector<16xf32>
        %parallel_loop3A_163 = tpu.unpack_subelements %parallel_loop3A_161, 1 {pack_format = #tpu.pack_format<interleaved>} : vector<32xbf16> -> vector<16xf32>
        %parallel_loop3A_164 = arith.mulf %parallel_loop3A_162, %parallel_loop3A_159 : vector<16xf32>
        tpu.vector_store_idx %arg9[%parallel_loop3A_152], %parallel_loop3A_164 {add = true} : memref<10000xf32, #tpu.memory_space<vmem>>[vector<16xi32>], vector<16xf32>,
        %parallel_loop3A_165 = arith.mulf %parallel_loop3A_163, %parallel_loop3A_159 : vector<16xf32>
        tpu.vector_store_idx %arg10[%parallel_loop3A_152], %parallel_loop3A_165 {add = true} : memref<10000xf32, #tpu.memory_space<vmem>>[vector<16xi32>], vector<16xf32>,
        %parallel_loop3A_166 = tpu.vector_load_idx %arg6[%parallel_loop3A_146] : memref<10000xi32, #tpu.memory_space<vmem>>[vector<16xi32>], vector<16xi32>,
        %parallel_loop3A_167 = vector.bitcast %parallel_loop3A_166 : vector<16xi32> to vector<32xbf16>
        %parallel_loop3A_168 = tpu.unpack_subelements %parallel_loop3A_167, 0 {pack_format = #tpu.pack_format<interleaved>} : vector<32xbf16> -> vector<16xf32>
        %parallel_loop3A_169 = tpu.unpack_subelements %parallel_loop3A_167, 1 {pack_format = #tpu.pack_format<interleaved>} : vector<32xbf16> -> vector<16xf32>
        %parallel_loop3A_170 = arith.mulf %parallel_loop3A_168, %parallel_loop3A_159 : vector<16xf32>
        tpu.vector_store_idx %arg11[%parallel_loop3A_152], %parallel_loop3A_170 {add = true} : memref<10000xf32, #tpu.memory_space<vmem>>[vector<16xi32>], vector<16xf32>,
        %parallel_loop3A_171 = arith.mulf %parallel_loop3A_169, %parallel_loop3A_159 : vector<16xf32>
        tpu.vector_store_idx %arg12[%parallel_loop3A_152], %parallel_loop3A_171 {add = true} : memref<10000xf32, #tpu.memory_space<vmem>>[vector<16xi32>], vector<16xf32>,
        %parallel_loop3A_172 = tpu.vector_load_idx %arg7[%parallel_loop3A_146] : memref<10000xi32, #tpu.memory_space<vmem>>[vector<16xi32>], vector<16xi32>,
        %parallel_loop3A_173 = vector.bitcast %parallel_loop3A_172 : vector<16xi32> to vector<32xbf16>
        %parallel_loop3A_174 = tpu.unpack_subelements %parallel_loop3A_173, 0 {pack_format = #tpu.pack_format<interleaved>} : vector<32xbf16> -> vector<16xf32>
        %parallel_loop3A_175 = tpu.unpack_subelements %parallel_loop3A_173, 1 {pack_format = #tpu.pack_format<interleaved>} : vector<32xbf16> -> vector<16xf32>
        %parallel_loop3A_176 = arith.mulf %parallel_loop3A_174, %parallel_loop3A_159 : vector<16xf32>
        tpu.vector_store_idx %arg13[%parallel_loop3A_152], %parallel_loop3A_176 {add = true} : memref<10000xf32, #tpu.memory_space<vmem>>[vector<16xi32>], vector<16xf32>,
        %parallel_loop3A_177 = arith.mulf %parallel_loop3A_175, %parallel_loop3A_159 : vector<16xf32>
        tpu.vector_store_idx %arg14[%parallel_loop3A_152], %parallel_loop3A_177 {add = true} : memref<10000xf32, #tpu.memory_space<vmem>>[vector<16xi32>], vector<16xf32>,
        %parallel_loop3A_178 = tpu.vector_load_idx %arg8[%parallel_loop3A_146] : memref<10000xi32, #tpu.memory_space<vmem>>[vector<16xi32>], vector<16xi32>,
        %parallel_loop3A_179 = vector.bitcast %parallel_loop3A_178 : vector<16xi32> to vector<32xbf16>
        %parallel_loop3A_180 = tpu.unpack_subelements %parallel_loop3A_179, 0 {pack_format = #tpu.pack_format<interleaved>} : vector<32xbf16> -> vector<16xf32>
        %parallel_loop3A_181 = tpu.unpack_subelements %parallel_loop3A_179, 1 {pack_format = #tpu.pack_format<interleaved>} : vector<32xbf16> -> vector<16xf32>
        %parallel_loop3A_182 = arith.mulf %parallel_loop3A_180, %parallel_loop3A_159 : vector<16xf32>
        tpu.vector_store_idx %arg15[%parallel_loop3A_152], %parallel_loop3A_182 {add = true} : memref<10000xf32, #tpu.memory_space<vmem>>[vector<16xi32>], vector<16xf32>,
        %parallel_loop3A_183 = arith.mulf %parallel_loop3A_181, %parallel_loop3A_159 : vector<16xf32>
        tpu.vector_store_idx %arg16[%parallel_loop3A_152], %parallel_loop3A_183 {add = true} : memref<10000xf32, #tpu.memory_space<vmem>>[vector<16xi32>], vector<16xf32>,
      } {sc.loop_unroll_factor = 16 : i64, sc.parallel_access}
    }
    %scan3A_64 = arith.constant 64 : i32
    %add3A_65 = arith.constant 0 : i32
    %add3A_66 = arith.addi %mul3A_2, %add3A_65 : i32
    %mul3A_67 = arith.constant 10000 : i32
    %mul3A_68 = arith.muli %add3A_66, %mul3A_67 : i32
    "tpu.region"() ({
      %run_scoped3A = tpu.sem_alloc : memref<!tpu.dma_semaphore, #tpu.memory_space<semaphore_mem>>
      %dma_start3A_105 = tpu.memref_slice %arg4[%mul3A_68] : memref<2560000xf32, #tpu.memory_space<hbm>> -> memref<10000xf32, #tpu.memory_space<hbm>>
      %dma_start3A_106 = tpu.memref_slice %arg4[%mul3A_68] : memref<2560000xf32, #tpu.memory_space<hbm>> -> memref<10000xf32, #tpu.memory_space<hbm>>
      tpu.enqueue_dma source(%arg9 : memref<10000xf32, #tpu.memory_space<vmem>>) target(%dma_start3A_106 : memref<10000xf32, #tpu.memory_space<hbm>>) target_semaphore(%run_scoped3A : memref<!tpu.dma_semaphore, #tpu.memory_space<semaphore_mem>>)
      %dma_wait3A = tpu.memref_slice %arg4[%mul3A_68] : memref<2560000xf32, #tpu.memory_space<hbm>> -> memref<10000xf32, #tpu.memory_space<hbm>>
      %dma_wait3A_107 = tpu.memref_slice %arg4[%mul3A_68] : memref<2560000xf32, #tpu.memory_space<hbm>> -> memref<10000xf32, #tpu.memory_space<hbm>>
      tpu.wait_dma2 semaphore(%run_scoped3A : memref<!tpu.dma_semaphore, #tpu.memory_space<semaphore_mem>>) src(%arg9 : memref<10000xf32, #tpu.memory_space<vmem>>) dst(%dma_wait3A_107 : memref<10000xf32, #tpu.memory_space<hbm>>)
      tpu.yield
    }) : () -> ()
    %add3A_69 = arith.constant 0 : i32
    %add3A_70 = arith.addi %mul3A_2, %add3A_69 : i32
    %add3A_71 = arith.constant 128 : i32
    %add3A_72 = arith.addi %add3A_70, %add3A_71 : i32
    %mul3A_73 = arith.constant 10000 : i32
    %mul3A_74 = arith.muli %add3A_72, %mul3A_73 : i32
    "tpu.region"() ({
      %run_scoped3A = tpu.sem_alloc : memref<!tpu.dma_semaphore, #tpu.memory_space<semaphore_mem>>
      %dma_start3A_105 = tpu.memref_slice %arg4[%mul3A_74] : memref<2560000xf32, #tpu.memory_space<hbm>> -> memref<10000xf32, #tpu.memory_space<hbm>>
      %dma_start3A_106 = tpu.memref_slice %arg4[%mul3A_74] : memref<2560000xf32, #tpu.memory_space<hbm>> -> memref<10000xf32, #tpu.memory_space<hbm>>
      tpu.enqueue_dma source(%arg10 : memref<10000xf32, #tpu.memory_space<vmem>>) target(%dma_start3A_106 : memref<10000xf32, #tpu.memory_space<hbm>>) target_semaphore(%run_scoped3A : memref<!tpu.dma_semaphore, #tpu.memory_space<semaphore_mem>>)
      %dma_wait3A = tpu.memref_slice %arg4[%mul3A_74] : memref<2560000xf32, #tpu.memory_space<hbm>> -> memref<10000xf32, #tpu.memory_space<hbm>>
      %dma_wait3A_107 = tpu.memref_slice %arg4[%mul3A_74] : memref<2560000xf32, #tpu.memory_space<hbm>> -> memref<10000xf32, #tpu.memory_space<hbm>>
      tpu.wait_dma2 semaphore(%run_scoped3A : memref<!tpu.dma_semaphore, #tpu.memory_space<semaphore_mem>>) src(%arg10 : memref<10000xf32, #tpu.memory_space<vmem>>) dst(%dma_wait3A_107 : memref<10000xf32, #tpu.memory_space<hbm>>)
      tpu.yield
    }) : () -> ()
    %add3A_75 = arith.constant 1 : i32
    %add3A_76 = arith.addi %mul3A_2, %add3A_75 : i32
    %mul3A_77 = arith.constant 10000 : i32
    %mul3A_78 = arith.muli %add3A_76, %mul3A_77 : i32
    "tpu.region"() ({
      %run_scoped3A = tpu.sem_alloc : memref<!tpu.dma_semaphore, #tpu.memory_space<semaphore_mem>>
      %dma_start3A_105 = tpu.memref_slice %arg4[%mul3A_78] : memref<2560000xf32, #tpu.memory_space<hbm>> -> memref<10000xf32, #tpu.memory_space<hbm>>
      %dma_start3A_106 = tpu.memref_slice %arg4[%mul3A_78] : memref<2560000xf32, #tpu.memory_space<hbm>> -> memref<10000xf32, #tpu.memory_space<hbm>>
      tpu.enqueue_dma source(%arg11 : memref<10000xf32, #tpu.memory_space<vmem>>) target(%dma_start3A_106 : memref<10000xf32, #tpu.memory_space<hbm>>) target_semaphore(%run_scoped3A : memref<!tpu.dma_semaphore, #tpu.memory_space<semaphore_mem>>)
      %dma_wait3A = tpu.memref_slice %arg4[%mul3A_78] : memref<2560000xf32, #tpu.memory_space<hbm>> -> memref<10000xf32, #tpu.memory_space<hbm>>
      %dma_wait3A_107 = tpu.memref_slice %arg4[%mul3A_78] : memref<2560000xf32, #tpu.memory_space<hbm>> -> memref<10000xf32, #tpu.memory_space<hbm>>
      tpu.wait_dma2 semaphore(%run_scoped3A : memref<!tpu.dma_semaphore, #tpu.memory_space<semaphore_mem>>) src(%arg11 : memref<10000xf32, #tpu.memory_space<vmem>>) dst(%dma_wait3A_107 : memref<10000xf32, #tpu.memory_space<hbm>>)
      tpu.yield
    }) : () -> ()
    %add3A_79 = arith.constant 1 : i32
    %add3A_80 = arith.addi %mul3A_2, %add3A_79 : i32
    %add3A_81 = arith.constant 128 : i32
    %add3A_82 = arith.addi %add3A_80, %add3A_81 : i32
    %mul3A_83 = arith.constant 10000 : i32
    %mul3A_84 = arith.muli %add3A_82, %mul3A_83 : i32
    "tpu.region"() ({
      %run_scoped3A = tpu.sem_alloc : memref<!tpu.dma_semaphore, #tpu.memory_space<semaphore_mem>>
      %dma_start3A_105 = tpu.memref_slice %arg4[%mul3A_84] : memref<2560000xf32, #tpu.memory_space<hbm>> -> memref<10000xf32, #tpu.memory_space<hbm>>
      %dma_start3A_106 = tpu.memref_slice %arg4[%mul3A_84] : memref<2560000xf32, #tpu.memory_space<hbm>> -> memref<10000xf32, #tpu.memory_space<hbm>>
      tpu.enqueue_dma source(%arg12 : memref<10000xf32, #tpu.memory_space<vmem>>) target(%dma_start3A_106 : memref<10000xf32, #tpu.memory_space<hbm>>) target_semaphore(%run_scoped3A : memref<!tpu.dma_semaphore, #tpu.memory_space<semaphore_mem>>)
      %dma_wait3A = tpu.memref_slice %arg4[%mul3A_84] : memref<2560000xf32, #tpu.memory_space<hbm>> -> memref<10000xf32, #tpu.memory_space<hbm>>
      %dma_wait3A_107 = tpu.memref_slice %arg4[%mul3A_84] : memref<2560000xf32, #tpu.memory_space<hbm>> -> memref<10000xf32, #tpu.memory_space<hbm>>
      tpu.wait_dma2 semaphore(%run_scoped3A : memref<!tpu.dma_semaphore, #tpu.memory_space<semaphore_mem>>) src(%arg12 : memref<10000xf32, #tpu.memory_space<vmem>>) dst(%dma_wait3A_107 : memref<10000xf32, #tpu.memory_space<hbm>>)
      tpu.yield
    }) : () -> ()
    %add3A_85 = arith.constant 2 : i32
    %add3A_86 = arith.addi %mul3A_2, %add3A_85 : i32
    %mul3A_87 = arith.constant 10000 : i32
    %mul3A_88 = arith.muli %add3A_86, %mul3A_87 : i32
    "tpu.region"() ({
      %run_scoped3A = tpu.sem_alloc : memref<!tpu.dma_semaphore, #tpu.memory_space<semaphore_mem>>
      %dma_start3A_105 = tpu.memref_slice %arg4[%mul3A_88] : memref<2560000xf32, #tpu.memory_space<hbm>> -> memref<10000xf32, #tpu.memory_space<hbm>>
      %dma_start3A_106 = tpu.memref_slice %arg4[%mul3A_88] : memref<2560000xf32, #tpu.memory_space<hbm>> -> memref<10000xf32, #tpu.memory_space<hbm>>
      tpu.enqueue_dma source(%arg13 : memref<10000xf32, #tpu.memory_space<vmem>>) target(%dma_start3A_106 : memref<10000xf32, #tpu.memory_space<hbm>>) target_semaphore(%run_scoped3A : memref<!tpu.dma_semaphore, #tpu.memory_space<semaphore_mem>>)
      %dma_wait3A = tpu.memref_slice %arg4[%mul3A_88] : memref<2560000xf32, #tpu.memory_space<hbm>> -> memref<10000xf32, #tpu.memory_space<hbm>>
      %dma_wait3A_107 = tpu.memref_slice %arg4[%mul3A_88] : memref<2560000xf32, #tpu.memory_space<hbm>> -> memref<10000xf32, #tpu.memory_space<hbm>>
      tpu.wait_dma2 semaphore(%run_scoped3A : memref<!tpu.dma_semaphore, #tpu.memory_space<semaphore_mem>>) src(%arg13 : memref<10000xf32, #tpu.memory_space<vmem>>) dst(%dma_wait3A_107 : memref<10000xf32, #tpu.memory_space<hbm>>)
      tpu.yield
    }) : () -> ()
    %add3A_89 = arith.constant 2 : i32
    %add3A_90 = arith.addi %mul3A_2, %add3A_89 : i32
    %add3A_91 = arith.constant 128 : i32
    %add3A_92 = arith.addi %add3A_90, %add3A_91 : i32
    %mul3A_93 = arith.constant 10000 : i32
    %mul3A_94 = arith.muli %add3A_92, %mul3A_93 : i32
    "tpu.region"() ({
      %run_scoped3A = tpu.sem_alloc : memref<!tpu.dma_semaphore, #tpu.memory_space<semaphore_mem>>
      %dma_start3A_105 = tpu.memref_slice %arg4[%mul3A_94] : memref<2560000xf32, #tpu.memory_space<hbm>> -> memref<10000xf32, #tpu.memory_space<hbm>>
      %dma_start3A_106 = tpu.memref_slice %arg4[%mul3A_94] : memref<2560000xf32, #tpu.memory_space<hbm>> -> memref<10000xf32, #tpu.memory_space<hbm>>
      tpu.enqueue_dma source(%arg14 : memref<10000xf32, #tpu.memory_space<vmem>>) target(%dma_start3A_106 : memref<10000xf32, #tpu.memory_space<hbm>>) target_semaphore(%run_scoped3A : memref<!tpu.dma_semaphore, #tpu.memory_space<semaphore_mem>>)
      %dma_wait3A = tpu.memref_slice %arg4[%mul3A_94] : memref<2560000xf32, #tpu.memory_space<hbm>> -> memref<10000xf32, #tpu.memory_space<hbm>>
      %dma_wait3A_107 = tpu.memref_slice %arg4[%mul3A_94] : memref<2560000xf32, #tpu.memory_space<hbm>> -> memref<10000xf32, #tpu.memory_space<hbm>>
      tpu.wait_dma2 semaphore(%run_scoped3A : memref<!tpu.dma_semaphore, #tpu.memory_space<semaphore_mem>>) src(%arg14 : memref<10000xf32, #tpu.memory_space<vmem>>) dst(%dma_wait3A_107 : memref<10000xf32, #tpu.memory_space<hbm>>)
      tpu.yield
    }) : () -> ()
    %add3A_95 = arith.constant 3 : i32
    %add3A_96 = arith.addi %mul3A_2, %add3A_95 : i32
    %mul3A_97 = arith.constant 10000 : i32
    %mul3A_98 = arith.muli %add3A_96, %mul3A_97 : i32
    "tpu.region"() ({
      %run_scoped3A = tpu.sem_alloc : memref<!tpu.dma_semaphore, #tpu.memory_space<semaphore_mem>>
      %dma_start3A_105 = tpu.memref_slice %arg4[%mul3A_98] : memref<2560000xf32, #tpu.memory_space<hbm>> -> memref<10000xf32, #tpu.memory_space<hbm>>
      %dma_start3A_106 = tpu.memref_slice %arg4[%mul3A_98] : memref<2560000xf32, #tpu.memory_space<hbm>> -> memref<10000xf32, #tpu.memory_space<hbm>>
      tpu.enqueue_dma source(%arg15 : memref<10000xf32, #tpu.memory_space<vmem>>) target(%dma_start3A_106 : memref<10000xf32, #tpu.memory_space<hbm>>) target_semaphore(%run_scoped3A : memref<!tpu.dma_semaphore, #tpu.memory_space<semaphore_mem>>)
      %dma_wait3A = tpu.memref_slice %arg4[%mul3A_98] : memref<2560000xf32, #tpu.memory_space<hbm>> -> memref<10000xf32, #tpu.memory_space<hbm>>
      %dma_wait3A_107 = tpu.memref_slice %arg4[%mul3A_98] : memref<2560000xf32, #tpu.memory_space<hbm>> -> memref<10000xf32, #tpu.memory_space<hbm>>
      tpu.wait_dma2 semaphore(%run_scoped3A : memref<!tpu.dma_semaphore, #tpu.memory_space<semaphore_mem>>) src(%arg15 : memref<10000xf32, #tpu.memory_space<vmem>>) dst(%dma_wait3A_107 : memref<10000xf32, #tpu.memory_space<hbm>>)
      tpu.yield
    }) : () -> ()
    %add3A_99 = arith.constant 3 : i32
    %add3A_100 = arith.addi %mul3A_2, %add3A_99 : i32
    %add3A_101 = arith.constant 128 : i32
    %add3A_102 = arith.addi %add3A_100, %add3A_101 : i32
    %mul3A_103 = arith.constant 10000 : i32
    %mul3A_104 = arith.muli %add3A_102, %mul3A_103 : i32
    "tpu.region"() ({
      %run_scoped3A = tpu.sem_alloc : memref<!tpu.dma_semaphore, #tpu.memory_space<semaphore_mem>>
      %dma_start3A_105 = tpu.memref_slice %arg4[%mul3A_104] : memref<2560000xf32, #tpu.memory_space<hbm>> -> memref<10000xf32, #tpu.memory_space<hbm>>
      %dma_start3A_106 = tpu.memref_slice %arg4[%mul3A_104] : memref<2560000xf32, #tpu.memory_space<hbm>> -> memref<10000xf32, #tpu.memory_space<hbm>>
      tpu.enqueue_dma source(%arg16 : memref<10000xf32, #tpu.memory_space<vmem>>) target(%dma_start3A_106 : memref<10000xf32, #tpu.memory_space<hbm>>) target_semaphore(%run_scoped3A : memref<!tpu.dma_semaphore, #tpu.memory_space<semaphore_mem>>)
      %dma_wait3A = tpu.memref_slice %arg4[%mul3A_104] : memref<2560000xf32, #tpu.memory_space<hbm>> -> memref<10000xf32, #tpu.memory_space<hbm>>
      %dma_wait3A_107 = tpu.memref_slice %arg4[%mul3A_104] : memref<2560000xf32, #tpu.memory_space<hbm>> -> memref<10000xf32, #tpu.memory_space<hbm>>
      tpu.wait_dma2 semaphore(%run_scoped3A : memref<!tpu.dma_semaphore, #tpu.memory_space<semaphore_mem>>) src(%arg16 : memref<10000xf32, #tpu.memory_space<vmem>>) dst(%dma_wait3A_107 : memref<10000xf32, #tpu.memory_space<hbm>>)
      tpu.yield
    }) : () -> ()
    return
  }
}

#map = affine_map<(d0, d1) -> (0)>
module attributes {stable_mosaic.version = 14 : i64} {
  func.func @_deg_kernel(%arg0: i32, %arg1: i32, %arg2: memref<163840xi32, #tpu.memory_space<hbm>>, %arg3: memref<163840xf32, #tpu.memory_space<hbm>>, %arg4: memref<320000xf32, #tpu.memory_space<hbm>>, %arg5: memref<10000xf32, #tpu.memory_space<vmem>>, %arg6: memref<5120xi32, #tpu.memory_space<vmem>>, %arg7: memref<5120xf32, #tpu.memory_space<vmem>>) attributes {dimension_semantics = [#tpu.dimension_semantics<core_parallel>, #tpu.dimension_semantics<subcore_parallel>], iteration_bounds = array<i64: 2, 16>, scalar_prefetch = 0 : i64, scratch_operands = 3 : i64, tpu.core_type = #tpu.core_type<sc_vector_subcore>, window_params = [{transform_indices = #map}, {transform_indices = #map}, {transform_indices = #map}]} {
    %mul3A = arith.constant 2 : i32
    %mul3A_0 = arith.muli %arg1, %mul3A : i32
    %add3A = arith.addi %mul3A_0, %arg0 : i32
    %mul3A_1 = arith.constant 5120 : i32
    %mul3A_2 = arith.muli %add3A, %mul3A_1 : i32
    "tpu.region"() ({
      %run_scoped3A = tpu.sem_alloc : memref<!tpu.dma_semaphore, #tpu.memory_space<semaphore_mem>>
      %dma_start3A = tpu.memref_slice %arg2[%mul3A_2] : memref<163840xi32, #tpu.memory_space<hbm>> -> memref<5120xi32, #tpu.memory_space<hbm>>
      %dma_start3A_11 = tpu.memref_slice %arg2[%mul3A_2] : memref<163840xi32, #tpu.memory_space<hbm>> -> memref<5120xi32, #tpu.memory_space<hbm>>
      tpu.enqueue_dma source(%dma_start3A_11 : memref<5120xi32, #tpu.memory_space<hbm>>) target(%arg6 : memref<5120xi32, #tpu.memory_space<vmem>>) target_semaphore(%run_scoped3A : memref<!tpu.dma_semaphore, #tpu.memory_space<semaphore_mem>>)
      %dma_wait3A = tpu.memref_slice %arg2[%mul3A_2] : memref<163840xi32, #tpu.memory_space<hbm>> -> memref<5120xi32, #tpu.memory_space<hbm>>
      %dma_wait3A_12 = tpu.memref_slice %arg2[%mul3A_2] : memref<163840xi32, #tpu.memory_space<hbm>> -> memref<5120xi32, #tpu.memory_space<hbm>>
      tpu.wait_dma2 semaphore(%run_scoped3A : memref<!tpu.dma_semaphore, #tpu.memory_space<semaphore_mem>>) src(%dma_wait3A_12 : memref<5120xi32, #tpu.memory_space<hbm>>) dst(%arg6 : memref<5120xi32, #tpu.memory_space<vmem>>)
      tpu.yield
    }) : () -> ()
    "tpu.region"() ({
      %run_scoped3A = tpu.sem_alloc : memref<!tpu.dma_semaphore, #tpu.memory_space<semaphore_mem>>
      %dma_start3A = tpu.memref_slice %arg3[%mul3A_2] : memref<163840xf32, #tpu.memory_space<hbm>> -> memref<5120xf32, #tpu.memory_space<hbm>>
      %dma_start3A_11 = tpu.memref_slice %arg3[%mul3A_2] : memref<163840xf32, #tpu.memory_space<hbm>> -> memref<5120xf32, #tpu.memory_space<hbm>>
      tpu.enqueue_dma source(%dma_start3A_11 : memref<5120xf32, #tpu.memory_space<hbm>>) target(%arg7 : memref<5120xf32, #tpu.memory_space<vmem>>) target_semaphore(%run_scoped3A : memref<!tpu.dma_semaphore, #tpu.memory_space<semaphore_mem>>)
      %dma_wait3A = tpu.memref_slice %arg3[%mul3A_2] : memref<163840xf32, #tpu.memory_space<hbm>> -> memref<5120xf32, #tpu.memory_space<hbm>>
      %dma_wait3A_12 = tpu.memref_slice %arg3[%mul3A_2] : memref<163840xf32, #tpu.memory_space<hbm>> -> memref<5120xf32, #tpu.memory_space<hbm>>
      tpu.wait_dma2 semaphore(%run_scoped3A : memref<!tpu.dma_semaphore, #tpu.memory_space<semaphore_mem>>) src(%dma_wait3A_12 : memref<5120xf32, #tpu.memory_space<hbm>>) dst(%arg7 : memref<5120xf32, #tpu.memory_space<vmem>>)
      tpu.yield
    }) : () -> ()
    %broadcast_in_dim3A = arith.constant 0.000000e+00 : f32
    %broadcast_in_dim3A_3 = vector.broadcast %broadcast_in_dim3A : f32 to vector<16xf32>
    %parallel_loop3A = arith.constant 0 : i32
    %parallel_loop3A_4 = arith.constant 625 : i32
    %parallel_loop3A_5 = arith.constant 1 : i32
    scf.for %parallel_loop3A_11 = %parallel_loop3A to %parallel_loop3A_4 step %parallel_loop3A_5  : i32 {
      %parallel_loop3A_12 = arith.constant 16 : i32
      %parallel_loop3A_13 = arith.muli %parallel_loop3A_11, %parallel_loop3A_12 : i32
      %parallel_loop3A_14 = arith.index_cast %parallel_loop3A_13 : i32 to index
      %parallel_loop3A_15 = tpu.vector_load %arg5[%parallel_loop3A_14] {strides = array<i32>} : memref<10000xf32, #tpu.memory_space<vmem>>, vector<16xf32>,
      tpu.vector_store %arg5[%parallel_loop3A_14], %broadcast_in_dim3A_3 {strides = array<i32>} : memref<10000xf32, #tpu.memory_space<vmem>>, vector<16xf32>,
    } {sc.loop_unroll_factor = 5 : i64, sc.parallel_access}
    %parallel_loop3A_6 = arith.constant 0 : i32
    %parallel_loop3A_7 = arith.constant 320 : i32
    %parallel_loop3A_8 = arith.constant 1 : i32
    scf.for %parallel_loop3A_11 = %parallel_loop3A_6 to %parallel_loop3A_7 step %parallel_loop3A_8  : i32 {
      %parallel_loop3A_12 = arith.constant 16 : i32
      %parallel_loop3A_13 = arith.muli %parallel_loop3A_11, %parallel_loop3A_12 : i32
      %parallel_loop3A_14 = arith.index_cast %parallel_loop3A_13 : i32 to index
      %parallel_loop3A_15 = tpu.vector_load %arg6[%parallel_loop3A_14] {strides = array<i32>} : memref<5120xi32, #tpu.memory_space<vmem>>, vector<16xi32>,
      %parallel_loop3A_16 = arith.constant 16 : i32
      %parallel_loop3A_17 = arith.muli %parallel_loop3A_11, %parallel_loop3A_16 : i32
      %parallel_loop3A_18 = arith.index_cast %parallel_loop3A_17 : i32 to index
      %parallel_loop3A_19 = tpu.vector_load %arg7[%parallel_loop3A_18] {strides = array<i32>} : memref<5120xf32, #tpu.memory_space<vmem>>, vector<16xf32>,
      tpu.vector_store_idx %arg5[%parallel_loop3A_15], %parallel_loop3A_19 {add = true} : memref<10000xf32, #tpu.memory_space<vmem>>[vector<16xi32>], vector<16xf32>,
    } {sc.loop_unroll_factor = 4 : i64, sc.parallel_access}
    %mul3A_9 = arith.constant 10000 : i32
    %mul3A_10 = arith.muli %add3A, %mul3A_9 : i32
    "tpu.region"() ({
      %run_scoped3A = tpu.sem_alloc : memref<!tpu.dma_semaphore, #tpu.memory_space<semaphore_mem>>
      %dma_start3A = tpu.memref_slice %arg4[%mul3A_10] : memref<320000xf32, #tpu.memory_space<hbm>> -> memref<10000xf32, #tpu.memory_space<hbm>>
      %dma_start3A_11 = tpu.memref_slice %arg4[%mul3A_10] : memref<320000xf32, #tpu.memory_space<hbm>> -> memref<10000xf32, #tpu.memory_space<hbm>>
      tpu.enqueue_dma source(%arg5 : memref<10000xf32, #tpu.memory_space<vmem>>) target(%dma_start3A_11 : memref<10000xf32, #tpu.memory_space<hbm>>) target_semaphore(%run_scoped3A : memref<!tpu.dma_semaphore, #tpu.memory_space<semaphore_mem>>)
      %dma_wait3A = tpu.memref_slice %arg4[%mul3A_10] : memref<320000xf32, #tpu.memory_space<hbm>> -> memref<10000xf32, #tpu.memory_space<hbm>>
      %dma_wait3A_12 = tpu.memref_slice %arg4[%mul3A_10] : memref<320000xf32, #tpu.memory_space<hbm>> -> memref<10000xf32, #tpu.memory_space<hbm>>
      tpu.wait_dma2 semaphore(%run_scoped3A : memref<!tpu.dma_semaphore, #tpu.memory_space<semaphore_mem>>) src(%arg5 : memref<10000xf32, #tpu.memory_space<vmem>>) dst(%dma_wait3A_12 : memref<10000xf32, #tpu.memory_space<hbm>>)
      tpu.yield
    }) : () -> ()
    return
  }
}

#map = affine_map<(d0, d1) -> (0)>
module attributes {stable_mosaic.version = 14 : i64} {
  func.func @_norm_kernel(%arg0: i32, %arg1: i32, %arg2: memref<163840xi32, #tpu.memory_space<hbm>>, %arg3: memref<163840xi32, #tpu.memory_space<hbm>>, %arg4: memref<163840xf32, #tpu.memory_space<hbm>>, %arg5: memref<10000xf32, #tpu.memory_space<hbm>>, %arg6: memref<491520xi32, #tpu.memory_space<hbm>>, %arg7: memref<10000xf32, #tpu.memory_space<vmem>>, %arg8: memref<5120xi32, #tpu.memory_space<vmem>>, %arg9: memref<5120xi32, #tpu.memory_space<vmem>>, %arg10: memref<5120xf32, #tpu.memory_space<vmem>>, %arg11: memref<5120xi32, #tpu.memory_space<vmem>>) attributes {dimension_semantics = [#tpu.dimension_semantics<core_parallel>, #tpu.dimension_semantics<subcore_parallel>], iteration_bounds = array<i64: 2, 16>, scalar_prefetch = 0 : i64, scratch_operands = 5 : i64, tpu.core_type = #tpu.core_type<sc_vector_subcore>, window_params = [{transform_indices = #map}, {transform_indices = #map}, {transform_indices = #map}, {transform_indices = #map}, {transform_indices = #map}]} {
    %mul3A = arith.constant 2 : i32
    %mul3A_0 = arith.muli %arg1, %mul3A : i32
    %add3A = arith.addi %mul3A_0, %arg0 : i32
    %mul3A_1 = arith.constant 5120 : i32
    %mul3A_2 = arith.muli %add3A, %mul3A_1 : i32
    "tpu.region"() ({
      %run_scoped3A = tpu.sem_alloc : memref<!tpu.dma_semaphore, #tpu.memory_space<semaphore_mem>>
      tpu.enqueue_dma source(%arg5 : memref<10000xf32, #tpu.memory_space<hbm>>) target(%arg7 : memref<10000xf32, #tpu.memory_space<vmem>>) target_semaphore(%run_scoped3A : memref<!tpu.dma_semaphore, #tpu.memory_space<semaphore_mem>>)
      tpu.wait_dma2 semaphore(%run_scoped3A : memref<!tpu.dma_semaphore, #tpu.memory_space<semaphore_mem>>) src(%arg5 : memref<10000xf32, #tpu.memory_space<hbm>>) dst(%arg7 : memref<10000xf32, #tpu.memory_space<vmem>>)
      tpu.yield
    }) : () -> ()
    "tpu.region"() ({
      %run_scoped3A = tpu.sem_alloc : memref<!tpu.dma_semaphore, #tpu.memory_space<semaphore_mem>>
      %dma_start3A = tpu.memref_slice %arg2[%mul3A_2] : memref<163840xi32, #tpu.memory_space<hbm>> -> memref<5120xi32, #tpu.memory_space<hbm>>
      %dma_start3A_53 = tpu.memref_slice %arg2[%mul3A_2] : memref<163840xi32, #tpu.memory_space<hbm>> -> memref<5120xi32, #tpu.memory_space<hbm>>
      tpu.enqueue_dma source(%dma_start3A_53 : memref<5120xi32, #tpu.memory_space<hbm>>) target(%arg8 : memref<5120xi32, #tpu.memory_space<vmem>>) target_semaphore(%run_scoped3A : memref<!tpu.dma_semaphore, #tpu.memory_space<semaphore_mem>>)
      %dma_wait3A = tpu.memref_slice %arg2[%mul3A_2] : memref<163840xi32, #tpu.memory_space<hbm>> -> memref<5120xi32, #tpu.memory_space<hbm>>
      %dma_wait3A_54 = tpu.memref_slice %arg2[%mul3A_2] : memref<163840xi32, #tpu.memory_space<hbm>> -> memref<5120xi32, #tpu.memory_space<hbm>>
      tpu.wait_dma2 semaphore(%run_scoped3A : memref<!tpu.dma_semaphore, #tpu.memory_space<semaphore_mem>>) src(%dma_wait3A_54 : memref<5120xi32, #tpu.memory_space<hbm>>) dst(%arg8 : memref<5120xi32, #tpu.memory_space<vmem>>)
      tpu.yield
    }) : () -> ()
    "tpu.region"() ({
      %run_scoped3A = tpu.sem_alloc : memref<!tpu.dma_semaphore, #tpu.memory_space<semaphore_mem>>
      %dma_start3A = tpu.memref_slice %arg3[%mul3A_2] : memref<163840xi32, #tpu.memory_space<hbm>> -> memref<5120xi32, #tpu.memory_space<hbm>>
      %dma_start3A_53 = tpu.memref_slice %arg3[%mul3A_2] : memref<163840xi32, #tpu.memory_space<hbm>> -> memref<5120xi32, #tpu.memory_space<hbm>>
      tpu.enqueue_dma source(%dma_start3A_53 : memref<5120xi32, #tpu.memory_space<hbm>>) target(%arg9 : memref<5120xi32, #tpu.memory_space<vmem>>) target_semaphore(%run_scoped3A : memref<!tpu.dma_semaphore, #tpu.memory_space<semaphore_mem>>)
      %dma_wait3A = tpu.memref_slice %arg3[%mul3A_2] : memref<163840xi32, #tpu.memory_space<hbm>> -> memref<5120xi32, #tpu.memory_space<hbm>>
      %dma_wait3A_54 = tpu.memref_slice %arg3[%mul3A_2] : memref<163840xi32, #tpu.memory_space<hbm>> -> memref<5120xi32, #tpu.memory_space<hbm>>
      tpu.wait_dma2 semaphore(%run_scoped3A : memref<!tpu.dma_semaphore, #tpu.memory_space<semaphore_mem>>) src(%dma_wait3A_54 : memref<5120xi32, #tpu.memory_space<hbm>>) dst(%arg9 : memref<5120xi32, #tpu.memory_space<vmem>>)
      tpu.yield
    }) : () -> ()
    "tpu.region"() ({
      %run_scoped3A = tpu.sem_alloc : memref<!tpu.dma_semaphore, #tpu.memory_space<semaphore_mem>>
      %dma_start3A = tpu.memref_slice %arg4[%mul3A_2] : memref<163840xf32, #tpu.memory_space<hbm>> -> memref<5120xf32, #tpu.memory_space<hbm>>
      %dma_start3A_53 = tpu.memref_slice %arg4[%mul3A_2] : memref<163840xf32, #tpu.memory_space<hbm>> -> memref<5120xf32, #tpu.memory_space<hbm>>
      tpu.enqueue_dma source(%dma_start3A_53 : memref<5120xf32, #tpu.memory_space<hbm>>) target(%arg10 : memref<5120xf32, #tpu.memory_space<vmem>>) target_semaphore(%run_scoped3A : memref<!tpu.dma_semaphore, #tpu.memory_space<semaphore_mem>>)
      %dma_wait3A = tpu.memref_slice %arg4[%mul3A_2] : memref<163840xf32, #tpu.memory_space<hbm>> -> memref<5120xf32, #tpu.memory_space<hbm>>
      %dma_wait3A_54 = tpu.memref_slice %arg4[%mul3A_2] : memref<163840xf32, #tpu.memory_space<hbm>> -> memref<5120xf32, #tpu.memory_space<hbm>>
      tpu.wait_dma2 semaphore(%run_scoped3A : memref<!tpu.dma_semaphore, #tpu.memory_space<semaphore_mem>>) src(%dma_wait3A_54 : memref<5120xf32, #tpu.memory_space<hbm>>) dst(%arg10 : memref<5120xf32, #tpu.memory_space<vmem>>)
      tpu.yield
    }) : () -> ()
    %parallel_loop3A = arith.constant 0 : i32
    %parallel_loop3A_3 = arith.constant 320 : i32
    %parallel_loop3A_4 = arith.constant 1 : i32
    scf.for %parallel_loop3A_53 = %parallel_loop3A to %parallel_loop3A_3 step %parallel_loop3A_4  : i32 {
      %parallel_loop3A_54 = arith.constant 16 : i32
      %parallel_loop3A_55 = arith.muli %parallel_loop3A_53, %parallel_loop3A_54 : i32
      %parallel_loop3A_56 = arith.index_cast %parallel_loop3A_55 : i32 to index
      %parallel_loop3A_57 = tpu.vector_load %arg8[%parallel_loop3A_56] {strides = array<i32>} : memref<5120xi32, #tpu.memory_space<vmem>>, vector<16xi32>,
      %parallel_loop3A_58 = arith.constant 16 : i32
      %parallel_loop3A_59 = arith.muli %parallel_loop3A_53, %parallel_loop3A_58 : i32
      %parallel_loop3A_60 = arith.index_cast %parallel_loop3A_59 : i32 to index
      %parallel_loop3A_61 = tpu.vector_load %arg9[%parallel_loop3A_60] {strides = array<i32>} : memref<5120xi32, #tpu.memory_space<vmem>>, vector<16xi32>,
      %parallel_loop3A_62 = arith.constant 16 : i32
      %parallel_loop3A_63 = arith.muli %parallel_loop3A_53, %parallel_loop3A_62 : i32
      %parallel_loop3A_64 = arith.index_cast %parallel_loop3A_63 : i32 to index
      %parallel_loop3A_65 = tpu.vector_load %arg10[%parallel_loop3A_64] {strides = array<i32>} : memref<5120xf32, #tpu.memory_space<vmem>>, vector<16xf32>,
      %parallel_loop3A_66 = tpu.vector_load_idx %arg7[%parallel_loop3A_57] : memref<10000xf32, #tpu.memory_space<vmem>>[vector<16xi32>], vector<16xf32>,
      %parallel_loop3A_67 = tpu.vector_load_idx %arg7[%parallel_loop3A_61] : memref<10000xf32, #tpu.memory_space<vmem>>[vector<16xi32>], vector<16xf32>,
      %parallel_loop3A_68 = arith.mulf %parallel_loop3A_66, %parallel_loop3A_65 : vector<16xf32>
      %parallel_loop3A_69 = arith.mulf %parallel_loop3A_68, %parallel_loop3A_67 : vector<16xf32>
      %parallel_loop3A_70 = vector.bitcast %parallel_loop3A_69 : vector<16xf32> to vector<16xi32>
      %parallel_loop3A_71 = arith.constant 16 : i32
      %parallel_loop3A_72 = arith.muli %parallel_loop3A_53, %parallel_loop3A_71 : i32
      %parallel_loop3A_73 = arith.index_cast %parallel_loop3A_72 : i32 to index
      %parallel_loop3A_74 = tpu.vector_load %arg11[%parallel_loop3A_73] {strides = array<i32>} : memref<5120xi32, #tpu.memory_space<vmem>>, vector<16xi32>,
      tpu.vector_store %arg11[%parallel_loop3A_73], %parallel_loop3A_70 {strides = array<i32>} : memref<5120xi32, #tpu.memory_space<vmem>>, vector<16xi32>,
    } {sc.loop_unroll_factor = 4 : i64, sc.parallel_access}
    %mul3A_5 = arith.constant 4 : i32
    %mul3A_6 = arith.muli %mul3A_5, %add3A : i32
    %add3A_7 = arith.constant 0 : i32
    %add3A_8 = arith.addi %mul3A_6, %add3A_7 : i32
    %mul3A_9 = arith.constant 3 : i32
    %mul3A_10 = arith.muli %add3A_8, %mul3A_9 : i32
    %mul3A_11 = arith.constant 1280 : i32
    %mul3A_12 = arith.muli %mul3A_10, %mul3A_11 : i32
    "tpu.region"() ({
      %run_scoped3A = tpu.sem_alloc : memref<!tpu.dma_semaphore, #tpu.memory_space<semaphore_mem>>
      %dma_start3A = arith.constant 0 : i32
      %dma_start3A_53 = tpu.memref_slice %arg8[%dma_start3A] : memref<5120xi32, #tpu.memory_space<vmem>> -> memref<1280xi32, #tpu.memory_space<vmem>>
      %dma_start3A_54 = tpu.memref_slice %arg6[%mul3A_12] : memref<491520xi32, #tpu.memory_space<hbm>> -> memref<1280xi32, #tpu.memory_space<hbm>>
      %dma_start3A_55 = tpu.memref_slice %arg6[%mul3A_12] : memref<491520xi32, #tpu.memory_space<hbm>> -> memref<1280xi32, #tpu.memory_space<hbm>>
      %dma_start3A_56 = arith.constant 0 : i32
      %dma_start3A_57 = tpu.memref_slice %arg8[%dma_start3A_56] : memref<5120xi32, #tpu.memory_space<vmem>> -> memref<1280xi32, #tpu.memory_space<vmem>>
      tpu.enqueue_dma source(%dma_start3A_57 : memref<1280xi32, #tpu.memory_space<vmem>>) target(%dma_start3A_55 : memref<1280xi32, #tpu.memory_space<hbm>>) target_semaphore(%run_scoped3A : memref<!tpu.dma_semaphore, #tpu.memory_space<semaphore_mem>>)
      %dma_wait3A = arith.constant 0 : i32
      %dma_wait3A_58 = tpu.memref_slice %arg8[%dma_wait3A] : memref<5120xi32, #tpu.memory_space<vmem>> -> memref<1280xi32, #tpu.memory_space<vmem>>
      %dma_wait3A_59 = tpu.memref_slice %arg6[%mul3A_12] : memref<491520xi32, #tpu.memory_space<hbm>> -> memref<1280xi32, #tpu.memory_space<hbm>>
      %dma_wait3A_60 = tpu.memref_slice %arg6[%mul3A_12] : memref<491520xi32, #tpu.memory_space<hbm>> -> memref<1280xi32, #tpu.memory_space<hbm>>
      %dma_wait3A_61 = arith.constant 0 : i32
      %dma_wait3A_62 = tpu.memref_slice %arg8[%dma_wait3A_61] : memref<5120xi32, #tpu.memory_space<vmem>> -> memref<1280xi32, #tpu.memory_space<vmem>>
      tpu.wait_dma2 semaphore(%run_scoped3A : memref<!tpu.dma_semaphore, #tpu.memory_space<semaphore_mem>>) src(%dma_wait3A_62 : memref<1280xi32, #tpu.memory_space<vmem>>) dst(%dma_wait3A_60 : memref<1280xi32, #tpu.memory_space<hbm>>)
      tpu.yield
    }) : () -> ()
    %add3A_13 = arith.constant 1280 : i32
    %add3A_14 = arith.addi %mul3A_12, %add3A_13 : i32
    "tpu.region"() ({
      %run_scoped3A = tpu.sem_alloc : memref<!tpu.dma_semaphore, #tpu.memory_space<semaphore_mem>>
      %dma_start3A = arith.constant 0 : i32
      %dma_start3A_53 = tpu.memref_slice %arg9[%dma_start3A] : memref<5120xi32, #tpu.memory_space<vmem>> -> memref<1280xi32, #tpu.memory_space<vmem>>
      %dma_start3A_54 = tpu.memref_slice %arg6[%add3A_14] : memref<491520xi32, #tpu.memory_space<hbm>> -> memref<1280xi32, #tpu.memory_space<hbm>>
      %dma_start3A_55 = tpu.memref_slice %arg6[%add3A_14] : memref<491520xi32, #tpu.memory_space<hbm>> -> memref<1280xi32, #tpu.memory_space<hbm>>
      %dma_start3A_56 = arith.constant 0 : i32
      %dma_start3A_57 = tpu.memref_slice %arg9[%dma_start3A_56] : memref<5120xi32, #tpu.memory_space<vmem>> -> memref<1280xi32, #tpu.memory_space<vmem>>
      tpu.enqueue_dma source(%dma_start3A_57 : memref<1280xi32, #tpu.memory_space<vmem>>) target(%dma_start3A_55 : memref<1280xi32, #tpu.memory_space<hbm>>) target_semaphore(%run_scoped3A : memref<!tpu.dma_semaphore, #tpu.memory_space<semaphore_mem>>)
      %dma_wait3A = arith.constant 0 : i32
      %dma_wait3A_58 = tpu.memref_slice %arg9[%dma_wait3A] : memref<5120xi32, #tpu.memory_space<vmem>> -> memref<1280xi32, #tpu.memory_space<vmem>>
      %dma_wait3A_59 = tpu.memref_slice %arg6[%add3A_14] : memref<491520xi32, #tpu.memory_space<hbm>> -> memref<1280xi32, #tpu.memory_space<hbm>>
      %dma_wait3A_60 = tpu.memref_slice %arg6[%add3A_14] : memref<491520xi32, #tpu.memory_space<hbm>> -> memref<1280xi32, #tpu.memory_space<hbm>>
      %dma_wait3A_61 = arith.constant 0 : i32
      %dma_wait3A_62 = tpu.memref_slice %arg9[%dma_wait3A_61] : memref<5120xi32, #tpu.memory_space<vmem>> -> memref<1280xi32, #tpu.memory_space<vmem>>
      tpu.wait_dma2 semaphore(%run_scoped3A : memref<!tpu.dma_semaphore, #tpu.memory_space<semaphore_mem>>) src(%dma_wait3A_62 : memref<1280xi32, #tpu.memory_space<vmem>>) dst(%dma_wait3A_60 : memref<1280xi32, #tpu.memory_space<hbm>>)
      tpu.yield
    }) : () -> ()
    %add3A_15 = arith.constant 2560 : i32
    %add3A_16 = arith.addi %mul3A_12, %add3A_15 : i32
    "tpu.region"() ({
      %run_scoped3A = tpu.sem_alloc : memref<!tpu.dma_semaphore, #tpu.memory_space<semaphore_mem>>
      %dma_start3A = arith.constant 0 : i32
      %dma_start3A_53 = tpu.memref_slice %arg11[%dma_start3A] : memref<5120xi32, #tpu.memory_space<vmem>> -> memref<1280xi32, #tpu.memory_space<vmem>>
      %dma_start3A_54 = tpu.memref_slice %arg6[%add3A_16] : memref<491520xi32, #tpu.memory_space<hbm>> -> memref<1280xi32, #tpu.memory_space<hbm>>
      %dma_start3A_55 = tpu.memref_slice %arg6[%add3A_16] : memref<491520xi32, #tpu.memory_space<hbm>> -> memref<1280xi32, #tpu.memory_space<hbm>>
      %dma_start3A_56 = arith.constant 0 : i32
      %dma_start3A_57 = tpu.memref_slice %arg11[%dma_start3A_56] : memref<5120xi32, #tpu.memory_space<vmem>> -> memref<1280xi32, #tpu.memory_space<vmem>>
      tpu.enqueue_dma source(%dma_start3A_57 : memref<1280xi32, #tpu.memory_space<vmem>>) target(%dma_start3A_55 : memref<1280xi32, #tpu.memory_space<hbm>>) target_semaphore(%run_scoped3A : memref<!tpu.dma_semaphore, #tpu.memory_space<semaphore_mem>>)
      %dma_wait3A = arith.constant 0 : i32
      %dma_wait3A_58 = tpu.memref_slice %arg11[%dma_wait3A] : memref<5120xi32, #tpu.memory_space<vmem>> -> memref<1280xi32, #tpu.memory_space<vmem>>
      %dma_wait3A_59 = tpu.memref_slice %arg6[%add3A_16] : memref<491520xi32, #tpu.memory_space<hbm>> -> memref<1280xi32, #tpu.memory_space<hbm>>
      %dma_wait3A_60 = tpu.memref_slice %arg6[%add3A_16] : memref<491520xi32, #tpu.memory_space<hbm>> -> memref<1280xi32, #tpu.memory_space<hbm>>
      %dma_wait3A_61 = arith.constant 0 : i32
      %dma_wait3A_62 = tpu.memref_slice %arg11[%dma_wait3A_61] : memref<5120xi32, #tpu.memory_space<vmem>> -> memref<1280xi32, #tpu.memory_space<vmem>>
      tpu.wait_dma2 semaphore(%run_scoped3A : memref<!tpu.dma_semaphore, #tpu.memory_space<semaphore_mem>>) src(%dma_wait3A_62 : memref<1280xi32, #tpu.memory_space<vmem>>) dst(%dma_wait3A_60 : memref<1280xi32, #tpu.memory_space<hbm>>)
      tpu.yield
    }) : () -> ()
    %mul3A_17 = arith.constant 4 : i32
    %mul3A_18 = arith.muli %mul3A_17, %add3A : i32
    %add3A_19 = arith.constant 1 : i32
    %add3A_20 = arith.addi %mul3A_18, %add3A_19 : i32
    %mul3A_21 = arith.constant 3 : i32
    %mul3A_22 = arith.muli %add3A_20, %mul3A_21 : i32
    %mul3A_23 = arith.constant 1280 : i32
    %mul3A_24 = arith.muli %mul3A_22, %mul3A_23 : i32
    "tpu.region"() ({
      %run_scoped3A = tpu.sem_alloc : memref<!tpu.dma_semaphore, #tpu.memory_space<semaphore_mem>>
      %dma_start3A = arith.constant 1280 : i32
      %dma_start3A_53 = tpu.memref_slice %arg8[%dma_start3A] : memref<5120xi32, #tpu.memory_space<vmem>> -> memref<1280xi32, #tpu.memory_space<vmem>>
      %dma_start3A_54 = tpu.memref_slice %arg6[%mul3A_24] : memref<491520xi32, #tpu.memory_space<hbm>> -> memref<1280xi32, #tpu.memory_space<hbm>>
      %dma_start3A_55 = tpu.memref_slice %arg6[%mul3A_24] : memref<491520xi32, #tpu.memory_space<hbm>> -> memref<1280xi32, #tpu.memory_space<hbm>>
      %dma_start3A_56 = arith.constant 1280 : i32
      %dma_start3A_57 = tpu.memref_slice %arg8[%dma_start3A_56] : memref<5120xi32, #tpu.memory_space<vmem>> -> memref<1280xi32, #tpu.memory_space<vmem>>
      tpu.enqueue_dma source(%dma_start3A_57 : memref<1280xi32, #tpu.memory_space<vmem>>) target(%dma_start3A_55 : memref<1280xi32, #tpu.memory_space<hbm>>) target_semaphore(%run_scoped3A : memref<!tpu.dma_semaphore, #tpu.memory_space<semaphore_mem>>)
      %dma_wait3A = arith.constant 1280 : i32
      %dma_wait3A_58 = tpu.memref_slice %arg8[%dma_wait3A] : memref<5120xi32, #tpu.memory_space<vmem>> -> memref<1280xi32, #tpu.memory_space<vmem>>
      %dma_wait3A_59 = tpu.memref_slice %arg6[%mul3A_24] : memref<491520xi32, #tpu.memory_space<hbm>> -> memref<1280xi32, #tpu.memory_space<hbm>>
      %dma_wait3A_60 = tpu.memref_slice %arg6[%mul3A_24] : memref<491520xi32, #tpu.memory_space<hbm>> -> memref<1280xi32, #tpu.memory_space<hbm>>
      %dma_wait3A_61 = arith.constant 1280 : i32
      %dma_wait3A_62 = tpu.memref_slice %arg8[%dma_wait3A_61] : memref<5120xi32, #tpu.memory_space<vmem>> -> memref<1280xi32, #tpu.memory_space<vmem>>
      tpu.wait_dma2 semaphore(%run_scoped3A : memref<!tpu.dma_semaphore, #tpu.memory_space<semaphore_mem>>) src(%dma_wait3A_62 : memref<1280xi32, #tpu.memory_space<vmem>>) dst(%dma_wait3A_60 : memref<1280xi32, #tpu.memory_space<hbm>>)
      tpu.yield
    }) : () -> ()
    %add3A_25 = arith.constant 1280 : i32
    %add3A_26 = arith.addi %mul3A_24, %add3A_25 : i32
    "tpu.region"() ({
      %run_scoped3A = tpu.sem_alloc : memref<!tpu.dma_semaphore, #tpu.memory_space<semaphore_mem>>
      %dma_start3A = arith.constant 1280 : i32
      %dma_start3A_53 = tpu.memref_slice %arg9[%dma_start3A] : memref<5120xi32, #tpu.memory_space<vmem>> -> memref<1280xi32, #tpu.memory_space<vmem>>
      %dma_start3A_54 = tpu.memref_slice %arg6[%add3A_26] : memref<491520xi32, #tpu.memory_space<hbm>> -> memref<1280xi32, #tpu.memory_space<hbm>>
      %dma_start3A_55 = tpu.memref_slice %arg6[%add3A_26] : memref<491520xi32, #tpu.memory_space<hbm>> -> memref<1280xi32, #tpu.memory_space<hbm>>
      %dma_start3A_56 = arith.constant 1280 : i32
      %dma_start3A_57 = tpu.memref_slice %arg9[%dma_start3A_56] : memref<5120xi32, #tpu.memory_space<vmem>> -> memref<1280xi32, #tpu.memory_space<vmem>>
      tpu.enqueue_dma source(%dma_start3A_57 : memref<1280xi32, #tpu.memory_space<vmem>>) target(%dma_start3A_55 : memref<1280xi32, #tpu.memory_space<hbm>>) target_semaphore(%run_scoped3A : memref<!tpu.dma_semaphore, #tpu.memory_space<semaphore_mem>>)
      %dma_wait3A = arith.constant 1280 : i32
      %dma_wait3A_58 = tpu.memref_slice %arg9[%dma_wait3A] : memref<5120xi32, #tpu.memory_space<vmem>> -> memref<1280xi32, #tpu.memory_space<vmem>>
      %dma_wait3A_59 = tpu.memref_slice %arg6[%add3A_26] : memref<491520xi32, #tpu.memory_space<hbm>> -> memref<1280xi32, #tpu.memory_space<hbm>>
      %dma_wait3A_60 = tpu.memref_slice %arg6[%add3A_26] : memref<491520xi32, #tpu.memory_space<hbm>> -> memref<1280xi32, #tpu.memory_space<hbm>>
      %dma_wait3A_61 = arith.constant 1280 : i32
      %dma_wait3A_62 = tpu.memref_slice %arg9[%dma_wait3A_61] : memref<5120xi32, #tpu.memory_space<vmem>> -> memref<1280xi32, #tpu.memory_space<vmem>>
      tpu.wait_dma2 semaphore(%run_scoped3A : memref<!tpu.dma_semaphore, #tpu.memory_space<semaphore_mem>>) src(%dma_wait3A_62 : memref<1280xi32, #tpu.memory_space<vmem>>) dst(%dma_wait3A_60 : memref<1280xi32, #tpu.memory_space<hbm>>)
      tpu.yield
    }) : () -> ()
    %add3A_27 = arith.constant 2560 : i32
    %add3A_28 = arith.addi %mul3A_24, %add3A_27 : i32
    "tpu.region"() ({
      %run_scoped3A = tpu.sem_alloc : memref<!tpu.dma_semaphore, #tpu.memory_space<semaphore_mem>>
      %dma_start3A = arith.constant 1280 : i32
      %dma_start3A_53 = tpu.memref_slice %arg11[%dma_start3A] : memref<5120xi32, #tpu.memory_space<vmem>> -> memref<1280xi32, #tpu.memory_space<vmem>>
      %dma_start3A_54 = tpu.memref_slice %arg6[%add3A_28] : memref<491520xi32, #tpu.memory_space<hbm>> -> memref<1280xi32, #tpu.memory_space<hbm>>
      %dma_start3A_55 = tpu.memref_slice %arg6[%add3A_28] : memref<491520xi32, #tpu.memory_space<hbm>> -> memref<1280xi32, #tpu.memory_space<hbm>>
      %dma_start3A_56 = arith.constant 1280 : i32
      %dma_start3A_57 = tpu.memref_slice %arg11[%dma_start3A_56] : memref<5120xi32, #tpu.memory_space<vmem>> -> memref<1280xi32, #tpu.memory_space<vmem>>
      tpu.enqueue_dma source(%dma_start3A_57 : memref<1280xi32, #tpu.memory_space<vmem>>) target(%dma_start3A_55 : memref<1280xi32, #tpu.memory_space<hbm>>) target_semaphore(%run_scoped3A : memref<!tpu.dma_semaphore, #tpu.memory_space<semaphore_mem>>)
      %dma_wait3A = arith.constant 1280 : i32
      %dma_wait3A_58 = tpu.memref_slice %arg11[%dma_wait3A] : memref<5120xi32, #tpu.memory_space<vmem>> -> memref<1280xi32, #tpu.memory_space<vmem>>
      %dma_wait3A_59 = tpu.memref_slice %arg6[%add3A_28] : memref<491520xi32, #tpu.memory_space<hbm>> -> memref<1280xi32, #tpu.memory_space<hbm>>
      %dma_wait3A_60 = tpu.memref_slice %arg6[%add3A_28] : memref<491520xi32, #tpu.memory_space<hbm>> -> memref<1280xi32, #tpu.memory_space<hbm>>
      %dma_wait3A_61 = arith.constant 1280 : i32
      %dma_wait3A_62 = tpu.memref_slice %arg11[%dma_wait3A_61] : memref<5120xi32, #tpu.memory_space<vmem>> -> memref<1280xi32, #tpu.memory_space<vmem>>
      tpu.wait_dma2 semaphore(%run_scoped3A : memref<!tpu.dma_semaphore, #tpu.memory_space<semaphore_mem>>) src(%dma_wait3A_62 : memref<1280xi32, #tpu.memory_space<vmem>>) dst(%dma_wait3A_60 : memref<1280xi32, #tpu.memory_space<hbm>>)
      tpu.yield
    }) : () -> ()
    %mul3A_29 = arith.constant 4 : i32
    %mul3A_30 = arith.muli %mul3A_29, %add3A : i32
    %add3A_31 = arith.constant 2 : i32
    %add3A_32 = arith.addi %mul3A_30, %add3A_31 : i32
    %mul3A_33 = arith.constant 3 : i32
    %mul3A_34 = arith.muli %add3A_32, %mul3A_33 : i32
    %mul3A_35 = arith.constant 1280 : i32
    %mul3A_36 = arith.muli %mul3A_34, %mul3A_35 : i32
    "tpu.region"() ({
      %run_scoped3A = tpu.sem_alloc : memref<!tpu.dma_semaphore, #tpu.memory_space<semaphore_mem>>
      %dma_start3A = arith.constant 2560 : i32
      %dma_start3A_53 = tpu.memref_slice %arg8[%dma_start3A] : memref<5120xi32, #tpu.memory_space<vmem>> -> memref<1280xi32, #tpu.memory_space<vmem>>
      %dma_start3A_54 = tpu.memref_slice %arg6[%mul3A_36] : memref<491520xi32, #tpu.memory_space<hbm>> -> memref<1280xi32, #tpu.memory_space<hbm>>
      %dma_start3A_55 = tpu.memref_slice %arg6[%mul3A_36] : memref<491520xi32, #tpu.memory_space<hbm>> -> memref<1280xi32, #tpu.memory_space<hbm>>
      %dma_start3A_56 = arith.constant 2560 : i32
      %dma_start3A_57 = tpu.memref_slice %arg8[%dma_start3A_56] : memref<5120xi32, #tpu.memory_space<vmem>> -> memref<1280xi32, #tpu.memory_space<vmem>>
      tpu.enqueue_dma source(%dma_start3A_57 : memref<1280xi32, #tpu.memory_space<vmem>>) target(%dma_start3A_55 : memref<1280xi32, #tpu.memory_space<hbm>>) target_semaphore(%run_scoped3A : memref<!tpu.dma_semaphore, #tpu.memory_space<semaphore_mem>>)
      %dma_wait3A = arith.constant 2560 : i32
      %dma_wait3A_58 = tpu.memref_slice %arg8[%dma_wait3A] : memref<5120xi32, #tpu.memory_space<vmem>> -> memref<1280xi32, #tpu.memory_space<vmem>>
      %dma_wait3A_59 = tpu.memref_slice %arg6[%mul3A_36] : memref<491520xi32, #tpu.memory_space<hbm>> -> memref<1280xi32, #tpu.memory_space<hbm>>
      %dma_wait3A_60 = tpu.memref_slice %arg6[%mul3A_36] : memref<491520xi32, #tpu.memory_space<hbm>> -> memref<1280xi32, #tpu.memory_space<hbm>>
      %dma_wait3A_61 = arith.constant 2560 : i32
      %dma_wait3A_62 = tpu.memref_slice %arg8[%dma_wait3A_61] : memref<5120xi32, #tpu.memory_space<vmem>> -> memref<1280xi32, #tpu.memory_space<vmem>>
      tpu.wait_dma2 semaphore(%run_scoped3A : memref<!tpu.dma_semaphore, #tpu.memory_space<semaphore_mem>>) src(%dma_wait3A_62 : memref<1280xi32, #tpu.memory_space<vmem>>) dst(%dma_wait3A_60 : memref<1280xi32, #tpu.memory_space<hbm>>)
      tpu.yield
    }) : () -> ()
    %add3A_37 = arith.constant 1280 : i32
    %add3A_38 = arith.addi %mul3A_36, %add3A_37 : i32
    "tpu.region"() ({
      %run_scoped3A = tpu.sem_alloc : memref<!tpu.dma_semaphore, #tpu.memory_space<semaphore_mem>>
      %dma_start3A = arith.constant 2560 : i32
      %dma_start3A_53 = tpu.memref_slice %arg9[%dma_start3A] : memref<5120xi32, #tpu.memory_space<vmem>> -> memref<1280xi32, #tpu.memory_space<vmem>>
      %dma_start3A_54 = tpu.memref_slice %arg6[%add3A_38] : memref<491520xi32, #tpu.memory_space<hbm>> -> memref<1280xi32, #tpu.memory_space<hbm>>
      %dma_start3A_55 = tpu.memref_slice %arg6[%add3A_38] : memref<491520xi32, #tpu.memory_space<hbm>> -> memref<1280xi32, #tpu.memory_space<hbm>>
      %dma_start3A_56 = arith.constant 2560 : i32
      %dma_start3A_57 = tpu.memref_slice %arg9[%dma_start3A_56] : memref<5120xi32, #tpu.memory_space<vmem>> -> memref<1280xi32, #tpu.memory_space<vmem>>
      tpu.enqueue_dma source(%dma_start3A_57 : memref<1280xi32, #tpu.memory_space<vmem>>) target(%dma_start3A_55 : memref<1280xi32, #tpu.memory_space<hbm>>) target_semaphore(%run_scoped3A : memref<!tpu.dma_semaphore, #tpu.memory_space<semaphore_mem>>)
      %dma_wait3A = arith.constant 2560 : i32
      %dma_wait3A_58 = tpu.memref_slice %arg9[%dma_wait3A] : memref<5120xi32, #tpu.memory_space<vmem>> -> memref<1280xi32, #tpu.memory_space<vmem>>
      %dma_wait3A_59 = tpu.memref_slice %arg6[%add3A_38] : memref<491520xi32, #tpu.memory_space<hbm>> -> memref<1280xi32, #tpu.memory_space<hbm>>
      %dma_wait3A_60 = tpu.memref_slice %arg6[%add3A_38] : memref<491520xi32, #tpu.memory_space<hbm>> -> memref<1280xi32, #tpu.memory_space<hbm>>
      %dma_wait3A_61 = arith.constant 2560 : i32
      %dma_wait3A_62 = tpu.memref_slice %arg9[%dma_wait3A_61] : memref<5120xi32, #tpu.memory_space<vmem>> -> memref<1280xi32, #tpu.memory_space<vmem>>
      tpu.wait_dma2 semaphore(%run_scoped3A : memref<!tpu.dma_semaphore, #tpu.memory_space<semaphore_mem>>) src(%dma_wait3A_62 : memref<1280xi32, #tpu.memory_space<vmem>>) dst(%dma_wait3A_60 : memref<1280xi32, #tpu.memory_space<hbm>>)
      tpu.yield
    }) : () -> ()
    %add3A_39 = arith.constant 2560 : i32
    %add3A_40 = arith.addi %mul3A_36, %add3A_39 : i32
    "tpu.region"() ({
      %run_scoped3A = tpu.sem_alloc : memref<!tpu.dma_semaphore, #tpu.memory_space<semaphore_mem>>
      %dma_start3A = arith.constant 2560 : i32
      %dma_start3A_53 = tpu.memref_slice %arg11[%dma_start3A] : memref<5120xi32, #tpu.memory_space<vmem>> -> memref<1280xi32, #tpu.memory_space<vmem>>
      %dma_start3A_54 = tpu.memref_slice %arg6[%add3A_40] : memref<491520xi32, #tpu.memory_space<hbm>> -> memref<1280xi32, #tpu.memory_space<hbm>>
      %dma_start3A_55 = tpu.memref_slice %arg6[%add3A_40] : memref<491520xi32, #tpu.memory_space<hbm>> -> memref<1280xi32, #tpu.memory_space<hbm>>
      %dma_start3A_56 = arith.constant 2560 : i32
      %dma_start3A_57 = tpu.memref_slice %arg11[%dma_start3A_56] : memref<5120xi32, #tpu.memory_space<vmem>> -> memref<1280xi32, #tpu.memory_space<vmem>>
      tpu.enqueue_dma source(%dma_start3A_57 : memref<1280xi32, #tpu.memory_space<vmem>>) target(%dma_start3A_55 : memref<1280xi32, #tpu.memory_space<hbm>>) target_semaphore(%run_scoped3A : memref<!tpu.dma_semaphore, #tpu.memory_space<semaphore_mem>>)
      %dma_wait3A = arith.constant 2560 : i32
      %dma_wait3A_58 = tpu.memref_slice %arg11[%dma_wait3A] : memref<5120xi32, #tpu.memory_space<vmem>> -> memref<1280xi32, #tpu.memory_space<vmem>>
      %dma_wait3A_59 = tpu.memref_slice %arg6[%add3A_40] : memref<491520xi32, #tpu.memory_space<hbm>> -> memref<1280xi32, #tpu.memory_space<hbm>>
      %dma_wait3A_60 = tpu.memref_slice %arg6[%add3A_40] : memref<491520xi32, #tpu.memory_space<hbm>> -> memref<1280xi32, #tpu.memory_space<hbm>>
      %dma_wait3A_61 = arith.constant 2560 : i32
      %dma_wait3A_62 = tpu.memref_slice %arg11[%dma_wait3A_61] : memref<5120xi32, #tpu.memory_space<vmem>> -> memref<1280xi32, #tpu.memory_space<vmem>>
      tpu.wait_dma2 semaphore(%run_scoped3A : memref<!tpu.dma_semaphore, #tpu.memory_space<semaphore_mem>>) src(%dma_wait3A_62 : memref<1280xi32, #tpu.memory_space<vmem>>) dst(%dma_wait3A_60 : memref<1280xi32, #tpu.memory_space<hbm>>)
      tpu.yield
    }) : () -> ()
    %mul3A_41 = arith.constant 4 : i32
    %mul3A_42 = arith.muli %mul3A_41, %add3A : i32
    %add3A_43 = arith.constant 3 : i32
    %add3A_44 = arith.addi %mul3A_42, %add3A_43 : i32
    %mul3A_45 = arith.constant 3 : i32
    %mul3A_46 = arith.muli %add3A_44, %mul3A_45 : i32
    %mul3A_47 = arith.constant 1280 : i32
    %mul3A_48 = arith.muli %mul3A_46, %mul3A_47 : i32
    "tpu.region"() ({
      %run_scoped3A = tpu.sem_alloc : memref<!tpu.dma_semaphore, #tpu.memory_space<semaphore_mem>>
      %dma_start3A = arith.constant 3840 : i32
      %dma_start3A_53 = tpu.memref_slice %arg8[%dma_start3A] : memref<5120xi32, #tpu.memory_space<vmem>> -> memref<1280xi32, #tpu.memory_space<vmem>>
      %dma_start3A_54 = tpu.memref_slice %arg6[%mul3A_48] : memref<491520xi32, #tpu.memory_space<hbm>> -> memref<1280xi32, #tpu.memory_space<hbm>>
      %dma_start3A_55 = tpu.memref_slice %arg6[%mul3A_48] : memref<491520xi32, #tpu.memory_space<hbm>> -> memref<1280xi32, #tpu.memory_space<hbm>>
      %dma_start3A_56 = arith.constant 3840 : i32
      %dma_start3A_57 = tpu.memref_slice %arg8[%dma_start3A_56] : memref<5120xi32, #tpu.memory_space<vmem>> -> memref<1280xi32, #tpu.memory_space<vmem>>
      tpu.enqueue_dma source(%dma_start3A_57 : memref<1280xi32, #tpu.memory_space<vmem>>) target(%dma_start3A_55 : memref<1280xi32, #tpu.memory_space<hbm>>) target_semaphore(%run_scoped3A : memref<!tpu.dma_semaphore, #tpu.memory_space<semaphore_mem>>)
      %dma_wait3A = arith.constant 3840 : i32
      %dma_wait3A_58 = tpu.memref_slice %arg8[%dma_wait3A] : memref<5120xi32, #tpu.memory_space<vmem>> -> memref<1280xi32, #tpu.memory_space<vmem>>
      %dma_wait3A_59 = tpu.memref_slice %arg6[%mul3A_48] : memref<491520xi32, #tpu.memory_space<hbm>> -> memref<1280xi32, #tpu.memory_space<hbm>>
      %dma_wait3A_60 = tpu.memref_slice %arg6[%mul3A_48] : memref<491520xi32, #tpu.memory_space<hbm>> -> memref<1280xi32, #tpu.memory_space<hbm>>
      %dma_wait3A_61 = arith.constant 3840 : i32
      %dma_wait3A_62 = tpu.memref_slice %arg8[%dma_wait3A_61] : memref<5120xi32, #tpu.memory_space<vmem>> -> memref<1280xi32, #tpu.memory_space<vmem>>
      tpu.wait_dma2 semaphore(%run_scoped3A : memref<!tpu.dma_semaphore, #tpu.memory_space<semaphore_mem>>) src(%dma_wait3A_62 : memref<1280xi32, #tpu.memory_space<vmem>>) dst(%dma_wait3A_60 : memref<1280xi32, #tpu.memory_space<hbm>>)
      tpu.yield
    }) : () -> ()
    %add3A_49 = arith.constant 1280 : i32
    %add3A_50 = arith.addi %mul3A_48, %add3A_49 : i32
    "tpu.region"() ({
      %run_scoped3A = tpu.sem_alloc : memref<!tpu.dma_semaphore, #tpu.memory_space<semaphore_mem>>
      %dma_start3A = arith.constant 3840 : i32
      %dma_start3A_53 = tpu.memref_slice %arg9[%dma_start3A] : memref<5120xi32, #tpu.memory_space<vmem>> -> memref<1280xi32, #tpu.memory_space<vmem>>
      %dma_start3A_54 = tpu.memref_slice %arg6[%add3A_50] : memref<491520xi32, #tpu.memory_space<hbm>> -> memref<1280xi32, #tpu.memory_space<hbm>>
      %dma_start3A_55 = tpu.memref_slice %arg6[%add3A_50] : memref<491520xi32, #tpu.memory_space<hbm>> -> memref<1280xi32, #tpu.memory_space<hbm>>
      %dma_start3A_56 = arith.constant 3840 : i32
      %dma_start3A_57 = tpu.memref_slice %arg9[%dma_start3A_56] : memref<5120xi32, #tpu.memory_space<vmem>> -> memref<1280xi32, #tpu.memory_space<vmem>>
      tpu.enqueue_dma source(%dma_start3A_57 : memref<1280xi32, #tpu.memory_space<vmem>>) target(%dma_start3A_55 : memref<1280xi32, #tpu.memory_space<hbm>>) target_semaphore(%run_scoped3A : memref<!tpu.dma_semaphore, #tpu.memory_space<semaphore_mem>>)
      %dma_wait3A = arith.constant 3840 : i32
      %dma_wait3A_58 = tpu.memref_slice %arg9[%dma_wait3A] : memref<5120xi32, #tpu.memory_space<vmem>> -> memref<1280xi32, #tpu.memory_space<vmem>>
      %dma_wait3A_59 = tpu.memref_slice %arg6[%add3A_50] : memref<491520xi32, #tpu.memory_space<hbm>> -> memref<1280xi32, #tpu.memory_space<hbm>>
      %dma_wait3A_60 = tpu.memref_slice %arg6[%add3A_50] : memref<491520xi32, #tpu.memory_space<hbm>> -> memref<1280xi32, #tpu.memory_space<hbm>>
      %dma_wait3A_61 = arith.constant 3840 : i32
      %dma_wait3A_62 = tpu.memref_slice %arg9[%dma_wait3A_61] : memref<5120xi32, #tpu.memory_space<vmem>> -> memref<1280xi32, #tpu.memory_space<vmem>>
      tpu.wait_dma2 semaphore(%run_scoped3A : memref<!tpu.dma_semaphore, #tpu.memory_space<semaphore_mem>>) src(%dma_wait3A_62 : memref<1280xi32, #tpu.memory_space<vmem>>) dst(%dma_wait3A_60 : memref<1280xi32, #tpu.memory_space<hbm>>)
      tpu.yield
    }) : () -> ()
    %add3A_51 = arith.constant 2560 : i32
    %add3A_52 = arith.addi %mul3A_48, %add3A_51 : i32
    "tpu.region"() ({
      %run_scoped3A = tpu.sem_alloc : memref<!tpu.dma_semaphore, #tpu.memory_space<semaphore_mem>>
      %dma_start3A = arith.constant 3840 : i32
      %dma_start3A_53 = tpu.memref_slice %arg11[%dma_start3A] : memref<5120xi32, #tpu.memory_space<vmem>> -> memref<1280xi32, #tpu.memory_space<vmem>>
      %dma_start3A_54 = tpu.memref_slice %arg6[%add3A_52] : memref<491520xi32, #tpu.memory_space<hbm>> -> memref<1280xi32, #tpu.memory_space<hbm>>
      %dma_start3A_55 = tpu.memref_slice %arg6[%add3A_52] : memref<491520xi32, #tpu.memory_space<hbm>> -> memref<1280xi32, #tpu.memory_space<hbm>>
      %dma_start3A_56 = arith.constant 3840 : i32
      %dma_start3A_57 = tpu.memref_slice %arg11[%dma_start3A_56] : memref<5120xi32, #tpu.memory_space<vmem>> -> memref<1280xi32, #tpu.memory_space<vmem>>
      tpu.enqueue_dma source(%dma_start3A_57 : memref<1280xi32, #tpu.memory_space<vmem>>) target(%dma_start3A_55 : memref<1280xi32, #tpu.memory_space<hbm>>) target_semaphore(%run_scoped3A : memref<!tpu.dma_semaphore, #tpu.memory_space<semaphore_mem>>)
      %dma_wait3A = arith.constant 3840 : i32
      %dma_wait3A_58 = tpu.memref_slice %arg11[%dma_wait3A] : memref<5120xi32, #tpu.memory_space<vmem>> -> memref<1280xi32, #tpu.memory_space<vmem>>
      %dma_wait3A_59 = tpu.memref_slice %arg6[%add3A_52] : memref<491520xi32, #tpu.memory_space<hbm>> -> memref<1280xi32, #tpu.memory_space<hbm>>
      %dma_wait3A_60 = tpu.memref_slice %arg6[%add3A_52] : memref<491520xi32, #tpu.memory_space<hbm>> -> memref<1280xi32, #tpu.memory_space<hbm>>
      %dma_wait3A_61 = arith.constant 3840 : i32
      %dma_wait3A_62 = tpu.memref_slice %arg11[%dma_wait3A_61] : memref<5120xi32, #tpu.memory_space<vmem>> -> memref<1280xi32, #tpu.memory_space<vmem>>
      tpu.wait_dma2 semaphore(%run_scoped3A : memref<!tpu.dma_semaphore, #tpu.memory_space<semaphore_mem>>) src(%dma_wait3A_62 : memref<1280xi32, #tpu.memory_space<vmem>>) dst(%dma_wait3A_60 : memref<1280xi32, #tpu.memory_space<hbm>>)
      tpu.yield
    }) : () -> ()
    return
  }
}

#map = affine_map<(d0, d1) -> (0)>
module attributes {stable_mosaic.version = 14 : i64} {
  func.func @_feat_scatter_kernel(%arg0: i32, %arg1: i32, %arg2: memref<1280000xi32, #tpu.memory_space<hbm>>, %arg3: memref<491520xi32, #tpu.memory_space<hbm>>, %arg4: memref<2560000xf32, #tpu.memory_space<hbm>>, %arg5: memref<10000xi32, #tpu.memory_space<vmem>>, %arg6: memref<10000xi32, #tpu.memory_space<vmem>>, %arg7: memref<10000xi32, #tpu.memory_space<vmem>>, %arg8: memref<10000xi32, #tpu.memory_space<vmem>>, %arg9: memref<10000xf32, #tpu.memory_space<vmem>>, %arg10: memref<10000xf32, #tpu.memory_space<vmem>>, %arg11: memref<10000xf32, #tpu.memory_space<vmem>>, %arg12: memref<10000xf32, #tpu.memory_space<vmem>>, %arg13: memref<10000xf32, #tpu.memory_space<vmem>>, %arg14: memref<10000xf32, #tpu.memory_space<vmem>>, %arg15: memref<10000xf32, #tpu.memory_space<vmem>>, %arg16: memref<10000xf32, #tpu.memory_space<vmem>>, %arg17: memref<3840xi32, #tpu.memory_space<vmem>>, %arg18: memref<3840xi32, #tpu.memory_space<vmem>>, %arg19: memref<!tpu.dma_semaphore, #tpu.memory_space<semaphore_mem>>, %arg20: memref<!tpu.dma_semaphore, #tpu.memory_space<semaphore_mem>>) attributes {dimension_semantics = [#tpu.dimension_semantics<core_parallel>, #tpu.dimension_semantics<subcore_parallel>], iteration_bounds = array<i64: 2, 16>, scalar_prefetch = 0 : i64, scratch_operands = 16 : i64, tpu.core_type = #tpu.core_type<sc_vector_subcore>, window_params = [{transform_indices = #map}, {transform_indices = #map}, {transform_indices = #map}]} {
    %mul3A = arith.constant 2 : i32
    %mul3A_0 = arith.muli %arg1, %mul3A : i32
    %add3A = arith.addi %mul3A_0, %arg0 : i32
    %mul3A_1 = arith.constant 4 : i32
    %mul3A_2 = arith.muli %add3A, %mul3A_1 : i32
    %add3A_3 = arith.constant 0 : i32
    %add3A_4 = arith.addi %mul3A_2, %add3A_3 : i32
    %mul3A_5 = arith.constant 10000 : i32
    %mul3A_6 = arith.muli %add3A_4, %mul3A_5 : i32
    "tpu.region"() ({
      %run_scoped3A = tpu.sem_alloc : memref<!tpu.dma_semaphore, #tpu.memory_space<semaphore_mem>>
      %dma_start3A_105 = tpu.memref_slice %arg2[%mul3A_6] : memref<1280000xi32, #tpu.memory_space<hbm>> -> memref<10000xi32, #tpu.memory_space<hbm>>
      %dma_start3A_106 = tpu.memref_slice %arg2[%mul3A_6] : memref<1280000xi32, #tpu.memory_space<hbm>> -> memref<10000xi32, #tpu.memory_space<hbm>>
      tpu.enqueue_dma source(%dma_start3A_106 : memref<10000xi32, #tpu.memory_space<hbm>>) target(%arg5 : memref<10000xi32, #tpu.memory_space<vmem>>) target_semaphore(%run_scoped3A : memref<!tpu.dma_semaphore, #tpu.memory_space<semaphore_mem>>)
      %dma_wait3A = tpu.memref_slice %arg2[%mul3A_6] : memref<1280000xi32, #tpu.memory_space<hbm>> -> memref<10000xi32, #tpu.memory_space<hbm>>
      %dma_wait3A_107 = tpu.memref_slice %arg2[%mul3A_6] : memref<1280000xi32, #tpu.memory_space<hbm>> -> memref<10000xi32, #tpu.memory_space<hbm>>
      tpu.wait_dma2 semaphore(%run_scoped3A : memref<!tpu.dma_semaphore, #tpu.memory_space<semaphore_mem>>) src(%dma_wait3A_107 : memref<10000xi32, #tpu.memory_space<hbm>>) dst(%arg5 : memref<10000xi32, #tpu.memory_space<vmem>>)
      tpu.yield
    }) : () -> ()
    %broadcast_in_dim3A = arith.constant 0.000000e+00 : f32
    %broadcast_in_dim3A_7 = vector.broadcast %broadcast_in_dim3A : f32 to vector<16xf32>
    %parallel_loop3A = arith.constant 0 : i32
    %parallel_loop3A_8 = arith.constant 625 : i32
    %parallel_loop3A_9 = arith.constant 1 : i32
    scf.for %parallel_loop3A_105 = %parallel_loop3A to %parallel_loop3A_8 step %parallel_loop3A_9  : i32 {
      %parallel_loop3A_106 = arith.constant 16 : i32
      %parallel_loop3A_107 = arith.muli %parallel_loop3A_105, %parallel_loop3A_106 : i32
      %parallel_loop3A_108 = arith.index_cast %parallel_loop3A_107 : i32 to index
      %parallel_loop3A_109 = tpu.vector_load %arg9[%parallel_loop3A_108] {strides = array<i32>} : memref<10000xf32, #tpu.memory_space<vmem>>, vector<16xf32>,
      tpu.vector_store %arg9[%parallel_loop3A_108], %broadcast_in_dim3A_7 {strides = array<i32>} : memref<10000xf32, #tpu.memory_space<vmem>>, vector<16xf32>,
    } {sc.loop_unroll_factor = 5 : i64, sc.parallel_access}
    %broadcast_in_dim3A_10 = arith.constant 0.000000e+00 : f32
    %broadcast_in_dim3A_11 = vector.broadcast %broadcast_in_dim3A_10 : f32 to vector<16xf32>
    %parallel_loop3A_12 = arith.constant 0 : i32
    %parallel_loop3A_13 = arith.constant 625 : i32
    %parallel_loop3A_14 = arith.constant 1 : i32
    scf.for %parallel_loop3A_105 = %parallel_loop3A_12 to %parallel_loop3A_13 step %parallel_loop3A_14  : i32 {
      %parallel_loop3A_106 = arith.constant 16 : i32
      %parallel_loop3A_107 = arith.muli %parallel_loop3A_105, %parallel_loop3A_106 : i32
      %parallel_loop3A_108 = arith.index_cast %parallel_loop3A_107 : i32 to index
      %parallel_loop3A_109 = tpu.vector_load %arg10[%parallel_loop3A_108] {strides = array<i32>} : memref<10000xf32, #tpu.memory_space<vmem>>, vector<16xf32>,
      tpu.vector_store %arg10[%parallel_loop3A_108], %broadcast_in_dim3A_11 {strides = array<i32>} : memref<10000xf32, #tpu.memory_space<vmem>>, vector<16xf32>,
    } {sc.loop_unroll_factor = 5 : i64, sc.parallel_access}
    %add3A_15 = arith.constant 1 : i32
    %add3A_16 = arith.addi %mul3A_2, %add3A_15 : i32
    %mul3A_17 = arith.constant 10000 : i32
    %mul3A_18 = arith.muli %add3A_16, %mul3A_17 : i32
    "tpu.region"() ({
      %run_scoped3A = tpu.sem_alloc : memref<!tpu.dma_semaphore, #tpu.memory_space<semaphore_mem>>
      %dma_start3A_105 = tpu.memref_slice %arg2[%mul3A_18] : memref<1280000xi32, #tpu.memory_space<hbm>> -> memref<10000xi32, #tpu.memory_space<hbm>>
      %dma_start3A_106 = tpu.memref_slice %arg2[%mul3A_18] : memref<1280000xi32, #tpu.memory_space<hbm>> -> memref<10000xi32, #tpu.memory_space<hbm>>
      tpu.enqueue_dma source(%dma_start3A_106 : memref<10000xi32, #tpu.memory_space<hbm>>) target(%arg6 : memref<10000xi32, #tpu.memory_space<vmem>>) target_semaphore(%run_scoped3A : memref<!tpu.dma_semaphore, #tpu.memory_space<semaphore_mem>>)
      %dma_wait3A = tpu.memref_slice %arg2[%mul3A_18] : memref<1280000xi32, #tpu.memory_space<hbm>> -> memref<10000xi32, #tpu.memory_space<hbm>>
      %dma_wait3A_107 = tpu.memref_slice %arg2[%mul3A_18] : memref<1280000xi32, #tpu.memory_space<hbm>> -> memref<10000xi32, #tpu.memory_space<hbm>>
      tpu.wait_dma2 semaphore(%run_scoped3A : memref<!tpu.dma_semaphore, #tpu.memory_space<semaphore_mem>>) src(%dma_wait3A_107 : memref<10000xi32, #tpu.memory_space<hbm>>) dst(%arg6 : memref<10000xi32, #tpu.memory_space<vmem>>)
      tpu.yield
    }) : () -> ()
    %broadcast_in_dim3A_19 = arith.constant 0.000000e+00 : f32
    %broadcast_in_dim3A_20 = vector.broadcast %broadcast_in_dim3A_19 : f32 to vector<16xf32>
    %parallel_loop3A_21 = arith.constant 0 : i32
    %parallel_loop3A_22 = arith.constant 625 : i32
    %parallel_loop3A_23 = arith.constant 1 : i32
    scf.for %parallel_loop3A_105 = %parallel_loop3A_21 to %parallel_loop3A_22 step %parallel_loop3A_23  : i32 {
      %parallel_loop3A_106 = arith.constant 16 : i32
      %parallel_loop3A_107 = arith.muli %parallel_loop3A_105, %parallel_loop3A_106 : i32
      %parallel_loop3A_108 = arith.index_cast %parallel_loop3A_107 : i32 to index
      %parallel_loop3A_109 = tpu.vector_load %arg11[%parallel_loop3A_108] {strides = array<i32>} : memref<10000xf32, #tpu.memory_space<vmem>>, vector<16xf32>,
      tpu.vector_store %arg11[%parallel_loop3A_108], %broadcast_in_dim3A_20 {strides = array<i32>} : memref<10000xf32, #tpu.memory_space<vmem>>, vector<16xf32>,
    } {sc.loop_unroll_factor = 5 : i64, sc.parallel_access}
    %broadcast_in_dim3A_24 = arith.constant 0.000000e+00 : f32
    %broadcast_in_dim3A_25 = vector.broadcast %broadcast_in_dim3A_24 : f32 to vector<16xf32>
    %parallel_loop3A_26 = arith.constant 0 : i32
    %parallel_loop3A_27 = arith.constant 625 : i32
    %parallel_loop3A_28 = arith.constant 1 : i32
    scf.for %parallel_loop3A_105 = %parallel_loop3A_26 to %parallel_loop3A_27 step %parallel_loop3A_28  : i32 {
      %parallel_loop3A_106 = arith.constant 16 : i32
      %parallel_loop3A_107 = arith.muli %parallel_loop3A_105, %parallel_loop3A_106 : i32
      %parallel_loop3A_108 = arith.index_cast %parallel_loop3A_107 : i32 to index
      %parallel_loop3A_109 = tpu.vector_load %arg12[%parallel_loop3A_108] {strides = array<i32>} : memref<10000xf32, #tpu.memory_space<vmem>>, vector<16xf32>,
      tpu.vector_store %arg12[%parallel_loop3A_108], %broadcast_in_dim3A_25 {strides = array<i32>} : memref<10000xf32, #tpu.memory_space<vmem>>, vector<16xf32>,
    } {sc.loop_unroll_factor = 5 : i64, sc.parallel_access}
    %add3A_29 = arith.constant 2 : i32
    %add3A_30 = arith.addi %mul3A_2, %add3A_29 : i32
    %mul3A_31 = arith.constant 10000 : i32
    %mul3A_32 = arith.muli %add3A_30, %mul3A_31 : i32
    "tpu.region"() ({
      %run_scoped3A = tpu.sem_alloc : memref<!tpu.dma_semaphore, #tpu.memory_space<semaphore_mem>>
      %dma_start3A_105 = tpu.memref_slice %arg2[%mul3A_32] : memref<1280000xi32, #tpu.memory_space<hbm>> -> memref<10000xi32, #tpu.memory_space<hbm>>
      %dma_start3A_106 = tpu.memref_slice %arg2[%mul3A_32] : memref<1280000xi32, #tpu.memory_space<hbm>> -> memref<10000xi32, #tpu.memory_space<hbm>>
      tpu.enqueue_dma source(%dma_start3A_106 : memref<10000xi32, #tpu.memory_space<hbm>>) target(%arg7 : memref<10000xi32, #tpu.memory_space<vmem>>) target_semaphore(%run_scoped3A : memref<!tpu.dma_semaphore, #tpu.memory_space<semaphore_mem>>)
      %dma_wait3A = tpu.memref_slice %arg2[%mul3A_32] : memref<1280000xi32, #tpu.memory_space<hbm>> -> memref<10000xi32, #tpu.memory_space<hbm>>
      %dma_wait3A_107 = tpu.memref_slice %arg2[%mul3A_32] : memref<1280000xi32, #tpu.memory_space<hbm>> -> memref<10000xi32, #tpu.memory_space<hbm>>
      tpu.wait_dma2 semaphore(%run_scoped3A : memref<!tpu.dma_semaphore, #tpu.memory_space<semaphore_mem>>) src(%dma_wait3A_107 : memref<10000xi32, #tpu.memory_space<hbm>>) dst(%arg7 : memref<10000xi32, #tpu.memory_space<vmem>>)
      tpu.yield
    }) : () -> ()
    %broadcast_in_dim3A_33 = arith.constant 0.000000e+00 : f32
    %broadcast_in_dim3A_34 = vector.broadcast %broadcast_in_dim3A_33 : f32 to vector<16xf32>
    %parallel_loop3A_35 = arith.constant 0 : i32
    %parallel_loop3A_36 = arith.constant 625 : i32
    %parallel_loop3A_37 = arith.constant 1 : i32
    scf.for %parallel_loop3A_105 = %parallel_loop3A_35 to %parallel_loop3A_36 step %parallel_loop3A_37  : i32 {
      %parallel_loop3A_106 = arith.constant 16 : i32
      %parallel_loop3A_107 = arith.muli %parallel_loop3A_105, %parallel_loop3A_106 : i32
      %parallel_loop3A_108 = arith.index_cast %parallel_loop3A_107 : i32 to index
      %parallel_loop3A_109 = tpu.vector_load %arg13[%parallel_loop3A_108] {strides = array<i32>} : memref<10000xf32, #tpu.memory_space<vmem>>, vector<16xf32>,
      tpu.vector_store %arg13[%parallel_loop3A_108], %broadcast_in_dim3A_34 {strides = array<i32>} : memref<10000xf32, #tpu.memory_space<vmem>>, vector<16xf32>,
    } {sc.loop_unroll_factor = 5 : i64, sc.parallel_access}
    %broadcast_in_dim3A_38 = arith.constant 0.000000e+00 : f32
    %broadcast_in_dim3A_39 = vector.broadcast %broadcast_in_dim3A_38 : f32 to vector<16xf32>
    %parallel_loop3A_40 = arith.constant 0 : i32
    %parallel_loop3A_41 = arith.constant 625 : i32
    %parallel_loop3A_42 = arith.constant 1 : i32
    scf.for %parallel_loop3A_105 = %parallel_loop3A_40 to %parallel_loop3A_41 step %parallel_loop3A_42  : i32 {
      %parallel_loop3A_106 = arith.constant 16 : i32
      %parallel_loop3A_107 = arith.muli %parallel_loop3A_105, %parallel_loop3A_106 : i32
      %parallel_loop3A_108 = arith.index_cast %parallel_loop3A_107 : i32 to index
      %parallel_loop3A_109 = tpu.vector_load %arg14[%parallel_loop3A_108] {strides = array<i32>} : memref<10000xf32, #tpu.memory_space<vmem>>, vector<16xf32>,
      tpu.vector_store %arg14[%parallel_loop3A_108], %broadcast_in_dim3A_39 {strides = array<i32>} : memref<10000xf32, #tpu.memory_space<vmem>>, vector<16xf32>,
    } {sc.loop_unroll_factor = 5 : i64, sc.parallel_access}
    %add3A_43 = arith.constant 3 : i32
    %add3A_44 = arith.addi %mul3A_2, %add3A_43 : i32
    %mul3A_45 = arith.constant 10000 : i32
    %mul3A_46 = arith.muli %add3A_44, %mul3A_45 : i32
    "tpu.region"() ({
      %run_scoped3A = tpu.sem_alloc : memref<!tpu.dma_semaphore, #tpu.memory_space<semaphore_mem>>
      %dma_start3A_105 = tpu.memref_slice %arg2[%mul3A_46] : memref<1280000xi32, #tpu.memory_space<hbm>> -> memref<10000xi32, #tpu.memory_space<hbm>>
      %dma_start3A_106 = tpu.memref_slice %arg2[%mul3A_46] : memref<1280000xi32, #tpu.memory_space<hbm>> -> memref<10000xi32, #tpu.memory_space<hbm>>
      tpu.enqueue_dma source(%dma_start3A_106 : memref<10000xi32, #tpu.memory_space<hbm>>) target(%arg8 : memref<10000xi32, #tpu.memory_space<vmem>>) target_semaphore(%run_scoped3A : memref<!tpu.dma_semaphore, #tpu.memory_space<semaphore_mem>>)
      %dma_wait3A = tpu.memref_slice %arg2[%mul3A_46] : memref<1280000xi32, #tpu.memory_space<hbm>> -> memref<10000xi32, #tpu.memory_space<hbm>>
      %dma_wait3A_107 = tpu.memref_slice %arg2[%mul3A_46] : memref<1280000xi32, #tpu.memory_space<hbm>> -> memref<10000xi32, #tpu.memory_space<hbm>>
      tpu.wait_dma2 semaphore(%run_scoped3A : memref<!tpu.dma_semaphore, #tpu.memory_space<semaphore_mem>>) src(%dma_wait3A_107 : memref<10000xi32, #tpu.memory_space<hbm>>) dst(%arg8 : memref<10000xi32, #tpu.memory_space<vmem>>)
      tpu.yield
    }) : () -> ()
    %broadcast_in_dim3A_47 = arith.constant 0.000000e+00 : f32
    %broadcast_in_dim3A_48 = vector.broadcast %broadcast_in_dim3A_47 : f32 to vector<16xf32>
    %parallel_loop3A_49 = arith.constant 0 : i32
    %parallel_loop3A_50 = arith.constant 625 : i32
    %parallel_loop3A_51 = arith.constant 1 : i32
    scf.for %parallel_loop3A_105 = %parallel_loop3A_49 to %parallel_loop3A_50 step %parallel_loop3A_51  : i32 {
      %parallel_loop3A_106 = arith.constant 16 : i32
      %parallel_loop3A_107 = arith.muli %parallel_loop3A_105, %parallel_loop3A_106 : i32
      %parallel_loop3A_108 = arith.index_cast %parallel_loop3A_107 : i32 to index
      %parallel_loop3A_109 = tpu.vector_load %arg15[%parallel_loop3A_108] {strides = array<i32>} : memref<10000xf32, #tpu.memory_space<vmem>>, vector<16xf32>,
      tpu.vector_store %arg15[%parallel_loop3A_108], %broadcast_in_dim3A_48 {strides = array<i32>} : memref<10000xf32, #tpu.memory_space<vmem>>, vector<16xf32>,
    } {sc.loop_unroll_factor = 5 : i64, sc.parallel_access}
    %broadcast_in_dim3A_52 = arith.constant 0.000000e+00 : f32
    %broadcast_in_dim3A_53 = vector.broadcast %broadcast_in_dim3A_52 : f32 to vector<16xf32>
    %parallel_loop3A_54 = arith.constant 0 : i32
    %parallel_loop3A_55 = arith.constant 625 : i32
    %parallel_loop3A_56 = arith.constant 1 : i32
    scf.for %parallel_loop3A_105 = %parallel_loop3A_54 to %parallel_loop3A_55 step %parallel_loop3A_56  : i32 {
      %parallel_loop3A_106 = arith.constant 16 : i32
      %parallel_loop3A_107 = arith.muli %parallel_loop3A_105, %parallel_loop3A_106 : i32
      %parallel_loop3A_108 = arith.index_cast %parallel_loop3A_107 : i32 to index
      %parallel_loop3A_109 = tpu.vector_load %arg16[%parallel_loop3A_108] {strides = array<i32>} : memref<10000xf32, #tpu.memory_space<vmem>>, vector<16xf32>,
      tpu.vector_store %arg16[%parallel_loop3A_108], %broadcast_in_dim3A_53 {strides = array<i32>} : memref<10000xf32, #tpu.memory_space<vmem>>, vector<16xf32>,
    } {sc.loop_unroll_factor = 5 : i64, sc.parallel_access}
    %dma_start3A = arith.constant 0 : i32
    %dma_start3A_57 = tpu.memref_slice %arg3[%dma_start3A] : memref<491520xi32, #tpu.memory_space<hbm>> -> memref<3840xi32, #tpu.memory_space<hbm>>
    %dma_start3A_58 = arith.constant 0 : i32
    %dma_start3A_59 = tpu.memref_slice %arg3[%dma_start3A_58] : memref<491520xi32, #tpu.memory_space<hbm>> -> memref<3840xi32, #tpu.memory_space<hbm>>
    tpu.enqueue_dma source(%dma_start3A_59 : memref<3840xi32, #tpu.memory_space<hbm>>) target(%arg17 : memref<3840xi32, #tpu.memory_space<vmem>>) target_semaphore(%arg19 : memref<!tpu.dma_semaphore, #tpu.memory_space<semaphore_mem>>)
    %scan3A = arith.constant 0 : i32
    %scan3A_60 = arith.constant 0 : i32
    %scan3A_61 = arith.constant 64 : i32
    %scan3A_62 = arith.addi %scan3A_60, %scan3A_61 : i32
    %scan3A_63 = arith.constant 1 : i32
    scf.for %scan3A_105 = %scan3A_60 to %scan3A_62 step %scan3A_63  : i32 {
      %mul3A_106 = arith.constant 2 : i32
      %mul3A_107 = arith.muli %scan3A_105, %mul3A_106 : i32
      %add3A_108 = arith.constant 0 : i32
      %add3A_109 = arith.addi %mul3A_107, %add3A_108 : i32
      %add3A_110 = arith.constant 1 : i32
      %add3A_111 = arith.addi %add3A_109, %add3A_110 : i32
      %lt3A = arith.constant 128 : i32
      %lt3A_112 = arith.cmpi slt, %add3A_111, %lt3A : i32
      %convert_element_type3A = arith.extui %lt3A_112 : i1 to i32
      %cond3A = arith.constant 0 : i32
      %cond3A_113 = arith.cmpi ne, %convert_element_type3A, %cond3A : i32
      scf.if %cond3A_113 {
        %add3A_142 = arith.constant 1 : i32
        %add3A_143 = arith.addi %add3A_109, %add3A_142 : i32
        %mul3A_144 = arith.constant 3 : i32
        %mul3A_145 = arith.muli %add3A_143, %mul3A_144 : i32
        %mul3A_146 = arith.constant 1280 : i32
        %mul3A_147 = arith.muli %mul3A_145, %mul3A_146 : i32
        %dma_start3A_148 = tpu.memref_slice %arg3[%mul3A_147] : memref<491520xi32, #tpu.memory_space<hbm>> -> memref<3840xi32, #tpu.memory_space<hbm>>
        %dma_start3A_149 = tpu.memref_slice %arg3[%mul3A_147] : memref<491520xi32, #tpu.memory_space<hbm>> -> memref<3840xi32, #tpu.memory_space<hbm>>
        tpu.enqueue_dma source(%dma_start3A_149 : memref<3840xi32, #tpu.memory_space<hbm>>) target(%arg18 : memref<3840xi32, #tpu.memory_space<vmem>>) target_semaphore(%arg20 : memref<!tpu.dma_semaphore, #tpu.memory_space<semaphore_mem>>)
      } else {
      }
      %mul3A_114 = arith.constant 3 : i32
      %mul3A_115 = arith.muli %add3A_109, %mul3A_114 : i32
      %mul3A_116 = arith.constant 1280 : i32
      %mul3A_117 = arith.muli %mul3A_115, %mul3A_116 : i32
      %dma_wait3A = tpu.memref_slice %arg3[%mul3A_117] : memref<491520xi32, #tpu.memory_space<hbm>> -> memref<3840xi32, #tpu.memory_space<hbm>>
      %dma_wait3A_118 = tpu.memref_slice %arg3[%mul3A_117] : memref<491520xi32, #tpu.memory_space<hbm>> -> memref<3840xi32, #tpu.memory_space<hbm>>
      tpu.wait_dma2 semaphore(%arg19 : memref<!tpu.dma_semaphore, #tpu.memory_space<semaphore_mem>>) src(%dma_wait3A_118 : memref<3840xi32, #tpu.memory_space<hbm>>) dst(%arg17 : memref<3840xi32, #tpu.memory_space<vmem>>)
      %parallel_loop3A_119 = arith.constant 0 : i32
      %parallel_loop3A_120 = arith.constant 80 : i32
      %parallel_loop3A_121 = arith.constant 1 : i32
      scf.for %parallel_loop3A_142 = %parallel_loop3A_119 to %parallel_loop3A_120 step %parallel_loop3A_121  : i32 {
        %parallel_loop3A_143 = arith.constant 16 : i32
        %parallel_loop3A_144 = arith.muli %parallel_loop3A_142, %parallel_loop3A_143 : i32
        %parallel_loop3A_145 = arith.index_cast %parallel_loop3A_144 : i32 to index
        %parallel_loop3A_146 = tpu.vector_load %arg17[%parallel_loop3A_145] {strides = array<i32>} : memref<3840xi32, #tpu.memory_space<vmem>>, vector<16xi32>,
        %parallel_loop3A_147 = arith.constant 16 : i32
        %parallel_loop3A_148 = arith.muli %parallel_loop3A_142, %parallel_loop3A_147 : i32
        %parallel_loop3A_149 = arith.constant 1280 : i32
        %parallel_loop3A_150 = arith.addi %parallel_loop3A_149, %parallel_loop3A_148 : i32
        %parallel_loop3A_151 = arith.index_cast %parallel_loop3A_150 : i32 to index
        %parallel_loop3A_152 = tpu.vector_load %arg17[%parallel_loop3A_151] {strides = array<i32>} : memref<3840xi32, #tpu.memory_space<vmem>>, vector<16xi32>,
        %parallel_loop3A_153 = arith.constant 16 : i32
        %parallel_loop3A_154 = arith.muli %parallel_loop3A_142, %parallel_loop3A_153 : i32
        %parallel_loop3A_155 = arith.constant 2560 : i32
        %parallel_loop3A_156 = arith.addi %parallel_loop3A_155, %parallel_loop3A_154 : i32
        %parallel_loop3A_157 = arith.index_cast %parallel_loop3A_156 : i32 to index
        %parallel_loop3A_158 = tpu.vector_load %arg17[%parallel_loop3A_157] {strides = array<i32>} : memref<3840xi32, #tpu.memory_space<vmem>>, vector<16xi32>,
        %parallel_loop3A_159 = vector.bitcast %parallel_loop3A_158 : vector<16xi32> to vector<16xf32>
        %parallel_loop3A_160 = tpu.vector_load_idx %arg5[%parallel_loop3A_146] : memref<10000xi32, #tpu.memory_space<vmem>>[vector<16xi32>], vector<16xi32>,
        %parallel_loop3A_161 = vector.bitcast %parallel_loop3A_160 : vector<16xi32> to vector<32xbf16>
        %parallel_loop3A_162 = tpu.unpack_subelements %parallel_loop3A_161, 0 {pack_format = #tpu.pack_format<interleaved>} : vector<32xbf16> -> vector<16xf32>
        %parallel_loop3A_163 = tpu.unpack_subelements %parallel_loop3A_161, 1 {pack_format = #tpu.pack_format<interleaved>} : vector<32xbf16> -> vector<16xf32>
        %parallel_loop3A_164 = arith.mulf %parallel_loop3A_162, %parallel_loop3A_159 : vector<16xf32>
        tpu.vector_store_idx %arg9[%parallel_loop3A_152], %parallel_loop3A_164 {add = true} : memref<10000xf32, #tpu.memory_space<vmem>>[vector<16xi32>], vector<16xf32>,
        %parallel_loop3A_165 = arith.mulf %parallel_loop3A_163, %parallel_loop3A_159 : vector<16xf32>
        tpu.vector_store_idx %arg10[%parallel_loop3A_152], %parallel_loop3A_165 {add = true} : memref<10000xf32, #tpu.memory_space<vmem>>[vector<16xi32>], vector<16xf32>,
        %parallel_loop3A_166 = tpu.vector_load_idx %arg6[%parallel_loop3A_146] : memref<10000xi32, #tpu.memory_space<vmem>>[vector<16xi32>], vector<16xi32>,
        %parallel_loop3A_167 = vector.bitcast %parallel_loop3A_166 : vector<16xi32> to vector<32xbf16>
        %parallel_loop3A_168 = tpu.unpack_subelements %parallel_loop3A_167, 0 {pack_format = #tpu.pack_format<interleaved>} : vector<32xbf16> -> vector<16xf32>
        %parallel_loop3A_169 = tpu.unpack_subelements %parallel_loop3A_167, 1 {pack_format = #tpu.pack_format<interleaved>} : vector<32xbf16> -> vector<16xf32>
        %parallel_loop3A_170 = arith.mulf %parallel_loop3A_168, %parallel_loop3A_159 : vector<16xf32>
        tpu.vector_store_idx %arg11[%parallel_loop3A_152], %parallel_loop3A_170 {add = true} : memref<10000xf32, #tpu.memory_space<vmem>>[vector<16xi32>], vector<16xf32>,
        %parallel_loop3A_171 = arith.mulf %parallel_loop3A_169, %parallel_loop3A_159 : vector<16xf32>
        tpu.vector_store_idx %arg12[%parallel_loop3A_152], %parallel_loop3A_171 {add = true} : memref<10000xf32, #tpu.memory_space<vmem>>[vector<16xi32>], vector<16xf32>,
        %parallel_loop3A_172 = tpu.vector_load_idx %arg7[%parallel_loop3A_146] : memref<10000xi32, #tpu.memory_space<vmem>>[vector<16xi32>], vector<16xi32>,
        %parallel_loop3A_173 = vector.bitcast %parallel_loop3A_172 : vector<16xi32> to vector<32xbf16>
        %parallel_loop3A_174 = tpu.unpack_subelements %parallel_loop3A_173, 0 {pack_format = #tpu.pack_format<interleaved>} : vector<32xbf16> -> vector<16xf32>
        %parallel_loop3A_175 = tpu.unpack_subelements %parallel_loop3A_173, 1 {pack_format = #tpu.pack_format<interleaved>} : vector<32xbf16> -> vector<16xf32>
        %parallel_loop3A_176 = arith.mulf %parallel_loop3A_174, %parallel_loop3A_159 : vector<16xf32>
        tpu.vector_store_idx %arg13[%parallel_loop3A_152], %parallel_loop3A_176 {add = true} : memref<10000xf32, #tpu.memory_space<vmem>>[vector<16xi32>], vector<16xf32>,
        %parallel_loop3A_177 = arith.mulf %parallel_loop3A_175, %parallel_loop3A_159 : vector<16xf32>
        tpu.vector_store_idx %arg14[%parallel_loop3A_152], %parallel_loop3A_177 {add = true} : memref<10000xf32, #tpu.memory_space<vmem>>[vector<16xi32>], vector<16xf32>,
        %parallel_loop3A_178 = tpu.vector_load_idx %arg8[%parallel_loop3A_146] : memref<10000xi32, #tpu.memory_space<vmem>>[vector<16xi32>], vector<16xi32>,
        %parallel_loop3A_179 = vector.bitcast %parallel_loop3A_178 : vector<16xi32> to vector<32xbf16>
        %parallel_loop3A_180 = tpu.unpack_subelements %parallel_loop3A_179, 0 {pack_format = #tpu.pack_format<interleaved>} : vector<32xbf16> -> vector<16xf32>
        %parallel_loop3A_181 = tpu.unpack_subelements %parallel_loop3A_179, 1 {pack_format = #tpu.pack_format<interleaved>} : vector<32xbf16> -> vector<16xf32>
        %parallel_loop3A_182 = arith.mulf %parallel_loop3A_180, %parallel_loop3A_159 : vector<16xf32>
        tpu.vector_store_idx %arg15[%parallel_loop3A_152], %parallel_loop3A_182 {add = true} : memref<10000xf32, #tpu.memory_space<vmem>>[vector<16xi32>], vector<16xf32>,
        %parallel_loop3A_183 = arith.mulf %parallel_loop3A_181, %parallel_loop3A_159 : vector<16xf32>
        tpu.vector_store_idx %arg16[%parallel_loop3A_152], %parallel_loop3A_183 {add = true} : memref<10000xf32, #tpu.memory_space<vmem>>[vector<16xi32>], vector<16xf32>,
      } {sc.loop_unroll_factor = 16 : i64, sc.parallel_access}
      %mul3A_122 = arith.constant 2 : i32
      %mul3A_123 = arith.muli %scan3A_105, %mul3A_122 : i32
      %add3A_124 = arith.constant 1 : i32
      %add3A_125 = arith.addi %mul3A_123, %add3A_124 : i32
      %add3A_126 = arith.constant 1 : i32
      %add3A_127 = arith.addi %add3A_125, %add3A_126 : i32
      %lt3A_128 = arith.constant 128 : i32
      %lt3A_129 = arith.cmpi slt, %add3A_127, %lt3A_128 : i32
      %convert_element_type3A_130 = arith.extui %lt3A_129 : i1 to i32
      %cond3A_131 = arith.constant 0 : i32
      %cond3A_132 = arith.cmpi ne, %convert_element_type3A_130, %cond3A_131 : i32
      scf.if %cond3A_132 {
        %add3A_142 = arith.constant 1 : i32
        %add3A_143 = arith.addi %add3A_125, %add3A_142 : i32
        %mul3A_144 = arith.constant 3 : i32
        %mul3A_145 = arith.muli %add3A_143, %mul3A_144 : i32
        %mul3A_146 = arith.constant 1280 : i32
        %mul3A_147 = arith.muli %mul3A_145, %mul3A_146 : i32
        %dma_start3A_148 = tpu.memref_slice %arg3[%mul3A_147] : memref<491520xi32, #tpu.memory_space<hbm>> -> memref<3840xi32, #tpu.memory_space<hbm>>
        %dma_start3A_149 = tpu.memref_slice %arg3[%mul3A_147] : memref<491520xi32, #tpu.memory_space<hbm>> -> memref<3840xi32, #tpu.memory_space<hbm>>
        tpu.enqueue_dma source(%dma_start3A_149 : memref<3840xi32, #tpu.memory_space<hbm>>) target(%arg17 : memref<3840xi32, #tpu.memory_space<vmem>>) target_semaphore(%arg19 : memref<!tpu.dma_semaphore, #tpu.memory_space<semaphore_mem>>)
      } else {
      }
      %mul3A_133 = arith.constant 3 : i32
      %mul3A_134 = arith.muli %add3A_125, %mul3A_133 : i32
      %mul3A_135 = arith.constant 1280 : i32
      %mul3A_136 = arith.muli %mul3A_134, %mul3A_135 : i32
      %dma_wait3A_137 = tpu.memref_slice %arg3[%mul3A_136] : memref<491520xi32, #tpu.memory_space<hbm>> -> memref<3840xi32, #tpu.memory_space<hbm>>
      %dma_wait3A_138 = tpu.memref_slice %arg3[%mul3A_136] : memref<491520xi32, #tpu.memory_space<hbm>> -> memref<3840xi32, #tpu.memory_space<hbm>>
      tpu.wait_dma2 semaphore(%arg20 : memref<!tpu.dma_semaphore, #tpu.memory_space<semaphore_mem>>) src(%dma_wait3A_138 : memref<3840xi32, #tpu.memory_space<hbm>>) dst(%arg18 : memref<3840xi32, #tpu.memory_space<vmem>>)
      %parallel_loop3A_139 = arith.constant 0 : i32
      %parallel_loop3A_140 = arith.constant 80 : i32
      %parallel_loop3A_141 = arith.constant 1 : i32
      scf.for %parallel_loop3A_142 = %parallel_loop3A_139 to %parallel_loop3A_140 step %parallel_loop3A_141  : i32 {
        %parallel_loop3A_143 = arith.constant 16 : i32
        %parallel_loop3A_144 = arith.muli %parallel_loop3A_142, %parallel_loop3A_143 : i32
        %parallel_loop3A_145 = arith.index_cast %parallel_loop3A_144 : i32 to index
        %parallel_loop3A_146 = tpu.vector_load %arg18[%parallel_loop3A_145] {strides = array<i32>} : memref<3840xi32, #tpu.memory_space<vmem>>, vector<16xi32>,
        %parallel_loop3A_147 = arith.constant 16 : i32
        %parallel_loop3A_148 = arith.muli %parallel_loop3A_142, %parallel_loop3A_147 : i32
        %parallel_loop3A_149 = arith.constant 1280 : i32
        %parallel_loop3A_150 = arith.addi %parallel_loop3A_149, %parallel_loop3A_148 : i32
        %parallel_loop3A_151 = arith.index_cast %parallel_loop3A_150 : i32 to index
        %parallel_loop3A_152 = tpu.vector_load %arg18[%parallel_loop3A_151] {strides = array<i32>} : memref<3840xi32, #tpu.memory_space<vmem>>, vector<16xi32>,
        %parallel_loop3A_153 = arith.constant 16 : i32
        %parallel_loop3A_154 = arith.muli %parallel_loop3A_142, %parallel_loop3A_153 : i32
        %parallel_loop3A_155 = arith.constant 2560 : i32
        %parallel_loop3A_156 = arith.addi %parallel_loop3A_155, %parallel_loop3A_154 : i32
        %parallel_loop3A_157 = arith.index_cast %parallel_loop3A_156 : i32 to index
        %parallel_loop3A_158 = tpu.vector_load %arg18[%parallel_loop3A_157] {strides = array<i32>} : memref<3840xi32, #tpu.memory_space<vmem>>, vector<16xi32>,
        %parallel_loop3A_159 = vector.bitcast %parallel_loop3A_158 : vector<16xi32> to vector<16xf32>
        %parallel_loop3A_160 = tpu.vector_load_idx %arg5[%parallel_loop3A_146] : memref<10000xi32, #tpu.memory_space<vmem>>[vector<16xi32>], vector<16xi32>,
        %parallel_loop3A_161 = vector.bitcast %parallel_loop3A_160 : vector<16xi32> to vector<32xbf16>
        %parallel_loop3A_162 = tpu.unpack_subelements %parallel_loop3A_161, 0 {pack_format = #tpu.pack_format<interleaved>} : vector<32xbf16> -> vector<16xf32>
        %parallel_loop3A_163 = tpu.unpack_subelements %parallel_loop3A_161, 1 {pack_format = #tpu.pack_format<interleaved>} : vector<32xbf16> -> vector<16xf32>
        %parallel_loop3A_164 = arith.mulf %parallel_loop3A_162, %parallel_loop3A_159 : vector<16xf32>
        tpu.vector_store_idx %arg9[%parallel_loop3A_152], %parallel_loop3A_164 {add = true} : memref<10000xf32, #tpu.memory_space<vmem>>[vector<16xi32>], vector<16xf32>,
        %parallel_loop3A_165 = arith.mulf %parallel_loop3A_163, %parallel_loop3A_159 : vector<16xf32>
        tpu.vector_store_idx %arg10[%parallel_loop3A_152], %parallel_loop3A_165 {add = true} : memref<10000xf32, #tpu.memory_space<vmem>>[vector<16xi32>], vector<16xf32>,
        %parallel_loop3A_166 = tpu.vector_load_idx %arg6[%parallel_loop3A_146] : memref<10000xi32, #tpu.memory_space<vmem>>[vector<16xi32>], vector<16xi32>,
        %parallel_loop3A_167 = vector.bitcast %parallel_loop3A_166 : vector<16xi32> to vector<32xbf16>
        %parallel_loop3A_168 = tpu.unpack_subelements %parallel_loop3A_167, 0 {pack_format = #tpu.pack_format<interleaved>} : vector<32xbf16> -> vector<16xf32>
        %parallel_loop3A_169 = tpu.unpack_subelements %parallel_loop3A_167, 1 {pack_format = #tpu.pack_format<interleaved>} : vector<32xbf16> -> vector<16xf32>
        %parallel_loop3A_170 = arith.mulf %parallel_loop3A_168, %parallel_loop3A_159 : vector<16xf32>
        tpu.vector_store_idx %arg11[%parallel_loop3A_152], %parallel_loop3A_170 {add = true} : memref<10000xf32, #tpu.memory_space<vmem>>[vector<16xi32>], vector<16xf32>,
        %parallel_loop3A_171 = arith.mulf %parallel_loop3A_169, %parallel_loop3A_159 : vector<16xf32>
        tpu.vector_store_idx %arg12[%parallel_loop3A_152], %parallel_loop3A_171 {add = true} : memref<10000xf32, #tpu.memory_space<vmem>>[vector<16xi32>], vector<16xf32>,
        %parallel_loop3A_172 = tpu.vector_load_idx %arg7[%parallel_loop3A_146] : memref<10000xi32, #tpu.memory_space<vmem>>[vector<16xi32>], vector<16xi32>,
        %parallel_loop3A_173 = vector.bitcast %parallel_loop3A_172 : vector<16xi32> to vector<32xbf16>
        %parallel_loop3A_174 = tpu.unpack_subelements %parallel_loop3A_173, 0 {pack_format = #tpu.pack_format<interleaved>} : vector<32xbf16> -> vector<16xf32>
        %parallel_loop3A_175 = tpu.unpack_subelements %parallel_loop3A_173, 1 {pack_format = #tpu.pack_format<interleaved>} : vector<32xbf16> -> vector<16xf32>
        %parallel_loop3A_176 = arith.mulf %parallel_loop3A_174, %parallel_loop3A_159 : vector<16xf32>
        tpu.vector_store_idx %arg13[%parallel_loop3A_152], %parallel_loop3A_176 {add = true} : memref<10000xf32, #tpu.memory_space<vmem>>[vector<16xi32>], vector<16xf32>,
        %parallel_loop3A_177 = arith.mulf %parallel_loop3A_175, %parallel_loop3A_159 : vector<16xf32>
        tpu.vector_store_idx %arg14[%parallel_loop3A_152], %parallel_loop3A_177 {add = true} : memref<10000xf32, #tpu.memory_space<vmem>>[vector<16xi32>], vector<16xf32>,
        %parallel_loop3A_178 = tpu.vector_load_idx %arg8[%parallel_loop3A_146] : memref<10000xi32, #tpu.memory_space<vmem>>[vector<16xi32>], vector<16xi32>,
        %parallel_loop3A_179 = vector.bitcast %parallel_loop3A_178 : vector<16xi32> to vector<32xbf16>
        %parallel_loop3A_180 = tpu.unpack_subelements %parallel_loop3A_179, 0 {pack_format = #tpu.pack_format<interleaved>} : vector<32xbf16> -> vector<16xf32>
        %parallel_loop3A_181 = tpu.unpack_subelements %parallel_loop3A_179, 1 {pack_format = #tpu.pack_format<interleaved>} : vector<32xbf16> -> vector<16xf32>
        %parallel_loop3A_182 = arith.mulf %parallel_loop3A_180, %parallel_loop3A_159 : vector<16xf32>
        tpu.vector_store_idx %arg15[%parallel_loop3A_152], %parallel_loop3A_182 {add = true} : memref<10000xf32, #tpu.memory_space<vmem>>[vector<16xi32>], vector<16xf32>,
        %parallel_loop3A_183 = arith.mulf %parallel_loop3A_181, %parallel_loop3A_159 : vector<16xf32>
        tpu.vector_store_idx %arg16[%parallel_loop3A_152], %parallel_loop3A_183 {add = true} : memref<10000xf32, #tpu.memory_space<vmem>>[vector<16xi32>], vector<16xf32>,
      } {sc.loop_unroll_factor = 16 : i64, sc.parallel_access}
    }
    %scan3A_64 = arith.constant 64 : i32
    %add3A_65 = arith.constant 0 : i32
    %add3A_66 = arith.addi %mul3A_2, %add3A_65 : i32
    %mul3A_67 = arith.constant 10000 : i32
    %mul3A_68 = arith.muli %add3A_66, %mul3A_67 : i32
    "tpu.region"() ({
      %run_scoped3A = tpu.sem_alloc : memref<!tpu.dma_semaphore, #tpu.memory_space<semaphore_mem>>
      %dma_start3A_105 = tpu.memref_slice %arg4[%mul3A_68] : memref<2560000xf32, #tpu.memory_space<hbm>> -> memref<10000xf32, #tpu.memory_space<hbm>>
      %dma_start3A_106 = tpu.memref_slice %arg4[%mul3A_68] : memref<2560000xf32, #tpu.memory_space<hbm>> -> memref<10000xf32, #tpu.memory_space<hbm>>
      tpu.enqueue_dma source(%arg9 : memref<10000xf32, #tpu.memory_space<vmem>>) target(%dma_start3A_106 : memref<10000xf32, #tpu.memory_space<hbm>>) target_semaphore(%run_scoped3A : memref<!tpu.dma_semaphore, #tpu.memory_space<semaphore_mem>>)
      %dma_wait3A = tpu.memref_slice %arg4[%mul3A_68] : memref<2560000xf32, #tpu.memory_space<hbm>> -> memref<10000xf32, #tpu.memory_space<hbm>>
      %dma_wait3A_107 = tpu.memref_slice %arg4[%mul3A_68] : memref<2560000xf32, #tpu.memory_space<hbm>> -> memref<10000xf32, #tpu.memory_space<hbm>>
      tpu.wait_dma2 semaphore(%run_scoped3A : memref<!tpu.dma_semaphore, #tpu.memory_space<semaphore_mem>>) src(%arg9 : memref<10000xf32, #tpu.memory_space<vmem>>) dst(%dma_wait3A_107 : memref<10000xf32, #tpu.memory_space<hbm>>)
      tpu.yield
    }) : () -> ()
    %add3A_69 = arith.constant 0 : i32
    %add3A_70 = arith.addi %mul3A_2, %add3A_69 : i32
    %add3A_71 = arith.constant 128 : i32
    %add3A_72 = arith.addi %add3A_70, %add3A_71 : i32
    %mul3A_73 = arith.constant 10000 : i32
    %mul3A_74 = arith.muli %add3A_72, %mul3A_73 : i32
    "tpu.region"() ({
      %run_scoped3A = tpu.sem_alloc : memref<!tpu.dma_semaphore, #tpu.memory_space<semaphore_mem>>
      %dma_start3A_105 = tpu.memref_slice %arg4[%mul3A_74] : memref<2560000xf32, #tpu.memory_space<hbm>> -> memref<10000xf32, #tpu.memory_space<hbm>>
      %dma_start3A_106 = tpu.memref_slice %arg4[%mul3A_74] : memref<2560000xf32, #tpu.memory_space<hbm>> -> memref<10000xf32, #tpu.memory_space<hbm>>
      tpu.enqueue_dma source(%arg10 : memref<10000xf32, #tpu.memory_space<vmem>>) target(%dma_start3A_106 : memref<10000xf32, #tpu.memory_space<hbm>>) target_semaphore(%run_scoped3A : memref<!tpu.dma_semaphore, #tpu.memory_space<semaphore_mem>>)
      %dma_wait3A = tpu.memref_slice %arg4[%mul3A_74] : memref<2560000xf32, #tpu.memory_space<hbm>> -> memref<10000xf32, #tpu.memory_space<hbm>>
      %dma_wait3A_107 = tpu.memref_slice %arg4[%mul3A_74] : memref<2560000xf32, #tpu.memory_space<hbm>> -> memref<10000xf32, #tpu.memory_space<hbm>>
      tpu.wait_dma2 semaphore(%run_scoped3A : memref<!tpu.dma_semaphore, #tpu.memory_space<semaphore_mem>>) src(%arg10 : memref<10000xf32, #tpu.memory_space<vmem>>) dst(%dma_wait3A_107 : memref<10000xf32, #tpu.memory_space<hbm>>)
      tpu.yield
    }) : () -> ()
    %add3A_75 = arith.constant 1 : i32
    %add3A_76 = arith.addi %mul3A_2, %add3A_75 : i32
    %mul3A_77 = arith.constant 10000 : i32
    %mul3A_78 = arith.muli %add3A_76, %mul3A_77 : i32
    "tpu.region"() ({
      %run_scoped3A = tpu.sem_alloc : memref<!tpu.dma_semaphore, #tpu.memory_space<semaphore_mem>>
      %dma_start3A_105 = tpu.memref_slice %arg4[%mul3A_78] : memref<2560000xf32, #tpu.memory_space<hbm>> -> memref<10000xf32, #tpu.memory_space<hbm>>
      %dma_start3A_106 = tpu.memref_slice %arg4[%mul3A_78] : memref<2560000xf32, #tpu.memory_space<hbm>> -> memref<10000xf32, #tpu.memory_space<hbm>>
      tpu.enqueue_dma source(%arg11 : memref<10000xf32, #tpu.memory_space<vmem>>) target(%dma_start3A_106 : memref<10000xf32, #tpu.memory_space<hbm>>) target_semaphore(%run_scoped3A : memref<!tpu.dma_semaphore, #tpu.memory_space<semaphore_mem>>)
      %dma_wait3A = tpu.memref_slice %arg4[%mul3A_78] : memref<2560000xf32, #tpu.memory_space<hbm>> -> memref<10000xf32, #tpu.memory_space<hbm>>
      %dma_wait3A_107 = tpu.memref_slice %arg4[%mul3A_78] : memref<2560000xf32, #tpu.memory_space<hbm>> -> memref<10000xf32, #tpu.memory_space<hbm>>
      tpu.wait_dma2 semaphore(%run_scoped3A : memref<!tpu.dma_semaphore, #tpu.memory_space<semaphore_mem>>) src(%arg11 : memref<10000xf32, #tpu.memory_space<vmem>>) dst(%dma_wait3A_107 : memref<10000xf32, #tpu.memory_space<hbm>>)
      tpu.yield
    }) : () -> ()
    %add3A_79 = arith.constant 1 : i32
    %add3A_80 = arith.addi %mul3A_2, %add3A_79 : i32
    %add3A_81 = arith.constant 128 : i32
    %add3A_82 = arith.addi %add3A_80, %add3A_81 : i32
    %mul3A_83 = arith.constant 10000 : i32
    %mul3A_84 = arith.muli %add3A_82, %mul3A_83 : i32
    "tpu.region"() ({
      %run_scoped3A = tpu.sem_alloc : memref<!tpu.dma_semaphore, #tpu.memory_space<semaphore_mem>>
      %dma_start3A_105 = tpu.memref_slice %arg4[%mul3A_84] : memref<2560000xf32, #tpu.memory_space<hbm>> -> memref<10000xf32, #tpu.memory_space<hbm>>
      %dma_start3A_106 = tpu.memref_slice %arg4[%mul3A_84] : memref<2560000xf32, #tpu.memory_space<hbm>> -> memref<10000xf32, #tpu.memory_space<hbm>>
      tpu.enqueue_dma source(%arg12 : memref<10000xf32, #tpu.memory_space<vmem>>) target(%dma_start3A_106 : memref<10000xf32, #tpu.memory_space<hbm>>) target_semaphore(%run_scoped3A : memref<!tpu.dma_semaphore, #tpu.memory_space<semaphore_mem>>)
      %dma_wait3A = tpu.memref_slice %arg4[%mul3A_84] : memref<2560000xf32, #tpu.memory_space<hbm>> -> memref<10000xf32, #tpu.memory_space<hbm>>
      %dma_wait3A_107 = tpu.memref_slice %arg4[%mul3A_84] : memref<2560000xf32, #tpu.memory_space<hbm>> -> memref<10000xf32, #tpu.memory_space<hbm>>
      tpu.wait_dma2 semaphore(%run_scoped3A : memref<!tpu.dma_semaphore, #tpu.memory_space<semaphore_mem>>) src(%arg12 : memref<10000xf32, #tpu.memory_space<vmem>>) dst(%dma_wait3A_107 : memref<10000xf32, #tpu.memory_space<hbm>>)
      tpu.yield
    }) : () -> ()
    %add3A_85 = arith.constant 2 : i32
    %add3A_86 = arith.addi %mul3A_2, %add3A_85 : i32
    %mul3A_87 = arith.constant 10000 : i32
    %mul3A_88 = arith.muli %add3A_86, %mul3A_87 : i32
    "tpu.region"() ({
      %run_scoped3A = tpu.sem_alloc : memref<!tpu.dma_semaphore, #tpu.memory_space<semaphore_mem>>
      %dma_start3A_105 = tpu.memref_slice %arg4[%mul3A_88] : memref<2560000xf32, #tpu.memory_space<hbm>> -> memref<10000xf32, #tpu.memory_space<hbm>>
      %dma_start3A_106 = tpu.memref_slice %arg4[%mul3A_88] : memref<2560000xf32, #tpu.memory_space<hbm>> -> memref<10000xf32, #tpu.memory_space<hbm>>
      tpu.enqueue_dma source(%arg13 : memref<10000xf32, #tpu.memory_space<vmem>>) target(%dma_start3A_106 : memref<10000xf32, #tpu.memory_space<hbm>>) target_semaphore(%run_scoped3A : memref<!tpu.dma_semaphore, #tpu.memory_space<semaphore_mem>>)
      %dma_wait3A = tpu.memref_slice %arg4[%mul3A_88] : memref<2560000xf32, #tpu.memory_space<hbm>> -> memref<10000xf32, #tpu.memory_space<hbm>>
      %dma_wait3A_107 = tpu.memref_slice %arg4[%mul3A_88] : memref<2560000xf32, #tpu.memory_space<hbm>> -> memref<10000xf32, #tpu.memory_space<hbm>>
      tpu.wait_dma2 semaphore(%run_scoped3A : memref<!tpu.dma_semaphore, #tpu.memory_space<semaphore_mem>>) src(%arg13 : memref<10000xf32, #tpu.memory_space<vmem>>) dst(%dma_wait3A_107 : memref<10000xf32, #tpu.memory_space<hbm>>)
      tpu.yield
    }) : () -> ()
    %add3A_89 = arith.constant 2 : i32
    %add3A_90 = arith.addi %mul3A_2, %add3A_89 : i32
    %add3A_91 = arith.constant 128 : i32
    %add3A_92 = arith.addi %add3A_90, %add3A_91 : i32
    %mul3A_93 = arith.constant 10000 : i32
    %mul3A_94 = arith.muli %add3A_92, %mul3A_93 : i32
    "tpu.region"() ({
      %run_scoped3A = tpu.sem_alloc : memref<!tpu.dma_semaphore, #tpu.memory_space<semaphore_mem>>
      %dma_start3A_105 = tpu.memref_slice %arg4[%mul3A_94] : memref<2560000xf32, #tpu.memory_space<hbm>> -> memref<10000xf32, #tpu.memory_space<hbm>>
      %dma_start3A_106 = tpu.memref_slice %arg4[%mul3A_94] : memref<2560000xf32, #tpu.memory_space<hbm>> -> memref<10000xf32, #tpu.memory_space<hbm>>
      tpu.enqueue_dma source(%arg14 : memref<10000xf32, #tpu.memory_space<vmem>>) target(%dma_start3A_106 : memref<10000xf32, #tpu.memory_space<hbm>>) target_semaphore(%run_scoped3A : memref<!tpu.dma_semaphore, #tpu.memory_space<semaphore_mem>>)
      %dma_wait3A = tpu.memref_slice %arg4[%mul3A_94] : memref<2560000xf32, #tpu.memory_space<hbm>> -> memref<10000xf32, #tpu.memory_space<hbm>>
      %dma_wait3A_107 = tpu.memref_slice %arg4[%mul3A_94] : memref<2560000xf32, #tpu.memory_space<hbm>> -> memref<10000xf32, #tpu.memory_space<hbm>>
      tpu.wait_dma2 semaphore(%run_scoped3A : memref<!tpu.dma_semaphore, #tpu.memory_space<semaphore_mem>>) src(%arg14 : memref<10000xf32, #tpu.memory_space<vmem>>) dst(%dma_wait3A_107 : memref<10000xf32, #tpu.memory_space<hbm>>)
      tpu.yield
    }) : () -> ()
    %add3A_95 = arith.constant 3 : i32
    %add3A_96 = arith.addi %mul3A_2, %add3A_95 : i32
    %mul3A_97 = arith.constant 10000 : i32
    %mul3A_98 = arith.muli %add3A_96, %mul3A_97 : i32
    "tpu.region"() ({
      %run_scoped3A = tpu.sem_alloc : memref<!tpu.dma_semaphore, #tpu.memory_space<semaphore_mem>>
      %dma_start3A_105 = tpu.memref_slice %arg4[%mul3A_98] : memref<2560000xf32, #tpu.memory_space<hbm>> -> memref<10000xf32, #tpu.memory_space<hbm>>
      %dma_start3A_106 = tpu.memref_slice %arg4[%mul3A_98] : memref<2560000xf32, #tpu.memory_space<hbm>> -> memref<10000xf32, #tpu.memory_space<hbm>>
      tpu.enqueue_dma source(%arg15 : memref<10000xf32, #tpu.memory_space<vmem>>) target(%dma_start3A_106 : memref<10000xf32, #tpu.memory_space<hbm>>) target_semaphore(%run_scoped3A : memref<!tpu.dma_semaphore, #tpu.memory_space<semaphore_mem>>)
      %dma_wait3A = tpu.memref_slice %arg4[%mul3A_98] : memref<2560000xf32, #tpu.memory_space<hbm>> -> memref<10000xf32, #tpu.memory_space<hbm>>
      %dma_wait3A_107 = tpu.memref_slice %arg4[%mul3A_98] : memref<2560000xf32, #tpu.memory_space<hbm>> -> memref<10000xf32, #tpu.memory_space<hbm>>
      tpu.wait_dma2 semaphore(%run_scoped3A : memref<!tpu.dma_semaphore, #tpu.memory_space<semaphore_mem>>) src(%arg15 : memref<10000xf32, #tpu.memory_space<vmem>>) dst(%dma_wait3A_107 : memref<10000xf32, #tpu.memory_space<hbm>>)
      tpu.yield
    }) : () -> ()
    %add3A_99 = arith.constant 3 : i32
    %add3A_100 = arith.addi %mul3A_2, %add3A_99 : i32
    %add3A_101 = arith.constant 128 : i32
    %add3A_102 = arith.addi %add3A_100, %add3A_101 : i32
    %mul3A_103 = arith.constant 10000 : i32
    %mul3A_104 = arith.muli %add3A_102, %mul3A_103 : i32
    "tpu.region"() ({
      %run_scoped3A = tpu.sem_alloc : memref<!tpu.dma_semaphore, #tpu.memory_space<semaphore_mem>>
      %dma_start3A_105 = tpu.memref_slice %arg4[%mul3A_104] : memref<2560000xf32, #tpu.memory_space<hbm>> -> memref<10000xf32, #tpu.memory_space<hbm>>
      %dma_start3A_106 = tpu.memref_slice %arg4[%mul3A_104] : memref<2560000xf32, #tpu.memory_space<hbm>> -> memref<10000xf32, #tpu.memory_space<hbm>>
      tpu.enqueue_dma source(%arg16 : memref<10000xf32, #tpu.memory_space<vmem>>) target(%dma_start3A_106 : memref<10000xf32, #tpu.memory_space<hbm>>) target_semaphore(%run_scoped3A : memref<!tpu.dma_semaphore, #tpu.memory_space<semaphore_mem>>)
      %dma_wait3A = tpu.memref_slice %arg4[%mul3A_104] : memref<2560000xf32, #tpu.memory_space<hbm>> -> memref<10000xf32, #tpu.memory_space<hbm>>
      %dma_wait3A_107 = tpu.memref_slice %arg4[%mul3A_104] : memref<2560000xf32, #tpu.memory_space<hbm>> -> memref<10000xf32, #tpu.memory_space<hbm>>
      tpu.wait_dma2 semaphore(%run_scoped3A : memref<!tpu.dma_semaphore, #tpu.memory_space<semaphore_mem>>) src(%arg16 : memref<10000xf32, #tpu.memory_space<vmem>>) dst(%dma_wait3A_107 : memref<10000xf32, #tpu.memory_space<hbm>>)
      tpu.yield
    }) : () -> ()
    return
  }
}

module attributes {stable_mosaic.version = 14 : i64} {
  func.func @_prep_body(%arg0: memref<32x10000xf32, #tpu.memory_space<vmem>>, %arg1: memref<1x10000xf32, #tpu.memory_space<vmem>>, %arg2: memref<1x10000xf32, #tpu.memory_space<vmem>>) attributes {dimension_semantics = [], scalar_prefetch = 0 : i64, scratch_operands = 0 : i64, tpu.core_type = #tpu.core_type<tc>} {
    %get3A = arith.constant 0 : index
    %get3A_0 = arith.constant 0 : index
    %get3A_1 = vector.load %arg0[%get3A, %get3A_0] : memref<32x10000xf32, #tpu.memory_space<vmem>>, vector<32x10000xf32>
    %reduce_sum3A = arith.constant dense<0.000000e+00> : vector<10000xf32>
    %reduce_sum3A_2 = vector.multi_reduction <add>, %get3A_1, %reduce_sum3A [0] : vector<32x10000xf32> to vector<10000xf32>
    %broadcast_in_dim3A = vector.shape_cast %reduce_sum3A_2 : vector<10000xf32> to vector<1x10000xf32>
    %add3A = arith.constant 1.000000e+00 : f32
    %add3A_3 = vector.broadcast %add3A : f32 to vector<1x10000xf32>
    %add3A_4 = arith.addf %broadcast_in_dim3A, %add3A_3 : vector<1x10000xf32>
    %rsqrt3A = math.rsqrt %add3A_4 : vector<1x10000xf32>
    %swap3A = arith.constant 0 : index
    %swap3A_5 = arith.constant 0 : index
    %swap3A_6 = vector.load %arg1[%swap3A, %swap3A_5] : memref<1x10000xf32, #tpu.memory_space<vmem>>, vector<1x10000xf32>
    tpu.vector_store %arg1[%swap3A, %swap3A_5], %rsqrt3A {strides = array<i32>} : memref<1x10000xf32, #tpu.memory_space<vmem>>, vector<1x10000xf32>,
    %div3A = arith.constant 1.000000e+00 : f32
    %div3A_7 = vector.broadcast %div3A : f32 to vector<1x10000xf32>
    %div3A_8 = arith.divf %div3A_7, %add3A_4 : vector<1x10000xf32>
    %swap3A_9 = arith.constant 0 : index
    %swap3A_10 = arith.constant 0 : index
    %swap3A_11 = vector.load %arg2[%swap3A_9, %swap3A_10] : memref<1x10000xf32, #tpu.memory_space<vmem>>, vector<1x10000xf32>
    tpu.vector_store %arg2[%swap3A_9, %swap3A_10], %div3A_8 {strides = array<i32>} : memref<1x10000xf32, #tpu.memory_space<vmem>>, vector<1x10000xf32>,
    return
  }
}

module attributes {stable_mosaic.version = 14 : i64} {
  func.func @_mm_body(%arg0: memref<256x256xf32, #tpu.memory_space<vmem>>, %arg1: memref<10000x256xf32, #tpu.memory_space<vmem>>, %arg2: memref<128x10000xi32, #tpu.memory_space<vmem>>) attributes {dimension_semantics = [], scalar_prefetch = 0 : i64, scratch_operands = 0 : i64, tpu.core_type = #tpu.core_type<tc>} {
    %get3A = arith.constant 0 : index
    %get3A_0 = arith.constant 0 : index
    %get3A_1 = vector.load %arg0[%get3A, %get3A_0] : memref<256x256xf32, #tpu.memory_space<vmem>>, vector<256x256xf32>
    %get3A_2 = arith.constant 0 : index
    %get3A_3 = arith.constant 0 : index
    %get3A_4 = vector.load %arg1[%get3A_2, %get3A_3] : memref<10000x256xf32, #tpu.memory_space<vmem>>, vector<10000x256xf32>
    %dot_general3A = arith.constant dense<0.000000e+00> : vector<256x10000xf32>
    %dot_general3A_5 = tpu.matmul %get3A_1, %get3A_4, %dot_general3A {dimension_numbers = #tpu.dot_dimension_numbers<[0], [1], [1], [0], [0, 1, 1, 0], [], []>, transpose_lhs_hint = false} : vector<256x256xf32>, vector<10000x256xf32>, vector<256x10000xf32> -> vector<256x10000xf32>
    %slice3A = vector.extract_strided_slice %dot_general3A_5 {offsets = [0, 0], sizes = [128, 10000], strides = [1, 1]} : vector<256x10000xf32> to vector<128x10000xf32>
    %convert_element_type3A = arith.truncf %slice3A : vector<128x10000xf32> to vector<128x10000xbf16>
    %bitcast_convert_type3A = tpu.bitcast %convert_element_type3A : vector<128x10000xbf16> -> vector<128x10000xi16>
    %convert_element_type3A_6 = arith.extui %bitcast_convert_type3A : vector<128x10000xi16> to vector<128x10000xi32>
    %slice3A_7 = vector.extract_strided_slice %dot_general3A_5 {offsets = [128, 0], sizes = [128, 10000], strides = [1, 1]} : vector<256x10000xf32> to vector<128x10000xf32>
    %convert_element_type3A_8 = arith.truncf %slice3A_7 : vector<128x10000xf32> to vector<128x10000xbf16>
    %bitcast_convert_type3A_9 = tpu.bitcast %convert_element_type3A_8 : vector<128x10000xbf16> -> vector<128x10000xi16>
    %convert_element_type3A_10 = arith.extui %bitcast_convert_type3A_9 : vector<128x10000xi16> to vector<128x10000xi32>
    %shift_left3A = arith.constant 16 : i32
    %shift_left3A_11 = vector.broadcast %shift_left3A : i32 to vector<128x10000xi32>
    %shift_left3A_12 = arith.shli %convert_element_type3A_10, %shift_left3A_11 : vector<128x10000xi32>
    %or3A = arith.ori %convert_element_type3A_6, %shift_left3A_12 : vector<128x10000xi32>
    %bitcast_convert_type3A_13 = tpu.bitcast %or3A : vector<128x10000xi32> -> vector<128x10000xi32>
    %swap3A = arith.constant 0 : index
    %swap3A_14 = arith.constant 0 : index
    %swap3A_15 = vector.load %arg2[%swap3A, %swap3A_14] : memref<128x10000xi32, #tpu.memory_space<vmem>>, vector<128x10000xi32>
    tpu.vector_store %arg2[%swap3A, %swap3A_14], %bitcast_convert_type3A_13 {strides = array<i32>} : memref<128x10000xi32, #tpu.memory_space<vmem>>, vector<128x10000xi32>,
    return
  }
}

module attributes {stable_mosaic.version = 14 : i64} {
  func.func @_epi1_mm2_body(%arg0: memref<256x10000xf32, #tpu.memory_space<vmem>>, %arg1: memref<128x10000xi32, #tpu.memory_space<vmem>>, %arg2: memref<1x10000xf32, #tpu.memory_space<vmem>>, %arg3: memref<256x1xf32, #tpu.memory_space<vmem>>, %arg4: memref<256x256xf32, #tpu.memory_space<vmem>>, %arg5: memref<128x10000xi32, #tpu.memory_space<vmem>>) attributes {dimension_semantics = [], scalar_prefetch = 0 : i64, scratch_operands = 0 : i64, tpu.core_type = #tpu.core_type<tc>} {
    %get3A = arith.constant 0 : index
    %get3A_0 = arith.constant 0 : index
    %get3A_1 = vector.load %arg1[%get3A, %get3A_0] : memref<128x10000xi32, #tpu.memory_space<vmem>>, vector<128x10000xi32>
    %bitcast_convert_type3A = tpu.bitcast %get3A_1 : vector<128x10000xi32> -> vector<128x10000xi32>
    %and3A = arith.constant 65535 : i32
    %and3A_2 = vector.broadcast %and3A : i32 to vector<128x10000xi32>
    %and3A_3 = arith.andi %bitcast_convert_type3A, %and3A_2 : vector<128x10000xi32>
    %convert_element_type3A = arith.trunci %and3A_3 : vector<128x10000xi32> to vector<128x10000xi16>
    %bitcast_convert_type3A_4 = tpu.bitcast %convert_element_type3A : vector<128x10000xi16> -> vector<128x10000xbf16>
    %convert_element_type3A_5 = arith.extf %bitcast_convert_type3A_4 : vector<128x10000xbf16> to vector<128x10000xf32>
    %shift_right_logical3A = arith.constant 16 : i32
    %shift_right_logical3A_6 = vector.broadcast %shift_right_logical3A : i32 to vector<128x10000xi32>
    %shift_right_logical3A_7 = arith.shrui %bitcast_convert_type3A, %shift_right_logical3A_6 : vector<128x10000xi32>
    %convert_element_type3A_8 = arith.trunci %shift_right_logical3A_7 : vector<128x10000xi32> to vector<128x10000xi16>
    %bitcast_convert_type3A_9 = tpu.bitcast %convert_element_type3A_8 : vector<128x10000xi16> -> vector<128x10000xbf16>
    %convert_element_type3A_10 = arith.extf %bitcast_convert_type3A_9 : vector<128x10000xbf16> to vector<128x10000xf32>
    %concatenate3A = tpu.concatenate %convert_element_type3A_5, %convert_element_type3A_10 in 0 : vector<128x10000xf32>, vector<128x10000xf32> -> vector<256x10000xf32>
    %get3A_11 = arith.constant 0 : index
    %get3A_12 = arith.constant 0 : index
    %get3A_13 = vector.load %arg0[%get3A_11, %get3A_12] : memref<256x10000xf32, #tpu.memory_space<vmem>>, vector<256x10000xf32>
    %get3A_14 = arith.constant 0 : index
    %get3A_15 = arith.constant 0 : index
    %get3A_16 = vector.load %arg2[%get3A_14, %get3A_15] : memref<1x10000xf32, #tpu.memory_space<vmem>>, vector<1x10000xf32>
    %mul3A = vector.broadcast %get3A_16 : vector<1x10000xf32> to vector<256x10000xf32>
    %mul3A_17 = arith.mulf %mul3A, %concatenate3A : vector<256x10000xf32>
    %add3A = arith.addf %get3A_13, %mul3A_17 : vector<256x10000xf32>
    %get3A_18 = arith.constant 0 : index
    %get3A_19 = arith.constant 0 : index
    %get3A_20 = vector.load %arg3[%get3A_18, %get3A_19] : memref<256x1xf32, #tpu.memory_space<vmem>>, vector<256x1xf32>
    %add3A_21 = vector.broadcast %get3A_20 : vector<256x1xf32> to vector<256x10000xf32>
    %add3A_22 = arith.addf %add3A, %add3A_21 : vector<256x10000xf32>
    %max3A = arith.constant 0.000000e+00 : f32
    %max3A_23 = vector.broadcast %max3A : f32 to vector<256x10000xf32>
    %max3A_24 = arith.maximumf %add3A_22, %max3A_23 : vector<256x10000xf32>
    %get3A_25 = arith.constant 0 : index
    %get3A_26 = arith.constant 0 : index
    %get3A_27 = vector.load %arg4[%get3A_25, %get3A_26] : memref<256x256xf32, #tpu.memory_space<vmem>>, vector<256x256xf32>
    %dot_general3A = arith.constant dense<0.000000e+00> : vector<256x10000xf32>
    %dot_general3A_28 = tpu.matmul %get3A_27, %max3A_24, %dot_general3A {dimension_numbers = #tpu.dot_dimension_numbers<[0], [0], [1], [1], [0, 1, 1, 1], [], []>, transpose_lhs_hint = false} : vector<256x256xf32>, vector<256x10000xf32>, vector<256x10000xf32> -> vector<256x10000xf32>
    %slice3A = vector.extract_strided_slice %dot_general3A_28 {offsets = [0, 0], sizes = [128, 10000], strides = [1, 1]} : vector<256x10000xf32> to vector<128x10000xf32>
    %convert_element_type3A_29 = arith.truncf %slice3A : vector<128x10000xf32> to vector<128x10000xbf16>
    %bitcast_convert_type3A_30 = tpu.bitcast %convert_element_type3A_29 : vector<128x10000xbf16> -> vector<128x10000xi16>
    %convert_element_type3A_31 = arith.extui %bitcast_convert_type3A_30 : vector<128x10000xi16> to vector<128x10000xi32>
    %slice3A_32 = vector.extract_strided_slice %dot_general3A_28 {offsets = [128, 0], sizes = [128, 10000], strides = [1, 1]} : vector<256x10000xf32> to vector<128x10000xf32>
    %convert_element_type3A_33 = arith.truncf %slice3A_32 : vector<128x10000xf32> to vector<128x10000xbf16>
    %bitcast_convert_type3A_34 = tpu.bitcast %convert_element_type3A_33 : vector<128x10000xbf16> -> vector<128x10000xi16>
    %convert_element_type3A_35 = arith.extui %bitcast_convert_type3A_34 : vector<128x10000xi16> to vector<128x10000xi32>
    %shift_left3A = arith.constant 16 : i32
    %shift_left3A_36 = vector.broadcast %shift_left3A : i32 to vector<128x10000xi32>
    %shift_left3A_37 = arith.shli %convert_element_type3A_35, %shift_left3A_36 : vector<128x10000xi32>
    %or3A = arith.ori %convert_element_type3A_31, %shift_left3A_37 : vector<128x10000xi32>
    %bitcast_convert_type3A_38 = tpu.bitcast %or3A : vector<128x10000xi32> -> vector<128x10000xi32>
    %swap3A = arith.constant 0 : index
    %swap3A_39 = arith.constant 0 : index
    %swap3A_40 = vector.load %arg5[%swap3A, %swap3A_39] : memref<128x10000xi32, #tpu.memory_space<vmem>>, vector<128x10000xi32>
    tpu.vector_store %arg5[%swap3A, %swap3A_39], %bitcast_convert_type3A_38 {strides = array<i32>} : memref<128x10000xi32, #tpu.memory_space<vmem>>, vector<128x10000xi32>,
    return
  }
}

module attributes {stable_mosaic.version = 14 : i64} {
  func.func @_epi2_body(%arg0: memref<256x10000xf32, #tpu.memory_space<vmem>>, %arg1: memref<128x10000xi32, #tpu.memory_space<vmem>>, %arg2: memref<1x10000xf32, #tpu.memory_space<vmem>>, %arg3: memref<256x1xf32, #tpu.memory_space<vmem>>, %arg4: memref<10000x256xf32, #tpu.memory_space<vmem>>) attributes {dimension_semantics = [], scalar_prefetch = 0 : i64, scratch_operands = 0 : i64, tpu.core_type = #tpu.core_type<tc>} {
    %get3A = arith.constant 0 : index
    %get3A_0 = arith.constant 0 : index
    %get3A_1 = vector.load %arg1[%get3A, %get3A_0] : memref<128x10000xi32, #tpu.memory_space<vmem>>, vector<128x10000xi32>
    %bitcast_convert_type3A = tpu.bitcast %get3A_1 : vector<128x10000xi32> -> vector<128x10000xi32>
    %and3A = arith.constant 65535 : i32
    %and3A_2 = vector.broadcast %and3A : i32 to vector<128x10000xi32>
    %and3A_3 = arith.andi %bitcast_convert_type3A, %and3A_2 : vector<128x10000xi32>
    %convert_element_type3A = arith.trunci %and3A_3 : vector<128x10000xi32> to vector<128x10000xi16>
    %bitcast_convert_type3A_4 = tpu.bitcast %convert_element_type3A : vector<128x10000xi16> -> vector<128x10000xbf16>
    %convert_element_type3A_5 = arith.extf %bitcast_convert_type3A_4 : vector<128x10000xbf16> to vector<128x10000xf32>
    %shift_right_logical3A = arith.constant 16 : i32
    %shift_right_logical3A_6 = vector.broadcast %shift_right_logical3A : i32 to vector<128x10000xi32>
    %shift_right_logical3A_7 = arith.shrui %bitcast_convert_type3A, %shift_right_logical3A_6 : vector<128x10000xi32>
    %convert_element_type3A_8 = arith.trunci %shift_right_logical3A_7 : vector<128x10000xi32> to vector<128x10000xi16>
    %bitcast_convert_type3A_9 = tpu.bitcast %convert_element_type3A_8 : vector<128x10000xi16> -> vector<128x10000xbf16>
    %convert_element_type3A_10 = arith.extf %bitcast_convert_type3A_9 : vector<128x10000xbf16> to vector<128x10000xf32>
    %concatenate3A = tpu.concatenate %convert_element_type3A_5, %convert_element_type3A_10 in 0 : vector<128x10000xf32>, vector<128x10000xf32> -> vector<256x10000xf32>
    %get3A_11 = arith.constant 0 : index
    %get3A_12 = arith.constant 0 : index
    %get3A_13 = vector.load %arg0[%get3A_11, %get3A_12] : memref<256x10000xf32, #tpu.memory_space<vmem>>, vector<256x10000xf32>
    %get3A_14 = arith.constant 0 : index
    %get3A_15 = arith.constant 0 : index
    %get3A_16 = vector.load %arg2[%get3A_14, %get3A_15] : memref<1x10000xf32, #tpu.memory_space<vmem>>, vector<1x10000xf32>
    %mul3A = vector.broadcast %get3A_16 : vector<1x10000xf32> to vector<256x10000xf32>
    %mul3A_17 = arith.mulf %mul3A, %concatenate3A : vector<256x10000xf32>
    %add3A = arith.addf %get3A_13, %mul3A_17 : vector<256x10000xf32>
    %get3A_18 = arith.constant 0 : index
    %get3A_19 = arith.constant 0 : index
    %get3A_20 = vector.load %arg3[%get3A_18, %get3A_19] : memref<256x1xf32, #tpu.memory_space<vmem>>, vector<256x1xf32>
    %add3A_21 = vector.broadcast %get3A_20 : vector<256x1xf32> to vector<256x10000xf32>
    %add3A_22 = arith.addf %add3A, %add3A_21 : vector<256x10000xf32>
    %transpose3A = tpu.transpose %add3A_22, [1, 0] : vector<256x10000xf32> -> vector<10000x256xf32>
    %swap3A = arith.constant 0 : index
    %swap3A_23 = arith.constant 0 : index
    %swap3A_24 = vector.load %arg4[%swap3A, %swap3A_23] : memref<10000x256xf32, #tpu.memory_space<vmem>>, vector<10000x256xf32>
    tpu.vector_store %arg4[%swap3A, %swap3A_23], %transpose3A {strides = array<i32>} : memref<10000x256xf32, #tpu.memory_space<vmem>>, vector<10000x256xf32>,
    return
  }
}

</mosaic_0001>

<sc_bundles>
// kernel: kernel.10.cloned.1.call-start
scs
__scs_entry_jumppad:
0x0: {  	(pc) =	sbr.rel $0x88, $3  }
0x1: {  	(tag) =	ssettag $0x0;
	lr =	simm.s32 $0x1  }
0x2: {  	[smem:$0x3F9A] =	sst lr;
	_ =	strace $0xD0000000  }
0x3: {  	_ = 	snop  }
0x4: {  	_ = 	snop  }
0x5: {  	_ = 	snop  }
0x6: {  	_ = 	snop  }
0x7: {  	_ = 	snop  }
__scs_overlays_trampoline_lowered:
0x8: {  	[smem:$0x3FA9] =	sst s0  }
0x9: {  	[smem:$0x3FAA] =	sst s1  }
0xa: {  	[smem:$0x3FAB] =	sst s2  }
0xb: {  	[smem:$0x3FAC] =	sst s3  }
0xc: {  	[smem:$0x3FAD] =	sst s4  }
0xd: {  	[smem:$0x3FAE] =	sst s5  }
0xe: {  	[smem:$0x3FAF] =	sst s6  }
0xf: {  	[smem:$0x3FB0] =	sst s7  }
0x10: {  	[smem:$0x3FB1] =	sst s8  }
0x11: {  	[smem:$0x3FB2] =	sst s9;
	s0 =	simm.s32 @!p0 $0x0  }
0x12: {  	s1 =	sld [smem:$0x3F98];
	s0 =	simm.s32 @p0 $0x1  }
0x13: {  	[smem:$0x3FB3] =	sst s0;
	s0 =	simm.s32 @!p1 $0x0  }
0x14: {  	s2 =	sld [smem:$0x3F97];
	s0 =	simm.s32 @p1 $0x1  }
0x15: {  	[smem:$0x3FB4] =	sst s0;
	s0 =	simm.s32 @!p2 $0x0  }
0x16: {  	s3 =	sld [smem:$0x3FDB];
	s0 =	simm.s32 @p2 $0x1  }
0x17: {  	s4 =	simm.s32 $0x1BF5;
	[smem:$0x3FB6] =	sst s0  }
0x18: {  	s0 =	sld [smem:$0x3F99];
	_ =	swait.ge [sflag:s4], $0x0  }
0x19: {  	s7 =	sld [smem:$0x3F9A]  }
0x1a: {  	s8 =	sadd.s32 $0xFFFFE003, lr  }
0x1b: {  	s9 =	sadd.s32 $0xFFFFFEF7, lr;
	s5 =	simm.s32 $0xFFFFFFFF;
	p2 =	slt.u32 s8, $0xFFFFF086  }
0x1c: {  	p1 =	slt.u32 s9, $0xF7A;
	s5 =	simm.s32 @!p2 $0x0  }
0x1d: {  	s5 =	simm.s32 @p1 $0x1;
	p0 =	seq.s32 s7, s2  }
0x1e: {  	s7 =	smul.u32 @!p0 $0xF7A, s2;
	p2 =	seq.s32 @!p0 s5, $0x0  }
0x1f: {  	s9 =	smul.u32 $0xF7A, s1;
	s8 =	simm.s32 @!p0 $0x1BF5;
	p2 =	por !p2, p0  }
0x20: {  	[sflag:s8] =	ssyncset.s32 @!p0 $0xFFFFF086;
	s6 =	sadd.s32 @!p0 s3, s7;
	s7 =	simm.s32 @!p0 $0x108  }
0x21: {  	s3 =	sadd.s32 s3, s9;
	s6 =	sadd.s32 @!p0 $0x88, s6;
	s7 =	simm.s32 @p2 $0x1082  }
0x22: {  	[simem:s7], [sflag:s8] =	dma.local @!p0 [hbm:s6], $0xF7A  }
0x23: {  	s9 =	sor.u32 $0xD0000000, s2;
	s6 =	simm.s32 $0x108;
	_ =	swait.ge @!p0 [sflag:s8], $0x0  }
0x24: {  	s3 =	sadd.s32 $0x88, s3;
	s6 =	simm.s32 @!p1 $0x1082;
	[sflag:s4] =	ssyncset.s32 $0xFFFFF086  }
0x25: {  	[simem:s6], [sflag:s4] =	dma.local [hbm:s3], $0xF7A  }
0x26: {  	[smem:$0x3F9A] =	sst s1;
	(tag) =	ssettag s2;
	_ =	strace s9  }
0x27: {  	s1 =	sld [smem:$0x3FAA]  }
0x28: {  	s2 =	sld [smem:$0x3FAB]  }
0x29: {  	s4 =	sld [smem:$0x3FAD]  }
0x2a: {  	p0 =	seq.s32 s5, $0x0;
	s5 =	sld [smem:$0x3FAE]  }
0x2b: {  	s6 =	sld [smem:$0x3FAF]  }
0x2c: {  	s7 =	sld [smem:$0x3FB0]  }
0x2d: {  	s3 =	simm.s32 $0x108;
	s8 =	sld [smem:$0x3FB1]  }
0x2e: {  	s3 =	simm.s32 @!p0 $0x1082;
	s9 =	sld [smem:$0x3FB2]  }
0x2f: {  	lr =	sadd.s32 s0, s3;
	s0 =	sld [smem:$0x3FA9]  }
0x30: {  	s3 =	sld [smem:$0x3FAC]  }
0x31: {  	[smem:$0x3FB5] =	sst s10  }
0x32: {  	s10 =	sld [smem:$0x3FB3];
	_ =	sdelay $0x3  }
0x33: {  	p0 =	seq.s32 s10, $0x1;
	s10 =	sld [smem:$0x3FB5];
	_ =	sdelay $0x3  }
0x34: {  	[smem:$0x3FB5] =	sst s10  }
0x35: {  	s10 =	sld [smem:$0x3FB4];
	_ =	sdelay $0x3  }
0x36: {  	p1 =	seq.s32 s10, $0x1;
	s10 =	sld [smem:$0x3FB5];
	_ =	sdelay $0x3  }
0x37: {  	[smem:$0x3FB5] =	sst s10  }
0x38: {  	s10 =	sld [smem:$0x3FB6]  }
0x39: {  	_ = 	snop;
	(pc) =	sbr.ind lr, $3  }
0x3a: {  	_ = 	snop  }
0x3b: {  	_ = 	snop  }
0x3c: {  	p2 =	seq.s32 s10, $0x1;
	s10 =	sld [smem:$0x3FB5]  }
0x3d: {  	_ =	shalt  }
0x3e: {  	_ =	shalt  }
0x3f: {  	_ =	shalt  }
0x40: {  	_ =	shalt  }
0x41: {  	_ =	shalt  }
0x42: {  	_ =	shalt  }
0x43: {  	_ =	shalt  }
0x44: {  	_ =	shalt  }
0x45: {  	_ =	shalt  }
0x46: {  	_ =	shalt  }
0x47: {  	_ =	shalt  }
0x48: {  	_ =	shalt  }
0x49: {  	_ =	shalt  }
0x4a: {  	_ =	shalt  }
0x4b: {  	_ =	shalt  }
0x4c: {  	_ =	shalt  }
0x4d: {  	_ =	shalt  }
0x4e: {  	_ =	shalt  }
0x4f: {  	_ =	shalt  }
0x50: {  	_ =	shalt  }
0x51: {  	_ =	shalt  }
0x52: {  	_ =	shalt  }
0x53: {  	_ =	shalt  }
0x54: {  	_ =	shalt  }
0x55: {  	_ =	shalt  }
0x56: {  	_ =	shalt  }
0x57: {  	_ =	shalt  }
0x58: {  	_ =	shalt  }
0x59: {  	_ =	shalt  }
0x5a: {  	_ =	shalt  }
0x5b: {  	_ =	shalt  }
0x5c: {  	_ =	shalt  }
0x5d: {  	_ =	shalt  }
0x5e: {  	_ =	shalt  }
0x5f: {  	_ =	shalt  }
0x60: {  	_ =	shalt  }
0x61: {  	_ =	shalt  }
0x62: {  	_ =	shalt  }
0x63: {  	_ =	shalt  }
0x64: {  	_ =	shalt  }
0x65: {  	_ =	shalt  }
0x66: {  	_ =	shalt  }
0x67: {  	_ =	shalt  }
0x68: {  	_ =	shalt  }
0x69: {  	_ =	shalt  }
0x6a: {  	_ =	shalt  }
0x6b: {  	_ =	shalt  }
0x6c: {  	_ =	shalt  }
0x6d: {  	_ =	shalt  }
0x6e: {  	_ =	shalt  }
0x6f: {  	_ =	shalt  }
0x70: {  	_ =	shalt  }
0x71: {  	_ =	shalt  }
0x72: {  	_ =	shalt  }
0x73: {  	_ =	shalt  }
0x74: {  	_ =	shalt  }
0x75: {  	_ =	shalt  }
0x76: {  	_ =	shalt  }
0x77: {  	_ =	shalt  }
0x78: {  	_ =	shalt  }
0x79: {  	_ =	shalt  }
0x7a: {  	_ =	shalt  }
0x7b: {  	_ =	shalt  }
0x7c: {  	_ =	shalt  }
0x7d: {  	_ =	shalt  }
0x7e: {  	_ =	shalt  }
0x7f: {  	_ =	shalt  }
0x80: {  	_ =	shalt  }
0x81: {  	_ =	shalt  }
0x82: {  	_ =	shalt  }
0x83: {  	_ =	shalt  }
0x84: {  	_ =	shalt  }
0x85: {  	_ =	shalt  }
0x86: {  	_ =	shalt  }
0x87: {  	_ =	shalt  }
.Lfunc_end0:
.L_simem_size_0:
called_computation_lowered:
.L_overlay_start_0:
0x88: {  	s2 =	sld [smem:$0x3FD9]  }
0x89: {  	s3 =	sld [smem:$0x3FFE];
	_ =	sdelay $0x1  }
0x8a: {  	s1 =	srdreg.scid  }
0x8b: {  	s0 =	sand.u32 $0x1, s1  }
0x8c: {  	s17 =	sshll.u32 s0, $0xA;
	s2 =	sadd.s32 s3, s2  }
0x8d: {  	s2 =	sadd.s32 s2, s17  }
0x8e: {  	[smem:$0x3FC1] =	sst s2  }
0x8f: {  	_ = 	snop  }
0x90: {  	s2 =	sld [smem:$0x3FD0];
	(tm) =	ssettm $0x1  }
0x91: {  	s18 =	sld [smem:$0x3FFB];
	_ =	sdelay $0x3  }
0x92: {  	_ =	strace s18  }
0x93: {  	s3 =	sld [smem:$0x3FFC];
	_ =	sdelay $0x3  }
0x94: {  	_ =	strace s3  }
0x95: {  	s3 =	sld [smem:$0x3FFD];
	_ =	sdelay $0x3  }
0x96: {  	_ =	strace s3  }
0x97: {  	_ =	strace $0x8FFFFFFF  }
0x98: {  	s19 =	sld [smem:$0x3FDB];
	_ =	sdelay $0x1  }
0x99: {  	s4 =	simm.s32 $_scs_section_size  }
0x9a: {  	s5 =	simm.s32 $_size__tile_overlayer_lowered;
	s6 =	simm.s32 $_tile_overlayer_lowered  }
0x9b: {  	s22 =	simm.s32 $0x1BFF;
	s21 =	sshll.u32 s6, $0x1;
	s3 =	sadd.s32 s4, s19  }
0x9c: {  	s7 =	simm.s32 $0x0;
	s20 =	sshll.u32 s5, $0x1;
	s5 =	sadd.s32 s21, s3  }
0x9d: {  	[timem:s7], [sflag:s22] =	dma.local [hbm:s5], s20  }
0x9e: {  	_ =	swait.ge [sflag:s22], s20  }
0x9f: {  	s4 =	ssub.s32 $0x0, s20;
	[sflag:s22] =	ssyncset.done $0x0  }
0xa0: {  	[sflag:s22] =	ssyncadd.s32 s4;
	_ =	sdelay $0x1  }
0xa1: {  	s23 =	simm.s32 $0x1B8B  }
0xa2: {  	_ =	swait.ge [sflag:s23], $0x1  }
0xa3: {  	[sflag:s23] =	ssyncset.done $0x0  }
0xa4: {  	s25 =	simm.s32 $0x1B8E;
	s24 =	sld [smem:$0x3FFE];
	[sflag:s23] =	ssyncadd.s32 $0xFFFFFFFF  }
0xa5: {  	s26 =	simm.s32 $execute0_lowered;
	[smem:$0x3FD2] =	sst s25  }
0xa6: {  	s5 =	sshll.u32 s26, $0x1;
	_ =	strace $0x80000046;
	[dreg:$0x1] =	wrdreg $0xFFFFFFFF  }
0xa7: {  	s28 =	simm.s32 $_size_execute0_lowered;
	s3 =	sadd.s32 s3, s5;
	[dreg:$0x0] =	wrdreg $0x0  }
0xa8: {  	s5 =	sshll.u32 s28, $0x1;
	[dreg:$0x2] =	wrdreg s3  }
0xa9: {  	[dreg:$0x3] =	wrdreg s5  }
0xaa: {  	[dreg:$0x4] =	wrdreg $0xC0  }
0xab: {  	_ =	task [dreg:s7], $0x5FFFF  }
0xac: {  	[dreg:$0x1] =	wrdreg $0xFFFFFFFF  }
0xad: {  	[dreg:$0x0] =	wrdreg $0x60  }
0xae: {  	[dreg:$0x2] =	wrdreg s24  }
0xaf: {  	[dreg:$0x3] =	wrdreg s2  }
0xb0: {  	[dreg:$0x4] =	wrdreg $0x9  }
0xb1: {  	_ =	task.clear_ibuf [dreg:s7], $0x5FFFF;
	_ =	strace $0x90000046  }
0xb2: {  	s29 =	simm.s32 $0x9;
	_ =	strace $0x80000048  }
0xb3: {  	_ =	swait.ge [sflag:s29], $0x1  }
0xb4: {  	[sflag:s29] =	ssyncadd.s32 $0xFFFFFFFF  }
0xb5: {  	_ =	strace $0x90000048  }
0xb6: {  	_ =	sfence  }
0xb7: {  	s30 =	sld [smem:$0x0];
	_ =	sdelay $0x2  }
0xb8: {  	s31 =	sshll.u32 s1, $0xD;
	s1 =	sshrl.u32 s1, $0x2  }
0xb9: {  	s3 =	sand.u32 $0x4000, s31;
	s1 =	sadd.s32 s1, s30  }
0xba: {  	s0 =	sor.u32 s3, s0;
	s1 =	sshll.u32 s1, $0x11  }
0xbb: {  	s0 =	sor.u32 s1, s0  }
0xbc: {  	s0 =	sadd.s32 $0x8F2B, s0  }
0xbd: {  	[sflag:s0] =	ssyncadd.remote.s32 $0x1  }
0xbe: {  	_ =	sfence.sel $0xFFFF  }
0xbf: {  	[dreg:$0x0] =	wrdreg $0xFFFFFFFF;
	(pc) =	sbr.abs _section_cstart, $3  }
0xc0: {  	[dreg:$0x1] =	wrdreg $0xFFFFFFFF  }
0xc1: {  	_ =	task.clear_ibuf [dreg:s7], $0x2FFFF;
	_ =	strace $0x9FFFFFFF  }
0xc2: {  	(tm) =	ssettm $0x7FFFFFFF  }
0xc3: {  	_ =	shalt  }
tec
execute0_lowered:
.L_overlay_start_1:
0x0: {  	(tag) =	ssettag $0x1  }
0x1: {  	s3 =	rddreg [dreg:$0x0];
	s1 =	srdreg.scid  }
0x2: {  	s0 =	stileid.u32;
	s5 =	rddreg [dreg:$0x1]  }
0x3: {  	s2 =	simm.s32 $0x0;
	s4 =	sand.u32 $0x1, s1;
	s6 =	sshll.u32 s0, $0x1  }
0x4: {  	s9 =	simm.s32 $0x3B80;
	s10 =	simm.s32 $0x0;
	s6 =	sor.u32 s4, s6  }
0x5: {  	s1 =	rddreg [dreg:$0x2];
	s4 =	ssub.s32 $0x2, s4;
	s7 =	smul.u32 $0x280, s6  }
0x6: {  	[smem:$0x7FF] =	sst s2;
	s31 =	sshrl.u32 s4, $0x1;
	s6 =	smul.u32 $0x4E2, s6  }
0x7: {  	_ =	strace $0x80000047;
	s8 =	ssub.s32 s4, s31;
	s7 =	sadd.s32 s7, s3  }
0x8: {  	s5 =	sadd.s32 s5, s6;
	s6 =	smax.u32 s8, $0x1;
	s8 =	simm.s32 $0x1  }
0x9: {  	v0 =	vimm.f32 $0.0e+00;
	s3 =	sadd.s32 $0x1800, s7;
	s4 =	sadd.s32 $0x6800, s7;
	s7 =	simm.s32 $0x2780  }
.LBB2_1:
0xa: {  	[tilespmem:s7], [sflag:$0x1] =	stream.linear.gather [hbm4b:s3+s2], $0x1400, $0x38;
	[tilespmem:$0x4F80] =	vst v63  }
0xb: {  	_ =	swait.ge [sflag:s8], $0x1400  }
0xc: {  	[sflag:s8] =	ssyncset.done $0x0  }
0xd: {  	[sflag:s8] =	ssyncadd.s32 $0xFFFFEC00  }
0xe: {  	[tilespmem:s9], [sflag:$0x1] =	stream.linear.gather [hbm4b:s4+s2], $0x1400, $0x38;
	[tilespmem:$0x4F80] =	vst v63  }
0xf: {  	_ =	swait.ge [sflag:s8], $0x1400  }
0x10: {  	[sflag:s8] =	ssyncset.done $0x0  }
0x11: {  	s12 =	simm.s32 $0x20;
	[sflag:s8] =	ssyncadd.s32 $0xFFFFEC00  }
0x12: {  	[tilespmem:s12+$0xFFFFFFE0] =	vst v0  }
0x13: {  	[tilespmem:s12+$0x20] =	vst v0  }
0x14: {  	[tilespmem:s12+$0x10] =	vst v0  }
0x15: {  	s14 =	simm.s32 $0x0;
	s11 =	simm.s32 $0x3BA0;
	s13 =	simm.s32 $0x27A0;
	[tilespmem:s12+$0x0] =	vst v0  }
.LBB2_2:
0x16: {  	s14 =	sadd.s32 $0x5, s14  }
0x17: {  	[tilespmem:s12+$0xFFFFFFF0] =	vst v0;
	s12 =	sadd.s32 $0x50, s12;
	p0 =	slt.u32 s14, $0x26C  }
.Ltmp0:
0x18: {  	[tilespmem:s12+$0xFFFFFFE0] =	vst v0;
	(pc) =	sbr.rel @p0 .LBB2_2-.Ltmp0, $4  }
0x19: {  	_ = 	snop  }
0x1a: {  	[tilespmem:s12+$0x20] =	vst v0  }
0x1b: {  	[tilespmem:s12+$0x10] =	vst v0  }
0x1c: {  	[tilespmem:s12+$0x0] =	vst v0  }
0x1d: {  	[tilespmem:s12+$0xFFFFFFF0] =	vst v0  }
0x1e: {  	v5 =	vld [tilespmem:s13+$0x10]  }
0x1f: {  	v6 =	vld [tilespmem:s13+$0xFFFFFFF0]  }
0x20: {  	v1 =	vld [tilespmem:s13+$0x0]  }
0x21: {  	v7 =	vld [tilespmem:s11+$0x10]  }
0x22: {  	v8 =	vld [tilespmem:s11+$0xFFFFFFF0]  }
0x23: {  	v4 =	vld [tilespmem:s11+$0x0]  }
0x24: {  	v2 =	vld [tilespmem:s13+$0xFFFFFFE0]  }
0x25: {  	v3 =	vld [tilespmem:s11+$0xFFFFFFE0]  }
0x26: {  	[tilespmem:v5+s2+$0x0] =	vst.idx.add.f32.msk $0xffff, v7  }
0x27: {  	s12 =	simm.s32 $0x0;
	s13 =	simm.s32 $0x27E0;
	[tilespmem:v6+s2+$0x0] =	vst.idx.add.f32.msk $0xffff, v8  }
.LBB2_4:
0x28: {  	v5 =	vld [tilespmem:s13+$0x10];
	s12 =	sadd.s32 $0x4, s12;
	v6 =	vmov v4  }
0x29: {  	v7 =	vld [tilespmem:s13+$0xFFFFFFF0];
	p0 =	slt.u32 s12, $0x13C  }
0x2a: {  	s11 =	sadd.s32 $0x40, s11;
	v8 =	vld [tilespmem:s13+$0x0]  }
0x2b: {  	v9 =	vld [tilespmem:s11+$0x10]  }
0x2c: {  	v10 =	vld [tilespmem:s13+$0xFFFFFFE0]  }
0x2d: {  	v11 =	vld [tilespmem:s11+$0xFFFFFFE0]  }
0x2e: {  	v12 =	vld [tilespmem:s11+$0xFFFFFFF0]  }
.Ltmp1:
0x2f: {  	v4 =	vld [tilespmem:s11+$0x0];
	(pc) =	sbr.rel @p0 .LBB2_4-.Ltmp1, $4  }
0x30: {  	[tilespmem:v5+s2+$0x0] =	vst.idx.add.f32.msk $0xffff, v9  }
0x31: {  	[tilespmem:v2+s2+$0x0] =	vst.idx.add.f32.msk $0xffff, v3;
	v2 =	vmov v10  }
0x32: {  	[tilespmem:v1+s2+$0x0] =	vst.idx.add.f32.msk $0xffff, v6;
	v1 =	vmov v8;
	v3 =	vmov v11  }
0x33: {  	s13 =	sadd.s32 $0x40, s13;
	[tilespmem:v7+s2+$0x0] =	vst.idx.add.f32.msk $0xffff, v12  }
0x34: {  	_ =	sdelay $0x2  }
0x35: {  	s10 =	sadd.s32 $0x1, s10  }
0x36: {  	[tilespmem:v2+s2+$0x0] =	vst.idx.add.f32.msk $0xffff, v3;
	p0 =	sne.s32 s10, s6  }
.Ltmp2:
0x37: {  	[tilespmem:v1+s2+$0x0] =	vst.idx.add.f32.msk $0xffff, v4;
	(pc) =	sbr.rel @p0 .LBB2_1-.Ltmp2, $4  }
0x38: {  	[hbm4b:s5+s2] =	stream.linear.scatter [tilespmem:s2], [sflag:$0x1], $0x2710, $0x38;
	[tilespmem:$0x4F80] =	vst v63  }
0x39: {  	_ =	swait.ge [sflag:s8], $0x2710  }
0x3a: {  	[sflag:s8] =	ssyncset.done $0x0  }
0x3b: {  	[sflag:s8] =	ssyncadd.s32 $0xFFFFD8F0  }
0x3c: {  	_ =	sfence.sel $0x180000  }
0x3d: {  	[bflag:$0x0] =	sbarrier.arrive $0xFFFF  }
0x3e: {  	p0 =	sne.s32 s0, $0x0;
	_ =	strace $0x90000047  }
0x3f: {  	s0 =	sadd.s32 @!p0 $0x100000, s1;
	[bflag:$0x2] =	sbarrier.arrive $0xFFFF  }
0x40: {  	[sflag:s0] =	ssyncadd.tile.s32 @!p0 $0x1;
	_ =	shalt  }
.Lfunc_end2:
_tile_overlayer_lowered:
.L_overlay_start_2:
0x41: {  	(tag) =	ssettag $0x2  }
0x42: {  	s0 =	rddreg [dreg:$0x0];
	s2 =	stileid.u32  }
0x43: {  	s1 =	rddreg [dreg:$0x1];
	p0 =	sne.s32 s2, $0x0  }
0x44: {  	s3 =	rddreg [dreg:$0x2];
	[bflag:$0x3] =	sbarrier.arrive $0xFFFF;
	s2 =	simm.s32 @!p0 $0x1C01  }
0x45: {  	[timem:s3], [sflag:s2] =	dma.local @!p0 [hbm:s0], s1  }
0x46: {  	s0 =	simm.s32 @!p0 $0x1  }
0x47: {  	_ =	swait.ge @!p0 [sflag:s0], s1  }
0x48: {  	s1 =	ssub.s32 @!p0 $0x0, s1;
	[sflag:s0] =	ssyncset.done @!p0 $0x0  }
0x49: {  	[sflag:s0] =	ssyncadd.s32 @!p0 s1  }
0x4a: {  	[bflag:$0x3] =	sbarrier.arrive $0xFFFF  }
0x4b: {  	_ =	shalt  }

// kernel: kernel.13.cloned.1.call-start
scs
__scs_entry_jumppad:
0x0: {  	(pc) =	sbr.rel $0x88, $3  }
0x1: {  	(tag) =	ssettag $0x0;
	lr =	simm.s32 $0x1  }
0x2: {  	[smem:$0x3F9A] =	sst lr;
	_ =	strace $0xD0000000  }
0x3: {  	_ = 	snop  }
0x4: {  	_ = 	snop  }
0x5: {  	_ = 	snop  }
0x6: {  	_ = 	snop  }
0x7: {  	_ = 	snop  }
__scs_overlays_trampoline_lowered:
0x8: {  	[smem:$0x3FA9] =	sst s0  }
0x9: {  	[smem:$0x3FAA] =	sst s1  }
0xa: {  	[smem:$0x3FAB] =	sst s2  }
0xb: {  	[smem:$0x3FAC] =	sst s3  }
0xc: {  	[smem:$0x3FAD] =	sst s4  }
0xd: {  	[smem:$0x3FAE] =	sst s5  }
0xe: {  	[smem:$0x3FAF] =	sst s6  }
0xf: {  	[smem:$0x3FB0] =	sst s7  }
0x10: {  	[smem:$0x3FB1] =	sst s8  }
0x11: {  	[smem:$0x3FB2] =	sst s9;
	s0 =	simm.s32 @!p0 $0x0  }
0x12: {  	s1 =	sld [smem:$0x3F98];
	s0 =	simm.s32 @p0 $0x1  }
0x13: {  	[smem:$0x3FB3] =	sst s0;
	s0 =	simm.s32 @!p1 $0x0  }
0x14: {  	s2 =	sld [smem:$0x3F97];
	s0 =	simm.s32 @p1 $0x1  }
0x15: {  	[smem:$0x3FB4] =	sst s0;
	s0 =	simm.s32 @!p2 $0x0  }
0x16: {  	s3 =	sld [smem:$0x3FDB];
	s0 =	simm.s32 @p2 $0x1  }
0x17: {  	s4 =	simm.s32 $0x1BF5;
	[smem:$0x3FB6] =	sst s0  }
0x18: {  	s0 =	sld [smem:$0x3F99];
	_ =	swait.ge [sflag:s4], $0x0  }
0x19: {  	s7 =	sld [smem:$0x3F9A]  }
0x1a: {  	s8 =	sadd.s32 $0xFFFFE003, lr  }
0x1b: {  	s9 =	sadd.s32 $0xFFFFFEF7, lr;
	s5 =	simm.s32 $0xFFFFFFFF;
	p2 =	slt.u32 s8, $0xFFFFF086  }
0x1c: {  	p1 =	slt.u32 s9, $0xF7A;
	s5 =	simm.s32 @!p2 $0x0  }
0x1d: {  	s5 =	simm.s32 @p1 $0x1;
	p0 =	seq.s32 s7, s2  }
0x1e: {  	s7 =	smul.u32 @!p0 $0xF7A, s2;
	p2 =	seq.s32 @!p0 s5, $0x0  }
0x1f: {  	s9 =	smul.u32 $0xF7A, s1;
	s8 =	simm.s32 @!p0 $0x1BF5;
	p2 =	por !p2, p0  }
0x20: {  	[sflag:s8] =	ssyncset.s32 @!p0 $0xFFFFF086;
	s6 =	sadd.s32 @!p0 s3, s7;
	s7 =	simm.s32 @!p0 $0x108  }
0x21: {  	s3 =	sadd.s32 s3, s9;
	s6 =	sadd.s32 @!p0 $0x88, s6;
	s7 =	simm.s32 @p2 $0x1082  }
0x22: {  	[simem:s7], [sflag:s8] =	dma.local @!p0 [hbm:s6], $0xF7A  }
0x23: {  	s9 =	sor.u32 $0xD0000000, s2;
	s6 =	simm.s32 $0x108;
	_ =	swait.ge @!p0 [sflag:s8], $0x0  }
0x24: {  	s3 =	sadd.s32 $0x88, s3;
	s6 =	simm.s32 @!p1 $0x1082;
	[sflag:s4] =	ssyncset.s32 $0xFFFFF086  }
0x25: {  	[simem:s6], [sflag:s4] =	dma.local [hbm:s3], $0xF7A  }
0x26: {  	[smem:$0x3F9A] =	sst s1;
	(tag) =	ssettag s2;
	_ =	strace s9  }
0x27: {  	s1 =	sld [smem:$0x3FAA]  }
0x28: {  	s2 =	sld [smem:$0x3FAB]  }
0x29: {  	s4 =	sld [smem:$0x3FAD]  }
0x2a: {  	p0 =	seq.s32 s5, $0x0;
	s5 =	sld [smem:$0x3FAE]  }
0x2b: {  	s6 =	sld [smem:$0x3FAF]  }
0x2c: {  	s7 =	sld [smem:$0x3FB0]  }
0x2d: {  	s3 =	simm.s32 $0x108;
	s8 =	sld [smem:$0x3FB1]  }
0x2e: {  	s3 =	simm.s32 @!p0 $0x1082;
	s9 =	sld [smem:$0x3FB2]  }
0x2f: {  	lr =	sadd.s32 s0, s3;
	s0 =	sld [smem:$0x3FA9]  }
0x30: {  	s3 =	sld [smem:$0x3FAC]  }
0x31: {  	[smem:$0x3FB5] =	sst s10  }
0x32: {  	s10 =	sld [smem:$0x3FB3];
	_ =	sdelay $0x3  }
0x33: {  	p0 =	seq.s32 s10, $0x1;
	s10 =	sld [smem:$0x3FB5];
	_ =	sdelay $0x3  }
0x34: {  	[smem:$0x3FB5] =	sst s10  }
0x35: {  	s10 =	sld [smem:$0x3FB4];
	_ =	sdelay $0x3  }
0x36: {  	p1 =	seq.s32 s10, $0x1;
	s10 =	sld [smem:$0x3FB5];
	_ =	sdelay $0x3  }
0x37: {  	[smem:$0x3FB5] =	sst s10  }
0x38: {  	s10 =	sld [smem:$0x3FB6]  }
0x39: {  	_ = 	snop;
	(pc) =	sbr.ind lr, $3  }
0x3a: {  	_ = 	snop  }
0x3b: {  	_ = 	snop  }
0x3c: {  	p2 =	seq.s32 s10, $0x1;
	s10 =	sld [smem:$0x3FB5]  }
0x3d: {  	_ =	shalt  }
0x3e: {  	_ =	shalt  }
0x3f: {  	_ =	shalt  }
0x40: {  	_ =	shalt  }
0x41: {  	_ =	shalt  }
0x42: {  	_ =	shalt  }
0x43: {  	_ =	shalt  }
0x44: {  	_ =	shalt  }
0x45: {  	_ =	shalt  }
0x46: {  	_ =	shalt  }
0x47: {  	_ =	shalt  }
0x48: {  	_ =	shalt  }
0x49: {  	_ =	shalt  }
0x4a: {  	_ =	shalt  }
0x4b: {  	_ =	shalt  }
0x4c: {  	_ =	shalt  }
0x4d: {  	_ =	shalt  }
0x4e: {  	_ =	shalt  }
0x4f: {  	_ =	shalt  }
0x50: {  	_ =	shalt  }
0x51: {  	_ =	shalt  }
0x52: {  	_ =	shalt  }
0x53: {  	_ =	shalt  }
0x54: {  	_ =	shalt  }
0x55: {  	_ =	shalt  }
0x56: {  	_ =	shalt  }
0x57: {  	_ =	shalt  }
0x58: {  	_ =	shalt  }
0x59: {  	_ =	shalt  }
0x5a: {  	_ =	shalt  }
0x5b: {  	_ =	shalt  }
0x5c: {  	_ =	shalt  }
0x5d: {  	_ =	shalt  }
0x5e: {  	_ =	shalt  }
0x5f: {  	_ =	shalt  }
0x60: {  	_ =	shalt  }
0x61: {  	_ =	shalt  }
0x62: {  	_ =	shalt  }
0x63: {  	_ =	shalt  }
0x64: {  	_ =	shalt  }
0x65: {  	_ =	shalt  }
0x66: {  	_ =	shalt  }
0x67: {  	_ =	shalt  }
0x68: {  	_ =	shalt  }
0x69: {  	_ =	shalt  }
0x6a: {  	_ =	shalt  }
0x6b: {  	_ =	shalt  }
0x6c: {  	_ =	shalt  }
0x6d: {  	_ =	shalt  }
0x6e: {  	_ =	shalt  }
0x6f: {  	_ =	shalt  }
0x70: {  	_ =	shalt  }
0x71: {  	_ =	shalt  }
0x72: {  	_ =	shalt  }
0x73: {  	_ =	shalt  }
0x74: {  	_ =	shalt  }
0x75: {  	_ =	shalt  }
0x76: {  	_ =	shalt  }
0x77: {  	_ =	shalt  }
0x78: {  	_ =	shalt  }
0x79: {  	_ =	shalt  }
0x7a: {  	_ =	shalt  }
0x7b: {  	_ =	shalt  }
0x7c: {  	_ =	shalt  }
0x7d: {  	_ =	shalt  }
0x7e: {  	_ =	shalt  }
0x7f: {  	_ =	shalt  }
0x80: {  	_ =	shalt  }
0x81: {  	_ =	shalt  }
0x82: {  	_ =	shalt  }
0x83: {  	_ =	shalt  }
0x84: {  	_ =	shalt  }
0x85: {  	_ =	shalt  }
0x86: {  	_ =	shalt  }
0x87: {  	_ =	shalt  }
.Lfunc_end0:
.L_simem_size_0:
called_computation.1_lowered:
.L_overlay_start_0:
0x88: {  	s2 =	sld [smem:$0x3FD9]  }
0x89: {  	s3 =	sld [smem:$0x3FFE];
	_ =	sdelay $0x1  }
0x8a: {  	s1 =	srdreg.scid  }
0x8b: {  	s0 =	sand.u32 $0x1, s1  }
0x8c: {  	s17 =	sshll.u32 s0, $0xA;
	s2 =	sadd.s32 s3, s2  }
0x8d: {  	s2 =	sadd.s32 s2, s17  }
0x8e: {  	[smem:$0x3FC1] =	sst s2  }
0x8f: {  	_ = 	snop  }
0x90: {  	s2 =	sld [smem:$0x3FD0];
	(tm) =	ssettm $0x1  }
0x91: {  	s18 =	sld [smem:$0x3FFB];
	_ =	sdelay $0x3  }
0x92: {  	_ =	strace s18  }
0x93: {  	s3 =	sld [smem:$0x3FFC];
	_ =	sdelay $0x3  }
0x94: {  	_ =	strace s3  }
0x95: {  	s3 =	sld [smem:$0x3FFD];
	_ =	sdelay $0x3  }
0x96: {  	_ =	strace s3  }
0x97: {  	_ =	strace $0x8FFFFFFF  }
0x98: {  	s19 =	sld [smem:$0x3FDB];
	_ =	sdelay $0x1  }
0x99: {  	s4 =	simm.s32 $_scs_section_size  }
0x9a: {  	s5 =	simm.s32 $_size__tile_overlayer_lowered;
	s6 =	simm.s32 $_tile_overlayer_lowered  }
0x9b: {  	s22 =	simm.s32 $0x1BFF;
	s21 =	sshll.u32 s6, $0x1;
	s3 =	sadd.s32 s4, s19  }
0x9c: {  	s7 =	simm.s32 $0x0;
	s20 =	sshll.u32 s5, $0x1;
	s5 =	sadd.s32 s21, s3  }
0x9d: {  	[timem:s7], [sflag:s22] =	dma.local [hbm:s5], s20  }
0x9e: {  	_ =	swait.ge [sflag:s22], s20  }
0x9f: {  	s4 =	ssub.s32 $0x0, s20;
	[sflag:s22] =	ssyncset.done $0x0  }
0xa0: {  	[sflag:s22] =	ssyncadd.s32 s4;
	_ =	sdelay $0x1  }
0xa1: {  	s23 =	simm.s32 $0x1B8B  }
0xa2: {  	_ =	swait.ge [sflag:s23], $0x1  }
0xa3: {  	[sflag:s23] =	ssyncset.done $0x0  }
0xa4: {  	s25 =	simm.s32 $0x1B8E;
	s24 =	sld [smem:$0x3FFE];
	[sflag:s23] =	ssyncadd.s32 $0xFFFFFFFF  }
0xa5: {  	s26 =	simm.s32 $execute0_lowered;
	[smem:$0x3FD2] =	sst s25  }
0xa6: {  	s5 =	sshll.u32 s26, $0x1;
	_ =	strace $0x80000049;
	[dreg:$0x1] =	wrdreg $0xFFFFFFFF  }
0xa7: {  	s28 =	simm.s32 $_size_execute0_lowered;
	s3 =	sadd.s32 s3, s5;
	[dreg:$0x0] =	wrdreg $0x0  }
0xa8: {  	s5 =	sshll.u32 s28, $0x1;
	[dreg:$0x2] =	wrdreg s3  }
0xa9: {  	[dreg:$0x3] =	wrdreg s5  }
0xaa: {  	[dreg:$0x4] =	wrdreg $0xC0  }
0xab: {  	_ =	task [dreg:s7], $0x5FFFF  }
0xac: {  	[dreg:$0x1] =	wrdreg $0xFFFFFFFF  }
0xad: {  	[dreg:$0x0] =	wrdreg $0x60  }
0xae: {  	[dreg:$0x2] =	wrdreg s24  }
0xaf: {  	[dreg:$0x3] =	wrdreg s2  }
0xb0: {  	[dreg:$0x4] =	wrdreg $0x9  }
0xb1: {  	_ =	task.clear_ibuf [dreg:s7], $0x5FFFF;
	_ =	strace $0x90000049  }
0xb2: {  	s29 =	simm.s32 $0x9;
	_ =	strace $0x8000004B  }
0xb3: {  	_ =	swait.ge [sflag:s29], $0x1  }
0xb4: {  	[sflag:s29] =	ssyncadd.s32 $0xFFFFFFFF  }
0xb5: {  	_ =	strace $0x9000004B  }
0xb6: {  	_ =	sfence  }
0xb7: {  	s30 =	sld [smem:$0x0];
	_ =	sdelay $0x2  }
0xb8: {  	s31 =	sshll.u32 s1, $0xD;
	s1 =	sshrl.u32 s1, $0x2  }
0xb9: {  	s3 =	sand.u32 $0x4000, s31;
	s1 =	sadd.s32 s1, s30  }
0xba: {  	s0 =	sor.u32 s3, s0;
	s1 =	sshll.u32 s1, $0x11  }
0xbb: {  	s0 =	sor.u32 s1, s0  }
0xbc: {  	s0 =	sadd.s32 $0x8F2B, s0  }
0xbd: {  	[sflag:s0] =	ssyncadd.remote.s32 $0x1  }
0xbe: {  	_ =	sfence.sel $0xFFFF  }
0xbf: {  	[dreg:$0x0] =	wrdreg $0xFFFFFFFF;
	(pc) =	sbr.abs _section_cstart, $3  }
0xc0: {  	[dreg:$0x1] =	wrdreg $0xFFFFFFFF  }
0xc1: {  	_ =	task.clear_ibuf [dreg:s7], $0x2FFFF;
	_ =	strace $0x9FFFFFFF  }
0xc2: {  	(tm) =	ssettm $0x7FFFFFFF  }
0xc3: {  	_ =	shalt  }
tec
execute0_lowered:
.L_overlay_start_1:
0x0: {  	(tag) =	ssettag $0x1  }
0x1: {  	s0 =	srdreg.scid  }
0x2: {  	s2 =	stileid.u32;
	s1 =	rddreg [dreg:$0x0]  }
0x3: {  	s3 =	simm.s32 $0x0;
	s20 =	simm.s32 $0x1;
	s21 =	simm.s32 $0x2780  }
0x4: {  	s22 =	simm.s32 $0x3B80;
	s0 =	sand.u32 $0x1, s0;
	s2 =	sshll.u32 s2, $0x1  }
0x5: {  	s30 =	simm.s32 $0x4580;
	s31 =	simm.s32 $0x6D80;
	s2 =	sor.u32 s0, s2  }
0x6: {  	s23 =	simm.s32 $0x0;
	s0 =	ssub.s32 $0x2, s0;
	s4 =	smul.u32 $0x280, s2  }
0x7: {  	[smem:$0x7FF] =	sst s3;
	s2 =	smul.u32 $0x3C00, s2;
	s29 =	sshrl.u32 s0, $0x1  }
0x8: {  	_ =	strace $0x8000004A;
	s0 =	ssub.s32 s0, s29;
	s6 =	sadd.s32 s4, s1  }
0x9: {  	s2 =	sshrl.u32 s2, $0x3;
	s19 =	smax.u32 s0, $0x1;
	s0 =	simm.s32 $0x4A80  }
0xa: {  	s1 =	sadd.s32 s2, s1;
	s4 =	sadd.s32 $0xB800, s6;
	s5 =	sadd.s32 $0x1800, s6  }
0xb: {  	s6 =	sadd.s32 $0x6800, s6;
	s2 =	simm.s32 $0x7280;
	s7 =	sadd.s32 $0x10800, s1  }
0xc: {  	s8 =	sadd.s32 $0x108A0, s1;
	s9 =	sadd.s32 $0x10940, s1;
	s10 =	sadd.s32 $0x109E0, s1  }
0xd: {  	s11 =	sadd.s32 $0x10A80, s1;
	s12 =	sadd.s32 $0x10B20, s1;
	s13 =	sadd.s32 $0x10BC0, s1  }
0xe: {  	s14 =	sadd.s32 $0x10C60, s1;
	s15 =	sadd.s32 $0x10D00, s1;
	s16 =	sadd.s32 $0x10DA0, s1  }
0xf: {  	s17 =	sadd.s32 $0x10E40, s1;
	s18 =	sadd.s32 $0x10EE0, s1;
	s1 =	simm.s32 $0x3680  }
.LBB2_1:
0x10: {  	s24 =	rddreg [dreg:$0x1]  }
0x11: {  	[tilespmem:s3], [sflag:$0x1] =	stream.linear.gather [hbm4b:s24+s3], $0x2780, $0x38;
	[tilespmem:$0x7780] =	vst v63  }
0x12: {  	_ =	swait.ge [sflag:s20], $0x2780  }
0x13: {  	[sflag:s20] =	ssyncset.done $0x0  }
0x14: {  	[sflag:s20] =	ssyncadd.s32 $0xFFFFD880  }
0x15: {  	[tilespmem:s21], [sflag:$0x1] =	stream.linear.gather [hbm4b:s4+s3], $0x1400, $0x38;
	[tilespmem:$0x7780] =	vst v63  }
0x16: {  	_ =	swait.ge [sflag:s20], $0x1400  }
0x17: {  	[sflag:s20] =	ssyncset.done $0x0  }
0x18: {  	[sflag:s20] =	ssyncadd.s32 $0xFFFFEC00  }
0x19: {  	[tilespmem:s22], [sflag:$0x1] =	stream.linear.gather [hbm4b:s5+s3], $0x1400, $0x38;
	[tilespmem:$0x7780] =	vst v63  }
0x1a: {  	_ =	swait.ge [sflag:s20], $0x1400  }
0x1b: {  	[sflag:s20] =	ssyncset.done $0x0  }
0x1c: {  	s26 =	simm.s32 $0x4F80;
	[sflag:s20] =	ssyncadd.s32 $0xFFFFEC00  }
0x1d: {  	[tilespmem:s26], [sflag:$0x1] =	stream.linear.gather [hbm4b:s6+s3], $0x1400, $0x38;
	[tilespmem:$0x7780] =	vst v63  }
0x1e: {  	_ =	swait.ge [sflag:s20], $0x1400  }
0x1f: {  	[sflag:s20] =	ssyncset.done $0x0  }
0x20: {  	s25 =	simm.s32 $0x27A0;
	[sflag:s20] =	ssyncadd.s32 $0xFFFFEC00  }
0x21: {  	v0 =	vld [tilespmem:s25+$0x10]  }
0x22: {  	s24 =	simm.s32 $0x3BA0;
	v1 =	vld [tilespmem:s25+$0xFFFFFFF0]  }
0x23: {  	v2 =	vld [tilespmem:s24+$0x10]  }
0x24: {  	v3 =	vld [tilespmem:s25+$0x0]  }
0x25: {  	v4 =	vld [tilespmem:s25+$0xFFFFFFE0]  }
0x26: {  	v5 =	vld [tilespmem:s24+$0xFFFFFFE0]  }
0x27: {  	v7 =	vld [tilespmem:s24+$0xFFFFFFF0]  }
0x28: {  	v8 =	vld [tilespmem:s24+$0x0];
	s25 =	simm.s32 $0x4FA0  }
0x29: {  	v9 =	vld [tilespmem:s25+$0x10]  }
0x2a: {  	v11 =	vld [tilespmem:s25+$0xFFFFFFE0]  }
0x2b: {  	v6 =	vld.idx.msk [tilespmem:v0+s3+$0x0], $0xffff  }
0x2c: {  	v2 =	vld.idx.msk [tilespmem:v2+s3+$0x0], $0xffff  }
0x2d: {  	v0 =	vld.idx.msk [tilespmem:v1+s3+$0x0], $0xffff  }
0x2e: {  	v10 =	vld.idx.msk [tilespmem:v4+s3+$0x0], $0xffff  }
0x2f: {  	v1 =	vld.idx.msk [tilespmem:v3+s3+$0x0], $0xffff  }
0x30: {  	v3 =	vmul.f32 v6, v9;
	v6 =	vld [tilespmem:s25+$0xFFFFFFF0]  }
0x31: {  	v4 =	vld [tilespmem:s25+$0x0]  }
0x32: {  	v9 =	vmul.f32 v2, v3;
	v2 =	vld.idx.msk [tilespmem:v5+s3+$0x0], $0xffff  }
0x33: {  	s26 =	simm.s32 $0x63A0;
	v3 =	vld.idx.msk [tilespmem:v7+s3+$0x0], $0xffff  }
0x34: {  	s28 =	simm.s32 $0x0;
	s29 =	simm.s32 $0x27E0;
	v7 =	vmul.f32 v10, v11;
	v5 =	vld.idx.msk [tilespmem:v8+s3+$0x0], $0xffff;
	[tilespmem:s26+$0x10] =	vst v9  }
.LBB2_2:
0x35: {  	v8 =	vld [tilespmem:s29+$0x10];
	s28 =	sadd.s32 $0x4, s28;
	v0 =	vmul.f32 v0, v6  }
0x36: {  	s24 =	sadd.s32 $0x40, s24;
	v6 =	vld [tilespmem:s29+$0xFFFFFFF0];
	p0 =	slt.u32 s28, $0x13C;
	v1 =	vmul.f32 v1, v4  }
0x37: {  	v4 =	vld [tilespmem:s24+$0x10]  }
0x38: {  	v2 =	vmul.f32 v2, v7;
	v9 =	vld [tilespmem:s29+$0x0]  }
0x39: {  	v0 =	vmul.f32 v3, v0;
	v7 =	vld [tilespmem:s29+$0xFFFFFFE0]  }
0x3a: {  	v1 =	vmul.f32 v5, v1;
	v3 =	vld [tilespmem:s24+$0xFFFFFFE0];
	[tilespmem:s26+$0xFFFFFFE0] =	vst v2  }
0x3b: {  	v5 =	vld [tilespmem:s24+$0xFFFFFFF0];
	[tilespmem:s26+$0xFFFFFFF0] =	vst v0  }
0x3c: {  	v10 =	vld [tilespmem:s24+$0x0];
	[tilespmem:s26+$0x0] =	vst v1  }
0x3d: {  	s25 =	sadd.s32 $0x40, s25;
	v2 =	vld.idx.msk [tilespmem:v8+s3+$0x0], $0xffff  }
0x3e: {  	v8 =	vld [tilespmem:s25+$0x10]  }
0x3f: {  	v11 =	vld.idx.msk [tilespmem:v4+s3+$0x0], $0xffff  }
0x40: {  	v0 =	vld.idx.msk [tilespmem:v6+s3+$0x0], $0xffff  }
0x41: {  	v7 =	vld.idx.msk [tilespmem:v7+s3+$0x0], $0xffff  }
0x42: {  	v1 =	vld.idx.msk [tilespmem:v9+s3+$0x0], $0xffff  }
0x43: {  	v9 =	vld [tilespmem:s25+$0xFFFFFFE0];
	v2 =	vmul.f32 v2, v8  }
.Ltmp0:
0x44: {  	v6 =	vld [tilespmem:s25+$0xFFFFFFF0];
	(pc) =	sbr.rel @p0 .LBB2_2-.Ltmp0, $4  }
0x45: {  	v4 =	vld [tilespmem:s25+$0x0];
	v8 =	vmul.f32 v11, v2  }
0x46: {  	s26 =	sadd.s32 $0x40, s26;
	v2 =	vld.idx.msk [tilespmem:v3+s3+$0x0], $0xffff  }
0x47: {  	v3 =	vld.idx.msk [tilespmem:v5+s3+$0x0], $0xffff;
	[tilespmem:s26+$0x10] =	vst v8  }
0x48: {  	s29 =	sadd.s32 $0x40, s29;
	v7 =	vmul.f32 v7, v9;
	v5 =	vld.idx.msk [tilespmem:v10+s3+$0x0], $0xffff  }
0x49: {  	_ = 	snop  }
0x4a: {  	v0 =	vmul.f32 v0, v6  }
0x4b: {  	v1 =	vmul.f32 v1, v4;
	v2 =	vmul.f32 v2, v7  }
0x4c: {  	v0 =	vmul.f32 v3, v0  }
0x4d: {  	[tilespmem:s26+$0xFFFFFFE0] =	vst v2;
	v1 =	vmul.f32 v5, v1  }
0x4e: {  	[tilespmem:s26+$0xFFFFFFF0] =	vst v0  }
0x4f: {  	[tilespmem:s26+$0x0] =	vst v1  }
0x50: {  	[hbm4b:s7+s3] =	stream.linear.scatter [tilespmem:s21], [sflag:$0x1], $0x500, $0x38;
	[tilespmem:$0x7780] =	vst v63  }
0x51: {  	_ =	swait.ge [sflag:s20], $0x500  }
0x52: {  	[sflag:s20] =	ssyncset.done $0x0  }
0x53: {  	[sflag:s20] =	ssyncadd.s32 $0xFFFFFB00  }
0x54: {  	[hbm4b:s8+s3] =	stream.linear.scatter [tilespmem:s22], [sflag:$0x1], $0x500, $0x38;
	[tilespmem:$0x7780] =	vst v63  }
0x55: {  	_ =	swait.ge [sflag:s20], $0x500  }
0x56: {  	[sflag:s20] =	ssyncset.done $0x0  }
0x57: {  	s24 =	simm.s32 $0x6380;
	[sflag:s20] =	ssyncadd.s32 $0xFFFFFB00  }
0x58: {  	[hbm4b:s9+s3] =	stream.linear.scatter [tilespmem:s24], [sflag:$0x1], $0x500, $0x38;
	[tilespmem:$0x7780] =	vst v63  }
0x59: {  	_ =	swait.ge [sflag:s20], $0x500  }
0x5a: {  	[sflag:s20] =	ssyncset.done $0x0  }
0x5b: {  	s25 =	simm.s32 $0x2C80;
	[sflag:s20] =	ssyncadd.s32 $0xFFFFFB00  }
0x5c: {  	[hbm4b:s10+s3] =	stream.linear.scatter [tilespmem:s25], [sflag:$0x1], $0x500, $0x38;
	[tilespmem:$0x7780] =	vst v63  }
0x5d: {  	_ =	swait.ge [sflag:s20], $0x500  }
0x5e: {  	[sflag:s20] =	ssyncset.done $0x0  }
0x5f: {  	s26 =	simm.s32 $0x4080;
	[sflag:s20] =	ssyncadd.s32 $0xFFFFFB00  }
0x60: {  	[hbm4b:s11+s3] =	stream.linear.scatter [tilespmem:s26], [sflag:$0x1], $0x500, $0x38;
	[tilespmem:$0x7780] =	vst v63  }
0x61: {  	_ =	swait.ge [sflag:s20], $0x500  }
0x62: {  	[sflag:s20] =	ssyncset.done $0x0  }
0x63: {  	s28 =	simm.s32 $0x6880;
	[sflag:s20] =	ssyncadd.s32 $0xFFFFFB00  }
0x64: {  	[hbm4b:s12+s3] =	stream.linear.scatter [tilespmem:s28], [sflag:$0x1], $0x500, $0x38;
	[tilespmem:$0x7780] =	vst v63  }
0x65: {  	_ =	swait.ge [sflag:s20], $0x500  }
0x66: {  	[sflag:s20] =	ssyncset.done $0x0  }
0x67: {  	s29 =	simm.s32 $0x3180;
	[sflag:s20] =	ssyncadd.s32 $0xFFFFFB00  }
0x68: {  	[hbm4b:s13+s3] =	stream.linear.scatter [tilespmem:s29], [sflag:$0x1], $0x500, $0x38;
	[tilespmem:$0x7780] =	vst v63  }
0x69: {  	_ =	swait.ge [sflag:s20], $0x500  }
0x6a: {  	[sflag:s20] =	ssyncset.done $0x0  }
0x6b: {  	[sflag:s20] =	ssyncadd.s32 $0xFFFFFB00  }
0x6c: {  	[hbm4b:s14+s3] =	stream.linear.scatter [tilespmem:s30], [sflag:$0x1], $0x500, $0x38;
	[tilespmem:$0x7780] =	vst v63  }
0x6d: {  	_ =	swait.ge [sflag:s20], $0x500  }
0x6e: {  	[sflag:s20] =	ssyncset.done $0x0  }
0x6f: {  	[sflag:s20] =	ssyncadd.s32 $0xFFFFFB00  }
0x70: {  	[hbm4b:s15+s3] =	stream.linear.scatter [tilespmem:s31], [sflag:$0x1], $0x500, $0x38;
	[tilespmem:$0x7780] =	vst v63  }
0x71: {  	_ =	swait.ge [sflag:s20], $0x500  }
0x72: {  	[sflag:s20] =	ssyncset.done $0x0  }
0x73: {  	[sflag:s20] =	ssyncadd.s32 $0xFFFFFB00  }
0x74: {  	[hbm4b:s16+s3] =	stream.linear.scatter [tilespmem:s1], [sflag:$0x1], $0x500, $0x38;
	[tilespmem:$0x7780] =	vst v63  }
0x75: {  	_ =	swait.ge [sflag:s20], $0x500  }
0x76: {  	[sflag:s20] =	ssyncset.done $0x0  }
0x77: {  	[sflag:s20] =	ssyncadd.s32 $0xFFFFFB00  }
0x78: {  	[hbm4b:s17+s3] =	stream.linear.scatter [tilespmem:s0], [sflag:$0x1], $0x500, $0x38;
	[tilespmem:$0x7780] =	vst v63  }
0x79: {  	s23 =	sadd.s32 $0x1, s23;
	_ =	swait.ge [sflag:s20], $0x500  }
0x7a: {  	p0 =	sne.s32 s23, s19;
	[sflag:s20] =	ssyncset.done $0x0  }
.Ltmp1:
0x7b: {  	[sflag:s20] =	ssyncadd.s32 $0xFFFFFB00;
	(pc) =	sbr.rel @p0 .LBB2_1-.Ltmp1, $4  }
0x7c: {  	[hbm4b:s18+s3] =	stream.linear.scatter [tilespmem:s2], [sflag:$0x1], $0x500, $0x38;
	[tilespmem:$0x7780] =	vst v63  }
0x7d: {  	_ =	swait.ge [sflag:s20], $0x500  }
0x7e: {  	[sflag:s20] =	ssyncset.done $0x0  }
0x7f: {  	[sflag:s20] =	ssyncadd.s32 $0xFFFFFB00  }
0x80: {  	_ =	sfence.sel $0x180000  }
0x81: {  	[bflag:$0x0] =	sbarrier.arrive $0xFFFF  }
0x82: {  	_ =	strace $0x9000004A  }
0x83: {  	s0 =	stileid.u32;
	[bflag:$0x2] =	sbarrier.arrive $0xFFFF  }
0x84: {  	p0 =	sne.s32 s0, $0x0;
	s0 =	rddreg [dreg:$0x2]  }
0x85: {  	s0 =	sadd.s32 @!p0 $0x100000, s0  }
0x86: {  	[sflag:s0] =	ssyncadd.tile.s32 @!p0 $0x1;
	_ =	shalt  }
.Lfunc_end2:
_tile_overlayer_lowered:
.L_overlay_start_2:
0x87: {  	(tag) =	ssettag $0x2  }
0x88: {  	s0 =	rddreg [dreg:$0x0];
	s2 =	stileid.u32  }
0x89: {  	s1 =	rddreg [dreg:$0x1];
	p0 =	sne.s32 s2, $0x0  }
0x8a: {  	s3 =	rddreg [dreg:$0x2];
	[bflag:$0x3] =	sbarrier.arrive $0xFFFF;
	s2 =	simm.s32 @!p0 $0x1C01  }
0x8b: {  	[timem:s3], [sflag:s2] =	dma.local @!p0 [hbm:s0], s1  }
0x8c: {  	s0 =	simm.s32 @!p0 $0x1  }
0x8d: {  	_ =	swait.ge @!p0 [sflag:s0], s1  }
0x8e: {  	s1 =	ssub.s32 @!p0 $0x0, s1;
	[sflag:s0] =	ssyncset.done @!p0 $0x0  }
0x8f: {  	[sflag:s0] =	ssyncadd.s32 @!p0 s1  }
0x90: {  	[bflag:$0x3] =	sbarrier.arrive $0xFFFF  }
0x91: {  	_ =	shalt  }

// kernel: kernel.16.cloned.1.call-start
scs
__scs_entry_jumppad:
0x0: {  	(pc) =	sbr.rel $0x88, $3  }
0x1: {  	(tag) =	ssettag $0x0;
	lr =	simm.s32 $0x1  }
0x2: {  	[smem:$0x3F9A] =	sst lr;
	_ =	strace $0xD0000000  }
0x3: {  	_ = 	snop  }
0x4: {  	_ = 	snop  }
0x5: {  	_ = 	snop  }
0x6: {  	_ = 	snop  }
0x7: {  	_ = 	snop  }
__scs_overlays_trampoline_lowered:
0x8: {  	[smem:$0x3FA9] =	sst s0  }
0x9: {  	[smem:$0x3FAA] =	sst s1  }
0xa: {  	[smem:$0x3FAB] =	sst s2  }
0xb: {  	[smem:$0x3FAC] =	sst s3  }
0xc: {  	[smem:$0x3FAD] =	sst s4  }
0xd: {  	[smem:$0x3FAE] =	sst s5  }
0xe: {  	[smem:$0x3FAF] =	sst s6  }
0xf: {  	[smem:$0x3FB0] =	sst s7  }
0x10: {  	[smem:$0x3FB1] =	sst s8  }
0x11: {  	[smem:$0x3FB2] =	sst s9;
	s0 =	simm.s32 @!p0 $0x0  }
0x12: {  	s1 =	sld [smem:$0x3F98];
	s0 =	simm.s32 @p0 $0x1  }
0x13: {  	[smem:$0x3FB3] =	sst s0;
	s0 =	simm.s32 @!p1 $0x0  }
0x14: {  	s2 =	sld [smem:$0x3F97];
	s0 =	simm.s32 @p1 $0x1  }
0x15: {  	[smem:$0x3FB4] =	sst s0;
	s0 =	simm.s32 @!p2 $0x0  }
0x16: {  	s3 =	sld [smem:$0x3FDB];
	s0 =	simm.s32 @p2 $0x1  }
0x17: {  	s4 =	simm.s32 $0x1BF5;
	[smem:$0x3FB6] =	sst s0  }
0x18: {  	s0 =	sld [smem:$0x3F99];
	_ =	swait.ge [sflag:s4], $0x0  }
0x19: {  	s7 =	sld [smem:$0x3F9A]  }
0x1a: {  	s8 =	sadd.s32 $0xFFFFE003, lr  }
0x1b: {  	s9 =	sadd.s32 $0xFFFFFEF7, lr;
	s5 =	simm.s32 $0xFFFFFFFF;
	p2 =	slt.u32 s8, $0xFFFFF086  }
0x1c: {  	p1 =	slt.u32 s9, $0xF7A;
	s5 =	simm.s32 @!p2 $0x0  }
0x1d: {  	s5 =	simm.s32 @p1 $0x1;
	p0 =	seq.s32 s7, s2  }
0x1e: {  	s7 =	smul.u32 @!p0 $0xF7A, s2;
	p2 =	seq.s32 @!p0 s5, $0x0  }
0x1f: {  	s9 =	smul.u32 $0xF7A, s1;
	s8 =	simm.s32 @!p0 $0x1BF5;
	p2 =	por !p2, p0  }
0x20: {  	[sflag:s8] =	ssyncset.s32 @!p0 $0xFFFFF086;
	s6 =	sadd.s32 @!p0 s3, s7;
	s7 =	simm.s32 @!p0 $0x108  }
0x21: {  	s3 =	sadd.s32 s3, s9;
	s6 =	sadd.s32 @!p0 $0x88, s6;
	s7 =	simm.s32 @p2 $0x1082  }
0x22: {  	[simem:s7], [sflag:s8] =	dma.local @!p0 [hbm:s6], $0xF7A  }
0x23: {  	s9 =	sor.u32 $0xD0000000, s2;
	s6 =	simm.s32 $0x108;
	_ =	swait.ge @!p0 [sflag:s8], $0x0  }
0x24: {  	s3 =	sadd.s32 $0x88, s3;
	s6 =	simm.s32 @!p1 $0x1082;
	[sflag:s4] =	ssyncset.s32 $0xFFFFF086  }
0x25: {  	[simem:s6], [sflag:s4] =	dma.local [hbm:s3], $0xF7A  }
0x26: {  	[smem:$0x3F9A] =	sst s1;
	(tag) =	ssettag s2;
	_ =	strace s9  }
0x27: {  	s1 =	sld [smem:$0x3FAA]  }
0x28: {  	s2 =	sld [smem:$0x3FAB]  }
0x29: {  	s4 =	sld [smem:$0x3FAD]  }
0x2a: {  	p0 =	seq.s32 s5, $0x0;
	s5 =	sld [smem:$0x3FAE]  }
0x2b: {  	s6 =	sld [smem:$0x3FAF]  }
0x2c: {  	s7 =	sld [smem:$0x3FB0]  }
0x2d: {  	s3 =	simm.s32 $0x108;
	s8 =	sld [smem:$0x3FB1]  }
0x2e: {  	s3 =	simm.s32 @!p0 $0x1082;
	s9 =	sld [smem:$0x3FB2]  }
0x2f: {  	lr =	sadd.s32 s0, s3;
	s0 =	sld [smem:$0x3FA9]  }
0x30: {  	s3 =	sld [smem:$0x3FAC]  }
0x31: {  	[smem:$0x3FB5] =	sst s10  }
0x32: {  	s10 =	sld [smem:$0x3FB3];
	_ =	sdelay $0x3  }
0x33: {  	p0 =	seq.s32 s10, $0x1;
	s10 =	sld [smem:$0x3FB5];
	_ =	sdelay $0x3  }
0x34: {  	[smem:$0x3FB5] =	sst s10  }
0x35: {  	s10 =	sld [smem:$0x3FB4];
	_ =	sdelay $0x3  }
0x36: {  	p1 =	seq.s32 s10, $0x1;
	s10 =	sld [smem:$0x3FB5];
	_ =	sdelay $0x3  }
0x37: {  	[smem:$0x3FB5] =	sst s10  }
0x38: {  	s10 =	sld [smem:$0x3FB6]  }
0x39: {  	_ = 	snop;
	(pc) =	sbr.ind lr, $3  }
0x3a: {  	_ = 	snop  }
0x3b: {  	_ = 	snop  }
0x3c: {  	p2 =	seq.s32 s10, $0x1;
	s10 =	sld [smem:$0x3FB5]  }
0x3d: {  	_ =	shalt  }
0x3e: {  	_ =	shalt  }
0x3f: {  	_ =	shalt  }
0x40: {  	_ =	shalt  }
0x41: {  	_ =	shalt  }
0x42: {  	_ =	shalt  }
0x43: {  	_ =	shalt  }
0x44: {  	_ =	shalt  }
0x45: {  	_ =	shalt  }
0x46: {  	_ =	shalt  }
0x47: {  	_ =	shalt  }
0x48: {  	_ =	shalt  }
0x49: {  	_ =	shalt  }
0x4a: {  	_ =	shalt  }
0x4b: {  	_ =	shalt  }
0x4c: {  	_ =	shalt  }
0x4d: {  	_ =	shalt  }
0x4e: {  	_ =	shalt  }
0x4f: {  	_ =	shalt  }
0x50: {  	_ =	shalt  }
0x51: {  	_ =	shalt  }
0x52: {  	_ =	shalt  }
0x53: {  	_ =	shalt  }
0x54: {  	_ =	shalt  }
0x55: {  	_ =	shalt  }
0x56: {  	_ =	shalt  }
0x57: {  	_ =	shalt  }
0x58: {  	_ =	shalt  }
0x59: {  	_ =	shalt  }
0x5a: {  	_ =	shalt  }
0x5b: {  	_ =	shalt  }
0x5c: {  	_ =	shalt  }
0x5d: {  	_ =	shalt  }
0x5e: {  	_ =	shalt  }
0x5f: {  	_ =	shalt  }
0x60: {  	_ =	shalt  }
0x61: {  	_ =	shalt  }
0x62: {  	_ =	shalt  }
0x63: {  	_ =	shalt  }
0x64: {  	_ =	shalt  }
0x65: {  	_ =	shalt  }
0x66: {  	_ =	shalt  }
0x67: {  	_ =	shalt  }
0x68: {  	_ =	shalt  }
0x69: {  	_ =	shalt  }
0x6a: {  	_ =	shalt  }
0x6b: {  	_ =	shalt  }
0x6c: {  	_ =	shalt  }
0x6d: {  	_ =	shalt  }
0x6e: {  	_ =	shalt  }
0x6f: {  	_ =	shalt  }
0x70: {  	_ =	shalt  }
0x71: {  	_ =	shalt  }
0x72: {  	_ =	shalt  }
0x73: {  	_ =	shalt  }
0x74: {  	_ =	shalt  }
0x75: {  	_ =	shalt  }
0x76: {  	_ =	shalt  }
0x77: {  	_ =	shalt  }
0x78: {  	_ =	shalt  }
0x79: {  	_ =	shalt  }
0x7a: {  	_ =	shalt  }
0x7b: {  	_ =	shalt  }
0x7c: {  	_ =	shalt  }
0x7d: {  	_ =	shalt  }
0x7e: {  	_ =	shalt  }
0x7f: {  	_ =	shalt  }
0x80: {  	_ =	shalt  }
0x81: {  	_ =	shalt  }
0x82: {  	_ =	shalt  }
0x83: {  	_ =	shalt  }
0x84: {  	_ =	shalt  }
0x85: {  	_ =	shalt  }
0x86: {  	_ =	shalt  }
0x87: {  	_ =	shalt  }
.Lfunc_end0:
.L_simem_size_0:
called_computation.2_lowered:
.L_overlay_start_0:
0x88: {  	s2 =	sld [smem:$0x3FD9]  }
0x89: {  	s3 =	sld [smem:$0x3FFE];
	_ =	sdelay $0x1  }
0x8a: {  	s1 =	srdreg.scid  }
0x8b: {  	s0 =	sand.u32 $0x1, s1  }
0x8c: {  	s17 =	sshll.u32 s0, $0xA;
	s2 =	sadd.s32 s3, s2  }
0x8d: {  	s2 =	sadd.s32 s2, s17  }
0x8e: {  	[smem:$0x3FC1] =	sst s2  }
0x8f: {  	_ = 	snop  }
0x90: {  	s2 =	sld [smem:$0x3FD0];
	(tm) =	ssettm $0x1  }
0x91: {  	s18 =	sld [smem:$0x3FFB];
	_ =	sdelay $0x3  }
0x92: {  	_ =	strace s18  }
0x93: {  	s3 =	sld [smem:$0x3FFC];
	_ =	sdelay $0x3  }
0x94: {  	_ =	strace s3  }
0x95: {  	s3 =	sld [smem:$0x3FFD];
	_ =	sdelay $0x3  }
0x96: {  	_ =	strace s3  }
0x97: {  	_ =	strace $0x8FFFFFFF  }
0x98: {  	s19 =	sld [smem:$0x3FDB];
	_ =	sdelay $0x1  }
0x99: {  	s4 =	simm.s32 $_scs_section_size  }
0x9a: {  	s5 =	simm.s32 $_size__tile_overlayer_lowered;
	s6 =	simm.s32 $_tile_overlayer_lowered  }
0x9b: {  	s22 =	simm.s32 $0x1BFF;
	s21 =	sshll.u32 s6, $0x1;
	s3 =	sadd.s32 s4, s19  }
0x9c: {  	s7 =	simm.s32 $0x0;
	s20 =	sshll.u32 s5, $0x1;
	s5 =	sadd.s32 s21, s3  }
0x9d: {  	[timem:s7], [sflag:s22] =	dma.local [hbm:s5], s20  }
0x9e: {  	_ =	swait.ge [sflag:s22], s20  }
0x9f: {  	s4 =	ssub.s32 $0x0, s20;
	[sflag:s22] =	ssyncset.done $0x0  }
0xa0: {  	[sflag:s22] =	ssyncadd.s32 s4;
	_ =	sdelay $0x1  }
0xa1: {  	s23 =	simm.s32 $0x1B8B  }
0xa2: {  	_ =	swait.ge [sflag:s23], $0x1  }
0xa3: {  	[sflag:s23] =	ssyncset.done $0x0  }
0xa4: {  	s25 =	simm.s32 $0x1B8E;
	s24 =	sld [smem:$0x3FFE];
	[sflag:s23] =	ssyncadd.s32 $0xFFFFFFFF  }
0xa5: {  	s26 =	simm.s32 $execute0_lowered;
	[smem:$0x3FD2] =	sst s25  }
0xa6: {  	s5 =	sshll.u32 s26, $0x1;
	_ =	strace $0x8000004C;
	[dreg:$0x1] =	wrdreg $0xFFFFFFFF  }
0xa7: {  	s28 =	simm.s32 $_size_execute0_lowered;
	s3 =	sadd.s32 s3, s5;
	[dreg:$0x0] =	wrdreg $0x0  }
0xa8: {  	s5 =	sshll.u32 s28, $0x1;
	[dreg:$0x2] =	wrdreg s3  }
0xa9: {  	[dreg:$0x3] =	wrdreg s5  }
0xaa: {  	[dreg:$0x4] =	wrdreg $0xC0  }
0xab: {  	_ =	task [dreg:s7], $0x5FFFF  }
0xac: {  	[dreg:$0x1] =	wrdreg $0xFFFFFFFF  }
0xad: {  	[dreg:$0x0] =	wrdreg $0x60  }
0xae: {  	[dreg:$0x2] =	wrdreg s24  }
0xaf: {  	[dreg:$0x3] =	wrdreg s2  }
0xb0: {  	[dreg:$0x4] =	wrdreg $0x9  }
0xb1: {  	_ =	task.clear_ibuf [dreg:s7], $0x5FFFF;
	_ =	strace $0x9000004C  }
0xb2: {  	s29 =	simm.s32 $0x9;
	_ =	strace $0x8000004E  }
0xb3: {  	_ =	swait.ge [sflag:s29], $0x1  }
0xb4: {  	[sflag:s29] =	ssyncadd.s32 $0xFFFFFFFF  }
0xb5: {  	_ =	strace $0x9000004E  }
0xb6: {  	_ =	sfence  }
0xb7: {  	s30 =	sld [smem:$0x0];
	_ =	sdelay $0x2  }
0xb8: {  	s31 =	sshll.u32 s1, $0xD;
	s1 =	sshrl.u32 s1, $0x2  }
0xb9: {  	s3 =	sand.u32 $0x4000, s31;
	s1 =	sadd.s32 s1, s30  }
0xba: {  	s0 =	sor.u32 s3, s0;
	s1 =	sshll.u32 s1, $0x11  }
0xbb: {  	s0 =	sor.u32 s1, s0  }
0xbc: {  	s0 =	sadd.s32 $0x8F2B, s0  }
0xbd: {  	[sflag:s0] =	ssyncadd.remote.s32 $0x1  }
0xbe: {  	_ =	sfence.sel $0xFFFF  }
0xbf: {  	[dreg:$0x0] =	wrdreg $0xFFFFFFFF;
	(pc) =	sbr.abs _section_cstart, $3  }
0xc0: {  	[dreg:$0x1] =	wrdreg $0xFFFFFFFF  }
0xc1: {  	_ =	task.clear_ibuf [dreg:s7], $0x2FFFF;
	_ =	strace $0x9FFFFFFF  }
0xc2: {  	(tm) =	ssettm $0x7FFFFFFF  }
0xc3: {  	_ =	shalt  }
tec
execute0_lowered:
.L_overlay_start_1:
0x0: {  	(tag) =	ssettag $0x1  }
0x1: {  	s0 =	rddreg [dreg:$0x0];
	s1 =	srdreg.scid  }
0x2: {  	s2 =	stileid.u32;
	s4 =	rddreg [dreg:$0x1]  }
0x3: {  	s17 =	simm.s32 $0x3;
	s18 =	simm.s32 $0x2780;
	s19 =	simm.s32 $0x4F00  }
0x4: {  	s20 =	simm.s32 $0x7680;
	s28 =	simm.s32 $0x11480;
	s29 =	simm.s32 $0x13C00  }
0x5: {  	s30 =	simm.s32 $0x16380;
	s31 =	simm.s32 $0x18B00;
	s21 =	simm.s32 $0x0  }
0x6: {  	s1 =	sand.u32 $0x1, s1;
	s3 =	sshll.u32 s2, $0x1;
	s2 =	simm.s32 $0x0  }
0x7: {  	s6 =	sadd.s32 $0x1F800, s0;
	s3 =	sor.u32 s1, s3;
	[smem:$0x7FF] =	sst s2  }
0x8: {  	s1 =	ssub.s32 $0x2, s1;
	s5 =	smul.u32 $0x9C40, s3;
	_ =	strace $0x8000004D  }
0x9: {  	s7 =	sshrl.u32 s1, $0x1;
	s8 =	smul.u32 $0x1388, s3;
	s3 =	sadd.s32 $0x10800, s0  }
0xa: {  	s0 =	simm.s32 $0x2;
	s22 =	ssub.s32 s1, s7;
	s1 =	simm.s32 $0x1B280  }
0xb: {  	s5 =	sshrl.u32 s5, $0x3;
	s24 =	sadd.s32 s6, s8;
	s8 =	sadd.s32 s4, s8  }
0xc: {  	s16 =	smax.u32 s22, $0x1;
	s22 =	simm.s32 $0x1E900;
	s23 =	sadd.s32 $0x4E2, s5  }
0xd: {  	[dreg:$0x3] =	wrdreg s24;
	s26 =	sadd.s32 $0x9C4, s5;
	s14 =	sadd.s32 $0xEA6, s5  }
0xe: {  	s5 =	sadd.s32 s4, s5;
	s24 =	simm.s32 $0x9E00;
	s25 =	sadd.s32 s6, s23  }
0xf: {  	s9 =	sadd.s32 s6, s26;
	s6 =	sadd.s32 s6, s14;
	s10 =	sadd.s32 s4, s23  }
0x10: {  	s11 =	sadd.s32 $0x275E2, s5;
	s12 =	sadd.s32 s4, s26;
	s13 =	sadd.s32 $0x27AC4, s5  }
0x11: {  	s14 =	sadd.s32 s4, s14;
	s15 =	sadd.s32 $0x27FA6, s5;
	[dreg:$0x4] =	wrdreg s25  }
0x12: {  	s23 =	simm.s32 $0x1;
	s26 =	simm.s32 $0xED00;
	[dreg:$0x5] =	wrdreg s9  }
0x13: {  	v0 =	vimm.f32 $0.0e+00;
	[dreg:$0x6] =	wrdreg s6;
	s9 =	sadd.s32 $0x27100, s5;
	s25 =	simm.s32 $0xC580  }
.LBB2_1:
0x14: {  	s4 =	rddreg [dreg:$0x3]  }
0x15: {  	[tilespmem:s2], [sflag:$0x3] =	stream.linear.gather [hbm4b:s4+s2], $0x2710, $0x38;
	[tilespmem:$0x1F800] =	vst v63  }
0x16: {  	_ =	swait.ge [sflag:s17], $0x2710  }
0x17: {  	[sflag:s17] =	ssyncset.done $0x0  }
0x18: {  	s5 =	simm.s32 $0x9E20;
	[sflag:s17] =	ssyncadd.s32 $0xFFFFD8F0  }
0x19: {  	[tilespmem:s5+$0xFFFFFFE0] =	vst v0  }
0x1a: {  	[tilespmem:s5+$0x20] =	vst v0  }
0x1b: {  	[tilespmem:s5+$0x10] =	vst v0  }
0x1c: {  	s6 =	simm.s32 $0x0;
	[tilespmem:s5+$0x0] =	vst v0  }
.LBB2_2:
0x1d: {  	s6 =	sadd.s32 $0x5, s6  }
0x1e: {  	[tilespmem:s5+$0xFFFFFFF0] =	vst v0;
	s5 =	sadd.s32 $0x50, s5;
	s4 =	simm.s32 $0xC5A0;
	p0 =	slt.u32 s6, $0x26C  }
.Ltmp0:
0x1f: {  	[tilespmem:s5+$0xFFFFFFE0] =	vst v0;
	(pc) =	sbr.rel @p0 .LBB2_2-.Ltmp0, $4  }
0x20: {  	_ = 	snop  }
0x21: {  	[tilespmem:s5+$0x20] =	vst v0  }
0x22: {  	[tilespmem:s5+$0x10] =	vst v0  }
0x23: {  	[tilespmem:s5+$0x0] =	vst v0  }
0x24: {  	[tilespmem:s5+$0xFFFFFFF0] =	vst v0  }
0x25: {  	[tilespmem:s4+$0xFFFFFFE0] =	vst v0  }
0x26: {  	[tilespmem:s4+$0x20] =	vst v0  }
0x27: {  	[tilespmem:s4+$0x10] =	vst v0  }
0x28: {  	s5 =	simm.s32 $0x0;
	[tilespmem:s4+$0x0] =	vst v0  }
.LBB2_4:
0x29: {  	s5 =	sadd.s32 $0x5, s5  }
0x2a: {  	[tilespmem:s4+$0xFFFFFFF0] =	vst v0;
	s4 =	sadd.s32 $0x50, s4;
	p0 =	slt.u32 s5, $0x26C  }
.Ltmp1:
0x2b: {  	[tilespmem:s4+$0xFFFFFFE0] =	vst v0;
	(pc) =	sbr.rel @p0 .LBB2_4-.Ltmp1, $4  }
0x2c: {  	_ = 	snop  }
0x2d: {  	[tilespmem:s4+$0x20] =	vst v0  }
0x2e: {  	[tilespmem:s4+$0x10] =	vst v0  }
0x2f: {  	[tilespmem:s4+$0x0] =	vst v0  }
0x30: {  	[tilespmem:s4+$0xFFFFFFF0] =	vst v0  }
0x31: {  	s4 =	rddreg [dreg:$0x4]  }
0x32: {  	[tilespmem:s18], [sflag:$0x3] =	stream.linear.gather [hbm4b:s4+s2], $0x2710, $0x38;
	[tilespmem:$0x1F800] =	vst v63  }
0x33: {  	_ =	swait.ge [sflag:s17], $0x2710  }
0x34: {  	[sflag:s17] =	ssyncset.done $0x0  }
0x35: {  	s5 =	simm.s32 $0xED20;
	[sflag:s17] =	ssyncadd.s32 $0xFFFFD8F0  }
0x36: {  	[tilespmem:s5+$0xFFFFFFE0] =	vst v0  }
0x37: {  	[tilespmem:s5+$0x20] =	vst v0  }
0x38: {  	[tilespmem:s5+$0x10] =	vst v0  }
0x39: {  	s6 =	simm.s32 $0x0;
	[tilespmem:s5+$0x0] =	vst v0  }
.LBB2_6:
0x3a: {  	s6 =	sadd.s32 $0x5, s6  }
0x3b: {  	[tilespmem:s5+$0xFFFFFFF0] =	vst v0;
	s5 =	sadd.s32 $0x50, s5;
	s4 =	simm.s32 $0x114A0;
	p0 =	slt.u32 s6, $0x26C  }
.Ltmp2:
0x3c: {  	[tilespmem:s5+$0xFFFFFFE0] =	vst v0;
	(pc) =	sbr.rel @p0 .LBB2_6-.Ltmp2, $4  }
0x3d: {  	_ = 	snop  }
0x3e: {  	[tilespmem:s5+$0x20] =	vst v0  }
0x3f: {  	[tilespmem:s5+$0x10] =	vst v0  }
0x40: {  	[tilespmem:s5+$0x0] =	vst v0  }
0x41: {  	[tilespmem:s5+$0xFFFFFFF0] =	vst v0  }
0x42: {  	[tilespmem:s4+$0xFFFFFFE0] =	vst v0  }
0x43: {  	[tilespmem:s4+$0x20] =	vst v0  }
0x44: {  	[tilespmem:s4+$0x10] =	vst v0  }
0x45: {  	s5 =	simm.s32 $0x0;
	[tilespmem:s4+$0x0] =	vst v0  }
.LBB2_8:
0x46: {  	s5 =	sadd.s32 $0x5, s5  }
0x47: {  	[tilespmem:s4+$0xFFFFFFF0] =	vst v0;
	s4 =	sadd.s32 $0x50, s4;
	p0 =	slt.u32 s5, $0x26C  }
.Ltmp3:
0x48: {  	[tilespmem:s4+$0xFFFFFFE0] =	vst v0;
	(pc) =	sbr.rel @p0 .LBB2_8-.Ltmp3, $4  }
0x49: {  	_ = 	snop  }
0x4a: {  	[tilespmem:s4+$0x20] =	vst v0  }
0x4b: {  	[tilespmem:s4+$0x10] =	vst v0  }
0x4c: {  	[tilespmem:s4+$0x0] =	vst v0  }
0x4d: {  	[tilespmem:s4+$0xFFFFFFF0] =	vst v0  }
0x4e: {  	s4 =	rddreg [dreg:$0x5]  }
0x4f: {  	[tilespmem:s19], [sflag:$0x3] =	stream.linear.gather [hbm4b:s4+s2], $0x2710, $0x38;
	[tilespmem:$0x1F800] =	vst v63  }
0x50: {  	_ =	swait.ge [sflag:s17], $0x2710  }
0x51: {  	[sflag:s17] =	ssyncset.done $0x0  }
0x52: {  	s5 =	simm.s32 $0x13C20;
	[sflag:s17] =	ssyncadd.s32 $0xFFFFD8F0  }
0x53: {  	[tilespmem:s5+$0xFFFFFFE0] =	vst v0  }
0x54: {  	[tilespmem:s5+$0x20] =	vst v0  }
0x55: {  	[tilespmem:s5+$0x10] =	vst v0  }
0x56: {  	s6 =	simm.s32 $0x0;
	[tilespmem:s5+$0x0] =	vst v0  }
.LBB2_10:
0x57: {  	s6 =	sadd.s32 $0x5, s6  }
0x58: {  	[tilespmem:s5+$0xFFFFFFF0] =	vst v0;
	s5 =	sadd.s32 $0x50, s5;
	s4 =	simm.s32 $0x163A0;
	p0 =	slt.u32 s6, $0x26C  }
.Ltmp4:
0x59: {  	[tilespmem:s5+$0xFFFFFFE0] =	vst v0;
	(pc) =	sbr.rel @p0 .LBB2_10-.Ltmp4, $4  }
0x5a: {  	_ = 	snop  }
0x5b: {  	[tilespmem:s5+$0x20] =	vst v0  }
0x5c: {  	[tilespmem:s5+$0x10] =	vst v0  }
0x5d: {  	[tilespmem:s5+$0x0] =	vst v0  }
0x5e: {  	[tilespmem:s5+$0xFFFFFFF0] =	vst v0  }
0x5f: {  	[tilespmem:s4+$0xFFFFFFE0] =	vst v0  }
0x60: {  	[tilespmem:s4+$0x20] =	vst v0  }
0x61: {  	[tilespmem:s4+$0x10] =	vst v0  }
0x62: {  	s5 =	simm.s32 $0x0;
	[tilespmem:s4+$0x0] =	vst v0  }
.LBB2_12:
0x63: {  	s5 =	sadd.s32 $0x5, s5  }
0x64: {  	[tilespmem:s4+$0xFFFFFFF0] =	vst v0;
	s4 =	sadd.s32 $0x50, s4;
	p0 =	slt.u32 s5, $0x26C  }
.Ltmp5:
0x65: {  	[tilespmem:s4+$0xFFFFFFE0] =	vst v0;
	(pc) =	sbr.rel @p0 .LBB2_12-.Ltmp5, $4  }
0x66: {  	_ = 	snop  }
0x67: {  	[tilespmem:s4+$0x20] =	vst v0  }
0x68: {  	[tilespmem:s4+$0x10] =	vst v0  }
0x69: {  	[tilespmem:s4+$0x0] =	vst v0  }
0x6a: {  	[tilespmem:s4+$0xFFFFFFF0] =	vst v0  }
0x6b: {  	s4 =	rddreg [dreg:$0x6]  }
0x6c: {  	[tilespmem:s20], [sflag:$0x3] =	stream.linear.gather [hbm4b:s4+s2], $0x2710, $0x38;
	[tilespmem:$0x1F800] =	vst v63  }
0x6d: {  	_ =	swait.ge [sflag:s17], $0x2710  }
0x6e: {  	[sflag:s17] =	ssyncset.done $0x0  }
0x6f: {  	s5 =	simm.s32 $0x18B20;
	[sflag:s17] =	ssyncadd.s32 $0xFFFFD8F0  }
0x70: {  	[tilespmem:s5+$0xFFFFFFE0] =	vst v0  }
0x71: {  	[tilespmem:s5+$0x20] =	vst v0  }
0x72: {  	[tilespmem:s5+$0x10] =	vst v0  }
0x73: {  	s6 =	simm.s32 $0x0;
	[tilespmem:s5+$0x0] =	vst v0  }
.LBB2_14:
0x74: {  	s6 =	sadd.s32 $0x5, s6  }
0x75: {  	[tilespmem:s5+$0xFFFFFFF0] =	vst v0;
	s5 =	sadd.s32 $0x50, s5;
	s4 =	simm.s32 $0x1B2A0;
	p0 =	slt.u32 s6, $0x26C  }
.Ltmp6:
0x76: {  	[tilespmem:s5+$0xFFFFFFE0] =	vst v0;
	(pc) =	sbr.rel @p0 .LBB2_14-.Ltmp6, $4  }
0x77: {  	_ = 	snop  }
0x78: {  	[tilespmem:s5+$0x20] =	vst v0  }
0x79: {  	[tilespmem:s5+$0x10] =	vst v0  }
0x7a: {  	[tilespmem:s5+$0x0] =	vst v0  }
0x7b: {  	[tilespmem:s5+$0xFFFFFFF0] =	vst v0  }
0x7c: {  	[tilespmem:s4+$0xFFFFFFE0] =	vst v0  }
0x7d: {  	[tilespmem:s4+$0x20] =	vst v0  }
0x7e: {  	[tilespmem:s4+$0x10] =	vst v0  }
0x7f: {  	s5 =	simm.s32 $0x0;
	[tilespmem:s4+$0x0] =	vst v0  }
.LBB2_16:
0x80: {  	s5 =	sadd.s32 $0x5, s5  }
0x81: {  	[tilespmem:s4+$0xFFFFFFF0] =	vst v0;
	s4 =	sadd.s32 $0x50, s4;
	p0 =	slt.u32 s5, $0x26C  }
.Ltmp7:
0x82: {  	[tilespmem:s4+$0xFFFFFFE0] =	vst v0;
	(pc) =	sbr.rel @p0 .LBB2_16-.Ltmp7, $4  }
0x83: {  	_ = 	snop  }
0x84: {  	[tilespmem:s4+$0x20] =	vst v0  }
0x85: {  	[tilespmem:s4+$0x10] =	vst v0  }
0x86: {  	[tilespmem:s4+$0x0] =	vst v0  }
0x87: {  	[tilespmem:s4+$0xFFFFFFF0] =	vst v0;
	s4 =	simm.s32 $0x0;
	s5 =	simm.s32 $0x1DA00  }
0x88: {  	[tilespmem:s5], [sflag:$0x1] =	stream.linear.gather [hbm4b:s3+s4], $0xF00, $0x38;
	[tilespmem:$0x1F800] =	vst v63  }
.LBB2_18:
0x89: {  	s5 =	smul.u32 $0x1E00, s4;
	_ =	sdelay $0x1  }
0x8a: {  	s6 =	sshrl.u32 s5, $0x3  }
0x8b: {  	s6 =	sadd.s32 s3, s6  }
0x8c: {  	s6 =	sadd.s32 $0x1E0, s6  }
0x8d: {  	[tilespmem:s22], [sflag:$0x2] =	stream.linear.gather [hbm4b:s6+s2], $0xF00, $0x38;
	[tilespmem:$0x1F800] =	vst v63  }
0x8e: {  	_ =	swait.ge [sflag:s23], $0xF00  }
0x8f: {  	[sflag:s23] =	ssyncset.done $0x0  }
0x90: {  	s7 =	simm.s32 $0x1DF80;
	s6 =	simm.s32 $0xFFFFFFF0;
	[sflag:s23] =	ssyncadd.s32 $0xFFFFF100  }
.LBB2_19:
0x91: {  	v1 =	vld [tilespmem:s7+$0xFFFFFA80];
	_ =	sdelay $0x6  }
0x92: {  	v2 =	vld [tilespmem:s7+$0xFFFFFF80]  }
0x93: {  	v3 =	vld.idx.msk [tilespmem:v1+s2+$0x0], $0xffff  }
0x94: {  	v4 =	vld [tilespmem:s7+$0x480]  }
0x95: {  	v6 =	vld [tilespmem:s7+$0xFFFFFA90]  }
0x96: {  	v17 =	vld [tilespmem:s7+$0xFFFFFF90]  }
0x97: {  	v9 =	vld [tilespmem:s7+$0x490]  }
0x98: {  	v10 =	vld [tilespmem:s7+$0xFFFFFAA0];
	v5 =	vunpack.i.l.bf16.f32 v3  }
0x99: {  	v11 =	vld [tilespmem:s7+$0xFFFFFFA0];
	v3 =	vunpack.i.u.bf16.f32 v3;
	v5 =	vmul.f32 v5, v4  }
0x9a: {  	v13 =	vld [tilespmem:s7+$0x4A0];
	v3 =	vmul.f32 v3, v4  }
0x9b: {  	[tilespmem:v2+s24+$0x0] =	vst.idx.add.f32.msk $0xffff, v5  }
0x9c: {  	[tilespmem:v2+s25+$0x0] =	vst.idx.add.f32.msk $0xffff, v3  }
0x9d: {  	v3 =	vld.idx.msk [tilespmem:v1+s18+$0x0], $0xffff  }
0x9e: {  	v14 =	vld [tilespmem:s7+$0xFFFFFAB0]  }
0x9f: {  	v7 =	vld.idx.msk [tilespmem:v6+s2+$0x0], $0xffff  }
0xa0: {  	v30 =	vld [tilespmem:s7+$0xFFFFFFB0]  }
0xa1: {  	v32 =	vld [tilespmem:s7+$0x4B0]  }
0xa2: {  	v34 =	vld [tilespmem:s7+$0xFFFFFAC0];
	v8 =	vunpack.i.l.bf16.f32 v3  }
0xa3: {  	v36 =	vld [tilespmem:s7+$0x4C0];
	v3 =	vunpack.i.u.bf16.f32 v3;
	v8 =	vmul.f32 v8, v4  }
0xa4: {  	v38 =	vld [tilespmem:s7+$0xFFFFFAD0];
	v18 =	vunpack.i.l.bf16.f32 v7;
	v3 =	vmul.f32 v3, v4  }
0xa5: {  	v19 =	vmul.f32 v18, v9;
	[tilespmem:v2+s26+$0x0] =	vst.idx.add.f32.msk $0xffff, v8  }
0xa6: {  	[tilespmem:v2+s28+$0x0] =	vst.idx.add.f32.msk $0xffff, v3;
	v3 =	vunpack.i.u.bf16.f32 v7  }
0xa7: {  	[tilespmem:v17+s24+$0x0] =	vst.idx.add.f32.msk $0xffff, v19;
	v3 =	vmul.f32 v3, v9  }
0xa8: {  	v20 =	vld.idx.msk [tilespmem:v1+s19+$0x0], $0xffff  }
0xa9: {  	[tilespmem:v17+s25+$0x0] =	vst.idx.add.f32.msk $0xffff, v3  }
0xaa: {  	v3 =	vld.idx.msk [tilespmem:v6+s18+$0x0], $0xffff  }
0xab: {  	v40 =	vld [tilespmem:s7+$0xFFFFFFD0]  }
0xac: {  	v16 =	vld [tilespmem:s7+$0x4D0]  }
0xad: {  	v47 =	vld [tilespmem:s7+$0xFFFFFAE0];
	v21 =	vunpack.i.l.bf16.f32 v20  }
0xae: {  	v49 =	vld [tilespmem:s7+$0xFFFFFFE0];
	v7 =	vmul.f32 v21, v4  }
0xaf: {  	v12 =	vld.idx.msk [tilespmem:v10+s2+$0x0], $0xffff;
	v22 =	vunpack.i.l.bf16.f32 v3  }
0xb0: {  	[tilespmem:v2+s29+$0x0] =	vst.idx.add.f32.msk $0xffff, v7;
	v3 =	vunpack.i.u.bf16.f32 v3;
	v7 =	vmul.f32 v22, v9  }
0xb1: {  	v51 =	vld [tilespmem:s7+$0x4E0];
	v3 =	vmul.f32 v3, v9  }
0xb2: {  	[tilespmem:v17+s26+$0x0] =	vst.idx.add.f32.msk $0xffff, v7  }
0xb3: {  	v8 =	vunpack.i.u.bf16.f32 v20;
	[tilespmem:v17+s28+$0x0] =	vst.idx.add.f32.msk $0xffff, v3  }
0xb4: {  	v8 =	vmul.f32 v8, v4;
	v24 =	vld.idx.msk [tilespmem:v6+s19+$0x0], $0xffff  }
0xb5: {  	v53 =	vld [tilespmem:s7+$0xFFFFFAF0];
	v23 =	vunpack.i.l.bf16.f32 v12  }
0xb6: {  	[tilespmem:v2+s30+$0x0] =	vst.idx.add.f32.msk $0xffff, v8;
	v7 =	vmul.f32 v23, v13;
	v3 =	vunpack.i.u.bf16.f32 v12  }
0xb7: {  	v1 =	vld.idx.msk [tilespmem:v1+s20+$0x0], $0xffff;
	v3 =	vmul.f32 v3, v13  }
0xb8: {  	[tilespmem:v11+s24+$0x0] =	vst.idx.add.f32.msk $0xffff, v7  }
0xb9: {  	[tilespmem:v11+s25+$0x0] =	vst.idx.add.f32.msk $0xffff, v3;
	v26 =	vunpack.i.l.bf16.f32 v24  }
0xba: {  	v3 =	vld.idx.msk [tilespmem:v10+s18+$0x0], $0xffff;
	v8 =	vunpack.i.u.bf16.f32 v24;
	v12 =	vmul.f32 v26, v9  }
0xbb: {  	v54 =	vld [tilespmem:s7+$0xFFFFFFF0];
	v27 =	vmul.f32 v8, v9  }
0xbc: {  	[tilespmem:v17+s29+$0x0] =	vst.idx.add.f32.msk $0xffff, v12  }
0xbd: {  	[tilespmem:v17+s30+$0x0] =	vst.idx.add.f32.msk $0xffff, v27  }
0xbe: {  	v25 =	vunpack.i.l.bf16.f32 v1;
	v6 =	vld.idx.msk [tilespmem:v6+s20+$0x0], $0xffff  }
0xbf: {  	v57 =	vld [tilespmem:s7+$0x4F0];
	v7 =	vmul.f32 v25, v4;
	v28 =	vunpack.i.l.bf16.f32 v3  }
0xc0: {  	v31 =	vld.idx.msk [tilespmem:v14+s2+$0x0], $0xffff;
	v3 =	vunpack.i.u.bf16.f32 v3;
	v29 =	vmul.f32 v28, v13  }
0xc1: {  	v1 =	vunpack.i.u.bf16.f32 v1;
	[tilespmem:v2+s31+$0x0] =	vst.idx.add.f32.msk $0xffff, v7;
	v3 =	vmul.f32 v3, v13  }
0xc2: {  	v1 =	vmul.f32 v1, v4;
	[tilespmem:v11+s26+$0x0] =	vst.idx.add.f32.msk $0xffff, v29  }
0xc3: {  	[tilespmem:v11+s28+$0x0] =	vst.idx.add.f32.msk $0xffff, v3;
	v3 =	vunpack.i.l.bf16.f32 v6  }
0xc4: {  	[tilespmem:v2+s1+$0x0] =	vst.idx.add.f32.msk $0xffff, v1;
	v1 =	vunpack.i.u.bf16.f32 v6;
	v2 =	vmul.f32 v3, v9  }
0xc5: {  	v33 =	vld.idx.msk [tilespmem:v10+s19+$0x0], $0xffff;
	v1 =	vmul.f32 v1, v9;
	v3 =	vunpack.i.l.bf16.f32 v31  }
0xc6: {  	v3 =	vmul.f32 v3, v32;
	[tilespmem:v17+s31+$0x0] =	vst.idx.add.f32.msk $0xffff, v2;
	v2 =	vunpack.i.u.bf16.f32 v31  }
0xc7: {  	[tilespmem:v17+s1+$0x0] =	vst.idx.add.f32.msk $0xffff, v1;
	v1 =	vmul.f32 v2, v32  }
0xc8: {  	[tilespmem:v30+s24+$0x0] =	vst.idx.add.f32.msk $0xffff, v3  }
0xc9: {  	[tilespmem:v30+s25+$0x0] =	vst.idx.add.f32.msk $0xffff, v1  }
0xca: {  	v2 =	vunpack.i.l.bf16.f32 v33;
	v1 =	vld.idx.msk [tilespmem:v14+s18+$0x0], $0xffff  }
0xcb: {  	v60 =	vld [tilespmem:s7+$0xFFFFFB00];
	v2 =	vmul.f32 v2, v13  }
0xcc: {  	v35 =	vld.idx.msk [tilespmem:v34+s2+$0x0], $0xffff  }
0xcd: {  	v3 =	vunpack.i.u.bf16.f32 v33;
	[tilespmem:v11+s29+$0x0] =	vst.idx.add.f32.msk $0xffff, v2  }
0xce: {  	v3 =	vmul.f32 v3, v13;
	v2 =	vld [tilespmem:s7+$0xFFFFFFC0]  }
0xcf: {  	v41 =	vld.idx.msk [tilespmem:v38+s2+$0x0], $0xffff;
	v37 =	vunpack.i.l.bf16.f32 v1  }
0xd0: {  	[tilespmem:v11+s30+$0x0] =	vst.idx.add.f32.msk $0xffff, v3;
	v1 =	vunpack.i.u.bf16.f32 v1;
	v3 =	vmul.f32 v37, v32  }
0xd1: {  	v50 =	vld.idx.msk [tilespmem:v47+s2+$0x0], $0xffff;
	v1 =	vmul.f32 v1, v32  }
0xd2: {  	[tilespmem:v30+s26+$0x0] =	vst.idx.add.f32.msk $0xffff, v3  }
0xd3: {  	v3 =	vunpack.i.l.bf16.f32 v35;
	[tilespmem:v30+s28+$0x0] =	vst.idx.add.f32.msk $0xffff, v1  }
0xd4: {  	v1 =	vmul.f32 v3, v36;
	v3 =	vld.idx.msk [tilespmem:v14+s19+$0x0], $0xffff  }
0xd5: {  	v55 =	vld.idx.msk [tilespmem:v53+s2+$0x0], $0xffff  }
0xd6: {  	[tilespmem:v2+s24+$0x0] =	vst.idx.add.f32.msk $0xffff, v1;
	v1 =	vunpack.i.u.bf16.f32 v35  }
0xd7: {  	v18 =	vld.idx.msk [tilespmem:v60+s2+$0x0], $0xffff;
	v1 =	vmul.f32 v1, v36  }
0xd8: {  	v23 =	vld [tilespmem:s7+$0xFFFFFB10]  }
0xd9: {  	[tilespmem:v2+s25+$0x0] =	vst.idx.add.f32.msk $0xffff, v1;
	v17 =	vunpack.i.l.bf16.f32 v3  }
0xda: {  	v1 =	vunpack.i.u.bf16.f32 v3;
	v42 =	vld.idx.msk [tilespmem:v34+s18+$0x0], $0xffff;
	v3 =	vmul.f32 v17, v32  }
0xdb: {  	v27 =	vld [tilespmem:s7+$0x10];
	v1 =	vmul.f32 v1, v32  }
0xdc: {  	[tilespmem:v30+s29+$0x0] =	vst.idx.add.f32.msk $0xffff, v3;
	v3 =	vunpack.i.l.bf16.f32 v41  }
0xdd: {  	[tilespmem:v30+s30+$0x0] =	vst.idx.add.f32.msk $0xffff, v1;
	v1 =	vunpack.i.u.bf16.f32 v41;
	v3 =	vmul.f32 v3, v16  }
0xde: {  	v43 =	vld.idx.msk [tilespmem:v14+s20+$0x0], $0xffff;
	v1 =	vmul.f32 v1, v16  }
0xdf: {  	v44 =	vunpack.i.l.bf16.f32 v42;
	[tilespmem:v40+s24+$0x0] =	vst.idx.add.f32.msk $0xffff, v3  }
0xe0: {  	v3 =	vunpack.i.u.bf16.f32 v42;
	v14 =	vmul.f32 v44, v36;
	[tilespmem:v40+s25+$0x0] =	vst.idx.add.f32.msk $0xffff, v1  }
0xe1: {  	v1 =	vmul.f32 v3, v36;
	v3 =	vld.idx.msk [tilespmem:v38+s18+$0x0], $0xffff  }
0xe2: {  	[tilespmem:v2+s26+$0x0] =	vst.idx.add.f32.msk $0xffff, v14  }
0xe3: {  	[tilespmem:v2+s28+$0x0] =	vst.idx.add.f32.msk $0xffff, v1  }
0xe4: {  	v1 =	vunpack.i.l.bf16.f32 v43;
	v45 =	vld.idx.msk [tilespmem:v34+s19+$0x0], $0xffff  }
0xe5: {  	v39 =	vld.idx.msk [tilespmem:v10+s20+$0x0], $0xffff;
	v1 =	vmul.f32 v1, v32  }
0xe6: {  	v28 =	vld.idx.msk [tilespmem:v23+s2+$0x0], $0xffff;
	v46 =	vunpack.i.l.bf16.f32 v3  }
0xe7: {  	[tilespmem:v30+s31+$0x0] =	vst.idx.add.f32.msk $0xffff, v1;
	v1 =	vunpack.i.u.bf16.f32 v3;
	v3 =	vmul.f32 v46, v16  }
0xe8: {  	v29 =	vld [tilespmem:s7+$0x510];
	v1 =	vmul.f32 v1, v16  }
0xe9: {  	v48 =	vunpack.i.l.bf16.f32 v45;
	[tilespmem:v40+s26+$0x0] =	vst.idx.add.f32.msk $0xffff, v3  }
0xea: {  	v15 =	vunpack.i.l.bf16.f32 v39;
	v3 =	vmul.f32 v48, v36;
	[tilespmem:v40+s28+$0x0] =	vst.idx.add.f32.msk $0xffff, v1  }
0xeb: {  	v8 =	vunpack.i.u.bf16.f32 v39;
	v15 =	vmul.f32 v15, v13;
	v1 =	vld.idx.msk [tilespmem:v38+s19+$0x0], $0xffff  }
0xec: {  	v8 =	vmul.f32 v8, v13;
	[tilespmem:v2+s29+$0x0] =	vst.idx.add.f32.msk $0xffff, v3;
	v3 =	vunpack.i.u.bf16.f32 v45  }
0xed: {  	[tilespmem:v11+s31+$0x0] =	vst.idx.add.f32.msk $0xffff, v15;
	v3 =	vmul.f32 v3, v36  }
0xee: {  	[tilespmem:v11+s1+$0x0] =	vst.idx.add.f32.msk $0xffff, v8  }
0xef: {  	v4 =	vunpack.i.u.bf16.f32 v43;
	[tilespmem:v2+s30+$0x0] =	vst.idx.add.f32.msk $0xffff, v3  }
0xf0: {  	v4 =	vmul.f32 v4, v32;
	v6 =	vld.idx.msk [tilespmem:v34+s20+$0x0], $0xffff;
	v52 =	vunpack.i.l.bf16.f32 v1  }
0xf1: {  	v34 =	vld [tilespmem:s7+$0xFFFFFB20];
	v1 =	vunpack.i.u.bf16.f32 v1;
	v3 =	vmul.f32 v52, v16  }
0xf2: {  	[tilespmem:v30+s1+$0x0] =	vst.idx.add.f32.msk $0xffff, v4;
	v1 =	vmul.f32 v1, v16  }
0xf3: {  	[tilespmem:v40+s29+$0x0] =	vst.idx.add.f32.msk $0xffff, v3  }
0xf4: {  	v3 =	vunpack.i.l.bf16.f32 v50;
	[tilespmem:v40+s30+$0x0] =	vst.idx.add.f32.msk $0xffff, v1  }
0xf5: {  	v1 =	vmul.f32 v3, v51;
	v56 =	vunpack.i.l.bf16.f32 v6;
	v3 =	vld.idx.msk [tilespmem:v38+s20+$0x0], $0xffff  }
0xf6: {  	v12 =	vmul.f32 v56, v36;
	v38 =	vld [tilespmem:s7+$0x20]  }
0xf7: {  	[tilespmem:v49+s24+$0x0] =	vst.idx.add.f32.msk $0xffff, v1;
	v1 =	vunpack.i.u.bf16.f32 v50  }
0xf8: {  	v1 =	vmul.f32 v1, v51;
	[tilespmem:v2+s31+$0x0] =	vst.idx.add.f32.msk $0xffff, v12  }
0xf9: {  	v6 =	vunpack.i.u.bf16.f32 v6;
	v39 =	vld.idx.msk [tilespmem:v34+s2+$0x0], $0xffff  }
0xfa: {  	[tilespmem:v49+s25+$0x0] =	vst.idx.add.f32.msk $0xffff, v1;
	v1 =	vmul.f32 v6, v36  }
0xfb: {  	v59 =	vld.idx.msk [tilespmem:v47+s18+$0x0], $0xffff  }
0xfc: {  	[tilespmem:v2+s1+$0x0] =	vst.idx.add.f32.msk $0xffff, v1;
	v1 =	vunpack.i.l.bf16.f32 v55  }
0xfd: {  	v36 =	vld [tilespmem:s7+$0xFFFFFB30];
	v2 =	vunpack.i.u.bf16.f32 v55;
	v1 =	vmul.f32 v1, v57  }
0xfe: {  	v58 =	vunpack.i.l.bf16.f32 v3;
	v62 =	vunpack.i.u.bf16.f32 v3;
	v3 =	vld [tilespmem:s7+$0x0];
	v2 =	vmul.f32 v2, v57  }
0xff: {  	[tilespmem:v54+s24+$0x0] =	vst.idx.add.f32.msk $0xffff, v1  }
0x100: {  	v5 =	vmul.f32 v58, v16;
	v61 =	vunpack.i.l.bf16.f32 v59;
	[tilespmem:v54+s25+$0x0] =	vst.idx.add.f32.msk $0xffff, v2  }
0x101: {  	v4 =	vmul.f32 v61, v51;
	v2 =	vld.idx.msk [tilespmem:v53+s18+$0x0], $0xffff  }
0x102: {  	[tilespmem:v40+s31+$0x0] =	vst.idx.add.f32.msk $0xffff, v5;
	v1 =	vunpack.i.u.bf16.f32 v59  }
0x103: {  	v1 =	vmul.f32 v1, v51;
	[tilespmem:v49+s26+$0x0] =	vst.idx.add.f32.msk $0xffff, v4  }
0x104: {  	v4 =	vld [tilespmem:s7+$0x500]  }
0x105: {  	v63 =	vmul.f32 v62, v16;
	[tilespmem:v49+s28+$0x0] =	vst.idx.add.f32.msk $0xffff, v1  }
0x106: {  	v1 =	vld.idx.msk [tilespmem:v47+s19+$0x0], $0xffff;
	v17 =	vunpack.i.l.bf16.f32 v2  }
0x107: {  	[tilespmem:v40+s1+$0x0] =	vst.idx.add.f32.msk $0xffff, v63;
	v19 =	vmul.f32 v17, v57  }
0x108: {  	v40 =	vld [tilespmem:s7+$0x520];
	v2 =	vunpack.i.u.bf16.f32 v2  }
0x109: {  	v21 =	vunpack.i.l.bf16.f32 v18;
	v2 =	vmul.f32 v2, v57;
	[tilespmem:v54+s26+$0x0] =	vst.idx.add.f32.msk $0xffff, v19  }
0x10a: {  	v5 =	vunpack.i.u.bf16.f32 v39;
	v22 =	vmul.f32 v21, v4;
	v19 =	vunpack.i.l.bf16.f32 v39;
	v39 =	vld [tilespmem:s7+$0x70]  }
0x10b: {  	v20 =	vunpack.i.l.bf16.f32 v1;
	[tilespmem:v54+s28+$0x0] =	vst.idx.add.f32.msk $0xffff, v2  }
0x10c: {  	v1 =	vunpack.i.u.bf16.f32 v1;
	[tilespmem:v3+s24+$0x0] =	vst.idx.add.f32.msk $0xffff, v22;
	v6 =	vmul.f32 v20, v51  }
0x10d: {  	v1 =	vmul.f32 v1, v51;
	v2 =	vld.idx.msk [tilespmem:v53+s19+$0x0], $0xffff  }
0x10e: {  	[tilespmem:v49+s29+$0x0] =	vst.idx.add.f32.msk $0xffff, v6  }
0x10f: {  	[tilespmem:v49+s30+$0x0] =	vst.idx.add.f32.msk $0xffff, v1;
	v1 =	vunpack.i.u.bf16.f32 v18  }
0x110: {  	v20 =	vld [tilespmem:s7+$0x570];
	v1 =	vmul.f32 v1, v4  }
0x111: {  	v11 =	vld.idx.msk [tilespmem:v47+s20+$0x0], $0xffff  }
0x112: {  	v41 =	vmul.f32 v19, v40;
	v24 =	vunpack.i.l.bf16.f32 v2;
	[tilespmem:v3+s25+$0x0] =	vst.idx.add.f32.msk $0xffff, v1  }
0x113: {  	v1 =	vunpack.i.u.bf16.f32 v2;
	v2 =	vmul.f32 v24, v57;
	v25 =	vld.idx.msk [tilespmem:v60+s18+$0x0], $0xffff  }
0x114: {  	[tilespmem:v38+s24+$0x0] =	vst.idx.add.f32.msk $0xffff, v41;
	v1 =	vmul.f32 v1, v57  }
0x115: {  	[tilespmem:v54+s29+$0x0] =	vst.idx.add.f32.msk $0xffff, v2  }
0x116: {  	v5 =	vmul.f32 v5, v40;
	[tilespmem:v54+s30+$0x0] =	vst.idx.add.f32.msk $0xffff, v1  }
0x117: {  	v30 =	vunpack.i.l.bf16.f32 v11;
	v26 =	vld.idx.msk [tilespmem:v53+s20+$0x0], $0xffff  }
0x118: {  	[tilespmem:v38+s25+$0x0] =	vst.idx.add.f32.msk $0xffff, v5;
	v31 =	vmul.f32 v30, v51;
	v1 =	vunpack.i.l.bf16.f32 v25  }
0x119: {  	v6 =	vld [tilespmem:s7+$0x540];
	v2 =	vunpack.i.u.bf16.f32 v25;
	v1 =	vmul.f32 v1, v4  }
0x11a: {  	[tilespmem:v49+s31+$0x0] =	vst.idx.add.f32.msk $0xffff, v31;
	v2 =	vmul.f32 v2, v4  }
0x11b: {  	[tilespmem:v3+s26+$0x0] =	vst.idx.add.f32.msk $0xffff, v1;
	v1 =	vunpack.i.u.bf16.f32 v11  }
0x11c: {  	[tilespmem:v3+s28+$0x0] =	vst.idx.add.f32.msk $0xffff, v2;
	v1 =	vmul.f32 v1, v51;
	v2 =	vunpack.i.l.bf16.f32 v26  }
0x11d: {  	v33 =	vunpack.i.l.bf16.f32 v28;
	v32 =	vld.idx.msk [tilespmem:v60+s19+$0x0], $0xffff;
	v2 =	vmul.f32 v2, v57  }
0x11e: {  	[tilespmem:v49+s1+$0x0] =	vst.idx.add.f32.msk $0xffff, v1;
	v1 =	vmul.f32 v33, v29  }
0x11f: {  	[tilespmem:v54+s31+$0x0] =	vst.idx.add.f32.msk $0xffff, v2;
	v2 =	vunpack.i.u.bf16.f32 v28  }
0x120: {  	[tilespmem:v27+s24+$0x0] =	vst.idx.add.f32.msk $0xffff, v1;
	v1 =	vmul.f32 v2, v29  }
0x121: {  	v18 =	vld.idx.msk [tilespmem:v36+s2+$0x0], $0xffff  }
0x122: {  	[tilespmem:v27+s25+$0x0] =	vst.idx.add.f32.msk $0xffff, v1  }
0x123: {  	v35 =	vld.idx.msk [tilespmem:v23+s18+$0x0], $0xffff  }
0x124: {  	v45 =	vld.idx.msk [tilespmem:v34+s18+$0x0], $0xffff;
	v2 =	vunpack.i.l.bf16.f32 v32  }
0x125: {  	v30 =	vld [tilespmem:s7+$0xFFFFFB60];
	v1 =	vunpack.i.u.bf16.f32 v32;
	v2 =	vmul.f32 v2, v4  }
0x126: {  	v31 =	vld [tilespmem:s7+$0xFFFFFB70];
	v12 =	vunpack.i.u.bf16.f32 v26;
	v1 =	vmul.f32 v1, v4  }
0x127: {  	v43 =	vmul.f32 v12, v57;
	[tilespmem:v3+s29+$0x0] =	vst.idx.add.f32.msk $0xffff, v2  }
0x128: {  	[tilespmem:v3+s30+$0x0] =	vst.idx.add.f32.msk $0xffff, v1;
	v1 =	vunpack.i.l.bf16.f32 v35  }
0x129: {  	[tilespmem:v54+s1+$0x0] =	vst.idx.add.f32.msk $0xffff, v43;
	v1 =	vmul.f32 v1, v29  }
0x12a: {  	v37 =	vld.idx.msk [tilespmem:v60+s20+$0x0], $0xffff  }
0x12b: {  	v2 =	vunpack.i.u.bf16.f32 v35;
	[tilespmem:v27+s26+$0x0] =	vst.idx.add.f32.msk $0xffff, v1  }
0x12c: {  	v8 =	vmul.f32 v2, v29;
	v1 =	vld [tilespmem:s7+$0x30]  }
0x12d: {  	v2 =	vld [tilespmem:s7+$0x530]  }
0x12e: {  	[tilespmem:v27+s28+$0x0] =	vst.idx.add.f32.msk $0xffff, v8  }
0x12f: {  	v42 =	vld.idx.msk [tilespmem:v23+s19+$0x0], $0xffff  }
0x130: {  	v54 =	vunpack.i.l.bf16.f32 v45;
	v32 =	vld [tilespmem:s7+$0x50]  }
0x131: {  	v44 =	vunpack.i.l.bf16.f32 v18;
	v46 =	vunpack.i.u.bf16.f32 v18;
	v35 =	vld [tilespmem:s7+$0x60];
	v8 =	vmul.f32 v54, v40  }
0x132: {  	v48 =	vunpack.i.l.bf16.f32 v37;
	v11 =	vunpack.i.u.bf16.f32 v37;
	v37 =	vld [tilespmem:s7+$0x560];
	v5 =	vmul.f32 v44, v2  }
0x133: {  	v47 =	vmul.f32 v46, v2;
	[tilespmem:v38+s26+$0x0] =	vst.idx.add.f32.msk $0xffff, v8  }
0x134: {  	v50 =	vunpack.i.l.bf16.f32 v42;
	[tilespmem:v1+s24+$0x0] =	vst.idx.add.f32.msk $0xffff, v5  }
0x135: {  	v9 =	vmul.f32 v50, v29;
	[tilespmem:v1+s25+$0x0] =	vst.idx.add.f32.msk $0xffff, v47  }
0x136: {  	v52 =	vld.idx.msk [tilespmem:v36+s18+$0x0], $0xffff  }
0x137: {  	v49 =	vmul.f32 v48, v4;
	v51 =	vunpack.i.u.bf16.f32 v42;
	[tilespmem:v27+s29+$0x0] =	vst.idx.add.f32.msk $0xffff, v9  }
0x138: {  	v53 =	vmul.f32 v51, v29;
	v9 =	vld [tilespmem:s7+$0xFFFFFB40]  }
0x139: {  	v55 =	vunpack.i.u.bf16.f32 v45;
	[tilespmem:v3+s31+$0x0] =	vst.idx.add.f32.msk $0xffff, v49  }
0x13a: {  	v5 =	vmul.f32 v55, v40;
	[tilespmem:v27+s30+$0x0] =	vst.idx.add.f32.msk $0xffff, v53  }
0x13b: {  	v59 =	vld.idx.msk [tilespmem:v23+s20+$0x0], $0xffff  }
0x13c: {  	v4 =	vmul.f32 v11, v4;
	[tilespmem:v38+s28+$0x0] =	vst.idx.add.f32.msk $0xffff, v5;
	v56 =	vunpack.i.l.bf16.f32 v52  }
0x13d: {  	v58 =	vld.idx.msk [tilespmem:v34+s19+$0x0], $0xffff;
	v8 =	vmul.f32 v56, v2  }
0x13e: {  	[tilespmem:v3+s1+$0x0] =	vst.idx.add.f32.msk $0xffff, v4  }
0x13f: {  	v57 =	vunpack.i.u.bf16.f32 v52;
	[tilespmem:v1+s26+$0x0] =	vst.idx.add.f32.msk $0xffff, v8  }
0x140: {  	v5 =	vmul.f32 v57, v2;
	v24 =	vunpack.i.l.bf16.f32 v59;
	v25 =	vunpack.i.u.bf16.f32 v59;
	v62 =	vld.idx.msk [tilespmem:v9+s2+$0x0], $0xffff  }
0x141: {  	v11 =	vmul.f32 v24, v29;
	v3 =	vmul.f32 v25, v29;
	v29 =	vld [tilespmem:s7+$0xFFFFFB50]  }
0x142: {  	v60 =	vunpack.i.l.bf16.f32 v58;
	[tilespmem:v1+s28+$0x0] =	vst.idx.add.f32.msk $0xffff, v5  }
0x143: {  	v12 =	vunpack.i.u.bf16.f32 v58;
	v61 =	vmul.f32 v60, v40;
	v5 =	vld [tilespmem:s7+$0x40]  }
0x144: {  	v12 =	vmul.f32 v12, v40;
	v8 =	vld.idx.msk [tilespmem:v36+s19+$0x0], $0xffff  }
0x145: {  	[tilespmem:v38+s29+$0x0] =	vst.idx.add.f32.msk $0xffff, v61  }
0x146: {  	[tilespmem:v38+s30+$0x0] =	vst.idx.add.f32.msk $0xffff, v12  }
0x147: {  	[tilespmem:v27+s31+$0x0] =	vst.idx.add.f32.msk $0xffff, v11  }
0x148: {  	v7 =	vld.idx.msk [tilespmem:v34+s20+$0x0], $0xffff;
	v22 =	vunpack.i.l.bf16.f32 v62  }
0x149: {  	v34 =	vld [tilespmem:s7+$0x550];
	v12 =	vmul.f32 v22, v6;
	v63 =	vunpack.i.l.bf16.f32 v8  }
0x14a: {  	v8 =	vunpack.i.u.bf16.f32 v8;
	v21 =	vmul.f32 v63, v2;
	v33 =	vld.idx.msk [tilespmem:v29+s2+$0x0], $0xffff  }
0x14b: {  	v8 =	vmul.f32 v8, v2;
	[tilespmem:v5+s24+$0x0] =	vst.idx.add.f32.msk $0xffff, v12  }
0x14c: {  	v23 =	vunpack.i.u.bf16.f32 v62;
	[tilespmem:v1+s29+$0x0] =	vst.idx.add.f32.msk $0xffff, v21  }
0x14d: {  	[tilespmem:v1+s30+$0x0] =	vst.idx.add.f32.msk $0xffff, v8;
	v8 =	vmul.f32 v23, v6  }
0x14e: {  	v10 =	vld.idx.msk [tilespmem:v36+s20+$0x0], $0xffff  }
0x14f: {  	[tilespmem:v5+s25+$0x0] =	vst.idx.add.f32.msk $0xffff, v8  }
0x150: {  	v26 =	vunpack.i.l.bf16.f32 v7;
	v12 =	vld.idx.msk [tilespmem:v9+s18+$0x0], $0xffff  }
0x151: {  	[tilespmem:v27+s1+$0x0] =	vst.idx.add.f32.msk $0xffff, v3;
	v7 =	vunpack.i.u.bf16.f32 v7;
	v4 =	vmul.f32 v26, v40  }
0x152: {  	v3 =	vmul.f32 v7, v40;
	v40 =	vld.idx.msk [tilespmem:v31+s2+$0x0], $0xffff  }
0x153: {  	[tilespmem:v38+s31+$0x0] =	vst.idx.add.f32.msk $0xffff, v4;
	v27 =	vunpack.i.l.bf16.f32 v10  }
0x154: {  	[tilespmem:v38+s1+$0x0] =	vst.idx.add.f32.msk $0xffff, v3;
	v38 =	vunpack.i.l.bf16.f32 v33;
	v3 =	vmul.f32 v27, v2  }
0x155: {  	v36 =	vld.idx.msk [tilespmem:v30+s2+$0x0], $0xffff;
	v17 =	vmul.f32 v38, v34;
	v28 =	vunpack.i.l.bf16.f32 v12  }
0x156: {  	v4 =	vmul.f32 v28, v6;
	[tilespmem:v1+s31+$0x0] =	vst.idx.add.f32.msk $0xffff, v3;
	v3 =	vunpack.i.u.bf16.f32 v12  }
0x157: {  	[tilespmem:v32+s24+$0x0] =	vst.idx.add.f32.msk $0xffff, v17;
	v12 =	vunpack.i.u.bf16.f32 v33;
	v3 =	vmul.f32 v3, v6  }
0x158: {  	v12 =	vmul.f32 v12, v34;
	[tilespmem:v5+s26+$0x0] =	vst.idx.add.f32.msk $0xffff, v4  }
0x159: {  	[tilespmem:v5+s28+$0x0] =	vst.idx.add.f32.msk $0xffff, v3  }
0x15a: {  	v41 =	vunpack.i.l.bf16.f32 v36;
	[tilespmem:v32+s25+$0x0] =	vst.idx.add.f32.msk $0xffff, v12  }
0x15b: {  	v42 =	vunpack.i.u.bf16.f32 v36;
	v43 =	vmul.f32 v41, v37;
	v3 =	vld.idx.msk [tilespmem:v9+s19+$0x0], $0xffff  }
0x15c: {  	v12 =	vmul.f32 v42, v37;
	v44 =	vld.idx.msk [tilespmem:v29+s18+$0x0], $0xffff  }
0x15d: {  	v45 =	vunpack.i.l.bf16.f32 v40;
	[tilespmem:v35+s24+$0x0] =	vst.idx.add.f32.msk $0xffff, v43  }
0x15e: {  	v46 =	vunpack.i.u.bf16.f32 v40;
	v15 =	vmul.f32 v45, v20;
	[tilespmem:v35+s25+$0x0] =	vst.idx.add.f32.msk $0xffff, v12  }
0x15f: {  	v12 =	vmul.f32 v46, v20;
	v47 =	vld.idx.msk [tilespmem:v30+s18+$0x0], $0xffff  }
0x160: {  	[tilespmem:v39+s24+$0x0] =	vst.idx.add.f32.msk $0xffff, v15;
	v21 =	vunpack.i.l.bf16.f32 v3  }
0x161: {  	[tilespmem:v39+s25+$0x0] =	vst.idx.add.f32.msk $0xffff, v12;
	v49 =	vunpack.i.l.bf16.f32 v44;
	v48 =	vmul.f32 v21, v6  }
0x162: {  	v52 =	vld.idx.msk [tilespmem:v31+s18+$0x0], $0xffff;
	v50 =	vunpack.i.u.bf16.f32 v44;
	v51 =	vmul.f32 v49, v34  }
0x163: {  	v12 =	vmul.f32 v50, v34;
	[tilespmem:v5+s29+$0x0] =	vst.idx.add.f32.msk $0xffff, v48  }
0x164: {  	v53 =	vunpack.i.l.bf16.f32 v47;
	[tilespmem:v32+s26+$0x0] =	vst.idx.add.f32.msk $0xffff, v51  }
0x165: {  	v54 =	vunpack.i.u.bf16.f32 v47;
	v15 =	vmul.f32 v53, v37;
	[tilespmem:v32+s28+$0x0] =	vst.idx.add.f32.msk $0xffff, v12  }
0x166: {  	v12 =	vmul.f32 v54, v37;
	v17 =	vld.idx.msk [tilespmem:v29+s19+$0x0], $0xffff  }
0x167: {  	v55 =	vunpack.i.l.bf16.f32 v52;
	[tilespmem:v35+s26+$0x0] =	vst.idx.add.f32.msk $0xffff, v15  }
0x168: {  	v56 =	vunpack.i.u.bf16.f32 v52;
	v15 =	vmul.f32 v55, v20;
	[tilespmem:v35+s28+$0x0] =	vst.idx.add.f32.msk $0xffff, v12  }
0x169: {  	v12 =	vmul.f32 v56, v20;
	v57 =	vld.idx.msk [tilespmem:v30+s19+$0x0], $0xffff  }
0x16a: {  	v3 =	vunpack.i.u.bf16.f32 v3;
	[tilespmem:v39+s26+$0x0] =	vst.idx.add.f32.msk $0xffff, v15  }
0x16b: {  	v3 =	vmul.f32 v3, v6;
	[tilespmem:v39+s28+$0x0] =	vst.idx.add.f32.msk $0xffff, v12;
	v58 =	vunpack.i.l.bf16.f32 v17  }
0x16c: {  	v60 =	vld.idx.msk [tilespmem:v31+s19+$0x0], $0xffff;
	v59 =	vunpack.i.u.bf16.f32 v17;
	v15 =	vmul.f32 v58, v34  }
0x16d: {  	[tilespmem:v5+s30+$0x0] =	vst.idx.add.f32.msk $0xffff, v3;
	v3 =	vmul.f32 v59, v34  }
0x16e: {  	v61 =	vunpack.i.l.bf16.f32 v57;
	[tilespmem:v32+s29+$0x0] =	vst.idx.add.f32.msk $0xffff, v15  }
0x16f: {  	v12 =	vmul.f32 v61, v37;
	[tilespmem:v32+s30+$0x0] =	vst.idx.add.f32.msk $0xffff, v3;
	v3 =	vunpack.i.u.bf16.f32 v57  }
0x170: {  	v9 =	vld.idx.msk [tilespmem:v9+s20+$0x0], $0xffff;
	v3 =	vmul.f32 v3, v37  }
0x171: {  	v62 =	vunpack.i.l.bf16.f32 v60;
	[tilespmem:v35+s29+$0x0] =	vst.idx.add.f32.msk $0xffff, v12  }
0x172: {  	[tilespmem:v35+s30+$0x0] =	vst.idx.add.f32.msk $0xffff, v3;
	v3 =	vmul.f32 v62, v20  }
0x173: {  	v63 =	vunpack.i.u.bf16.f32 v60;
	v7 =	vld.idx.msk [tilespmem:v29+s20+$0x0], $0xffff  }
0x174: {  	[tilespmem:v39+s29+$0x0] =	vst.idx.add.f32.msk $0xffff, v3;
	v3 =	vmul.f32 v63, v20  }
0x175: {  	v10 =	vunpack.i.u.bf16.f32 v10;
	v4 =	vld.idx.msk [tilespmem:v30+s20+$0x0], $0xffff  }
0x176: {  	v2 =	vmul.f32 v10, v2;
	[tilespmem:v39+s30+$0x0] =	vst.idx.add.f32.msk $0xffff, v3;
	v3 =	vunpack.i.l.bf16.f32 v9  }
0x177: {  	v9 =	vunpack.i.u.bf16.f32 v9;
	v3 =	vmul.f32 v3, v6;
	v8 =	vld.idx.msk [tilespmem:v31+s20+$0x0], $0xffff  }
0x178: {  	[tilespmem:v1+s1+$0x0] =	vst.idx.add.f32.msk $0xffff, v2;
	v2 =	vunpack.i.l.bf16.f32 v7;
	v1 =	vmul.f32 v9, v6  }
0x179: {  	v2 =	vmul.f32 v2, v34;
	[tilespmem:v5+s31+$0x0] =	vst.idx.add.f32.msk $0xffff, v3;
	v3 =	vunpack.i.u.bf16.f32 v7  }
0x17a: {  	s6 =	sadd.s32 $0x10, s6;
	[tilespmem:v5+s1+$0x0] =	vst.idx.add.f32.msk $0xffff, v1;
	v1 =	vmul.f32 v3, v34;
	v3 =	vunpack.i.l.bf16.f32 v4  }
0x17b: {  	p0 =	slt.u32 s6, $0x40;
	[tilespmem:v32+s31+$0x0] =	vst.idx.add.f32.msk $0xffff, v2;
	v2 =	vunpack.i.u.bf16.f32 v4;
	v3 =	vmul.f32 v3, v37  }
.Ltmp8:
0x17c: {  	[tilespmem:v32+s1+$0x0] =	vst.idx.add.f32.msk $0xffff, v1;
	v1 =	vmul.f32 v2, v37;
	v2 =	vunpack.i.l.bf16.f32 v8;
	(pc) =	sbr.rel @p0 .LBB2_19-.Ltmp8, $4  }
0x17d: {  	[tilespmem:v35+s31+$0x0] =	vst.idx.add.f32.msk $0xffff, v3;
	v3 =	vunpack.i.u.bf16.f32 v8;
	v2 =	vmul.f32 v2, v20  }
0x17e: {  	[tilespmem:v35+s1+$0x0] =	vst.idx.add.f32.msk $0xffff, v1;
	v1 =	vmul.f32 v3, v20  }
0x17f: {  	[tilespmem:v39+s31+$0x0] =	vst.idx.add.f32.msk $0xffff, v2  }
0x180: {  	s7 =	sadd.s32 $0x100, s7;
	[tilespmem:v39+s1+$0x0] =	vst.idx.add.f32.msk $0xffff, v1  }
0x181: {  	p0 =	seq.s32 s4, $0x3F  }
0x182: {  	s5 =	sshrl.u32 @!p0 s5, $0x3  }
0x183: {  	s5 =	sadd.s32 @!p0 s3, s5  }
0x184: {  	s6 =	simm.s32 @!p0 $0x0;
	s7 =	simm.s32 @!p0 $0x1DA00;
	s5 =	sadd.s32 @!p0 $0x3C0, s5  }
0x185: {  	[tilespmem:s7], [sflag:$0x1] =	stream.linear.gather @!p0 [hbm4b:s5+s6], $0xF00, $0x38;
	[tilespmem:$0x1F800] =	vst v63  }
0x186: {  	_ =	swait.ge [sflag:s0], $0xF00  }
0x187: {  	[sflag:s0] =	ssyncset.done $0x0  }
0x188: {  	s5 =	simm.s32 $0xFFFFFFF0;
	s6 =	simm.s32 $0x1EE80;
	[sflag:s0] =	ssyncadd.s32 $0xFFFFF100  }
.LBB2_21:
0x189: {  	v1 =	vld [tilespmem:s6+$0xFFFFFA80];
	_ =	sdelay $0x6  }
0x18a: {  	v2 =	vld [tilespmem:s6+$0xFFFFFF80]  }
0x18b: {  	v3 =	vld.idx.msk [tilespmem:v1+s2+$0x0], $0xffff  }
0x18c: {  	v4 =	vld [tilespmem:s6+$0x480]  }
0x18d: {  	v6 =	vld [tilespmem:s6+$0xFFFFFA90]  }
0x18e: {  	v17 =	vld [tilespmem:s6+$0xFFFFFF90]  }
0x18f: {  	v9 =	vld [tilespmem:s6+$0x490]  }
0x190: {  	v10 =	vld [tilespmem:s6+$0xFFFFFAA0];
	v5 =	vunpack.i.l.bf16.f32 v3  }
0x191: {  	v11 =	vld [tilespmem:s6+$0xFFFFFFA0];
	v3 =	vunpack.i.u.bf16.f32 v3;
	v5 =	vmul.f32 v5, v4  }
0x192: {  	v13 =	vld [tilespmem:s6+$0x4A0];
	v3 =	vmul.f32 v3, v4  }
0x193: {  	[tilespmem:v2+s24+$0x0] =	vst.idx.add.f32.msk $0xffff, v5  }
0x194: {  	[tilespmem:v2+s25+$0x0] =	vst.idx.add.f32.msk $0xffff, v3  }
0x195: {  	v3 =	vld.idx.msk [tilespmem:v1+s18+$0x0], $0xffff  }
0x196: {  	v14 =	vld [tilespmem:s6+$0xFFFFFAB0]  }
0x197: {  	v7 =	vld.idx.msk [tilespmem:v6+s2+$0x0], $0xffff  }
0x198: {  	v30 =	vld [tilespmem:s6+$0xFFFFFFB0]  }
0x199: {  	v32 =	vld [tilespmem:s6+$0x4B0]  }
0x19a: {  	v34 =	vld [tilespmem:s6+$0xFFFFFAC0];
	v8 =	vunpack.i.l.bf16.f32 v3  }
0x19b: {  	v36 =	vld [tilespmem:s6+$0x4C0];
	v3 =	vunpack.i.u.bf16.f32 v3;
	v8 =	vmul.f32 v8, v4  }
0x19c: {  	v38 =	vld [tilespmem:s6+$0xFFFFFAD0];
	v18 =	vunpack.i.l.bf16.f32 v7;
	v3 =	vmul.f32 v3, v4  }
0x19d: {  	v19 =	vmul.f32 v18, v9;
	[tilespmem:v2+s26+$0x0] =	vst.idx.add.f32.msk $0xffff, v8  }
0x19e: {  	[tilespmem:v2+s28+$0x0] =	vst.idx.add.f32.msk $0xffff, v3;
	v3 =	vunpack.i.u.bf16.f32 v7  }
0x19f: {  	[tilespmem:v17+s24+$0x0] =	vst.idx.add.f32.msk $0xffff, v19;
	v3 =	vmul.f32 v3, v9  }
0x1a0: {  	v20 =	vld.idx.msk [tilespmem:v1+s19+$0x0], $0xffff  }
0x1a1: {  	[tilespmem:v17+s25+$0x0] =	vst.idx.add.f32.msk $0xffff, v3  }
0x1a2: {  	v3 =	vld.idx.msk [tilespmem:v6+s18+$0x0], $0xffff  }
0x1a3: {  	v40 =	vld [tilespmem:s6+$0xFFFFFFD0]  }
0x1a4: {  	v16 =	vld [tilespmem:s6+$0x4D0]  }
0x1a5: {  	v47 =	vld [tilespmem:s6+$0xFFFFFAE0];
	v21 =	vunpack.i.l.bf16.f32 v20  }
0x1a6: {  	v49 =	vld [tilespmem:s6+$0xFFFFFFE0];
	v7 =	vmul.f32 v21, v4  }
0x1a7: {  	v12 =	vld.idx.msk [tilespmem:v10+s2+$0x0], $0xffff;
	v22 =	vunpack.i.l.bf16.f32 v3  }
0x1a8: {  	[tilespmem:v2+s29+$0x0] =	vst.idx.add.f32.msk $0xffff, v7;
	v3 =	vunpack.i.u.bf16.f32 v3;
	v7 =	vmul.f32 v22, v9  }
0x1a9: {  	v51 =	vld [tilespmem:s6+$0x4E0];
	v3 =	vmul.f32 v3, v9  }
0x1aa: {  	[tilespmem:v17+s26+$0x0] =	vst.idx.add.f32.msk $0xffff, v7  }
0x1ab: {  	v8 =	vunpack.i.u.bf16.f32 v20;
	[tilespmem:v17+s28+$0x0] =	vst.idx.add.f32.msk $0xffff, v3  }
0x1ac: {  	v8 =	vmul.f32 v8, v4;
	v24 =	vld.idx.msk [tilespmem:v6+s19+$0x0], $0xffff  }
0x1ad: {  	v53 =	vld [tilespmem:s6+$0xFFFFFAF0];
	v23 =	vunpack.i.l.bf16.f32 v12  }
0x1ae: {  	[tilespmem:v2+s30+$0x0] =	vst.idx.add.f32.msk $0xffff, v8;
	v7 =	vmul.f32 v23, v13;
	v3 =	vunpack.i.u.bf16.f32 v12  }
0x1af: {  	v1 =	vld.idx.msk [tilespmem:v1+s20+$0x0], $0xffff;
	v3 =	vmul.f32 v3, v13  }
0x1b0: {  	[tilespmem:v11+s24+$0x0] =	vst.idx.add.f32.msk $0xffff, v7  }
0x1b1: {  	[tilespmem:v11+s25+$0x0] =	vst.idx.add.f32.msk $0xffff, v3;
	v26 =	vunpack.i.l.bf16.f32 v24  }
0x1b2: {  	v3 =	vld.idx.msk [tilespmem:v10+s18+$0x0], $0xffff;
	v8 =	vunpack.i.u.bf16.f32 v24;
	v12 =	vmul.f32 v26, v9  }
0x1b3: {  	v54 =	vld [tilespmem:s6+$0xFFFFFFF0];
	v27 =	vmul.f32 v8, v9  }
0x1b4: {  	[tilespmem:v17+s29+$0x0] =	vst.idx.add.f32.msk $0xffff, v12  }
0x1b5: {  	[tilespmem:v17+s30+$0x0] =	vst.idx.add.f32.msk $0xffff, v27  }
0x1b6: {  	v25 =	vunpack.i.l.bf16.f32 v1;
	v6 =	vld.idx.msk [tilespmem:v6+s20+$0x0], $0xffff  }
0x1b7: {  	v57 =	vld [tilespmem:s6+$0x4F0];
	v7 =	vmul.f32 v25, v4;
	v28 =	vunpack.i.l.bf16.f32 v3  }
0x1b8: {  	v31 =	vld.idx.msk [tilespmem:v14+s2+$0x0], $0xffff;
	v3 =	vunpack.i.u.bf16.f32 v3;
	v29 =	vmul.f32 v28, v13  }
0x1b9: {  	v1 =	vunpack.i.u.bf16.f32 v1;
	[tilespmem:v2+s31+$0x0] =	vst.idx.add.f32.msk $0xffff, v7;
	v3 =	vmul.f32 v3, v13  }
0x1ba: {  	v1 =	vmul.f32 v1, v4;
	[tilespmem:v11+s26+$0x0] =	vst.idx.add.f32.msk $0xffff, v29  }
0x1bb: {  	[tilespmem:v11+s28+$0x0] =	vst.idx.add.f32.msk $0xffff, v3;
	v3 =	vunpack.i.l.bf16.f32 v6  }
0x1bc: {  	[tilespmem:v2+s1+$0x0] =	vst.idx.add.f32.msk $0xffff, v1;
	v1 =	vunpack.i.u.bf16.f32 v6;
	v2 =	vmul.f32 v3, v9  }
0x1bd: {  	v33 =	vld.idx.msk [tilespmem:v10+s19+$0x0], $0xffff;
	v1 =	vmul.f32 v1, v9;
	v3 =	vunpack.i.l.bf16.f32 v31  }
0x1be: {  	v3 =	vmul.f32 v3, v32;
	[tilespmem:v17+s31+$0x0] =	vst.idx.add.f32.msk $0xffff, v2;
	v2 =	vunpack.i.u.bf16.f32 v31  }
0x1bf: {  	[tilespmem:v17+s1+$0x0] =	vst.idx.add.f32.msk $0xffff, v1;
	v1 =	vmul.f32 v2, v32  }
0x1c0: {  	[tilespmem:v30+s24+$0x0] =	vst.idx.add.f32.msk $0xffff, v3  }
0x1c1: {  	[tilespmem:v30+s25+$0x0] =	vst.idx.add.f32.msk $0xffff, v1  }
0x1c2: {  	v2 =	vunpack.i.l.bf16.f32 v33;
	v1 =	vld.idx.msk [tilespmem:v14+s18+$0x0], $0xffff  }
0x1c3: {  	v60 =	vld [tilespmem:s6+$0xFFFFFB00];
	v2 =	vmul.f32 v2, v13  }
0x1c4: {  	v35 =	vld.idx.msk [tilespmem:v34+s2+$0x0], $0xffff  }
0x1c5: {  	v3 =	vunpack.i.u.bf16.f32 v33;
	[tilespmem:v11+s29+$0x0] =	vst.idx.add.f32.msk $0xffff, v2  }
0x1c6: {  	v3 =	vmul.f32 v3, v13;
	v2 =	vld [tilespmem:s6+$0xFFFFFFC0]  }
0x1c7: {  	v41 =	vld.idx.msk [tilespmem:v38+s2+$0x0], $0xffff;
	v37 =	vunpack.i.l.bf16.f32 v1  }
0x1c8: {  	[tilespmem:v11+s30+$0x0] =	vst.idx.add.f32.msk $0xffff, v3;
	v1 =	vunpack.i.u.bf16.f32 v1;
	v3 =	vmul.f32 v37, v32  }
0x1c9: {  	v50 =	vld.idx.msk [tilespmem:v47+s2+$0x0], $0xffff;
	v1 =	vmul.f32 v1, v32  }
0x1ca: {  	[tilespmem:v30+s26+$0x0] =	vst.idx.add.f32.msk $0xffff, v3  }
0x1cb: {  	v3 =	vunpack.i.l.bf16.f32 v35;
	[tilespmem:v30+s28+$0x0] =	vst.idx.add.f32.msk $0xffff, v1  }
0x1cc: {  	v1 =	vmul.f32 v3, v36;
	v3 =	vld.idx.msk [tilespmem:v14+s19+$0x0], $0xffff  }
0x1cd: {  	v55 =	vld.idx.msk [tilespmem:v53+s2+$0x0], $0xffff  }
0x1ce: {  	[tilespmem:v2+s24+$0x0] =	vst.idx.add.f32.msk $0xffff, v1;
	v1 =	vunpack.i.u.bf16.f32 v35  }
0x1cf: {  	v18 =	vld.idx.msk [tilespmem:v60+s2+$0x0], $0xffff;
	v1 =	vmul.f32 v1, v36  }
0x1d0: {  	v23 =	vld [tilespmem:s6+$0xFFFFFB10]  }
0x1d1: {  	[tilespmem:v2+s25+$0x0] =	vst.idx.add.f32.msk $0xffff, v1;
	v17 =	vunpack.i.l.bf16.f32 v3  }
0x1d2: {  	v1 =	vunpack.i.u.bf16.f32 v3;
	v42 =	vld.idx.msk [tilespmem:v34+s18+$0x0], $0xffff;
	v3 =	vmul.f32 v17, v32  }
0x1d3: {  	v27 =	vld [tilespmem:s6+$0x10];
	v1 =	vmul.f32 v1, v32  }
0x1d4: {  	[tilespmem:v30+s29+$0x0] =	vst.idx.add.f32.msk $0xffff, v3;
	v3 =	vunpack.i.l.bf16.f32 v41  }
0x1d5: {  	[tilespmem:v30+s30+$0x0] =	vst.idx.add.f32.msk $0xffff, v1;
	v1 =	vunpack.i.u.bf16.f32 v41;
	v3 =	vmul.f32 v3, v16  }
0x1d6: {  	v43 =	vld.idx.msk [tilespmem:v14+s20+$0x0], $0xffff;
	v1 =	vmul.f32 v1, v16  }
0x1d7: {  	v44 =	vunpack.i.l.bf16.f32 v42;
	[tilespmem:v40+s24+$0x0] =	vst.idx.add.f32.msk $0xffff, v3  }
0x1d8: {  	v3 =	vunpack.i.u.bf16.f32 v42;
	v14 =	vmul.f32 v44, v36;
	[tilespmem:v40+s25+$0x0] =	vst.idx.add.f32.msk $0xffff, v1  }
0x1d9: {  	v1 =	vmul.f32 v3, v36;
	v3 =	vld.idx.msk [tilespmem:v38+s18+$0x0], $0xffff  }
0x1da: {  	[tilespmem:v2+s26+$0x0] =	vst.idx.add.f32.msk $0xffff, v14  }
0x1db: {  	[tilespmem:v2+s28+$0x0] =	vst.idx.add.f32.msk $0xffff, v1  }
0x1dc: {  	v1 =	vunpack.i.l.bf16.f32 v43;
	v45 =	vld.idx.msk [tilespmem:v34+s19+$0x0], $0xffff  }
0x1dd: {  	v39 =	vld.idx.msk [tilespmem:v10+s20+$0x0], $0xffff;
	v1 =	vmul.f32 v1, v32  }
0x1de: {  	v28 =	vld.idx.msk [tilespmem:v23+s2+$0x0], $0xffff;
	v46 =	vunpack.i.l.bf16.f32 v3  }
0x1df: {  	[tilespmem:v30+s31+$0x0] =	vst.idx.add.f32.msk $0xffff, v1;
	v1 =	vunpack.i.u.bf16.f32 v3;
	v3 =	vmul.f32 v46, v16  }
0x1e0: {  	v29 =	vld [tilespmem:s6+$0x510];
	v1 =	vmul.f32 v1, v16  }
0x1e1: {  	v48 =	vunpack.i.l.bf16.f32 v45;
	[tilespmem:v40+s26+$0x0] =	vst.idx.add.f32.msk $0xffff, v3  }
0x1e2: {  	v15 =	vunpack.i.l.bf16.f32 v39;
	v3 =	vmul.f32 v48, v36;
	[tilespmem:v40+s28+$0x0] =	vst.idx.add.f32.msk $0xffff, v1  }
0x1e3: {  	v8 =	vunpack.i.u.bf16.f32 v39;
	v15 =	vmul.f32 v15, v13;
	v1 =	vld.idx.msk [tilespmem:v38+s19+$0x0], $0xffff  }
0x1e4: {  	v8 =	vmul.f32 v8, v13;
	[tilespmem:v2+s29+$0x0] =	vst.idx.add.f32.msk $0xffff, v3;
	v3 =	vunpack.i.u.bf16.f32 v45  }
0x1e5: {  	[tilespmem:v11+s31+$0x0] =	vst.idx.add.f32.msk $0xffff, v15;
	v3 =	vmul.f32 v3, v36  }
0x1e6: {  	[tilespmem:v11+s1+$0x0] =	vst.idx.add.f32.msk $0xffff, v8  }
0x1e7: {  	v4 =	vunpack.i.u.bf16.f32 v43;
	[tilespmem:v2+s30+$0x0] =	vst.idx.add.f32.msk $0xffff, v3  }
0x1e8: {  	v4 =	vmul.f32 v4, v32;
	v6 =	vld.idx.msk [tilespmem:v34+s20+$0x0], $0xffff;
	v52 =	vunpack.i.l.bf16.f32 v1  }
0x1e9: {  	v34 =	vld [tilespmem:s6+$0xFFFFFB20];
	v1 =	vunpack.i.u.bf16.f32 v1;
	v3 =	vmul.f32 v52, v16  }
0x1ea: {  	[tilespmem:v30+s1+$0x0] =	vst.idx.add.f32.msk $0xffff, v4;
	v1 =	vmul.f32 v1, v16  }
0x1eb: {  	[tilespmem:v40+s29+$0x0] =	vst.idx.add.f32.msk $0xffff, v3  }
0x1ec: {  	v3 =	vunpack.i.l.bf16.f32 v50;
	[tilespmem:v40+s30+$0x0] =	vst.idx.add.f32.msk $0xffff, v1  }
0x1ed: {  	v1 =	vmul.f32 v3, v51;
	v56 =	vunpack.i.l.bf16.f32 v6;
	v3 =	vld.idx.msk [tilespmem:v38+s20+$0x0], $0xffff  }
0x1ee: {  	v12 =	vmul.f32 v56, v36;
	v38 =	vld [tilespmem:s6+$0x20]  }
0x1ef: {  	[tilespmem:v49+s24+$0x0] =	vst.idx.add.f32.msk $0xffff, v1;
	v1 =	vunpack.i.u.bf16.f32 v50  }
0x1f0: {  	v1 =	vmul.f32 v1, v51;
	[tilespmem:v2+s31+$0x0] =	vst.idx.add.f32.msk $0xffff, v12  }
0x1f1: {  	v6 =	vunpack.i.u.bf16.f32 v6;
	v39 =	vld.idx.msk [tilespmem:v34+s2+$0x0], $0xffff  }
0x1f2: {  	[tilespmem:v49+s25+$0x0] =	vst.idx.add.f32.msk $0xffff, v1;
	v1 =	vmul.f32 v6, v36  }
0x1f3: {  	v59 =	vld.idx.msk [tilespmem:v47+s18+$0x0], $0xffff  }
0x1f4: {  	[tilespmem:v2+s1+$0x0] =	vst.idx.add.f32.msk $0xffff, v1;
	v1 =	vunpack.i.l.bf16.f32 v55  }
0x1f5: {  	v36 =	vld [tilespmem:s6+$0xFFFFFB30];
	v2 =	vunpack.i.u.bf16.f32 v55;
	v1 =	vmul.f32 v1, v57  }
0x1f6: {  	v58 =	vunpack.i.l.bf16.f32 v3;
	v62 =	vunpack.i.u.bf16.f32 v3;
	v3 =	vld [tilespmem:s6+$0x0];
	v2 =	vmul.f32 v2, v57  }
0x1f7: {  	[tilespmem:v54+s24+$0x0] =	vst.idx.add.f32.msk $0xffff, v1  }
0x1f8: {  	v5 =	vmul.f32 v58, v16;
	v61 =	vunpack.i.l.bf16.f32 v59;
	[tilespmem:v54+s25+$0x0] =	vst.idx.add.f32.msk $0xffff, v2  }
0x1f9: {  	v4 =	vmul.f32 v61, v51;
	v2 =	vld.idx.msk [tilespmem:v53+s18+$0x0], $0xffff  }
0x1fa: {  	[tilespmem:v40+s31+$0x0] =	vst.idx.add.f32.msk $0xffff, v5;
	v1 =	vunpack.i.u.bf16.f32 v59  }
0x1fb: {  	v1 =	vmul.f32 v1, v51;
	[tilespmem:v49+s26+$0x0] =	vst.idx.add.f32.msk $0xffff, v4  }
0x1fc: {  	v4 =	vld [tilespmem:s6+$0x500]  }
0x1fd: {  	v63 =	vmul.f32 v62, v16;
	[tilespmem:v49+s28+$0x0] =	vst.idx.add.f32.msk $0xffff, v1  }
0x1fe: {  	v1 =	vld.idx.msk [tilespmem:v47+s19+$0x0], $0xffff;
	v17 =	vunpack.i.l.bf16.f32 v2  }
0x1ff: {  	[tilespmem:v40+s1+$0x0] =	vst.idx.add.f32.msk $0xffff, v63;
	v19 =	vmul.f32 v17, v57  }
0x200: {  	v40 =	vld [tilespmem:s6+$0x520];
	v2 =	vunpack.i.u.bf16.f32 v2  }
0x201: {  	v21 =	vunpack.i.l.bf16.f32 v18;
	v2 =	vmul.f32 v2, v57;
	[tilespmem:v54+s26+$0x0] =	vst.idx.add.f32.msk $0xffff, v19  }
0x202: {  	v5 =	vunpack.i.u.bf16.f32 v39;
	v22 =	vmul.f32 v21, v4;
	v19 =	vunpack.i.l.bf16.f32 v39;
	v39 =	vld [tilespmem:s6+$0x70]  }
0x203: {  	v20 =	vunpack.i.l.bf16.f32 v1;
	[tilespmem:v54+s28+$0x0] =	vst.idx.add.f32.msk $0xffff, v2  }
0x204: {  	v1 =	vunpack.i.u.bf16.f32 v1;
	[tilespmem:v3+s24+$0x0] =	vst.idx.add.f32.msk $0xffff, v22;
	v6 =	vmul.f32 v20, v51  }
0x205: {  	v1 =	vmul.f32 v1, v51;
	v2 =	vld.idx.msk [tilespmem:v53+s19+$0x0], $0xffff  }
0x206: {  	[tilespmem:v49+s29+$0x0] =	vst.idx.add.f32.msk $0xffff, v6  }
0x207: {  	[tilespmem:v49+s30+$0x0] =	vst.idx.add.f32.msk $0xffff, v1;
	v1 =	vunpack.i.u.bf16.f32 v18  }
0x208: {  	v20 =	vld [tilespmem:s6+$0x570];
	v1 =	vmul.f32 v1, v4  }
0x209: {  	v11 =	vld.idx.msk [tilespmem:v47+s20+$0x0], $0xffff  }
0x20a: {  	v41 =	vmul.f32 v19, v40;
	v24 =	vunpack.i.l.bf16.f32 v2;
	[tilespmem:v3+s25+$0x0] =	vst.idx.add.f32.msk $0xffff, v1  }
0x20b: {  	v1 =	vunpack.i.u.bf16.f32 v2;
	v2 =	vmul.f32 v24, v57;
	v25 =	vld.idx.msk [tilespmem:v60+s18+$0x0], $0xffff  }
0x20c: {  	[tilespmem:v38+s24+$0x0] =	vst.idx.add.f32.msk $0xffff, v41;
	v1 =	vmul.f32 v1, v57  }
0x20d: {  	[tilespmem:v54+s29+$0x0] =	vst.idx.add.f32.msk $0xffff, v2  }
0x20e: {  	v5 =	vmul.f32 v5, v40;
	[tilespmem:v54+s30+$0x0] =	vst.idx.add.f32.msk $0xffff, v1  }
0x20f: {  	v30 =	vunpack.i.l.bf16.f32 v11;
	v26 =	vld.idx.msk [tilespmem:v53+s20+$0x0], $0xffff  }
0x210: {  	[tilespmem:v38+s25+$0x0] =	vst.idx.add.f32.msk $0xffff, v5;
	v31 =	vmul.f32 v30, v51;
	v1 =	vunpack.i.l.bf16.f32 v25  }
0x211: {  	v6 =	vld [tilespmem:s6+$0x540];
	v2 =	vunpack.i.u.bf16.f32 v25;
	v1 =	vmul.f32 v1, v4  }
0x212: {  	[tilespmem:v49+s31+$0x0] =	vst.idx.add.f32.msk $0xffff, v31;
	v2 =	vmul.f32 v2, v4  }
0x213: {  	[tilespmem:v3+s26+$0x0] =	vst.idx.add.f32.msk $0xffff, v1;
	v1 =	vunpack.i.u.bf16.f32 v11  }
0x214: {  	[tilespmem:v3+s28+$0x0] =	vst.idx.add.f32.msk $0xffff, v2;
	v1 =	vmul.f32 v1, v51;
	v2 =	vunpack.i.l.bf16.f32 v26  }
0x215: {  	v33 =	vunpack.i.l.bf16.f32 v28;
	v32 =	vld.idx.msk [tilespmem:v60+s19+$0x0], $0xffff;
	v2 =	vmul.f32 v2, v57  }
0x216: {  	[tilespmem:v49+s1+$0x0] =	vst.idx.add.f32.msk $0xffff, v1;
	v1 =	vmul.f32 v33, v29  }
0x217: {  	[tilespmem:v54+s31+$0x0] =	vst.idx.add.f32.msk $0xffff, v2;
	v2 =	vunpack.i.u.bf16.f32 v28  }
0x218: {  	[tilespmem:v27+s24+$0x0] =	vst.idx.add.f32.msk $0xffff, v1;
	v1 =	vmul.f32 v2, v29  }
0x219: {  	v18 =	vld.idx.msk [tilespmem:v36+s2+$0x0], $0xffff  }
0x21a: {  	[tilespmem:v27+s25+$0x0] =	vst.idx.add.f32.msk $0xffff, v1  }
0x21b: {  	v35 =	vld.idx.msk [tilespmem:v23+s18+$0x0], $0xffff  }
0x21c: {  	v45 =	vld.idx.msk [tilespmem:v34+s18+$0x0], $0xffff;
	v2 =	vunpack.i.l.bf16.f32 v32  }
0x21d: {  	v30 =	vld [tilespmem:s6+$0xFFFFFB60];
	v1 =	vunpack.i.u.bf16.f32 v32;
	v2 =	vmul.f32 v2, v4  }
0x21e: {  	v31 =	vld [tilespmem:s6+$0xFFFFFB70];
	v12 =	vunpack.i.u.bf16.f32 v26;
	v1 =	vmul.f32 v1, v4  }
0x21f: {  	v43 =	vmul.f32 v12, v57;
	[tilespmem:v3+s29+$0x0] =	vst.idx.add.f32.msk $0xffff, v2  }
0x220: {  	[tilespmem:v3+s30+$0x0] =	vst.idx.add.f32.msk $0xffff, v1;
	v1 =	vunpack.i.l.bf16.f32 v35  }
0x221: {  	[tilespmem:v54+s1+$0x0] =	vst.idx.add.f32.msk $0xffff, v43;
	v1 =	vmul.f32 v1, v29  }
0x222: {  	v37 =	vld.idx.msk [tilespmem:v60+s20+$0x0], $0xffff  }
0x223: {  	v2 =	vunpack.i.u.bf16.f32 v35;
	[tilespmem:v27+s26+$0x0] =	vst.idx.add.f32.msk $0xffff, v1  }
0x224: {  	v8 =	vmul.f32 v2, v29;
	v1 =	vld [tilespmem:s6+$0x30]  }
0x225: {  	v2 =	vld [tilespmem:s6+$0x530]  }
0x226: {  	[tilespmem:v27+s28+$0x0] =	vst.idx.add.f32.msk $0xffff, v8  }
0x227: {  	v42 =	vld.idx.msk [tilespmem:v23+s19+$0x0], $0xffff  }
0x228: {  	v54 =	vunpack.i.l.bf16.f32 v45;
	v32 =	vld [tilespmem:s6+$0x50]  }
0x229: {  	v44 =	vunpack.i.l.bf16.f32 v18;
	v46 =	vunpack.i.u.bf16.f32 v18;
	v35 =	vld [tilespmem:s6+$0x60];
	v8 =	vmul.f32 v54, v40  }
0x22a: {  	v48 =	vunpack.i.l.bf16.f32 v37;
	v11 =	vunpack.i.u.bf16.f32 v37;
	v37 =	vld [tilespmem:s6+$0x560];
	v5 =	vmul.f32 v44, v2  }
0x22b: {  	v47 =	vmul.f32 v46, v2;
	[tilespmem:v38+s26+$0x0] =	vst.idx.add.f32.msk $0xffff, v8  }
0x22c: {  	v50 =	vunpack.i.l.bf16.f32 v42;
	[tilespmem:v1+s24+$0x0] =	vst.idx.add.f32.msk $0xffff, v5  }
0x22d: {  	v9 =	vmul.f32 v50, v29;
	[tilespmem:v1+s25+$0x0] =	vst.idx.add.f32.msk $0xffff, v47  }
0x22e: {  	v52 =	vld.idx.msk [tilespmem:v36+s18+$0x0], $0xffff  }
0x22f: {  	v49 =	vmul.f32 v48, v4;
	v51 =	vunpack.i.u.bf16.f32 v42;
	[tilespmem:v27+s29+$0x0] =	vst.idx.add.f32.msk $0xffff, v9  }
0x230: {  	v53 =	vmul.f32 v51, v29;
	v9 =	vld [tilespmem:s6+$0xFFFFFB40]  }
0x231: {  	v55 =	vunpack.i.u.bf16.f32 v45;
	[tilespmem:v3+s31+$0x0] =	vst.idx.add.f32.msk $0xffff, v49  }
0x232: {  	v5 =	vmul.f32 v55, v40;
	[tilespmem:v27+s30+$0x0] =	vst.idx.add.f32.msk $0xffff, v53  }
0x233: {  	v59 =	vld.idx.msk [tilespmem:v23+s20+$0x0], $0xffff  }
0x234: {  	v4 =	vmul.f32 v11, v4;
	[tilespmem:v38+s28+$0x0] =	vst.idx.add.f32.msk $0xffff, v5;
	v56 =	vunpack.i.l.bf16.f32 v52  }
0x235: {  	v58 =	vld.idx.msk [tilespmem:v34+s19+$0x0], $0xffff;
	v8 =	vmul.f32 v56, v2  }
0x236: {  	[tilespmem:v3+s1+$0x0] =	vst.idx.add.f32.msk $0xffff, v4  }
0x237: {  	v57 =	vunpack.i.u.bf16.f32 v52;
	[tilespmem:v1+s26+$0x0] =	vst.idx.add.f32.msk $0xffff, v8  }
0x238: {  	v5 =	vmul.f32 v57, v2;
	v24 =	vunpack.i.l.bf16.f32 v59;
	v25 =	vunpack.i.u.bf16.f32 v59;
	v62 =	vld.idx.msk [tilespmem:v9+s2+$0x0], $0xffff  }
0x239: {  	v11 =	vmul.f32 v24, v29;
	v3 =	vmul.f32 v25, v29;
	v29 =	vld [tilespmem:s6+$0xFFFFFB50]  }
0x23a: {  	v60 =	vunpack.i.l.bf16.f32 v58;
	[tilespmem:v1+s28+$0x0] =	vst.idx.add.f32.msk $0xffff, v5  }
0x23b: {  	v12 =	vunpack.i.u.bf16.f32 v58;
	v61 =	vmul.f32 v60, v40;
	v5 =	vld [tilespmem:s6+$0x40]  }
0x23c: {  	v12 =	vmul.f32 v12, v40;
	v8 =	vld.idx.msk [tilespmem:v36+s19+$0x0], $0xffff  }
0x23d: {  	[tilespmem:v38+s29+$0x0] =	vst.idx.add.f32.msk $0xffff, v61  }
0x23e: {  	[tilespmem:v38+s30+$0x0] =	vst.idx.add.f32.msk $0xffff, v12  }
0x23f: {  	[tilespmem:v27+s31+$0x0] =	vst.idx.add.f32.msk $0xffff, v11  }
0x240: {  	v7 =	vld.idx.msk [tilespmem:v34+s20+$0x0], $0xffff;
	v22 =	vunpack.i.l.bf16.f32 v62  }
0x241: {  	v34 =	vld [tilespmem:s6+$0x550];
	v12 =	vmul.f32 v22, v6;
	v63 =	vunpack.i.l.bf16.f32 v8  }
0x242: {  	v8 =	vunpack.i.u.bf16.f32 v8;
	v21 =	vmul.f32 v63, v2;
	v33 =	vld.idx.msk [tilespmem:v29+s2+$0x0], $0xffff  }
0x243: {  	v8 =	vmul.f32 v8, v2;
	[tilespmem:v5+s24+$0x0] =	vst.idx.add.f32.msk $0xffff, v12  }
0x244: {  	v23 =	vunpack.i.u.bf16.f32 v62;
	[tilespmem:v1+s29+$0x0] =	vst.idx.add.f32.msk $0xffff, v21  }
0x245: {  	[tilespmem:v1+s30+$0x0] =	vst.idx.add.f32.msk $0xffff, v8;
	v8 =	vmul.f32 v23, v6  }
0x246: {  	v10 =	vld.idx.msk [tilespmem:v36+s20+$0x0], $0xffff  }
0x247: {  	[tilespmem:v5+s25+$0x0] =	vst.idx.add.f32.msk $0xffff, v8  }
0x248: {  	v26 =	vunpack.i.l.bf16.f32 v7;
	v12 =	vld.idx.msk [tilespmem:v9+s18+$0x0], $0xffff  }
0x249: {  	[tilespmem:v27+s1+$0x0] =	vst.idx.add.f32.msk $0xffff, v3;
	v7 =	vunpack.i.u.bf16.f32 v7;
	v4 =	vmul.f32 v26, v40  }
0x24a: {  	v3 =	vmul.f32 v7, v40;
	v40 =	vld.idx.msk [tilespmem:v31+s2+$0x0], $0xffff  }
0x24b: {  	[tilespmem:v38+s31+$0x0] =	vst.idx.add.f32.msk $0xffff, v4;
	v27 =	vunpack.i.l.bf16.f32 v10  }
0x24c: {  	[tilespmem:v38+s1+$0x0] =	vst.idx.add.f32.msk $0xffff, v3;
	v38 =	vunpack.i.l.bf16.f32 v33;
	v3 =	vmul.f32 v27, v2  }
0x24d: {  	v36 =	vld.idx.msk [tilespmem:v30+s2+$0x0], $0xffff;
	v17 =	vmul.f32 v38, v34;
	v28 =	vunpack.i.l.bf16.f32 v12  }
0x24e: {  	v4 =	vmul.f32 v28, v6;
	[tilespmem:v1+s31+$0x0] =	vst.idx.add.f32.msk $0xffff, v3;
	v3 =	vunpack.i.u.bf16.f32 v12  }
0x24f: {  	[tilespmem:v32+s24+$0x0] =	vst.idx.add.f32.msk $0xffff, v17;
	v12 =	vunpack.i.u.bf16.f32 v33;
	v3 =	vmul.f32 v3, v6  }
0x250: {  	v12 =	vmul.f32 v12, v34;
	[tilespmem:v5+s26+$0x0] =	vst.idx.add.f32.msk $0xffff, v4  }
0x251: {  	[tilespmem:v5+s28+$0x0] =	vst.idx.add.f32.msk $0xffff, v3  }
0x252: {  	v41 =	vunpack.i.l.bf16.f32 v36;
	[tilespmem:v32+s25+$0x0] =	vst.idx.add.f32.msk $0xffff, v12  }
0x253: {  	v42 =	vunpack.i.u.bf16.f32 v36;
	v43 =	vmul.f32 v41, v37;
	v3 =	vld.idx.msk [tilespmem:v9+s19+$0x0], $0xffff  }
0x254: {  	v12 =	vmul.f32 v42, v37;
	v44 =	vld.idx.msk [tilespmem:v29+s18+$0x0], $0xffff  }
0x255: {  	v45 =	vunpack.i.l.bf16.f32 v40;
	[tilespmem:v35+s24+$0x0] =	vst.idx.add.f32.msk $0xffff, v43  }
0x256: {  	v46 =	vunpack.i.u.bf16.f32 v40;
	v15 =	vmul.f32 v45, v20;
	[tilespmem:v35+s25+$0x0] =	vst.idx.add.f32.msk $0xffff, v12  }
0x257: {  	v12 =	vmul.f32 v46, v20;
	v47 =	vld.idx.msk [tilespmem:v30+s18+$0x0], $0xffff  }
0x258: {  	[tilespmem:v39+s24+$0x0] =	vst.idx.add.f32.msk $0xffff, v15;
	v21 =	vunpack.i.l.bf16.f32 v3  }
0x259: {  	[tilespmem:v39+s25+$0x0] =	vst.idx.add.f32.msk $0xffff, v12;
	v49 =	vunpack.i.l.bf16.f32 v44;
	v48 =	vmul.f32 v21, v6  }
0x25a: {  	v52 =	vld.idx.msk [tilespmem:v31+s18+$0x0], $0xffff;
	v50 =	vunpack.i.u.bf16.f32 v44;
	v51 =	vmul.f32 v49, v34  }
0x25b: {  	v12 =	vmul.f32 v50, v34;
	[tilespmem:v5+s29+$0x0] =	vst.idx.add.f32.msk $0xffff, v48  }
0x25c: {  	v53 =	vunpack.i.l.bf16.f32 v47;
	[tilespmem:v32+s26+$0x0] =	vst.idx.add.f32.msk $0xffff, v51  }
0x25d: {  	v54 =	vunpack.i.u.bf16.f32 v47;
	v15 =	vmul.f32 v53, v37;
	[tilespmem:v32+s28+$0x0] =	vst.idx.add.f32.msk $0xffff, v12  }
0x25e: {  	v12 =	vmul.f32 v54, v37;
	v17 =	vld.idx.msk [tilespmem:v29+s19+$0x0], $0xffff  }
0x25f: {  	v55 =	vunpack.i.l.bf16.f32 v52;
	[tilespmem:v35+s26+$0x0] =	vst.idx.add.f32.msk $0xffff, v15  }
0x260: {  	v56 =	vunpack.i.u.bf16.f32 v52;
	v15 =	vmul.f32 v55, v20;
	[tilespmem:v35+s28+$0x0] =	vst.idx.add.f32.msk $0xffff, v12  }
0x261: {  	v12 =	vmul.f32 v56, v20;
	v57 =	vld.idx.msk [tilespmem:v30+s19+$0x0], $0xffff  }
0x262: {  	v3 =	vunpack.i.u.bf16.f32 v3;
	[tilespmem:v39+s26+$0x0] =	vst.idx.add.f32.msk $0xffff, v15  }
0x263: {  	v3 =	vmul.f32 v3, v6;
	[tilespmem:v39+s28+$0x0] =	vst.idx.add.f32.msk $0xffff, v12;
	v58 =	vunpack.i.l.bf16.f32 v17  }
0x264: {  	v60 =	vld.idx.msk [tilespmem:v31+s19+$0x0], $0xffff;
	v59 =	vunpack.i.u.bf16.f32 v17;
	v15 =	vmul.f32 v58, v34  }
0x265: {  	[tilespmem:v5+s30+$0x0] =	vst.idx.add.f32.msk $0xffff, v3;
	v3 =	vmul.f32 v59, v34  }
0x266: {  	v61 =	vunpack.i.l.bf16.f32 v57;
	[tilespmem:v32+s29+$0x0] =	vst.idx.add.f32.msk $0xffff, v15  }
0x267: {  	v12 =	vmul.f32 v61, v37;
	[tilespmem:v32+s30+$0x0] =	vst.idx.add.f32.msk $0xffff, v3;
	v3 =	vunpack.i.u.bf16.f32 v57  }
0x268: {  	v9 =	vld.idx.msk [tilespmem:v9+s20+$0x0], $0xffff;
	v3 =	vmul.f32 v3, v37  }
0x269: {  	v62 =	vunpack.i.l.bf16.f32 v60;
	[tilespmem:v35+s29+$0x0] =	vst.idx.add.f32.msk $0xffff, v12  }
0x26a: {  	[tilespmem:v35+s30+$0x0] =	vst.idx.add.f32.msk $0xffff, v3;
	v3 =	vmul.f32 v62, v20  }
0x26b: {  	v63 =	vunpack.i.u.bf16.f32 v60;
	v7 =	vld.idx.msk [tilespmem:v29+s20+$0x0], $0xffff  }
0x26c: {  	[tilespmem:v39+s29+$0x0] =	vst.idx.add.f32.msk $0xffff, v3;
	v3 =	vmul.f32 v63, v20  }
0x26d: {  	v10 =	vunpack.i.u.bf16.f32 v10;
	v4 =	vld.idx.msk [tilespmem:v30+s20+$0x0], $0xffff  }
0x26e: {  	v2 =	vmul.f32 v10, v2;
	[tilespmem:v39+s30+$0x0] =	vst.idx.add.f32.msk $0xffff, v3;
	v3 =	vunpack.i.l.bf16.f32 v9  }
0x26f: {  	v9 =	vunpack.i.u.bf16.f32 v9;
	v3 =	vmul.f32 v3, v6;
	v8 =	vld.idx.msk [tilespmem:v31+s20+$0x0], $0xffff  }
0x270: {  	[tilespmem:v1+s1+$0x0] =	vst.idx.add.f32.msk $0xffff, v2;
	v2 =	vunpack.i.l.bf16.f32 v7;
	v1 =	vmul.f32 v9, v6  }
0x271: {  	v2 =	vmul.f32 v2, v34;
	[tilespmem:v5+s31+$0x0] =	vst.idx.add.f32.msk $0xffff, v3;
	v3 =	vunpack.i.u.bf16.f32 v7  }
0x272: {  	s5 =	sadd.s32 $0x10, s5;
	[tilespmem:v5+s1+$0x0] =	vst.idx.add.f32.msk $0xffff, v1;
	v1 =	vmul.f32 v3, v34;
	v3 =	vunpack.i.l.bf16.f32 v4  }
0x273: {  	p0 =	slt.u32 s5, $0x40;
	[tilespmem:v32+s31+$0x0] =	vst.idx.add.f32.msk $0xffff, v2;
	v2 =	vunpack.i.u.bf16.f32 v4;
	v3 =	vmul.f32 v3, v37  }
.Ltmp9:
0x274: {  	[tilespmem:v32+s1+$0x0] =	vst.idx.add.f32.msk $0xffff, v1;
	v1 =	vmul.f32 v2, v37;
	v2 =	vunpack.i.l.bf16.f32 v8;
	(pc) =	sbr.rel @p0 .LBB2_21-.Ltmp9, $4  }
0x275: {  	[tilespmem:v35+s31+$0x0] =	vst.idx.add.f32.msk $0xffff, v3;
	v3 =	vunpack.i.u.bf16.f32 v8;
	v2 =	vmul.f32 v2, v20  }
0x276: {  	[tilespmem:v35+s1+$0x0] =	vst.idx.add.f32.msk $0xffff, v1;
	v1 =	vmul.f32 v3, v20  }
0x277: {  	[tilespmem:v39+s31+$0x0] =	vst.idx.add.f32.msk $0xffff, v2  }
0x278: {  	s6 =	sadd.s32 $0x100, s6;
	[tilespmem:v39+s1+$0x0] =	vst.idx.add.f32.msk $0xffff, v1  }
0x279: {  	s4 =	sadd.s32 $0x1, s4  }
0x27a: {  	p0 =	sne.s32 s4, $0x40  }
.Ltmp10:
0x27b: {  	_ = 	snop;
	(pc) =	sbr.rel @p0 .LBB2_18-.Ltmp10, $1  }
0x27c: {  	_ =	sdelay $0x3  }
0x27d: {  	[hbm4b:s8+s2] =	stream.linear.scatter [tilespmem:s24], [sflag:$0x3], $0x2710, $0x38;
	[tilespmem:$0x1F800] =	vst v63  }
0x27e: {  	_ =	swait.ge [sflag:s17], $0x2710  }
0x27f: {  	[sflag:s17] =	ssyncset.done $0x0  }
0x280: {  	[sflag:s17] =	ssyncadd.s32 $0xFFFFD8F0  }
0x281: {  	[hbm4b:s9+s2] =	stream.linear.scatter [tilespmem:s25], [sflag:$0x3], $0x2710, $0x38;
	[tilespmem:$0x1F800] =	vst v63  }
0x282: {  	_ =	swait.ge [sflag:s17], $0x2710  }
0x283: {  	[sflag:s17] =	ssyncset.done $0x0  }
0x284: {  	[sflag:s17] =	ssyncadd.s32 $0xFFFFD8F0  }
0x285: {  	[hbm4b:s10+s2] =	stream.linear.scatter [tilespmem:s26], [sflag:$0x3], $0x2710, $0x38;
	[tilespmem:$0x1F800] =	vst v63  }
0x286: {  	_ =	swait.ge [sflag:s17], $0x2710  }
0x287: {  	[sflag:s17] =	ssyncset.done $0x0  }
0x288: {  	[sflag:s17] =	ssyncadd.s32 $0xFFFFD8F0  }
0x289: {  	[hbm4b:s11+s2] =	stream.linear.scatter [tilespmem:s28], [sflag:$0x3], $0x2710, $0x38;
	[tilespmem:$0x1F800] =	vst v63  }
0x28a: {  	_ =	swait.ge [sflag:s17], $0x2710  }
0x28b: {  	[sflag:s17] =	ssyncset.done $0x0  }
0x28c: {  	[sflag:s17] =	ssyncadd.s32 $0xFFFFD8F0  }
0x28d: {  	[hbm4b:s12+s2] =	stream.linear.scatter [tilespmem:s29], [sflag:$0x3], $0x2710, $0x38;
	[tilespmem:$0x1F800] =	vst v63  }
0x28e: {  	_ =	swait.ge [sflag:s17], $0x2710  }
0x28f: {  	[sflag:s17] =	ssyncset.done $0x0  }
0x290: {  	[sflag:s17] =	ssyncadd.s32 $0xFFFFD8F0  }
0x291: {  	[hbm4b:s13+s2] =	stream.linear.scatter [tilespmem:s30], [sflag:$0x3], $0x2710, $0x38;
	[tilespmem:$0x1F800] =	vst v63  }
0x292: {  	_ =	swait.ge [sflag:s17], $0x2710  }
0x293: {  	[sflag:s17] =	ssyncset.done $0x0  }
0x294: {  	[sflag:s17] =	ssyncadd.s32 $0xFFFFD8F0  }
0x295: {  	[hbm4b:s14+s2] =	stream.linear.scatter [tilespmem:s31], [sflag:$0x3], $0x2710, $0x38;
	[tilespmem:$0x1F800] =	vst v63  }
0x296: {  	s21 =	sadd.s32 $0x1, s21;
	_ =	swait.ge [sflag:s17], $0x2710  }
0x297: {  	p0 =	sne.s32 s21, s16;
	[sflag:s17] =	ssyncset.done $0x0  }
.Ltmp11:
0x298: {  	[sflag:s17] =	ssyncadd.s32 $0xFFFFD8F0;
	(pc) =	sbr.rel @p0 .LBB2_1-.Ltmp11, $4  }
0x299: {  	[hbm4b:s15+s2] =	stream.linear.scatter [tilespmem:s1], [sflag:$0x3], $0x2710, $0x38;
	[tilespmem:$0x1F800] =	vst v63  }
0x29a: {  	_ =	swait.ge [sflag:s17], $0x2710  }
0x29b: {  	[sflag:s17] =	ssyncset.done $0x0  }
0x29c: {  	[sflag:s17] =	ssyncadd.s32 $0xFFFFD8F0  }
0x29d: {  	_ =	sfence.sel $0x180000  }
0x29e: {  	[bflag:$0x0] =	sbarrier.arrive $0xFFFF  }
0x29f: {  	_ =	strace $0x9000004D  }
0x2a0: {  	s0 =	stileid.u32;
	[bflag:$0x2] =	sbarrier.arrive $0xFFFF  }
0x2a1: {  	p0 =	sne.s32 s0, $0x0;
	s0 =	rddreg [dreg:$0x2]  }
0x2a2: {  	s0 =	sadd.s32 @!p0 $0x100000, s0  }
0x2a3: {  	[sflag:s0] =	ssyncadd.tile.s32 @!p0 $0x1;
	_ =	shalt  }
.Lfunc_end2:
_tile_overlayer_lowered:
.L_overlay_start_2:
0x2a4: {  	(tag) =	ssettag $0x2  }
0x2a5: {  	s0 =	rddreg [dreg:$0x0];
	s2 =	stileid.u32  }
0x2a6: {  	s1 =	rddreg [dreg:$0x1];
	p0 =	sne.s32 s2, $0x0  }
0x2a7: {  	s3 =	rddreg [dreg:$0x2];
	[bflag:$0x3] =	sbarrier.arrive $0xFFFF;
	s2 =	simm.s32 @!p0 $0x1C03  }
0x2a8: {  	[timem:s3], [sflag:s2] =	dma.local @!p0 [hbm:s0], s1  }
0x2a9: {  	s0 =	simm.s32 @!p0 $0x3  }
0x2aa: {  	_ =	swait.ge @!p0 [sflag:s0], s1  }
0x2ab: {  	s1 =	ssub.s32 @!p0 $0x0, s1;
	[sflag:s0] =	ssyncset.done @!p0 $0x0  }
0x2ac: {  	[sflag:s0] =	ssyncadd.s32 @!p0 s1  }
0x2ad: {  	[bflag:$0x3] =	sbarrier.arrive $0xFFFF  }
0x2ae: {  	_ =	shalt  }

// kernel: kernel.19.cloned.1.call-start
scs
__scs_entry_jumppad:
0x0: {  	(pc) =	sbr.rel $0x88, $3  }
0x1: {  	(tag) =	ssettag $0x0;
	lr =	simm.s32 $0x1  }
0x2: {  	[smem:$0x3F9A] =	sst lr;
	_ =	strace $0xD0000000  }
0x3: {  	_ = 	snop  }
0x4: {  	_ = 	snop  }
0x5: {  	_ = 	snop  }
0x6: {  	_ = 	snop  }
0x7: {  	_ = 	snop  }
__scs_overlays_trampoline_lowered:
0x8: {  	[smem:$0x3FA9] =	sst s0  }
0x9: {  	[smem:$0x3FAA] =	sst s1  }
0xa: {  	[smem:$0x3FAB] =	sst s2  }
0xb: {  	[smem:$0x3FAC] =	sst s3  }
0xc: {  	[smem:$0x3FAD] =	sst s4  }
0xd: {  	[smem:$0x3FAE] =	sst s5  }
0xe: {  	[smem:$0x3FAF] =	sst s6  }
0xf: {  	[smem:$0x3FB0] =	sst s7  }
0x10: {  	[smem:$0x3FB1] =	sst s8  }
0x11: {  	[smem:$0x3FB2] =	sst s9;
	s0 =	simm.s32 @!p0 $0x0  }
0x12: {  	s1 =	sld [smem:$0x3F98];
	s0 =	simm.s32 @p0 $0x1  }
0x13: {  	[smem:$0x3FB3] =	sst s0;
	s0 =	simm.s32 @!p1 $0x0  }
0x14: {  	s2 =	sld [smem:$0x3F97];
	s0 =	simm.s32 @p1 $0x1  }
0x15: {  	[smem:$0x3FB4] =	sst s0;
	s0 =	simm.s32 @!p2 $0x0  }
0x16: {  	s3 =	sld [smem:$0x3FDB];
	s0 =	simm.s32 @p2 $0x1  }
0x17: {  	s4 =	simm.s32 $0x1BF5;
	[smem:$0x3FB6] =	sst s0  }
0x18: {  	s0 =	sld [smem:$0x3F99];
	_ =	swait.ge [sflag:s4], $0x0  }
0x19: {  	s7 =	sld [smem:$0x3F9A]  }
0x1a: {  	s8 =	sadd.s32 $0xFFFFE003, lr  }
0x1b: {  	s9 =	sadd.s32 $0xFFFFFEF7, lr;
	s5 =	simm.s32 $0xFFFFFFFF;
	p2 =	slt.u32 s8, $0xFFFFF086  }
0x1c: {  	p1 =	slt.u32 s9, $0xF7A;
	s5 =	simm.s32 @!p2 $0x0  }
0x1d: {  	s5 =	simm.s32 @p1 $0x1;
	p0 =	seq.s32 s7, s2  }
0x1e: {  	s7 =	smul.u32 @!p0 $0xF7A, s2;
	p2 =	seq.s32 @!p0 s5, $0x0  }
0x1f: {  	s9 =	smul.u32 $0xF7A, s1;
	s8 =	simm.s32 @!p0 $0x1BF5;
	p2 =	por !p2, p0  }
0x20: {  	[sflag:s8] =	ssyncset.s32 @!p0 $0xFFFFF086;
	s6 =	sadd.s32 @!p0 s3, s7;
	s7 =	simm.s32 @!p0 $0x108  }
0x21: {  	s3 =	sadd.s32 s3, s9;
	s6 =	sadd.s32 @!p0 $0x88, s6;
	s7 =	simm.s32 @p2 $0x1082  }
0x22: {  	[simem:s7], [sflag:s8] =	dma.local @!p0 [hbm:s6], $0xF7A  }
0x23: {  	s9 =	sor.u32 $0xD0000000, s2;
	s6 =	simm.s32 $0x108;
	_ =	swait.ge @!p0 [sflag:s8], $0x0  }
0x24: {  	s3 =	sadd.s32 $0x88, s3;
	s6 =	simm.s32 @!p1 $0x1082;
	[sflag:s4] =	ssyncset.s32 $0xFFFFF086  }
0x25: {  	[simem:s6], [sflag:s4] =	dma.local [hbm:s3], $0xF7A  }
0x26: {  	[smem:$0x3F9A] =	sst s1;
	(tag) =	ssettag s2;
	_ =	strace s9  }
0x27: {  	s1 =	sld [smem:$0x3FAA]  }
0x28: {  	s2 =	sld [smem:$0x3FAB]  }
0x29: {  	s4 =	sld [smem:$0x3FAD]  }
0x2a: {  	p0 =	seq.s32 s5, $0x0;
	s5 =	sld [smem:$0x3FAE]  }
0x2b: {  	s6 =	sld [smem:$0x3FAF]  }
0x2c: {  	s7 =	sld [smem:$0x3FB0]  }
0x2d: {  	s3 =	simm.s32 $0x108;
	s8 =	sld [smem:$0x3FB1]  }
0x2e: {  	s3 =	simm.s32 @!p0 $0x1082;
	s9 =	sld [smem:$0x3FB2]  }
0x2f: {  	lr =	sadd.s32 s0, s3;
	s0 =	sld [smem:$0x3FA9]  }
0x30: {  	s3 =	sld [smem:$0x3FAC]  }
0x31: {  	[smem:$0x3FB5] =	sst s10  }
0x32: {  	s10 =	sld [smem:$0x3FB3];
	_ =	sdelay $0x3  }
0x33: {  	p0 =	seq.s32 s10, $0x1;
	s10 =	sld [smem:$0x3FB5];
	_ =	sdelay $0x3  }
0x34: {  	[smem:$0x3FB5] =	sst s10  }
0x35: {  	s10 =	sld [smem:$0x3FB4];
	_ =	sdelay $0x3  }
0x36: {  	p1 =	seq.s32 s10, $0x1;
	s10 =	sld [smem:$0x3FB5];
	_ =	sdelay $0x3  }
0x37: {  	[smem:$0x3FB5] =	sst s10  }
0x38: {  	s10 =	sld [smem:$0x3FB6]  }
0x39: {  	_ = 	snop;
	(pc) =	sbr.ind lr, $3  }
0x3a: {  	_ = 	snop  }
0x3b: {  	_ = 	snop  }
0x3c: {  	p2 =	seq.s32 s10, $0x1;
	s10 =	sld [smem:$0x3FB5]  }
0x3d: {  	_ =	shalt  }
0x3e: {  	_ =	shalt  }
0x3f: {  	_ =	shalt  }
0x40: {  	_ =	shalt  }
0x41: {  	_ =	shalt  }
0x42: {  	_ =	shalt  }
0x43: {  	_ =	shalt  }
0x44: {  	_ =	shalt  }
0x45: {  	_ =	shalt  }
0x46: {  	_ =	shalt  }
0x47: {  	_ =	shalt  }
0x48: {  	_ =	shalt  }
0x49: {  	_ =	shalt  }
0x4a: {  	_ =	shalt  }
0x4b: {  	_ =	shalt  }
0x4c: {  	_ =	shalt  }
0x4d: {  	_ =	shalt  }
0x4e: {  	_ =	shalt  }
0x4f: {  	_ =	shalt  }
0x50: {  	_ =	shalt  }
0x51: {  	_ =	shalt  }
0x52: {  	_ =	shalt  }
0x53: {  	_ =	shalt  }
0x54: {  	_ =	shalt  }
0x55: {  	_ =	shalt  }
0x56: {  	_ =	shalt  }
0x57: {  	_ =	shalt  }
0x58: {  	_ =	shalt  }
0x59: {  	_ =	shalt  }
0x5a: {  	_ =	shalt  }
0x5b: {  	_ =	shalt  }
0x5c: {  	_ =	shalt  }
0x5d: {  	_ =	shalt  }
0x5e: {  	_ =	shalt  }
0x5f: {  	_ =	shalt  }
0x60: {  	_ =	shalt  }
0x61: {  	_ =	shalt  }
0x62: {  	_ =	shalt  }
0x63: {  	_ =	shalt  }
0x64: {  	_ =	shalt  }
0x65: {  	_ =	shalt  }
0x66: {  	_ =	shalt  }
0x67: {  	_ =	shalt  }
0x68: {  	_ =	shalt  }
0x69: {  	_ =	shalt  }
0x6a: {  	_ =	shalt  }
0x6b: {  	_ =	shalt  }
0x6c: {  	_ =	shalt  }
0x6d: {  	_ =	shalt  }
0x6e: {  	_ =	shalt  }
0x6f: {  	_ =	shalt  }
0x70: {  	_ =	shalt  }
0x71: {  	_ =	shalt  }
0x72: {  	_ =	shalt  }
0x73: {  	_ =	shalt  }
0x74: {  	_ =	shalt  }
0x75: {  	_ =	shalt  }
0x76: {  	_ =	shalt  }
0x77: {  	_ =	shalt  }
0x78: {  	_ =	shalt  }
0x79: {  	_ =	shalt  }
0x7a: {  	_ =	shalt  }
0x7b: {  	_ =	shalt  }
0x7c: {  	_ =	shalt  }
0x7d: {  	_ =	shalt  }
0x7e: {  	_ =	shalt  }
0x7f: {  	_ =	shalt  }
0x80: {  	_ =	shalt  }
0x81: {  	_ =	shalt  }
0x82: {  	_ =	shalt  }
0x83: {  	_ =	shalt  }
0x84: {  	_ =	shalt  }
0x85: {  	_ =	shalt  }
0x86: {  	_ =	shalt  }
0x87: {  	_ =	shalt  }
.Lfunc_end0:
.L_simem_size_0:
called_computation.3_lowered:
.L_overlay_start_0:
0x88: {  	s2 =	sld [smem:$0x3FD9]  }
0x89: {  	s3 =	sld [smem:$0x3FFE];
	_ =	sdelay $0x1  }
0x8a: {  	s1 =	srdreg.scid  }
0x8b: {  	s0 =	sand.u32 $0x1, s1  }
0x8c: {  	s17 =	sshll.u32 s0, $0xA;
	s2 =	sadd.s32 s3, s2  }
0x8d: {  	s2 =	sadd.s32 s2, s17  }
0x8e: {  	[smem:$0x3FC1] =	sst s2  }
0x8f: {  	_ = 	snop  }
0x90: {  	s2 =	sld [smem:$0x3FD0];
	(tm) =	ssettm $0x1  }
0x91: {  	s18 =	sld [smem:$0x3FFB];
	_ =	sdelay $0x3  }
0x92: {  	_ =	strace s18  }
0x93: {  	s3 =	sld [smem:$0x3FFC];
	_ =	sdelay $0x3  }
0x94: {  	_ =	strace s3  }
0x95: {  	s3 =	sld [smem:$0x3FFD];
	_ =	sdelay $0x3  }
0x96: {  	_ =	strace s3  }
0x97: {  	_ =	strace $0x8FFFFFFF  }
0x98: {  	s19 =	sld [smem:$0x3FDB];
	_ =	sdelay $0x1  }
0x99: {  	s4 =	simm.s32 $_scs_section_size  }
0x9a: {  	s5 =	simm.s32 $_size__tile_overlayer_lowered;
	s6 =	simm.s32 $_tile_overlayer_lowered  }
0x9b: {  	s22 =	simm.s32 $0x1BFF;
	s21 =	sshll.u32 s6, $0x1;
	s3 =	sadd.s32 s4, s19  }
0x9c: {  	s7 =	simm.s32 $0x0;
	s20 =	sshll.u32 s5, $0x1;
	s5 =	sadd.s32 s21, s3  }
0x9d: {  	[timem:s7], [sflag:s22] =	dma.local [hbm:s5], s20  }
0x9e: {  	_ =	swait.ge [sflag:s22], s20  }
0x9f: {  	s4 =	ssub.s32 $0x0, s20;
	[sflag:s22] =	ssyncset.done $0x0  }
0xa0: {  	[sflag:s22] =	ssyncadd.s32 s4;
	_ =	sdelay $0x1  }
0xa1: {  	s23 =	simm.s32 $0x1B8B  }
0xa2: {  	_ =	swait.ge [sflag:s23], $0x1  }
0xa3: {  	[sflag:s23] =	ssyncset.done $0x0  }
0xa4: {  	s25 =	simm.s32 $0x1B8E;
	s24 =	sld [smem:$0x3FFE];
	[sflag:s23] =	ssyncadd.s32 $0xFFFFFFFF  }
0xa5: {  	s26 =	simm.s32 $execute0_lowered;
	[smem:$0x3FD2] =	sst s25  }
0xa6: {  	s5 =	sshll.u32 s26, $0x1;
	_ =	strace $0x8000004F;
	[dreg:$0x1] =	wrdreg $0xFFFFFFFF  }
0xa7: {  	s28 =	simm.s32 $_size_execute0_lowered;
	s3 =	sadd.s32 s3, s5;
	[dreg:$0x0] =	wrdreg $0x0  }
0xa8: {  	s5 =	sshll.u32 s28, $0x1;
	[dreg:$0x2] =	wrdreg s3  }
0xa9: {  	[dreg:$0x3] =	wrdreg s5  }
0xaa: {  	[dreg:$0x4] =	wrdreg $0xC0  }
0xab: {  	_ =	task [dreg:s7], $0x5FFFF  }
0xac: {  	[dreg:$0x1] =	wrdreg $0xFFFFFFFF  }
0xad: {  	[dreg:$0x0] =	wrdreg $0x60  }
0xae: {  	[dreg:$0x2] =	wrdreg s24  }
0xaf: {  	[dreg:$0x3] =	wrdreg s2  }
0xb0: {  	[dreg:$0x4] =	wrdreg $0x9  }
0xb1: {  	_ =	task.clear_ibuf [dreg:s7], $0x5FFFF;
	_ =	strace $0x9000004F  }
0xb2: {  	s29 =	simm.s32 $0x9;
	_ =	strace $0x80000051  }
0xb3: {  	_ =	swait.ge [sflag:s29], $0x1  }
0xb4: {  	[sflag:s29] =	ssyncadd.s32 $0xFFFFFFFF  }
0xb5: {  	_ =	strace $0x90000051  }
0xb6: {  	_ =	sfence  }
0xb7: {  	s30 =	sld [smem:$0x0];
	_ =	sdelay $0x2  }
0xb8: {  	s31 =	sshll.u32 s1, $0xD;
	s1 =	sshrl.u32 s1, $0x2  }
0xb9: {  	s3 =	sand.u32 $0x4000, s31;
	s1 =	sadd.s32 s1, s30  }
0xba: {  	s0 =	sor.u32 s3, s0;
	s1 =	sshll.u32 s1, $0x11  }
0xbb: {  	s0 =	sor.u32 s1, s0  }
0xbc: {  	s0 =	sadd.s32 $0x8F2B, s0  }
0xbd: {  	[sflag:s0] =	ssyncadd.remote.s32 $0x1  }
0xbe: {  	_ =	sfence.sel $0xFFFF  }
0xbf: {  	[dreg:$0x0] =	wrdreg $0xFFFFFFFF;
	(pc) =	sbr.abs _section_cstart, $3  }
0xc0: {  	[dreg:$0x1] =	wrdreg $0xFFFFFFFF  }
0xc1: {  	_ =	task.clear_ibuf [dreg:s7], $0x2FFFF;
	_ =	strace $0x9FFFFFFF  }
0xc2: {  	(tm) =	ssettm $0x7FFFFFFF  }
0xc3: {  	_ =	shalt  }
tec
execute0_lowered:
.L_overlay_start_1:
0x0: {  	(tag) =	ssettag $0x1  }
0x1: {  	s0 =	rddreg [dreg:$0x0];
	s1 =	srdreg.scid  }
0x2: {  	s2 =	stileid.u32;
	s4 =	rddreg [dreg:$0x1]  }
0x3: {  	s17 =	simm.s32 $0x3;
	s18 =	simm.s32 $0x2780;
	s19 =	simm.s32 $0x4F00  }
0x4: {  	s20 =	simm.s32 $0x7680;
	s28 =	simm.s32 $0x11480;
	s29 =	simm.s32 $0x13C00  }
0x5: {  	s30 =	simm.s32 $0x16380;
	s31 =	simm.s32 $0x18B00;
	s21 =	simm.s32 $0x0  }
0x6: {  	s1 =	sand.u32 $0x1, s1;
	s3 =	sshll.u32 s2, $0x1;
	s2 =	simm.s32 $0x0  }
0x7: {  	s6 =	sadd.s32 $0x1F800, s0;
	s3 =	sor.u32 s1, s3;
	[smem:$0x7FF] =	sst s2  }
0x8: {  	s1 =	ssub.s32 $0x2, s1;
	s5 =	smul.u32 $0x9C40, s3;
	_ =	strace $0x80000050  }
0x9: {  	s7 =	sshrl.u32 s1, $0x1;
	s8 =	smul.u32 $0x1388, s3;
	s3 =	sadd.s32 $0x10800, s0  }
0xa: {  	s0 =	simm.s32 $0x2;
	s22 =	ssub.s32 s1, s7;
	s1 =	simm.s32 $0x1B280  }
0xb: {  	s5 =	sshrl.u32 s5, $0x3;
	s24 =	sadd.s32 s6, s8;
	s8 =	sadd.s32 s4, s8  }
0xc: {  	s16 =	smax.u32 s22, $0x1;
	s22 =	simm.s32 $0x1E900;
	s23 =	sadd.s32 $0x4E2, s5  }
0xd: {  	[dreg:$0x3] =	wrdreg s24;
	s26 =	sadd.s32 $0x9C4, s5;
	s14 =	sadd.s32 $0xEA6, s5  }
0xe: {  	s5 =	sadd.s32 s4, s5;
	s24 =	simm.s32 $0x9E00;
	s25 =	sadd.s32 s6, s23  }
0xf: {  	s9 =	sadd.s32 s6, s26;
	s6 =	sadd.s32 s6, s14;
	s10 =	sadd.s32 s4, s23  }
0x10: {  	s11 =	sadd.s32 $0x275E2, s5;
	s12 =	sadd.s32 s4, s26;
	s13 =	sadd.s32 $0x27AC4, s5  }
0x11: {  	s14 =	sadd.s32 s4, s14;
	s15 =	sadd.s32 $0x27FA6, s5;
	[dreg:$0x4] =	wrdreg s25  }
0x12: {  	s23 =	simm.s32 $0x1;
	s26 =	simm.s32 $0xED00;
	[dreg:$0x5] =	wrdreg s9  }
0x13: {  	v0 =	vimm.f32 $0.0e+00;
	[dreg:$0x6] =	wrdreg s6;
	s9 =	sadd.s32 $0x27100, s5;
	s25 =	simm.s32 $0xC580  }
.LBB2_1:
0x14: {  	s4 =	rddreg [dreg:$0x3]  }
0x15: {  	[tilespmem:s2], [sflag:$0x3] =	stream.linear.gather [hbm4b:s4+s2], $0x2710, $0x38;
	[tilespmem:$0x1F800] =	vst v63  }
0x16: {  	_ =	swait.ge [sflag:s17], $0x2710  }
0x17: {  	[sflag:s17] =	ssyncset.done $0x0  }
0x18: {  	s5 =	simm.s32 $0x9E20;
	[sflag:s17] =	ssyncadd.s32 $0xFFFFD8F0  }
0x19: {  	[tilespmem:s5+$0xFFFFFFE0] =	vst v0  }
0x1a: {  	[tilespmem:s5+$0x20] =	vst v0  }
0x1b: {  	[tilespmem:s5+$0x10] =	vst v0  }
0x1c: {  	s6 =	simm.s32 $0x0;
	[tilespmem:s5+$0x0] =	vst v0  }
.LBB2_2:
0x1d: {  	s6 =	sadd.s32 $0x5, s6  }
0x1e: {  	[tilespmem:s5+$0xFFFFFFF0] =	vst v0;
	s5 =	sadd.s32 $0x50, s5;
	s4 =	simm.s32 $0xC5A0;
	p0 =	slt.u32 s6, $0x26C  }
.Ltmp0:
0x1f: {  	[tilespmem:s5+$0xFFFFFFE0] =	vst v0;
	(pc) =	sbr.rel @p0 .LBB2_2-.Ltmp0, $4  }
0x20: {  	_ = 	snop  }
0x21: {  	[tilespmem:s5+$0x20] =	vst v0  }
0x22: {  	[tilespmem:s5+$0x10] =	vst v0  }
0x23: {  	[tilespmem:s5+$0x0] =	vst v0  }
0x24: {  	[tilespmem:s5+$0xFFFFFFF0] =	vst v0  }
0x25: {  	[tilespmem:s4+$0xFFFFFFE0] =	vst v0  }
0x26: {  	[tilespmem:s4+$0x20] =	vst v0  }
0x27: {  	[tilespmem:s4+$0x10] =	vst v0  }
0x28: {  	s5 =	simm.s32 $0x0;
	[tilespmem:s4+$0x0] =	vst v0  }
.LBB2_4:
0x29: {  	s5 =	sadd.s32 $0x5, s5  }
0x2a: {  	[tilespmem:s4+$0xFFFFFFF0] =	vst v0;
	s4 =	sadd.s32 $0x50, s4;
	p0 =	slt.u32 s5, $0x26C  }
.Ltmp1:
0x2b: {  	[tilespmem:s4+$0xFFFFFFE0] =	vst v0;
	(pc) =	sbr.rel @p0 .LBB2_4-.Ltmp1, $4  }
0x2c: {  	_ = 	snop  }
0x2d: {  	[tilespmem:s4+$0x20] =	vst v0  }
0x2e: {  	[tilespmem:s4+$0x10] =	vst v0  }
0x2f: {  	[tilespmem:s4+$0x0] =	vst v0  }
0x30: {  	[tilespmem:s4+$0xFFFFFFF0] =	vst v0  }
0x31: {  	s4 =	rddreg [dreg:$0x4]  }
0x32: {  	[tilespmem:s18], [sflag:$0x3] =	stream.linear.gather [hbm4b:s4+s2], $0x2710, $0x38;
	[tilespmem:$0x1F800] =	vst v63  }
0x33: {  	_ =	swait.ge [sflag:s17], $0x2710  }
0x34: {  	[sflag:s17] =	ssyncset.done $0x0  }
0x35: {  	s5 =	simm.s32 $0xED20;
	[sflag:s17] =	ssyncadd.s32 $0xFFFFD8F0  }
0x36: {  	[tilespmem:s5+$0xFFFFFFE0] =	vst v0  }
0x37: {  	[tilespmem:s5+$0x20] =	vst v0  }
0x38: {  	[tilespmem:s5+$0x10] =	vst v0  }
0x39: {  	s6 =	simm.s32 $0x0;
	[tilespmem:s5+$0x0] =	vst v0  }
.LBB2_6:
0x3a: {  	s6 =	sadd.s32 $0x5, s6  }
0x3b: {  	[tilespmem:s5+$0xFFFFFFF0] =	vst v0;
	s5 =	sadd.s32 $0x50, s5;
	s4 =	simm.s32 $0x114A0;
	p0 =	slt.u32 s6, $0x26C  }
.Ltmp2:
0x3c: {  	[tilespmem:s5+$0xFFFFFFE0] =	vst v0;
	(pc) =	sbr.rel @p0 .LBB2_6-.Ltmp2, $4  }
0x3d: {  	_ = 	snop  }
0x3e: {  	[tilespmem:s5+$0x20] =	vst v0  }
0x3f: {  	[tilespmem:s5+$0x10] =	vst v0  }
0x40: {  	[tilespmem:s5+$0x0] =	vst v0  }
0x41: {  	[tilespmem:s5+$0xFFFFFFF0] =	vst v0  }
0x42: {  	[tilespmem:s4+$0xFFFFFFE0] =	vst v0  }
0x43: {  	[tilespmem:s4+$0x20] =	vst v0  }
0x44: {  	[tilespmem:s4+$0x10] =	vst v0  }
0x45: {  	s5 =	simm.s32 $0x0;
	[tilespmem:s4+$0x0] =	vst v0  }
.LBB2_8:
0x46: {  	s5 =	sadd.s32 $0x5, s5  }
0x47: {  	[tilespmem:s4+$0xFFFFFFF0] =	vst v0;
	s4 =	sadd.s32 $0x50, s4;
	p0 =	slt.u32 s5, $0x26C  }
.Ltmp3:
0x48: {  	[tilespmem:s4+$0xFFFFFFE0] =	vst v0;
	(pc) =	sbr.rel @p0 .LBB2_8-.Ltmp3, $4  }
0x49: {  	_ = 	snop  }
0x4a: {  	[tilespmem:s4+$0x20] =	vst v0  }
0x4b: {  	[tilespmem:s4+$0x10] =	vst v0  }
0x4c: {  	[tilespmem:s4+$0x0] =	vst v0  }
0x4d: {  	[tilespmem:s4+$0xFFFFFFF0] =	vst v0  }
0x4e: {  	s4 =	rddreg [dreg:$0x5]  }
0x4f: {  	[tilespmem:s19], [sflag:$0x3] =	stream.linear.gather [hbm4b:s4+s2], $0x2710, $0x38;
	[tilespmem:$0x1F800] =	vst v63  }
0x50: {  	_ =	swait.ge [sflag:s17], $0x2710  }
0x51: {  	[sflag:s17] =	ssyncset.done $0x0  }
0x52: {  	s5 =	simm.s32 $0x13C20;
	[sflag:s17] =	ssyncadd.s32 $0xFFFFD8F0  }
0x53: {  	[tilespmem:s5+$0xFFFFFFE0] =	vst v0  }
0x54: {  	[tilespmem:s5+$0x20] =	vst v0  }
0x55: {  	[tilespmem:s5+$0x10] =	vst v0  }
0x56: {  	s6 =	simm.s32 $0x0;
	[tilespmem:s5+$0x0] =	vst v0  }
.LBB2_10:
0x57: {  	s6 =	sadd.s32 $0x5, s6  }
0x58: {  	[tilespmem:s5+$0xFFFFFFF0] =	vst v0;
	s5 =	sadd.s32 $0x50, s5;
	s4 =	simm.s32 $0x163A0;
	p0 =	slt.u32 s6, $0x26C  }
.Ltmp4:
0x59: {  	[tilespmem:s5+$0xFFFFFFE0] =	vst v0;
	(pc) =	sbr.rel @p0 .LBB2_10-.Ltmp4, $4  }
0x5a: {  	_ = 	snop  }
0x5b: {  	[tilespmem:s5+$0x20] =	vst v0  }
0x5c: {  	[tilespmem:s5+$0x10] =	vst v0  }
0x5d: {  	[tilespmem:s5+$0x0] =	vst v0  }
0x5e: {  	[tilespmem:s5+$0xFFFFFFF0] =	vst v0  }
0x5f: {  	[tilespmem:s4+$0xFFFFFFE0] =	vst v0  }
0x60: {  	[tilespmem:s4+$0x20] =	vst v0  }
0x61: {  	[tilespmem:s4+$0x10] =	vst v0  }
0x62: {  	s5 =	simm.s32 $0x0;
	[tilespmem:s4+$0x0] =	vst v0  }
.LBB2_12:
0x63: {  	s5 =	sadd.s32 $0x5, s5  }
0x64: {  	[tilespmem:s4+$0xFFFFFFF0] =	vst v0;
	s4 =	sadd.s32 $0x50, s4;
	p0 =	slt.u32 s5, $0x26C  }
.Ltmp5:
0x65: {  	[tilespmem:s4+$0xFFFFFFE0] =	vst v0;
	(pc) =	sbr.rel @p0 .LBB2_12-.Ltmp5, $4  }
0x66: {  	_ = 	snop  }
0x67: {  	[tilespmem:s4+$0x20] =	vst v0  }
0x68: {  	[tilespmem:s4+$0x10] =	vst v0  }
0x69: {  	[tilespmem:s4+$0x0] =	vst v0  }
0x6a: {  	[tilespmem:s4+$0xFFFFFFF0] =	vst v0  }
0x6b: {  	s4 =	rddreg [dreg:$0x6]  }
0x6c: {  	[tilespmem:s20], [sflag:$0x3] =	stream.linear.gather [hbm4b:s4+s2], $0x2710, $0x38;
	[tilespmem:$0x1F800] =	vst v63  }
0x6d: {  	_ =	swait.ge [sflag:s17], $0x2710  }
0x6e: {  	[sflag:s17] =	ssyncset.done $0x0  }
0x6f: {  	s5 =	simm.s32 $0x18B20;
	[sflag:s17] =	ssyncadd.s32 $0xFFFFD8F0  }
0x70: {  	[tilespmem:s5+$0xFFFFFFE0] =	vst v0  }
0x71: {  	[tilespmem:s5+$0x20] =	vst v0  }
0x72: {  	[tilespmem:s5+$0x10] =	vst v0  }
0x73: {  	s6 =	simm.s32 $0x0;
	[tilespmem:s5+$0x0] =	vst v0  }
.LBB2_14:
0x74: {  	s6 =	sadd.s32 $0x5, s6  }
0x75: {  	[tilespmem:s5+$0xFFFFFFF0] =	vst v0;
	s5 =	sadd.s32 $0x50, s5;
	s4 =	simm.s32 $0x1B2A0;
	p0 =	slt.u32 s6, $0x26C  }
.Ltmp6:
0x76: {  	[tilespmem:s5+$0xFFFFFFE0] =	vst v0;
	(pc) =	sbr.rel @p0 .LBB2_14-.Ltmp6, $4  }
0x77: {  	_ = 	snop  }
0x78: {  	[tilespmem:s5+$0x20] =	vst v0  }
0x79: {  	[tilespmem:s5+$0x10] =	vst v0  }
0x7a: {  	[tilespmem:s5+$0x0] =	vst v0  }
0x7b: {  	[tilespmem:s5+$0xFFFFFFF0] =	vst v0  }
0x7c: {  	[tilespmem:s4+$0xFFFFFFE0] =	vst v0  }
0x7d: {  	[tilespmem:s4+$0x20] =	vst v0  }
0x7e: {  	[tilespmem:s4+$0x10] =	vst v0  }
0x7f: {  	s5 =	simm.s32 $0x0;
	[tilespmem:s4+$0x0] =	vst v0  }
.LBB2_16:
0x80: {  	s5 =	sadd.s32 $0x5, s5  }
0x81: {  	[tilespmem:s4+$0xFFFFFFF0] =	vst v0;
	s4 =	sadd.s32 $0x50, s4;
	p0 =	slt.u32 s5, $0x26C  }
.Ltmp7:
0x82: {  	[tilespmem:s4+$0xFFFFFFE0] =	vst v0;
	(pc) =	sbr.rel @p0 .LBB2_16-.Ltmp7, $4  }
0x83: {  	_ = 	snop  }
0x84: {  	[tilespmem:s4+$0x20] =	vst v0  }
0x85: {  	[tilespmem:s4+$0x10] =	vst v0  }
0x86: {  	[tilespmem:s4+$0x0] =	vst v0  }
0x87: {  	[tilespmem:s4+$0xFFFFFFF0] =	vst v0;
	s4 =	simm.s32 $0x0;
	s5 =	simm.s32 $0x1DA00  }
0x88: {  	[tilespmem:s5], [sflag:$0x1] =	stream.linear.gather [hbm4b:s3+s4], $0xF00, $0x38;
	[tilespmem:$0x1F800] =	vst v63  }
.LBB2_18:
0x89: {  	s5 =	smul.u32 $0x1E00, s4;
	_ =	sdelay $0x1  }
0x8a: {  	s6 =	sshrl.u32 s5, $0x3  }
0x8b: {  	s6 =	sadd.s32 s3, s6  }
0x8c: {  	s6 =	sadd.s32 $0x1E0, s6  }
0x8d: {  	[tilespmem:s22], [sflag:$0x2] =	stream.linear.gather [hbm4b:s6+s2], $0xF00, $0x38;
	[tilespmem:$0x1F800] =	vst v63  }
0x8e: {  	_ =	swait.ge [sflag:s23], $0xF00  }
0x8f: {  	[sflag:s23] =	ssyncset.done $0x0  }
0x90: {  	s7 =	simm.s32 $0x1DF80;
	s6 =	simm.s32 $0xFFFFFFF0;
	[sflag:s23] =	ssyncadd.s32 $0xFFFFF100  }
.LBB2_19:
0x91: {  	v1 =	vld [tilespmem:s7+$0xFFFFFA80];
	_ =	sdelay $0x6  }
0x92: {  	v2 =	vld [tilespmem:s7+$0xFFFFFF80]  }
0x93: {  	v3 =	vld.idx.msk [tilespmem:v1+s2+$0x0], $0xffff  }
0x94: {  	v4 =	vld [tilespmem:s7+$0x480]  }
0x95: {  	v6 =	vld [tilespmem:s7+$0xFFFFFA90]  }
0x96: {  	v17 =	vld [tilespmem:s7+$0xFFFFFF90]  }
0x97: {  	v9 =	vld [tilespmem:s7+$0x490]  }
0x98: {  	v10 =	vld [tilespmem:s7+$0xFFFFFAA0];
	v5 =	vunpack.i.l.bf16.f32 v3  }
0x99: {  	v11 =	vld [tilespmem:s7+$0xFFFFFFA0];
	v3 =	vunpack.i.u.bf16.f32 v3;
	v5 =	vmul.f32 v5, v4  }
0x9a: {  	v13 =	vld [tilespmem:s7+$0x4A0];
	v3 =	vmul.f32 v3, v4  }
0x9b: {  	[tilespmem:v2+s24+$0x0] =	vst.idx.add.f32.msk $0xffff, v5  }
0x9c: {  	[tilespmem:v2+s25+$0x0] =	vst.idx.add.f32.msk $0xffff, v3  }
0x9d: {  	v3 =	vld.idx.msk [tilespmem:v1+s18+$0x0], $0xffff  }
0x9e: {  	v14 =	vld [tilespmem:s7+$0xFFFFFAB0]  }
0x9f: {  	v7 =	vld.idx.msk [tilespmem:v6+s2+$0x0], $0xffff  }
0xa0: {  	v30 =	vld [tilespmem:s7+$0xFFFFFFB0]  }
0xa1: {  	v32 =	vld [tilespmem:s7+$0x4B0]  }
0xa2: {  	v34 =	vld [tilespmem:s7+$0xFFFFFAC0];
	v8 =	vunpack.i.l.bf16.f32 v3  }
0xa3: {  	v36 =	vld [tilespmem:s7+$0x4C0];
	v3 =	vunpack.i.u.bf16.f32 v3;
	v8 =	vmul.f32 v8, v4  }
0xa4: {  	v38 =	vld [tilespmem:s7+$0xFFFFFAD0];
	v18 =	vunpack.i.l.bf16.f32 v7;
	v3 =	vmul.f32 v3, v4  }
0xa5: {  	v19 =	vmul.f32 v18, v9;
	[tilespmem:v2+s26+$0x0] =	vst.idx.add.f32.msk $0xffff, v8  }
0xa6: {  	[tilespmem:v2+s28+$0x0] =	vst.idx.add.f32.msk $0xffff, v3;
	v3 =	vunpack.i.u.bf16.f32 v7  }
0xa7: {  	[tilespmem:v17+s24+$0x0] =	vst.idx.add.f32.msk $0xffff, v19;
	v3 =	vmul.f32 v3, v9  }
0xa8: {  	v20 =	vld.idx.msk [tilespmem:v1+s19+$0x0], $0xffff  }
0xa9: {  	[tilespmem:v17+s25+$0x0] =	vst.idx.add.f32.msk $0xffff, v3  }
0xaa: {  	v3 =	vld.idx.msk [tilespmem:v6+s18+$0x0], $0xffff  }
0xab: {  	v40 =	vld [tilespmem:s7+$0xFFFFFFD0]  }
0xac: {  	v16 =	vld [tilespmem:s7+$0x4D0]  }
0xad: {  	v47 =	vld [tilespmem:s7+$0xFFFFFAE0];
	v21 =	vunpack.i.l.bf16.f32 v20  }
0xae: {  	v49 =	vld [tilespmem:s7+$0xFFFFFFE0];
	v7 =	vmul.f32 v21, v4  }
0xaf: {  	v12 =	vld.idx.msk [tilespmem:v10+s2+$0x0], $0xffff;
	v22 =	vunpack.i.l.bf16.f32 v3  }
0xb0: {  	[tilespmem:v2+s29+$0x0] =	vst.idx.add.f32.msk $0xffff, v7;
	v3 =	vunpack.i.u.bf16.f32 v3;
	v7 =	vmul.f32 v22, v9  }
0xb1: {  	v51 =	vld [tilespmem:s7+$0x4E0];
	v3 =	vmul.f32 v3, v9  }
0xb2: {  	[tilespmem:v17+s26+$0x0] =	vst.idx.add.f32.msk $0xffff, v7  }
0xb3: {  	v8 =	vunpack.i.u.bf16.f32 v20;
	[tilespmem:v17+s28+$0x0] =	vst.idx.add.f32.msk $0xffff, v3  }
0xb4: {  	v8 =	vmul.f32 v8, v4;
	v24 =	vld.idx.msk [tilespmem:v6+s19+$0x0], $0xffff  }
0xb5: {  	v53 =	vld [tilespmem:s7+$0xFFFFFAF0];
	v23 =	vunpack.i.l.bf16.f32 v12  }
0xb6: {  	[tilespmem:v2+s30+$0x0] =	vst.idx.add.f32.msk $0xffff, v8;
	v7 =	vmul.f32 v23, v13;
	v3 =	vunpack.i.u.bf16.f32 v12  }
0xb7: {  	v1 =	vld.idx.msk [tilespmem:v1+s20+$0x0], $0xffff;
	v3 =	vmul.f32 v3, v13  }
0xb8: {  	[tilespmem:v11+s24+$0x0] =	vst.idx.add.f32.msk $0xffff, v7  }
0xb9: {  	[tilespmem:v11+s25+$0x0] =	vst.idx.add.f32.msk $0xffff, v3;
	v26 =	vunpack.i.l.bf16.f32 v24  }
0xba: {  	v3 =	vld.idx.msk [tilespmem:v10+s18+$0x0], $0xffff;
	v8 =	vunpack.i.u.bf16.f32 v24;
	v12 =	vmul.f32 v26, v9  }
0xbb: {  	v54 =	vld [tilespmem:s7+$0xFFFFFFF0];
	v27 =	vmul.f32 v8, v9  }
0xbc: {  	[tilespmem:v17+s29+$0x0] =	vst.idx.add.f32.msk $0xffff, v12  }
0xbd: {  	[tilespmem:v17+s30+$0x0] =	vst.idx.add.f32.msk $0xffff, v27  }
0xbe: {  	v25 =	vunpack.i.l.bf16.f32 v1;
	v6 =	vld.idx.msk [tilespmem:v6+s20+$0x0], $0xffff  }
0xbf: {  	v57 =	vld [tilespmem:s7+$0x4F0];
	v7 =	vmul.f32 v25, v4;
	v28 =	vunpack.i.l.bf16.f32 v3  }
0xc0: {  	v31 =	vld.idx.msk [tilespmem:v14+s2+$0x0], $0xffff;
	v3 =	vunpack.i.u.bf16.f32 v3;
	v29 =	vmul.f32 v28, v13  }
0xc1: {  	v1 =	vunpack.i.u.bf16.f32 v1;
	[tilespmem:v2+s31+$0x0] =	vst.idx.add.f32.msk $0xffff, v7;
	v3 =	vmul.f32 v3, v13  }
0xc2: {  	v1 =	vmul.f32 v1, v4;
	[tilespmem:v11+s26+$0x0] =	vst.idx.add.f32.msk $0xffff, v29  }
0xc3: {  	[tilespmem:v11+s28+$0x0] =	vst.idx.add.f32.msk $0xffff, v3;
	v3 =	vunpack.i.l.bf16.f32 v6  }
0xc4: {  	[tilespmem:v2+s1+$0x0] =	vst.idx.add.f32.msk $0xffff, v1;
	v1 =	vunpack.i.u.bf16.f32 v6;
	v2 =	vmul.f32 v3, v9  }
0xc5: {  	v33 =	vld.idx.msk [tilespmem:v10+s19+$0x0], $0xffff;
	v1 =	vmul.f32 v1, v9;
	v3 =	vunpack.i.l.bf16.f32 v31  }
0xc6: {  	v3 =	vmul.f32 v3, v32;
	[tilespmem:v17+s31+$0x0] =	vst.idx.add.f32.msk $0xffff, v2;
	v2 =	vunpack.i.u.bf16.f32 v31  }
0xc7: {  	[tilespmem:v17+s1+$0x0] =	vst.idx.add.f32.msk $0xffff, v1;
	v1 =	vmul.f32 v2, v32  }
0xc8: {  	[tilespmem:v30+s24+$0x0] =	vst.idx.add.f32.msk $0xffff, v3  }
0xc9: {  	[tilespmem:v30+s25+$0x0] =	vst.idx.add.f32.msk $0xffff, v1  }
0xca: {  	v2 =	vunpack.i.l.bf16.f32 v33;
	v1 =	vld.idx.msk [tilespmem:v14+s18+$0x0], $0xffff  }
0xcb: {  	v60 =	vld [tilespmem:s7+$0xFFFFFB00];
	v2 =	vmul.f32 v2, v13  }
0xcc: {  	v35 =	vld.idx.msk [tilespmem:v34+s2+$0x0], $0xffff  }
0xcd: {  	v3 =	vunpack.i.u.bf16.f32 v33;
	[tilespmem:v11+s29+$0x0] =	vst.idx.add.f32.msk $0xffff, v2  }
0xce: {  	v3 =	vmul.f32 v3, v13;
	v2 =	vld [tilespmem:s7+$0xFFFFFFC0]  }
0xcf: {  	v41 =	vld.idx.msk [tilespmem:v38+s2+$0x0], $0xffff;
	v37 =	vunpack.i.l.bf16.f32 v1  }
0xd0: {  	[tilespmem:v11+s30+$0x0] =	vst.idx.add.f32.msk $0xffff, v3;
	v1 =	vunpack.i.u.bf16.f32 v1;
	v3 =	vmul.f32 v37, v32  }
0xd1: {  	v50 =	vld.idx.msk [tilespmem:v47+s2+$0x0], $0xffff;
	v1 =	vmul.f32 v1, v32  }
0xd2: {  	[tilespmem:v30+s26+$0x0] =	vst.idx.add.f32.msk $0xffff, v3  }
0xd3: {  	v3 =	vunpack.i.l.bf16.f32 v35;
	[tilespmem:v30+s28+$0x0] =	vst.idx.add.f32.msk $0xffff, v1  }
0xd4: {  	v1 =	vmul.f32 v3, v36;
	v3 =	vld.idx.msk [tilespmem:v14+s19+$0x0], $0xffff  }
0xd5: {  	v55 =	vld.idx.msk [tilespmem:v53+s2+$0x0], $0xffff  }
0xd6: {  	[tilespmem:v2+s24+$0x0] =	vst.idx.add.f32.msk $0xffff, v1;
	v1 =	vunpack.i.u.bf16.f32 v35  }
0xd7: {  	v18 =	vld.idx.msk [tilespmem:v60+s2+$0x0], $0xffff;
	v1 =	vmul.f32 v1, v36  }
0xd8: {  	v23 =	vld [tilespmem:s7+$0xFFFFFB10]  }
0xd9: {  	[tilespmem:v2+s25+$0x0] =	vst.idx.add.f32.msk $0xffff, v1;
	v17 =	vunpack.i.l.bf16.f32 v3  }
0xda: {  	v1 =	vunpack.i.u.bf16.f32 v3;
	v42 =	vld.idx.msk [tilespmem:v34+s18+$0x0], $0xffff;
	v3 =	vmul.f32 v17, v32  }
0xdb: {  	v27 =	vld [tilespmem:s7+$0x10];
	v1 =	vmul.f32 v1, v32  }
0xdc: {  	[tilespmem:v30+s29+$0x0] =	vst.idx.add.f32.msk $0xffff, v3;
	v3 =	vunpack.i.l.bf16.f32 v41  }
0xdd: {  	[tilespmem:v30+s30+$0x0] =	vst.idx.add.f32.msk $0xffff, v1;
	v1 =	vunpack.i.u.bf16.f32 v41;
	v3 =	vmul.f32 v3, v16  }
0xde: {  	v43 =	vld.idx.msk [tilespmem:v14+s20+$0x0], $0xffff;
	v1 =	vmul.f32 v1, v16  }
0xdf: {  	v44 =	vunpack.i.l.bf16.f32 v42;
	[tilespmem:v40+s24+$0x0] =	vst.idx.add.f32.msk $0xffff, v3  }
0xe0: {  	v3 =	vunpack.i.u.bf16.f32 v42;
	v14 =	vmul.f32 v44, v36;
	[tilespmem:v40+s25+$0x0] =	vst.idx.add.f32.msk $0xffff, v1  }
0xe1: {  	v1 =	vmul.f32 v3, v36;
	v3 =	vld.idx.msk [tilespmem:v38+s18+$0x0], $0xffff  }
0xe2: {  	[tilespmem:v2+s26+$0x0] =	vst.idx.add.f32.msk $0xffff, v14  }
0xe3: {  	[tilespmem:v2+s28+$0x0] =	vst.idx.add.f32.msk $0xffff, v1  }
0xe4: {  	v1 =	vunpack.i.l.bf16.f32 v43;
	v45 =	vld.idx.msk [tilespmem:v34+s19+$0x0], $0xffff  }
0xe5: {  	v39 =	vld.idx.msk [tilespmem:v10+s20+$0x0], $0xffff;
	v1 =	vmul.f32 v1, v32  }
0xe6: {  	v28 =	vld.idx.msk [tilespmem:v23+s2+$0x0], $0xffff;
	v46 =	vunpack.i.l.bf16.f32 v3  }
0xe7: {  	[tilespmem:v30+s31+$0x0] =	vst.idx.add.f32.msk $0xffff, v1;
	v1 =	vunpack.i.u.bf16.f32 v3;
	v3 =	vmul.f32 v46, v16  }
0xe8: {  	v29 =	vld [tilespmem:s7+$0x510];
	v1 =	vmul.f32 v1, v16  }
0xe9: {  	v48 =	vunpack.i.l.bf16.f32 v45;
	[tilespmem:v40+s26+$0x0] =	vst.idx.add.f32.msk $0xffff, v3  }
0xea: {  	v15 =	vunpack.i.l.bf16.f32 v39;
	v3 =	vmul.f32 v48, v36;
	[tilespmem:v40+s28+$0x0] =	vst.idx.add.f32.msk $0xffff, v1  }
0xeb: {  	v8 =	vunpack.i.u.bf16.f32 v39;
	v15 =	vmul.f32 v15, v13;
	v1 =	vld.idx.msk [tilespmem:v38+s19+$0x0], $0xffff  }
0xec: {  	v8 =	vmul.f32 v8, v13;
	[tilespmem:v2+s29+$0x0] =	vst.idx.add.f32.msk $0xffff, v3;
	v3 =	vunpack.i.u.bf16.f32 v45  }
0xed: {  	[tilespmem:v11+s31+$0x0] =	vst.idx.add.f32.msk $0xffff, v15;
	v3 =	vmul.f32 v3, v36  }
0xee: {  	[tilespmem:v11+s1+$0x0] =	vst.idx.add.f32.msk $0xffff, v8  }
0xef: {  	v4 =	vunpack.i.u.bf16.f32 v43;
	[tilespmem:v2+s30+$0x0] =	vst.idx.add.f32.msk $0xffff, v3  }
0xf0: {  	v4 =	vmul.f32 v4, v32;
	v6 =	vld.idx.msk [tilespmem:v34+s20+$0x0], $0xffff;
	v52 =	vunpack.i.l.bf16.f32 v1  }
0xf1: {  	v34 =	vld [tilespmem:s7+$0xFFFFFB20];
	v1 =	vunpack.i.u.bf16.f32 v1;
	v3 =	vmul.f32 v52, v16  }
0xf2: {  	[tilespmem:v30+s1+$0x0] =	vst.idx.add.f32.msk $0xffff, v4;
	v1 =	vmul.f32 v1, v16  }
0xf3: {  	[tilespmem:v40+s29+$0x0] =	vst.idx.add.f32.msk $0xffff, v3  }
0xf4: {  	v3 =	vunpack.i.l.bf16.f32 v50;
	[tilespmem:v40+s30+$0x0] =	vst.idx.add.f32.msk $0xffff, v1  }
0xf5: {  	v1 =	vmul.f32 v3, v51;
	v56 =	vunpack.i.l.bf16.f32 v6;
	v3 =	vld.idx.msk [tilespmem:v38+s20+$0x0], $0xffff  }
0xf6: {  	v12 =	vmul.f32 v56, v36;
	v38 =	vld [tilespmem:s7+$0x20]  }
0xf7: {  	[tilespmem:v49+s24+$0x0] =	vst.idx.add.f32.msk $0xffff, v1;
	v1 =	vunpack.i.u.bf16.f32 v50  }
0xf8: {  	v1 =	vmul.f32 v1, v51;
	[tilespmem:v2+s31+$0x0] =	vst.idx.add.f32.msk $0xffff, v12  }
0xf9: {  	v6 =	vunpack.i.u.bf16.f32 v6;
	v39 =	vld.idx.msk [tilespmem:v34+s2+$0x0], $0xffff  }
0xfa: {  	[tilespmem:v49+s25+$0x0] =	vst.idx.add.f32.msk $0xffff, v1;
	v1 =	vmul.f32 v6, v36  }
0xfb: {  	v59 =	vld.idx.msk [tilespmem:v47+s18+$0x0], $0xffff  }
0xfc: {  	[tilespmem:v2+s1+$0x0] =	vst.idx.add.f32.msk $0xffff, v1;
	v1 =	vunpack.i.l.bf16.f32 v55  }
0xfd: {  	v36 =	vld [tilespmem:s7+$0xFFFFFB30];
	v2 =	vunpack.i.u.bf16.f32 v55;
	v1 =	vmul.f32 v1, v57  }
0xfe: {  	v58 =	vunpack.i.l.bf16.f32 v3;
	v62 =	vunpack.i.u.bf16.f32 v3;
	v3 =	vld [tilespmem:s7+$0x0];
	v2 =	vmul.f32 v2, v57  }
0xff: {  	[tilespmem:v54+s24+$0x0] =	vst.idx.add.f32.msk $0xffff, v1  }
0x100: {  	v5 =	vmul.f32 v58, v16;
	v61 =	vunpack.i.l.bf16.f32 v59;
	[tilespmem:v54+s25+$0x0] =	vst.idx.add.f32.msk $0xffff, v2  }
0x101: {  	v4 =	vmul.f32 v61, v51;
	v2 =	vld.idx.msk [tilespmem:v53+s18+$0x0], $0xffff  }
0x102: {  	[tilespmem:v40+s31+$0x0] =	vst.idx.add.f32.msk $0xffff, v5;
	v1 =	vunpack.i.u.bf16.f32 v59  }
0x103: {  	v1 =	vmul.f32 v1, v51;
	[tilespmem:v49+s26+$0x0] =	vst.idx.add.f32.msk $0xffff, v4  }
0x104: {  	v4 =	vld [tilespmem:s7+$0x500]  }
0x105: {  	v63 =	vmul.f32 v62, v16;
	[tilespmem:v49+s28+$0x0] =	vst.idx.add.f32.msk $0xffff, v1  }
0x106: {  	v1 =	vld.idx.msk [tilespmem:v47+s19+$0x0], $0xffff;
	v17 =	vunpack.i.l.bf16.f32 v2  }
0x107: {  	[tilespmem:v40+s1+$0x0] =	vst.idx.add.f32.msk $0xffff, v63;
	v19 =	vmul.f32 v17, v57  }
0x108: {  	v40 =	vld [tilespmem:s7+$0x520];
	v2 =	vunpack.i.u.bf16.f32 v2  }
0x109: {  	v21 =	vunpack.i.l.bf16.f32 v18;
	v2 =	vmul.f32 v2, v57;
	[tilespmem:v54+s26+$0x0] =	vst.idx.add.f32.msk $0xffff, v19  }
0x10a: {  	v5 =	vunpack.i.u.bf16.f32 v39;
	v22 =	vmul.f32 v21, v4;
	v19 =	vunpack.i.l.bf16.f32 v39;
	v39 =	vld [tilespmem:s7+$0x70]  }
0x10b: {  	v20 =	vunpack.i.l.bf16.f32 v1;
	[tilespmem:v54+s28+$0x0] =	vst.idx.add.f32.msk $0xffff, v2  }
0x10c: {  	v1 =	vunpack.i.u.bf16.f32 v1;
	[tilespmem:v3+s24+$0x0] =	vst.idx.add.f32.msk $0xffff, v22;
	v6 =	vmul.f32 v20, v51  }
0x10d: {  	v1 =	vmul.f32 v1, v51;
	v2 =	vld.idx.msk [tilespmem:v53+s19+$0x0], $0xffff  }
0x10e: {  	[tilespmem:v49+s29+$0x0] =	vst.idx.add.f32.msk $0xffff, v6  }
0x10f: {  	[tilespmem:v49+s30+$0x0] =	vst.idx.add.f32.msk $0xffff, v1;
	v1 =	vunpack.i.u.bf16.f32 v18  }
0x110: {  	v20 =	vld [tilespmem:s7+$0x570];
	v1 =	vmul.f32 v1, v4  }
0x111: {  	v11 =	vld.idx.msk [tilespmem:v47+s20+$0x0], $0xffff  }
0x112: {  	v41 =	vmul.f32 v19, v40;
	v24 =	vunpack.i.l.bf16.f32 v2;
	[tilespmem:v3+s25+$0x0] =	vst.idx.add.f32.msk $0xffff, v1  }
0x113: {  	v1 =	vunpack.i.u.bf16.f32 v2;
	v2 =	vmul.f32 v24, v57;
	v25 =	vld.idx.msk [tilespmem:v60+s18+$0x0], $0xffff  }
0x114: {  	[tilespmem:v38+s24+$0x0] =	vst.idx.add.f32.msk $0xffff, v41;
	v1 =	vmul.f32 v1, v57  }
0x115: {  	[tilespmem:v54+s29+$0x0] =	vst.idx.add.f32.msk $0xffff, v2  }
0x116: {  	v5 =	vmul.f32 v5, v40;
	[tilespmem:v54+s30+$0x0] =	vst.idx.add.f32.msk $0xffff, v1  }
0x117: {  	v30 =	vunpack.i.l.bf16.f32 v11;
	v26 =	vld.idx.msk [tilespmem:v53+s20+$0x0], $0xffff  }
0x118: {  	[tilespmem:v38+s25+$0x0] =	vst.idx.add.f32.msk $0xffff, v5;
	v31 =	vmul.f32 v30, v51;
	v1 =	vunpack.i.l.bf16.f32 v25  }
0x119: {  	v6 =	vld [tilespmem:s7+$0x540];
	v2 =	vunpack.i.u.bf16.f32 v25;
	v1 =	vmul.f32 v1, v4  }
0x11a: {  	[tilespmem:v49+s31+$0x0] =	vst.idx.add.f32.msk $0xffff, v31;
	v2 =	vmul.f32 v2, v4  }
0x11b: {  	[tilespmem:v3+s26+$0x0] =	vst.idx.add.f32.msk $0xffff, v1;
	v1 =	vunpack.i.u.bf16.f32 v11  }
0x11c: {  	[tilespmem:v3+s28+$0x0] =	vst.idx.add.f32.msk $0xffff, v2;
	v1 =	vmul.f32 v1, v51;
	v2 =	vunpack.i.l.bf16.f32 v26  }
0x11d: {  	v33 =	vunpack.i.l.bf16.f32 v28;
	v32 =	vld.idx.msk [tilespmem:v60+s19+$0x0], $0xffff;
	v2 =	vmul.f32 v2, v57  }
0x11e: {  	[tilespmem:v49+s1+$0x0] =	vst.idx.add.f32.msk $0xffff, v1;
	v1 =	vmul.f32 v33, v29  }
0x11f: {  	[tilespmem:v54+s31+$0x0] =	vst.idx.add.f32.msk $0xffff, v2;
	v2 =	vunpack.i.u.bf16.f32 v28  }
0x120: {  	[tilespmem:v27+s24+$0x0] =	vst.idx.add.f32.msk $0xffff, v1;
	v1 =	vmul.f32 v2, v29  }
0x121: {  	v18 =	vld.idx.msk [tilespmem:v36+s2+$0x0], $0xffff  }
0x122: {  	[tilespmem:v27+s25+$0x0] =	vst.idx.add.f32.msk $0xffff, v1  }
0x123: {  	v35 =	vld.idx.msk [tilespmem:v23+s18+$0x0], $0xffff  }
0x124: {  	v45 =	vld.idx.msk [tilespmem:v34+s18+$0x0], $0xffff;
	v2 =	vunpack.i.l.bf16.f32 v32  }
0x125: {  	v30 =	vld [tilespmem:s7+$0xFFFFFB60];
	v1 =	vunpack.i.u.bf16.f32 v32;
	v2 =	vmul.f32 v2, v4  }
0x126: {  	v31 =	vld [tilespmem:s7+$0xFFFFFB70];
	v12 =	vunpack.i.u.bf16.f32 v26;
	v1 =	vmul.f32 v1, v4  }
0x127: {  	v43 =	vmul.f32 v12, v57;
	[tilespmem:v3+s29+$0x0] =	vst.idx.add.f32.msk $0xffff, v2  }
0x128: {  	[tilespmem:v3+s30+$0x0] =	vst.idx.add.f32.msk $0xffff, v1;
	v1 =	vunpack.i.l.bf16.f32 v35  }
0x129: {  	[tilespmem:v54+s1+$0x0] =	vst.idx.add.f32.msk $0xffff, v43;
	v1 =	vmul.f32 v1, v29  }
0x12a: {  	v37 =	vld.idx.msk [tilespmem:v60+s20+$0x0], $0xffff  }
0x12b: {  	v2 =	vunpack.i.u.bf16.f32 v35;
	[tilespmem:v27+s26+$0x0] =	vst.idx.add.f32.msk $0xffff, v1  }
0x12c: {  	v8 =	vmul.f32 v2, v29;
	v1 =	vld [tilespmem:s7+$0x30]  }
0x12d: {  	v2 =	vld [tilespmem:s7+$0x530]  }
0x12e: {  	[tilespmem:v27+s28+$0x0] =	vst.idx.add.f32.msk $0xffff, v8  }
0x12f: {  	v42 =	vld.idx.msk [tilespmem:v23+s19+$0x0], $0xffff  }
0x130: {  	v54 =	vunpack.i.l.bf16.f32 v45;
	v32 =	vld [tilespmem:s7+$0x50]  }
0x131: {  	v44 =	vunpack.i.l.bf16.f32 v18;
	v46 =	vunpack.i.u.bf16.f32 v18;
	v35 =	vld [tilespmem:s7+$0x60];
	v8 =	vmul.f32 v54, v40  }
0x132: {  	v48 =	vunpack.i.l.bf16.f32 v37;
	v11 =	vunpack.i.u.bf16.f32 v37;
	v37 =	vld [tilespmem:s7+$0x560];
	v5 =	vmul.f32 v44, v2  }
0x133: {  	v47 =	vmul.f32 v46, v2;
	[tilespmem:v38+s26+$0x0] =	vst.idx.add.f32.msk $0xffff, v8  }
0x134: {  	v50 =	vunpack.i.l.bf16.f32 v42;
	[tilespmem:v1+s24+$0x0] =	vst.idx.add.f32.msk $0xffff, v5  }
0x135: {  	v9 =	vmul.f32 v50, v29;
	[tilespmem:v1+s25+$0x0] =	vst.idx.add.f32.msk $0xffff, v47  }
0x136: {  	v52 =	vld.idx.msk [tilespmem:v36+s18+$0x0], $0xffff  }
0x137: {  	v49 =	vmul.f32 v48, v4;
	v51 =	vunpack.i.u.bf16.f32 v42;
	[tilespmem:v27+s29+$0x0] =	vst.idx.add.f32.msk $0xffff, v9  }
0x138: {  	v53 =	vmul.f32 v51, v29;
	v9 =	vld [tilespmem:s7+$0xFFFFFB40]  }
0x139: {  	v55 =	vunpack.i.u.bf16.f32 v45;
	[tilespmem:v3+s31+$0x0] =	vst.idx.add.f32.msk $0xffff, v49  }
0x13a: {  	v5 =	vmul.f32 v55, v40;
	[tilespmem:v27+s30+$0x0] =	vst.idx.add.f32.msk $0xffff, v53  }
0x13b: {  	v59 =	vld.idx.msk [tilespmem:v23+s20+$0x0], $0xffff  }
0x13c: {  	v4 =	vmul.f32 v11, v4;
	[tilespmem:v38+s28+$0x0] =	vst.idx.add.f32.msk $0xffff, v5;
	v56 =	vunpack.i.l.bf16.f32 v52  }
0x13d: {  	v58 =	vld.idx.msk [tilespmem:v34+s19+$0x0], $0xffff;
	v8 =	vmul.f32 v56, v2  }
0x13e: {  	[tilespmem:v3+s1+$0x0] =	vst.idx.add.f32.msk $0xffff, v4  }
0x13f: {  	v57 =	vunpack.i.u.bf16.f32 v52;
	[tilespmem:v1+s26+$0x0] =	vst.idx.add.f32.msk $0xffff, v8  }
0x140: {  	v5 =	vmul.f32 v57, v2;
	v24 =	vunpack.i.l.bf16.f32 v59;
	v25 =	vunpack.i.u.bf16.f32 v59;
	v62 =	vld.idx.msk [tilespmem:v9+s2+$0x0], $0xffff  }
0x141: {  	v11 =	vmul.f32 v24, v29;
	v3 =	vmul.f32 v25, v29;
	v29 =	vld [tilespmem:s7+$0xFFFFFB50]  }
0x142: {  	v60 =	vunpack.i.l.bf16.f32 v58;
	[tilespmem:v1+s28+$0x0] =	vst.idx.add.f32.msk $0xffff, v5  }
0x143: {  	v12 =	vunpack.i.u.bf16.f32 v58;
	v61 =	vmul.f32 v60, v40;
	v5 =	vld [tilespmem:s7+$0x40]  }
0x144: {  	v12 =	vmul.f32 v12, v40;
	v8 =	vld.idx.msk [tilespmem:v36+s19+$0x0], $0xffff  }
0x145: {  	[tilespmem:v38+s29+$0x0] =	vst.idx.add.f32.msk $0xffff, v61  }
0x146: {  	[tilespmem:v38+s30+$0x0] =	vst.idx.add.f32.msk $0xffff, v12  }
0x147: {  	[tilespmem:v27+s31+$0x0] =	vst.idx.add.f32.msk $0xffff, v11  }
0x148: {  	v7 =	vld.idx.msk [tilespmem:v34+s20+$0x0], $0xffff;
	v22 =	vunpack.i.l.bf16.f32 v62  }
0x149: {  	v34 =	vld [tilespmem:s7+$0x550];
	v12 =	vmul.f32 v22, v6;
	v63 =	vunpack.i.l.bf16.f32 v8  }
0x14a: {  	v8 =	vunpack.i.u.bf16.f32 v8;
	v21 =	vmul.f32 v63, v2;
	v33 =	vld.idx.msk [tilespmem:v29+s2+$0x0], $0xffff  }
0x14b: {  	v8 =	vmul.f32 v8, v2;
	[tilespmem:v5+s24+$0x0] =	vst.idx.add.f32.msk $0xffff, v12  }
0x14c: {  	v23 =	vunpack.i.u.bf16.f32 v62;
	[tilespmem:v1+s29+$0x0] =	vst.idx.add.f32.msk $0xffff, v21  }
0x14d: {  	[tilespmem:v1+s30+$0x0] =	vst.idx.add.f32.msk $0xffff, v8;
	v8 =	vmul.f32 v23, v6  }
0x14e: {  	v10 =	vld.idx.msk [tilespmem:v36+s20+$0x0], $0xffff  }
0x14f: {  	[tilespmem:v5+s25+$0x0] =	vst.idx.add.f32.msk $0xffff, v8  }
0x150: {  	v26 =	vunpack.i.l.bf16.f32 v7;
	v12 =	vld.idx.msk [tilespmem:v9+s18+$0x0], $0xffff  }
0x151: {  	[tilespmem:v27+s1+$0x0] =	vst.idx.add.f32.msk $0xffff, v3;
	v7 =	vunpack.i.u.bf16.f32 v7;
	v4 =	vmul.f32 v26, v40  }
0x152: {  	v3 =	vmul.f32 v7, v40;
	v40 =	vld.idx.msk [tilespmem:v31+s2+$0x0], $0xffff  }
0x153: {  	[tilespmem:v38+s31+$0x0] =	vst.idx.add.f32.msk $0xffff, v4;
	v27 =	vunpack.i.l.bf16.f32 v10  }
0x154: {  	[tilespmem:v38+s1+$0x0] =	vst.idx.add.f32.msk $0xffff, v3;
	v38 =	vunpack.i.l.bf16.f32 v33;
	v3 =	vmul.f32 v27, v2  }
0x155: {  	v36 =	vld.idx.msk [tilespmem:v30+s2+$0x0], $0xffff;
	v17 =	vmul.f32 v38, v34;
	v28 =	vunpack.i.l.bf16.f32 v12  }
0x156: {  	v4 =	vmul.f32 v28, v6;
	[tilespmem:v1+s31+$0x0] =	vst.idx.add.f32.msk $0xffff, v3;
	v3 =	vunpack.i.u.bf16.f32 v12  }
0x157: {  	[tilespmem:v32+s24+$0x0] =	vst.idx.add.f32.msk $0xffff, v17;
	v12 =	vunpack.i.u.bf16.f32 v33;
	v3 =	vmul.f32 v3, v6  }
0x158: {  	v12 =	vmul.f32 v12, v34;
	[tilespmem:v5+s26+$0x0] =	vst.idx.add.f32.msk $0xffff, v4  }
0x159: {  	[tilespmem:v5+s28+$0x0] =	vst.idx.add.f32.msk $0xffff, v3  }
0x15a: {  	v41 =	vunpack.i.l.bf16.f32 v36;
	[tilespmem:v32+s25+$0x0] =	vst.idx.add.f32.msk $0xffff, v12  }
0x15b: {  	v42 =	vunpack.i.u.bf16.f32 v36;
	v43 =	vmul.f32 v41, v37;
	v3 =	vld.idx.msk [tilespmem:v9+s19+$0x0], $0xffff  }
0x15c: {  	v12 =	vmul.f32 v42, v37;
	v44 =	vld.idx.msk [tilespmem:v29+s18+$0x0], $0xffff  }
0x15d: {  	v45 =	vunpack.i.l.bf16.f32 v40;
	[tilespmem:v35+s24+$0x0] =	vst.idx.add.f32.msk $0xffff, v43  }
0x15e: {  	v46 =	vunpack.i.u.bf16.f32 v40;
	v15 =	vmul.f32 v45, v20;
	[tilespmem:v35+s25+$0x0] =	vst.idx.add.f32.msk $0xffff, v12  }
0x15f: {  	v12 =	vmul.f32 v46, v20;
	v47 =	vld.idx.msk [tilespmem:v30+s18+$0x0], $0xffff  }
0x160: {  	[tilespmem:v39+s24+$0x0] =	vst.idx.add.f32.msk $0xffff, v15;
	v21 =	vunpack.i.l.bf16.f32 v3  }
0x161: {  	[tilespmem:v39+s25+$0x0] =	vst.idx.add.f32.msk $0xffff, v12;
	v49 =	vunpack.i.l.bf16.f32 v44;
	v48 =	vmul.f32 v21, v6  }
0x162: {  	v52 =	vld.idx.msk [tilespmem:v31+s18+$0x0], $0xffff;
	v50 =	vunpack.i.u.bf16.f32 v44;
	v51 =	vmul.f32 v49, v34  }
0x163: {  	v12 =	vmul.f32 v50, v34;
	[tilespmem:v5+s29+$0x0] =	vst.idx.add.f32.msk $0xffff, v48  }
0x164: {  	v53 =	vunpack.i.l.bf16.f32 v47;
	[tilespmem:v32+s26+$0x0] =	vst.idx.add.f32.msk $0xffff, v51  }
0x165: {  	v54 =	vunpack.i.u.bf16.f32 v47;
	v15 =	vmul.f32 v53, v37;
	[tilespmem:v32+s28+$0x0] =	vst.idx.add.f32.msk $0xffff, v12  }
0x166: {  	v12 =	vmul.f32 v54, v37;
	v17 =	vld.idx.msk [tilespmem:v29+s19+$0x0], $0xffff  }
0x167: {  	v55 =	vunpack.i.l.bf16.f32 v52;
	[tilespmem:v35+s26+$0x0] =	vst.idx.add.f32.msk $0xffff, v15  }
0x168: {  	v56 =	vunpack.i.u.bf16.f32 v52;
	v15 =	vmul.f32 v55, v20;
	[tilespmem:v35+s28+$0x0] =	vst.idx.add.f32.msk $0xffff, v12  }
0x169: {  	v12 =	vmul.f32 v56, v20;
	v57 =	vld.idx.msk [tilespmem:v30+s19+$0x0], $0xffff  }
0x16a: {  	v3 =	vunpack.i.u.bf16.f32 v3;
	[tilespmem:v39+s26+$0x0] =	vst.idx.add.f32.msk $0xffff, v15  }
0x16b: {  	v3 =	vmul.f32 v3, v6;
	[tilespmem:v39+s28+$0x0] =	vst.idx.add.f32.msk $0xffff, v12;
	v58 =	vunpack.i.l.bf16.f32 v17  }
0x16c: {  	v60 =	vld.idx.msk [tilespmem:v31+s19+$0x0], $0xffff;
	v59 =	vunpack.i.u.bf16.f32 v17;
	v15 =	vmul.f32 v58, v34  }
0x16d: {  	[tilespmem:v5+s30+$0x0] =	vst.idx.add.f32.msk $0xffff, v3;
	v3 =	vmul.f32 v59, v34  }
0x16e: {  	v61 =	vunpack.i.l.bf16.f32 v57;
	[tilespmem:v32+s29+$0x0] =	vst.idx.add.f32.msk $0xffff, v15  }
0x16f: {  	v12 =	vmul.f32 v61, v37;
	[tilespmem:v32+s30+$0x0] =	vst.idx.add.f32.msk $0xffff, v3;
	v3 =	vunpack.i.u.bf16.f32 v57  }
0x170: {  	v9 =	vld.idx.msk [tilespmem:v9+s20+$0x0], $0xffff;
	v3 =	vmul.f32 v3, v37  }
0x171: {  	v62 =	vunpack.i.l.bf16.f32 v60;
	[tilespmem:v35+s29+$0x0] =	vst.idx.add.f32.msk $0xffff, v12  }
0x172: {  	[tilespmem:v35+s30+$0x0] =	vst.idx.add.f32.msk $0xffff, v3;
	v3 =	vmul.f32 v62, v20  }
0x173: {  	v63 =	vunpack.i.u.bf16.f32 v60;
	v7 =	vld.idx.msk [tilespmem:v29+s20+$0x0], $0xffff  }
0x174: {  	[tilespmem:v39+s29+$0x0] =	vst.idx.add.f32.msk $0xffff, v3;
	v3 =	vmul.f32 v63, v20  }
0x175: {  	v10 =	vunpack.i.u.bf16.f32 v10;
	v4 =	vld.idx.msk [tilespmem:v30+s20+$0x0], $0xffff  }
0x176: {  	v2 =	vmul.f32 v10, v2;
	[tilespmem:v39+s30+$0x0] =	vst.idx.add.f32.msk $0xffff, v3;
	v3 =	vunpack.i.l.bf16.f32 v9  }
0x177: {  	v9 =	vunpack.i.u.bf16.f32 v9;
	v3 =	vmul.f32 v3, v6;
	v8 =	vld.idx.msk [tilespmem:v31+s20+$0x0], $0xffff  }
0x178: {  	[tilespmem:v1+s1+$0x0] =	vst.idx.add.f32.msk $0xffff, v2;
	v2 =	vunpack.i.l.bf16.f32 v7;
	v1 =	vmul.f32 v9, v6  }
0x179: {  	v2 =	vmul.f32 v2, v34;
	[tilespmem:v5+s31+$0x0] =	vst.idx.add.f32.msk $0xffff, v3;
	v3 =	vunpack.i.u.bf16.f32 v7  }
0x17a: {  	s6 =	sadd.s32 $0x10, s6;
	[tilespmem:v5+s1+$0x0] =	vst.idx.add.f32.msk $0xffff, v1;
	v1 =	vmul.f32 v3, v34;
	v3 =	vunpack.i.l.bf16.f32 v4  }
0x17b: {  	p0 =	slt.u32 s6, $0x40;
	[tilespmem:v32+s31+$0x0] =	vst.idx.add.f32.msk $0xffff, v2;
	v2 =	vunpack.i.u.bf16.f32 v4;
	v3 =	vmul.f32 v3, v37  }
.Ltmp8:
0x17c: {  	[tilespmem:v32+s1+$0x0] =	vst.idx.add.f32.msk $0xffff, v1;
	v1 =	vmul.f32 v2, v37;
	v2 =	vunpack.i.l.bf16.f32 v8;
	(pc) =	sbr.rel @p0 .LBB2_19-.Ltmp8, $4  }
0x17d: {  	[tilespmem:v35+s31+$0x0] =	vst.idx.add.f32.msk $0xffff, v3;
	v3 =	vunpack.i.u.bf16.f32 v8;
	v2 =	vmul.f32 v2, v20  }
0x17e: {  	[tilespmem:v35+s1+$0x0] =	vst.idx.add.f32.msk $0xffff, v1;
	v1 =	vmul.f32 v3, v20  }
0x17f: {  	[tilespmem:v39+s31+$0x0] =	vst.idx.add.f32.msk $0xffff, v2  }
0x180: {  	s7 =	sadd.s32 $0x100, s7;
	[tilespmem:v39+s1+$0x0] =	vst.idx.add.f32.msk $0xffff, v1  }
0x181: {  	p0 =	seq.s32 s4, $0x3F  }
0x182: {  	s5 =	sshrl.u32 @!p0 s5, $0x3  }
0x183: {  	s5 =	sadd.s32 @!p0 s3, s5  }
0x184: {  	s6 =	simm.s32 @!p0 $0x0;
	s7 =	simm.s32 @!p0 $0x1DA00;
	s5 =	sadd.s32 @!p0 $0x3C0, s5  }
0x185: {  	[tilespmem:s7], [sflag:$0x1] =	stream.linear.gather @!p0 [hbm4b:s5+s6], $0xF00, $0x38;
	[tilespmem:$0x1F800] =	vst v63  }
0x186: {  	_ =	swait.ge [sflag:s0], $0xF00  }
0x187: {  	[sflag:s0] =	ssyncset.done $0x0  }
0x188: {  	s5 =	simm.s32 $0xFFFFFFF0;
	s6 =	simm.s32 $0x1EE80;
	[sflag:s0] =	ssyncadd.s32 $0xFFFFF100  }
.LBB2_21:
0x189: {  	v1 =	vld [tilespmem:s6+$0xFFFFFA80];
	_ =	sdelay $0x6  }
0x18a: {  	v2 =	vld [tilespmem:s6+$0xFFFFFF80]  }
0x18b: {  	v3 =	vld.idx.msk [tilespmem:v1+s2+$0x0], $0xffff  }
0x18c: {  	v4 =	vld [tilespmem:s6+$0x480]  }
0x18d: {  	v6 =	vld [tilespmem:s6+$0xFFFFFA90]  }
0x18e: {  	v17 =	vld [tilespmem:s6+$0xFFFFFF90]  }
0x18f: {  	v9 =	vld [tilespmem:s6+$0x490]  }
0x190: {  	v10 =	vld [tilespmem:s6+$0xFFFFFAA0];
	v5 =	vunpack.i.l.bf16.f32 v3  }
0x191: {  	v11 =	vld [tilespmem:s6+$0xFFFFFFA0];
	v3 =	vunpack.i.u.bf16.f32 v3;
	v5 =	vmul.f32 v5, v4  }
0x192: {  	v13 =	vld [tilespmem:s6+$0x4A0];
	v3 =	vmul.f32 v3, v4  }
0x193: {  	[tilespmem:v2+s24+$0x0] =	vst.idx.add.f32.msk $0xffff, v5  }
0x194: {  	[tilespmem:v2+s25+$0x0] =	vst.idx.add.f32.msk $0xffff, v3  }
0x195: {  	v3 =	vld.idx.msk [tilespmem:v1+s18+$0x0], $0xffff  }
0x196: {  	v14 =	vld [tilespmem:s6+$0xFFFFFAB0]  }
0x197: {  	v7 =	vld.idx.msk [tilespmem:v6+s2+$0x0], $0xffff  }
0x198: {  	v30 =	vld [tilespmem:s6+$0xFFFFFFB0]  }
0x199: {  	v32 =	vld [tilespmem:s6+$0x4B0]  }
0x19a: {  	v34 =	vld [tilespmem:s6+$0xFFFFFAC0];
	v8 =	vunpack.i.l.bf16.f32 v3  }
0x19b: {  	v36 =	vld [tilespmem:s6+$0x4C0];
	v3 =	vunpack.i.u.bf16.f32 v3;
	v8 =	vmul.f32 v8, v4  }
0x19c: {  	v38 =	vld [tilespmem:s6+$0xFFFFFAD0];
	v18 =	vunpack.i.l.bf16.f32 v7;
	v3 =	vmul.f32 v3, v4  }
0x19d: {  	v19 =	vmul.f32 v18, v9;
	[tilespmem:v2+s26+$0x0] =	vst.idx.add.f32.msk $0xffff, v8  }
0x19e: {  	[tilespmem:v2+s28+$0x0] =	vst.idx.add.f32.msk $0xffff, v3;
	v3 =	vunpack.i.u.bf16.f32 v7  }
0x19f: {  	[tilespmem:v17+s24+$0x0] =	vst.idx.add.f32.msk $0xffff, v19;
	v3 =	vmul.f32 v3, v9  }
0x1a0: {  	v20 =	vld.idx.msk [tilespmem:v1+s19+$0x0], $0xffff  }
0x1a1: {  	[tilespmem:v17+s25+$0x0] =	vst.idx.add.f32.msk $0xffff, v3  }
0x1a2: {  	v3 =	vld.idx.msk [tilespmem:v6+s18+$0x0], $0xffff  }
0x1a3: {  	v40 =	vld [tilespmem:s6+$0xFFFFFFD0]  }
0x1a4: {  	v16 =	vld [tilespmem:s6+$0x4D0]  }
0x1a5: {  	v47 =	vld [tilespmem:s6+$0xFFFFFAE0];
	v21 =	vunpack.i.l.bf16.f32 v20  }
0x1a6: {  	v49 =	vld [tilespmem:s6+$0xFFFFFFE0];
	v7 =	vmul.f32 v21, v4  }
0x1a7: {  	v12 =	vld.idx.msk [tilespmem:v10+s2+$0x0], $0xffff;
	v22 =	vunpack.i.l.bf16.f32 v3  }
0x1a8: {  	[tilespmem:v2+s29+$0x0] =	vst.idx.add.f32.msk $0xffff, v7;
	v3 =	vunpack.i.u.bf16.f32 v3;
	v7 =	vmul.f32 v22, v9  }
0x1a9: {  	v51 =	vld [tilespmem:s6+$0x4E0];
	v3 =	vmul.f32 v3, v9  }
0x1aa: {  	[tilespmem:v17+s26+$0x0] =	vst.idx.add.f32.msk $0xffff, v7  }
0x1ab: {  	v8 =	vunpack.i.u.bf16.f32 v20;
	[tilespmem:v17+s28+$0x0] =	vst.idx.add.f32.msk $0xffff, v3  }
0x1ac: {  	v8 =	vmul.f32 v8, v4;
	v24 =	vld.idx.msk [tilespmem:v6+s19+$0x0], $0xffff  }
0x1ad: {  	v53 =	vld [tilespmem:s6+$0xFFFFFAF0];
	v23 =	vunpack.i.l.bf16.f32 v12  }
0x1ae: {  	[tilespmem:v2+s30+$0x0] =	vst.idx.add.f32.msk $0xffff, v8;
	v7 =	vmul.f32 v23, v13;
	v3 =	vunpack.i.u.bf16.f32 v12  }
0x1af: {  	v1 =	vld.idx.msk [tilespmem:v1+s20+$0x0], $0xffff;
	v3 =	vmul.f32 v3, v13  }
0x1b0: {  	[tilespmem:v11+s24+$0x0] =	vst.idx.add.f32.msk $0xffff, v7  }
0x1b1: {  	[tilespmem:v11+s25+$0x0] =	vst.idx.add.f32.msk $0xffff, v3;
	v26 =	vunpack.i.l.bf16.f32 v24  }
0x1b2: {  	v3 =	vld.idx.msk [tilespmem:v10+s18+$0x0], $0xffff;
	v8 =	vunpack.i.u.bf16.f32 v24;
	v12 =	vmul.f32 v26, v9  }
0x1b3: {  	v54 =	vld [tilespmem:s6+$0xFFFFFFF0];
	v27 =	vmul.f32 v8, v9  }
0x1b4: {  	[tilespmem:v17+s29+$0x0] =	vst.idx.add.f32.msk $0xffff, v12  }
0x1b5: {  	[tilespmem:v17+s30+$0x0] =	vst.idx.add.f32.msk $0xffff, v27  }
0x1b6: {  	v25 =	vunpack.i.l.bf16.f32 v1;
	v6 =	vld.idx.msk [tilespmem:v6+s20+$0x0], $0xffff  }
0x1b7: {  	v57 =	vld [tilespmem:s6+$0x4F0];
	v7 =	vmul.f32 v25, v4;
	v28 =	vunpack.i.l.bf16.f32 v3  }
0x1b8: {  	v31 =	vld.idx.msk [tilespmem:v14+s2+$0x0], $0xffff;
	v3 =	vunpack.i.u.bf16.f32 v3;
	v29 =	vmul.f32 v28, v13  }
0x1b9: {  	v1 =	vunpack.i.u.bf16.f32 v1;
	[tilespmem:v2+s31+$0x0] =	vst.idx.add.f32.msk $0xffff, v7;
	v3 =	vmul.f32 v3, v13  }
0x1ba: {  	v1 =	vmul.f32 v1, v4;
	[tilespmem:v11+s26+$0x0] =	vst.idx.add.f32.msk $0xffff, v29  }
0x1bb: {  	[tilespmem:v11+s28+$0x0] =	vst.idx.add.f32.msk $0xffff, v3;
	v3 =	vunpack.i.l.bf16.f32 v6  }
0x1bc: {  	[tilespmem:v2+s1+$0x0] =	vst.idx.add.f32.msk $0xffff, v1;
	v1 =	vunpack.i.u.bf16.f32 v6;
	v2 =	vmul.f32 v3, v9  }
0x1bd: {  	v33 =	vld.idx.msk [tilespmem:v10+s19+$0x0], $0xffff;
	v1 =	vmul.f32 v1, v9;
	v3 =	vunpack.i.l.bf16.f32 v31  }
0x1be: {  	v3 =	vmul.f32 v3, v32;
	[tilespmem:v17+s31+$0x0] =	vst.idx.add.f32.msk $0xffff, v2;
	v2 =	vunpack.i.u.bf16.f32 v31  }
0x1bf: {  	[tilespmem:v17+s1+$0x0] =	vst.idx.add.f32.msk $0xffff, v1;
	v1 =	vmul.f32 v2, v32  }
0x1c0: {  	[tilespmem:v30+s24+$0x0] =	vst.idx.add.f32.msk $0xffff, v3  }
0x1c1: {  	[tilespmem:v30+s25+$0x0] =	vst.idx.add.f32.msk $0xffff, v1  }
0x1c2: {  	v2 =	vunpack.i.l.bf16.f32 v33;
	v1 =	vld.idx.msk [tilespmem:v14+s18+$0x0], $0xffff  }
0x1c3: {  	v60 =	vld [tilespmem:s6+$0xFFFFFB00];
	v2 =	vmul.f32 v2, v13  }
0x1c4: {  	v35 =	vld.idx.msk [tilespmem:v34+s2+$0x0], $0xffff  }
0x1c5: {  	v3 =	vunpack.i.u.bf16.f32 v33;
	[tilespmem:v11+s29+$0x0] =	vst.idx.add.f32.msk $0xffff, v2  }
0x1c6: {  	v3 =	vmul.f32 v3, v13;
	v2 =	vld [tilespmem:s6+$0xFFFFFFC0]  }
0x1c7: {  	v41 =	vld.idx.msk [tilespmem:v38+s2+$0x0], $0xffff;
	v37 =	vunpack.i.l.bf16.f32 v1  }
0x1c8: {  	[tilespmem:v11+s30+$0x0] =	vst.idx.add.f32.msk $0xffff, v3;
	v1 =	vunpack.i.u.bf16.f32 v1;
	v3 =	vmul.f32 v37, v32  }
0x1c9: {  	v50 =	vld.idx.msk [tilespmem:v47+s2+$0x0], $0xffff;
	v1 =	vmul.f32 v1, v32  }
0x1ca: {  	[tilespmem:v30+s26+$0x0] =	vst.idx.add.f32.msk $0xffff, v3  }
0x1cb: {  	v3 =	vunpack.i.l.bf16.f32 v35;
	[tilespmem:v30+s28+$0x0] =	vst.idx.add.f32.msk $0xffff, v1  }
0x1cc: {  	v1 =	vmul.f32 v3, v36;
	v3 =	vld.idx.msk [tilespmem:v14+s19+$0x0], $0xffff  }
0x1cd: {  	v55 =	vld.idx.msk [tilespmem:v53+s2+$0x0], $0xffff  }
0x1ce: {  	[tilespmem:v2+s24+$0x0] =	vst.idx.add.f32.msk $0xffff, v1;
	v1 =	vunpack.i.u.bf16.f32 v35  }
0x1cf: {  	v18 =	vld.idx.msk [tilespmem:v60+s2+$0x0], $0xffff;
	v1 =	vmul.f32 v1, v36  }
0x1d0: {  	v23 =	vld [tilespmem:s6+$0xFFFFFB10]  }
0x1d1: {  	[tilespmem:v2+s25+$0x0] =	vst.idx.add.f32.msk $0xffff, v1;
	v17 =	vunpack.i.l.bf16.f32 v3  }
0x1d2: {  	v1 =	vunpack.i.u.bf16.f32 v3;
	v42 =	vld.idx.msk [tilespmem:v34+s18+$0x0], $0xffff;
	v3 =	vmul.f32 v17, v32  }
0x1d3: {  	v27 =	vld [tilespmem:s6+$0x10];
	v1 =	vmul.f32 v1, v32  }
0x1d4: {  	[tilespmem:v30+s29+$0x0] =	vst.idx.add.f32.msk $0xffff, v3;
	v3 =	vunpack.i.l.bf16.f32 v41  }
0x1d5: {  	[tilespmem:v30+s30+$0x0] =	vst.idx.add.f32.msk $0xffff, v1;
	v1 =	vunpack.i.u.bf16.f32 v41;
	v3 =	vmul.f32 v3, v16  }
0x1d6: {  	v43 =	vld.idx.msk [tilespmem:v14+s20+$0x0], $0xffff;
	v1 =	vmul.f32 v1, v16  }
0x1d7: {  	v44 =	vunpack.i.l.bf16.f32 v42;
	[tilespmem:v40+s24+$0x0] =	vst.idx.add.f32.msk $0xffff, v3  }
0x1d8: {  	v3 =	vunpack.i.u.bf16.f32 v42;
	v14 =	vmul.f32 v44, v36;
	[tilespmem:v40+s25+$0x0] =	vst.idx.add.f32.msk $0xffff, v1  }
0x1d9: {  	v1 =	vmul.f32 v3, v36;
	v3 =	vld.idx.msk [tilespmem:v38+s18+$0x0], $0xffff  }
0x1da: {  	[tilespmem:v2+s26+$0x0] =	vst.idx.add.f32.msk $0xffff, v14  }
0x1db: {  	[tilespmem:v2+s28+$0x0] =	vst.idx.add.f32.msk $0xffff, v1  }
0x1dc: {  	v1 =	vunpack.i.l.bf16.f32 v43;
	v45 =	vld.idx.msk [tilespmem:v34+s19+$0x0], $0xffff  }
0x1dd: {  	v39 =	vld.idx.msk [tilespmem:v10+s20+$0x0], $0xffff;
	v1 =	vmul.f32 v1, v32  }
0x1de: {  	v28 =	vld.idx.msk [tilespmem:v23+s2+$0x0], $0xffff;
	v46 =	vunpack.i.l.bf16.f32 v3  }
0x1df: {  	[tilespmem:v30+s31+$0x0] =	vst.idx.add.f32.msk $0xffff, v1;
	v1 =	vunpack.i.u.bf16.f32 v3;
	v3 =	vmul.f32 v46, v16  }
0x1e0: {  	v29 =	vld [tilespmem:s6+$0x510];
	v1 =	vmul.f32 v1, v16  }
0x1e1: {  	v48 =	vunpack.i.l.bf16.f32 v45;
	[tilespmem:v40+s26+$0x0] =	vst.idx.add.f32.msk $0xffff, v3  }
0x1e2: {  	v15 =	vunpack.i.l.bf16.f32 v39;
	v3 =	vmul.f32 v48, v36;
	[tilespmem:v40+s28+$0x0] =	vst.idx.add.f32.msk $0xffff, v1  }
0x1e3: {  	v8 =	vunpack.i.u.bf16.f32 v39;
	v15 =	vmul.f32 v15, v13;
	v1 =	vld.idx.msk [tilespmem:v38+s19+$0x0], $0xffff  }
0x1e4: {  	v8 =	vmul.f32 v8, v13;
	[tilespmem:v2+s29+$0x0] =	vst.idx.add.f32.msk $0xffff, v3;
	v3 =	vunpack.i.u.bf16.f32 v45  }
0x1e5: {  	[tilespmem:v11+s31+$0x0] =	vst.idx.add.f32.msk $0xffff, v15;
	v3 =	vmul.f32 v3, v36  }
0x1e6: {  	[tilespmem:v11+s1+$0x0] =	vst.idx.add.f32.msk $0xffff, v8  }
0x1e7: {  	v4 =	vunpack.i.u.bf16.f32 v43;
	[tilespmem:v2+s30+$0x0] =	vst.idx.add.f32.msk $0xffff, v3  }
0x1e8: {  	v4 =	vmul.f32 v4, v32;
	v6 =	vld.idx.msk [tilespmem:v34+s20+$0x0], $0xffff;
	v52 =	vunpack.i.l.bf16.f32 v1  }
0x1e9: {  	v34 =	vld [tilespmem:s6+$0xFFFFFB20];
	v1 =	vunpack.i.u.bf16.f32 v1;
	v3 =	vmul.f32 v52, v16  }
0x1ea: {  	[tilespmem:v30+s1+$0x0] =	vst.idx.add.f32.msk $0xffff, v4;
	v1 =	vmul.f32 v1, v16  }
0x1eb: {  	[tilespmem:v40+s29+$0x0] =	vst.idx.add.f32.msk $0xffff, v3  }
0x1ec: {  	v3 =	vunpack.i.l.bf16.f32 v50;
	[tilespmem:v40+s30+$0x0] =	vst.idx.add.f32.msk $0xffff, v1  }
0x1ed: {  	v1 =	vmul.f32 v3, v51;
	v56 =	vunpack.i.l.bf16.f32 v6;
	v3 =	vld.idx.msk [tilespmem:v38+s20+$0x0], $0xffff  }
0x1ee: {  	v12 =	vmul.f32 v56, v36;
	v38 =	vld [tilespmem:s6+$0x20]  }
0x1ef: {  	[tilespmem:v49+s24+$0x0] =	vst.idx.add.f32.msk $0xffff, v1;
	v1 =	vunpack.i.u.bf16.f32 v50  }
0x1f0: {  	v1 =	vmul.f32 v1, v51;
	[tilespmem:v2+s31+$0x0] =	vst.idx.add.f32.msk $0xffff, v12  }
0x1f1: {  	v6 =	vunpack.i.u.bf16.f32 v6;
	v39 =	vld.idx.msk [tilespmem:v34+s2+$0x0], $0xffff  }
0x1f2: {  	[tilespmem:v49+s25+$0x0] =	vst.idx.add.f32.msk $0xffff, v1;
	v1 =	vmul.f32 v6, v36  }
0x1f3: {  	v59 =	vld.idx.msk [tilespmem:v47+s18+$0x0], $0xffff  }
0x1f4: {  	[tilespmem:v2+s1+$0x0] =	vst.idx.add.f32.msk $0xffff, v1;
	v1 =	vunpack.i.l.bf16.f32 v55  }
0x1f5: {  	v36 =	vld [tilespmem:s6+$0xFFFFFB30];
	v2 =	vunpack.i.u.bf16.f32 v55;
	v1 =	vmul.f32 v1, v57  }
0x1f6: {  	v58 =	vunpack.i.l.bf16.f32 v3;
	v62 =	vunpack.i.u.bf16.f32 v3;
	v3 =	vld [tilespmem:s6+$0x0];
	v2 =	vmul.f32 v2, v57  }
0x1f7: {  	[tilespmem:v54+s24+$0x0] =	vst.idx.add.f32.msk $0xffff, v1  }
0x1f8: {  	v5 =	vmul.f32 v58, v16;
	v61 =	vunpack.i.l.bf16.f32 v59;
	[tilespmem:v54+s25+$0x0] =	vst.idx.add.f32.msk $0xffff, v2  }
0x1f9: {  	v4 =	vmul.f32 v61, v51;
	v2 =	vld.idx.msk [tilespmem:v53+s18+$0x0], $0xffff  }
0x1fa: {  	[tilespmem:v40+s31+$0x0] =	vst.idx.add.f32.msk $0xffff, v5;
	v1 =	vunpack.i.u.bf16.f32 v59  }
0x1fb: {  	v1 =	vmul.f32 v1, v51;
	[tilespmem:v49+s26+$0x0] =	vst.idx.add.f32.msk $0xffff, v4  }
0x1fc: {  	v4 =	vld [tilespmem:s6+$0x500]  }
0x1fd: {  	v63 =	vmul.f32 v62, v16;
	[tilespmem:v49+s28+$0x0] =	vst.idx.add.f32.msk $0xffff, v1  }
0x1fe: {  	v1 =	vld.idx.msk [tilespmem:v47+s19+$0x0], $0xffff;
	v17 =	vunpack.i.l.bf16.f32 v2  }
0x1ff: {  	[tilespmem:v40+s1+$0x0] =	vst.idx.add.f32.msk $0xffff, v63;
	v19 =	vmul.f32 v17, v57  }
0x200: {  	v40 =	vld [tilespmem:s6+$0x520];
	v2 =	vunpack.i.u.bf16.f32 v2  }
0x201: {  	v21 =	vunpack.i.l.bf16.f32 v18;
	v2 =	vmul.f32 v2, v57;
	[tilespmem:v54+s26+$0x0] =	vst.idx.add.f32.msk $0xffff, v19  }
0x202: {  	v5 =	vunpack.i.u.bf16.f32 v39;
	v22 =	vmul.f32 v21, v4;
	v19 =	vunpack.i.l.bf16.f32 v39;
	v39 =	vld [tilespmem:s6+$0x70]  }
0x203: {  	v20 =	vunpack.i.l.bf16.f32 v1;
	[tilespmem:v54+s28+$0x0] =	vst.idx.add.f32.msk $0xffff, v2  }
0x204: {  	v1 =	vunpack.i.u.bf16.f32 v1;
	[tilespmem:v3+s24+$0x0] =	vst.idx.add.f32.msk $0xffff, v22;
	v6 =	vmul.f32 v20, v51  }
0x205: {  	v1 =	vmul.f32 v1, v51;
	v2 =	vld.idx.msk [tilespmem:v53+s19+$0x0], $0xffff  }
0x206: {  	[tilespmem:v49+s29+$0x0] =	vst.idx.add.f32.msk $0xffff, v6  }
0x207: {  	[tilespmem:v49+s30+$0x0] =	vst.idx.add.f32.msk $0xffff, v1;
	v1 =	vunpack.i.u.bf16.f32 v18  }
0x208: {  	v20 =	vld [tilespmem:s6+$0x570];
	v1 =	vmul.f32 v1, v4  }
0x209: {  	v11 =	vld.idx.msk [tilespmem:v47+s20+$0x0], $0xffff  }
0x20a: {  	v41 =	vmul.f32 v19, v40;
	v24 =	vunpack.i.l.bf16.f32 v2;
	[tilespmem:v3+s25+$0x0] =	vst.idx.add.f32.msk $0xffff, v1  }
0x20b: {  	v1 =	vunpack.i.u.bf16.f32 v2;
	v2 =	vmul.f32 v24, v57;
	v25 =	vld.idx.msk [tilespmem:v60+s18+$0x0], $0xffff  }
0x20c: {  	[tilespmem:v38+s24+$0x0] =	vst.idx.add.f32.msk $0xffff, v41;
	v1 =	vmul.f32 v1, v57  }
0x20d: {  	[tilespmem:v54+s29+$0x0] =	vst.idx.add.f32.msk $0xffff, v2  }
0x20e: {  	v5 =	vmul.f32 v5, v40;
	[tilespmem:v54+s30+$0x0] =	vst.idx.add.f32.msk $0xffff, v1  }
0x20f: {  	v30 =	vunpack.i.l.bf16.f32 v11;
	v26 =	vld.idx.msk [tilespmem:v53+s20+$0x0], $0xffff  }
0x210: {  	[tilespmem:v38+s25+$0x0] =	vst.idx.add.f32.msk $0xffff, v5;
	v31 =	vmul.f32 v30, v51;
	v1 =	vunpack.i.l.bf16.f32 v25  }
0x211: {  	v6 =	vld [tilespmem:s6+$0x540];
	v2 =	vunpack.i.u.bf16.f32 v25;
	v1 =	vmul.f32 v1, v4  }
0x212: {  	[tilespmem:v49+s31+$0x0] =	vst.idx.add.f32.msk $0xffff, v31;
	v2 =	vmul.f32 v2, v4  }
0x213: {  	[tilespmem:v3+s26+$0x0] =	vst.idx.add.f32.msk $0xffff, v1;
	v1 =	vunpack.i.u.bf16.f32 v11  }
0x214: {  	[tilespmem:v3+s28+$0x0] =	vst.idx.add.f32.msk $0xffff, v2;
	v1 =	vmul.f32 v1, v51;
	v2 =	vunpack.i.l.bf16.f32 v26  }
0x215: {  	v33 =	vunpack.i.l.bf16.f32 v28;
	v32 =	vld.idx.msk [tilespmem:v60+s19+$0x0], $0xffff;
	v2 =	vmul.f32 v2, v57  }
0x216: {  	[tilespmem:v49+s1+$0x0] =	vst.idx.add.f32.msk $0xffff, v1;
	v1 =	vmul.f32 v33, v29  }
0x217: {  	[tilespmem:v54+s31+$0x0] =	vst.idx.add.f32.msk $0xffff, v2;
	v2 =	vunpack.i.u.bf16.f32 v28  }
0x218: {  	[tilespmem:v27+s24+$0x0] =	vst.idx.add.f32.msk $0xffff, v1;
	v1 =	vmul.f32 v2, v29  }
0x219: {  	v18 =	vld.idx.msk [tilespmem:v36+s2+$0x0], $0xffff  }
0x21a: {  	[tilespmem:v27+s25+$0x0] =	vst.idx.add.f32.msk $0xffff, v1  }
0x21b: {  	v35 =	vld.idx.msk [tilespmem:v23+s18+$0x0], $0xffff  }
0x21c: {  	v45 =	vld.idx.msk [tilespmem:v34+s18+$0x0], $0xffff;
	v2 =	vunpack.i.l.bf16.f32 v32  }
0x21d: {  	v30 =	vld [tilespmem:s6+$0xFFFFFB60];
	v1 =	vunpack.i.u.bf16.f32 v32;
	v2 =	vmul.f32 v2, v4  }
0x21e: {  	v31 =	vld [tilespmem:s6+$0xFFFFFB70];
	v12 =	vunpack.i.u.bf16.f32 v26;
	v1 =	vmul.f32 v1, v4  }
0x21f: {  	v43 =	vmul.f32 v12, v57;
	[tilespmem:v3+s29+$0x0] =	vst.idx.add.f32.msk $0xffff, v2  }
0x220: {  	[tilespmem:v3+s30+$0x0] =	vst.idx.add.f32.msk $0xffff, v1;
	v1 =	vunpack.i.l.bf16.f32 v35  }
0x221: {  	[tilespmem:v54+s1+$0x0] =	vst.idx.add.f32.msk $0xffff, v43;
	v1 =	vmul.f32 v1, v29  }
0x222: {  	v37 =	vld.idx.msk [tilespmem:v60+s20+$0x0], $0xffff  }
0x223: {  	v2 =	vunpack.i.u.bf16.f32 v35;
	[tilespmem:v27+s26+$0x0] =	vst.idx.add.f32.msk $0xffff, v1  }
0x224: {  	v8 =	vmul.f32 v2, v29;
	v1 =	vld [tilespmem:s6+$0x30]  }
0x225: {  	v2 =	vld [tilespmem:s6+$0x530]  }
0x226: {  	[tilespmem:v27+s28+$0x0] =	vst.idx.add.f32.msk $0xffff, v8  }
0x227: {  	v42 =	vld.idx.msk [tilespmem:v23+s19+$0x0], $0xffff  }
0x228: {  	v54 =	vunpack.i.l.bf16.f32 v45;
	v32 =	vld [tilespmem:s6+$0x50]  }
0x229: {  	v44 =	vunpack.i.l.bf16.f32 v18;
	v46 =	vunpack.i.u.bf16.f32 v18;
	v35 =	vld [tilespmem:s6+$0x60];
	v8 =	vmul.f32 v54, v40  }
0x22a: {  	v48 =	vunpack.i.l.bf16.f32 v37;
	v11 =	vunpack.i.u.bf16.f32 v37;
	v37 =	vld [tilespmem:s6+$0x560];
	v5 =	vmul.f32 v44, v2  }
0x22b: {  	v47 =	vmul.f32 v46, v2;
	[tilespmem:v38+s26+$0x0] =	vst.idx.add.f32.msk $0xffff, v8  }
0x22c: {  	v50 =	vunpack.i.l.bf16.f32 v42;
	[tilespmem:v1+s24+$0x0] =	vst.idx.add.f32.msk $0xffff, v5  }
0x22d: {  	v9 =	vmul.f32 v50, v29;
	[tilespmem:v1+s25+$0x0] =	vst.idx.add.f32.msk $0xffff, v47  }
0x22e: {  	v52 =	vld.idx.msk [tilespmem:v36+s18+$0x0], $0xffff  }
0x22f: {  	v49 =	vmul.f32 v48, v4;
	v51 =	vunpack.i.u.bf16.f32 v42;
	[tilespmem:v27+s29+$0x0] =	vst.idx.add.f32.msk $0xffff, v9  }
0x230: {  	v53 =	vmul.f32 v51, v29;
	v9 =	vld [tilespmem:s6+$0xFFFFFB40]  }
0x231: {  	v55 =	vunpack.i.u.bf16.f32 v45;
	[tilespmem:v3+s31+$0x0] =	vst.idx.add.f32.msk $0xffff, v49  }
0x232: {  	v5 =	vmul.f32 v55, v40;
	[tilespmem:v27+s30+$0x0] =	vst.idx.add.f32.msk $0xffff, v53  }
0x233: {  	v59 =	vld.idx.msk [tilespmem:v23+s20+$0x0], $0xffff  }
0x234: {  	v4 =	vmul.f32 v11, v4;
	[tilespmem:v38+s28+$0x0] =	vst.idx.add.f32.msk $0xffff, v5;
	v56 =	vunpack.i.l.bf16.f32 v52  }
0x235: {  	v58 =	vld.idx.msk [tilespmem:v34+s19+$0x0], $0xffff;
	v8 =	vmul.f32 v56, v2  }
0x236: {  	[tilespmem:v3+s1+$0x0] =	vst.idx.add.f32.msk $0xffff, v4  }
0x237: {  	v57 =	vunpack.i.u.bf16.f32 v52;
	[tilespmem:v1+s26+$0x0] =	vst.idx.add.f32.msk $0xffff, v8  }
0x238: {  	v5 =	vmul.f32 v57, v2;
	v24 =	vunpack.i.l.bf16.f32 v59;
	v25 =	vunpack.i.u.bf16.f32 v59;
	v62 =	vld.idx.msk [tilespmem:v9+s2+$0x0], $0xffff  }
0x239: {  	v11 =	vmul.f32 v24, v29;
	v3 =	vmul.f32 v25, v29;
	v29 =	vld [tilespmem:s6+$0xFFFFFB50]  }
0x23a: {  	v60 =	vunpack.i.l.bf16.f32 v58;
	[tilespmem:v1+s28+$0x0] =	vst.idx.add.f32.msk $0xffff, v5  }
0x23b: {  	v12 =	vunpack.i.u.bf16.f32 v58;
	v61 =	vmul.f32 v60, v40;
	v5 =	vld [tilespmem:s6+$0x40]  }
0x23c: {  	v12 =	vmul.f32 v12, v40;
	v8 =	vld.idx.msk [tilespmem:v36+s19+$0x0], $0xffff  }
0x23d: {  	[tilespmem:v38+s29+$0x0] =	vst.idx.add.f32.msk $0xffff, v61  }
0x23e: {  	[tilespmem:v38+s30+$0x0] =	vst.idx.add.f32.msk $0xffff, v12  }
0x23f: {  	[tilespmem:v27+s31+$0x0] =	vst.idx.add.f32.msk $0xffff, v11  }
0x240: {  	v7 =	vld.idx.msk [tilespmem:v34+s20+$0x0], $0xffff;
	v22 =	vunpack.i.l.bf16.f32 v62  }
0x241: {  	v34 =	vld [tilespmem:s6+$0x550];
	v12 =	vmul.f32 v22, v6;
	v63 =	vunpack.i.l.bf16.f32 v8  }
0x242: {  	v8 =	vunpack.i.u.bf16.f32 v8;
	v21 =	vmul.f32 v63, v2;
	v33 =	vld.idx.msk [tilespmem:v29+s2+$0x0], $0xffff  }
0x243: {  	v8 =	vmul.f32 v8, v2;
	[tilespmem:v5+s24+$0x0] =	vst.idx.add.f32.msk $0xffff, v12  }
0x244: {  	v23 =	vunpack.i.u.bf16.f32 v62;
	[tilespmem:v1+s29+$0x0] =	vst.idx.add.f32.msk $0xffff, v21  }
0x245: {  	[tilespmem:v1+s30+$0x0] =	vst.idx.add.f32.msk $0xffff, v8;
	v8 =	vmul.f32 v23, v6  }
0x246: {  	v10 =	vld.idx.msk [tilespmem:v36+s20+$0x0], $0xffff  }
0x247: {  	[tilespmem:v5+s25+$0x0] =	vst.idx.add.f32.msk $0xffff, v8  }
0x248: {  	v26 =	vunpack.i.l.bf16.f32 v7;
	v12 =	vld.idx.msk [tilespmem:v9+s18+$0x0], $0xffff  }
0x249: {  	[tilespmem:v27+s1+$0x0] =	vst.idx.add.f32.msk $0xffff, v3;
	v7 =	vunpack.i.u.bf16.f32 v7;
	v4 =	vmul.f32 v26, v40  }
0x24a: {  	v3 =	vmul.f32 v7, v40;
	v40 =	vld.idx.msk [tilespmem:v31+s2+$0x0], $0xffff  }
0x24b: {  	[tilespmem:v38+s31+$0x0] =	vst.idx.add.f32.msk $0xffff, v4;
	v27 =	vunpack.i.l.bf16.f32 v10  }
0x24c: {  	[tilespmem:v38+s1+$0x0] =	vst.idx.add.f32.msk $0xffff, v3;
	v38 =	vunpack.i.l.bf16.f32 v33;
	v3 =	vmul.f32 v27, v2  }
0x24d: {  	v36 =	vld.idx.msk [tilespmem:v30+s2+$0x0], $0xffff;
	v17 =	vmul.f32 v38, v34;
	v28 =	vunpack.i.l.bf16.f32 v12  }
0x24e: {  	v4 =	vmul.f32 v28, v6;
	[tilespmem:v1+s31+$0x0] =	vst.idx.add.f32.msk $0xffff, v3;
	v3 =	vunpack.i.u.bf16.f32 v12  }
0x24f: {  	[tilespmem:v32+s24+$0x0] =	vst.idx.add.f32.msk $0xffff, v17;
	v12 =	vunpack.i.u.bf16.f32 v33;
	v3 =	vmul.f32 v3, v6  }
0x250: {  	v12 =	vmul.f32 v12, v34;
	[tilespmem:v5+s26+$0x0] =	vst.idx.add.f32.msk $0xffff, v4  }
0x251: {  	[tilespmem:v5+s28+$0x0] =	vst.idx.add.f32.msk $0xffff, v3  }
0x252: {  	v41 =	vunpack.i.l.bf16.f32 v36;
	[tilespmem:v32+s25+$0x0] =	vst.idx.add.f32.msk $0xffff, v12  }
0x253: {  	v42 =	vunpack.i.u.bf16.f32 v36;
	v43 =	vmul.f32 v41, v37;
	v3 =	vld.idx.msk [tilespmem:v9+s19+$0x0], $0xffff  }
0x254: {  	v12 =	vmul.f32 v42, v37;
	v44 =	vld.idx.msk [tilespmem:v29+s18+$0x0], $0xffff  }
0x255: {  	v45 =	vunpack.i.l.bf16.f32 v40;
	[tilespmem:v35+s24+$0x0] =	vst.idx.add.f32.msk $0xffff, v43  }
0x256: {  	v46 =	vunpack.i.u.bf16.f32 v40;
	v15 =	vmul.f32 v45, v20;
	[tilespmem:v35+s25+$0x0] =	vst.idx.add.f32.msk $0xffff, v12  }
0x257: {  	v12 =	vmul.f32 v46, v20;
	v47 =	vld.idx.msk [tilespmem:v30+s18+$0x0], $0xffff  }
0x258: {  	[tilespmem:v39+s24+$0x0] =	vst.idx.add.f32.msk $0xffff, v15;
	v21 =	vunpack.i.l.bf16.f32 v3  }
0x259: {  	[tilespmem:v39+s25+$0x0] =	vst.idx.add.f32.msk $0xffff, v12;
	v49 =	vunpack.i.l.bf16.f32 v44;
	v48 =	vmul.f32 v21, v6  }
0x25a: {  	v52 =	vld.idx.msk [tilespmem:v31+s18+$0x0], $0xffff;
	v50 =	vunpack.i.u.bf16.f32 v44;
	v51 =	vmul.f32 v49, v34  }
0x25b: {  	v12 =	vmul.f32 v50, v34;
	[tilespmem:v5+s29+$0x0] =	vst.idx.add.f32.msk $0xffff, v48  }
0x25c: {  	v53 =	vunpack.i.l.bf16.f32 v47;
	[tilespmem:v32+s26+$0x0] =	vst.idx.add.f32.msk $0xffff, v51  }
0x25d: {  	v54 =	vunpack.i.u.bf16.f32 v47;
	v15 =	vmul.f32 v53, v37;
	[tilespmem:v32+s28+$0x0] =	vst.idx.add.f32.msk $0xffff, v12  }
0x25e: {  	v12 =	vmul.f32 v54, v37;
	v17 =	vld.idx.msk [tilespmem:v29+s19+$0x0], $0xffff  }
0x25f: {  	v55 =	vunpack.i.l.bf16.f32 v52;
	[tilespmem:v35+s26+$0x0] =	vst.idx.add.f32.msk $0xffff, v15  }
0x260: {  	v56 =	vunpack.i.u.bf16.f32 v52;
	v15 =	vmul.f32 v55, v20;
	[tilespmem:v35+s28+$0x0] =	vst.idx.add.f32.msk $0xffff, v12  }
0x261: {  	v12 =	vmul.f32 v56, v20;
	v57 =	vld.idx.msk [tilespmem:v30+s19+$0x0], $0xffff  }
0x262: {  	v3 =	vunpack.i.u.bf16.f32 v3;
	[tilespmem:v39+s26+$0x0] =	vst.idx.add.f32.msk $0xffff, v15  }
0x263: {  	v3 =	vmul.f32 v3, v6;
	[tilespmem:v39+s28+$0x0] =	vst.idx.add.f32.msk $0xffff, v12;
	v58 =	vunpack.i.l.bf16.f32 v17  }
0x264: {  	v60 =	vld.idx.msk [tilespmem:v31+s19+$0x0], $0xffff;
	v59 =	vunpack.i.u.bf16.f32 v17;
	v15 =	vmul.f32 v58, v34  }
0x265: {  	[tilespmem:v5+s30+$0x0] =	vst.idx.add.f32.msk $0xffff, v3;
	v3 =	vmul.f32 v59, v34  }
0x266: {  	v61 =	vunpack.i.l.bf16.f32 v57;
	[tilespmem:v32+s29+$0x0] =	vst.idx.add.f32.msk $0xffff, v15  }
0x267: {  	v12 =	vmul.f32 v61, v37;
	[tilespmem:v32+s30+$0x0] =	vst.idx.add.f32.msk $0xffff, v3;
	v3 =	vunpack.i.u.bf16.f32 v57  }
0x268: {  	v9 =	vld.idx.msk [tilespmem:v9+s20+$0x0], $0xffff;
	v3 =	vmul.f32 v3, v37  }
0x269: {  	v62 =	vunpack.i.l.bf16.f32 v60;
	[tilespmem:v35+s29+$0x0] =	vst.idx.add.f32.msk $0xffff, v12  }
0x26a: {  	[tilespmem:v35+s30+$0x0] =	vst.idx.add.f32.msk $0xffff, v3;
	v3 =	vmul.f32 v62, v20  }
0x26b: {  	v63 =	vunpack.i.u.bf16.f32 v60;
	v7 =	vld.idx.msk [tilespmem:v29+s20+$0x0], $0xffff  }
0x26c: {  	[tilespmem:v39+s29+$0x0] =	vst.idx.add.f32.msk $0xffff, v3;
	v3 =	vmul.f32 v63, v20  }
0x26d: {  	v10 =	vunpack.i.u.bf16.f32 v10;
	v4 =	vld.idx.msk [tilespmem:v30+s20+$0x0], $0xffff  }
0x26e: {  	v2 =	vmul.f32 v10, v2;
	[tilespmem:v39+s30+$0x0] =	vst.idx.add.f32.msk $0xffff, v3;
	v3 =	vunpack.i.l.bf16.f32 v9  }
0x26f: {  	v9 =	vunpack.i.u.bf16.f32 v9;
	v3 =	vmul.f32 v3, v6;
	v8 =	vld.idx.msk [tilespmem:v31+s20+$0x0], $0xffff  }
0x270: {  	[tilespmem:v1+s1+$0x0] =	vst.idx.add.f32.msk $0xffff, v2;
	v2 =	vunpack.i.l.bf16.f32 v7;
	v1 =	vmul.f32 v9, v6  }
0x271: {  	v2 =	vmul.f32 v2, v34;
	[tilespmem:v5+s31+$0x0] =	vst.idx.add.f32.msk $0xffff, v3;
	v3 =	vunpack.i.u.bf16.f32 v7  }
0x272: {  	s5 =	sadd.s32 $0x10, s5;
	[tilespmem:v5+s1+$0x0] =	vst.idx.add.f32.msk $0xffff, v1;
	v1 =	vmul.f32 v3, v34;
	v3 =	vunpack.i.l.bf16.f32 v4  }
0x273: {  	p0 =	slt.u32 s5, $0x40;
	[tilespmem:v32+s31+$0x0] =	vst.idx.add.f32.msk $0xffff, v2;
	v2 =	vunpack.i.u.bf16.f32 v4;
	v3 =	vmul.f32 v3, v37  }
.Ltmp9:
0x274: {  	[tilespmem:v32+s1+$0x0] =	vst.idx.add.f32.msk $0xffff, v1;
	v1 =	vmul.f32 v2, v37;
	v2 =	vunpack.i.l.bf16.f32 v8;
	(pc) =	sbr.rel @p0 .LBB2_21-.Ltmp9, $4  }
0x275: {  	[tilespmem:v35+s31+$0x0] =	vst.idx.add.f32.msk $0xffff, v3;
	v3 =	vunpack.i.u.bf16.f32 v8;
	v2 =	vmul.f32 v2, v20  }
0x276: {  	[tilespmem:v35+s1+$0x0] =	vst.idx.add.f32.msk $0xffff, v1;
	v1 =	vmul.f32 v3, v20  }
0x277: {  	[tilespmem:v39+s31+$0x0] =	vst.idx.add.f32.msk $0xffff, v2  }
0x278: {  	s6 =	sadd.s32 $0x100, s6;
	[tilespmem:v39+s1+$0x0] =	vst.idx.add.f32.msk $0xffff, v1  }
0x279: {  	s4 =	sadd.s32 $0x1, s4  }
0x27a: {  	p0 =	sne.s32 s4, $0x40  }
.Ltmp10:
0x27b: {  	_ = 	snop;
	(pc) =	sbr.rel @p0 .LBB2_18-.Ltmp10, $1  }
0x27c: {  	_ =	sdelay $0x3  }
0x27d: {  	[hbm4b:s8+s2] =	stream.linear.scatter [tilespmem:s24], [sflag:$0x3], $0x2710, $0x38;
	[tilespmem:$0x1F800] =	vst v63  }
0x27e: {  	_ =	swait.ge [sflag:s17], $0x2710  }
0x27f: {  	[sflag:s17] =	ssyncset.done $0x0  }
0x280: {  	[sflag:s17] =	ssyncadd.s32 $0xFFFFD8F0  }
0x281: {  	[hbm4b:s9+s2] =	stream.linear.scatter [tilespmem:s25], [sflag:$0x3], $0x2710, $0x38;
	[tilespmem:$0x1F800] =	vst v63  }
0x282: {  	_ =	swait.ge [sflag:s17], $0x2710  }
0x283: {  	[sflag:s17] =	ssyncset.done $0x0  }
0x284: {  	[sflag:s17] =	ssyncadd.s32 $0xFFFFD8F0  }
0x285: {  	[hbm4b:s10+s2] =	stream.linear.scatter [tilespmem:s26], [sflag:$0x3], $0x2710, $0x38;
	[tilespmem:$0x1F800] =	vst v63  }
0x286: {  	_ =	swait.ge [sflag:s17], $0x2710  }
0x287: {  	[sflag:s17] =	ssyncset.done $0x0  }
0x288: {  	[sflag:s17] =	ssyncadd.s32 $0xFFFFD8F0  }
0x289: {  	[hbm4b:s11+s2] =	stream.linear.scatter [tilespmem:s28], [sflag:$0x3], $0x2710, $0x38;
	[tilespmem:$0x1F800] =	vst v63  }
0x28a: {  	_ =	swait.ge [sflag:s17], $0x2710  }
0x28b: {  	[sflag:s17] =	ssyncset.done $0x0  }
0x28c: {  	[sflag:s17] =	ssyncadd.s32 $0xFFFFD8F0  }
0x28d: {  	[hbm4b:s12+s2] =	stream.linear.scatter [tilespmem:s29], [sflag:$0x3], $0x2710, $0x38;
	[tilespmem:$0x1F800] =	vst v63  }
0x28e: {  	_ =	swait.ge [sflag:s17], $0x2710  }
0x28f: {  	[sflag:s17] =	ssyncset.done $0x0  }
0x290: {  	[sflag:s17] =	ssyncadd.s32 $0xFFFFD8F0  }
0x291: {  	[hbm4b:s13+s2] =	stream.linear.scatter [tilespmem:s30], [sflag:$0x3], $0x2710, $0x38;
	[tilespmem:$0x1F800] =	vst v63  }
0x292: {  	_ =	swait.ge [sflag:s17], $0x2710  }
0x293: {  	[sflag:s17] =	ssyncset.done $0x0  }
0x294: {  	[sflag:s17] =	ssyncadd.s32 $0xFFFFD8F0  }
0x295: {  	[hbm4b:s14+s2] =	stream.linear.scatter [tilespmem:s31], [sflag:$0x3], $0x2710, $0x38;
	[tilespmem:$0x1F800] =	vst v63  }
0x296: {  	s21 =	sadd.s32 $0x1, s21;
	_ =	swait.ge [sflag:s17], $0x2710  }
0x297: {  	p0 =	sne.s32 s21, s16;
	[sflag:s17] =	ssyncset.done $0x0  }
.Ltmp11:
0x298: {  	[sflag:s17] =	ssyncadd.s32 $0xFFFFD8F0;
	(pc) =	sbr.rel @p0 .LBB2_1-.Ltmp11, $4  }
0x299: {  	[hbm4b:s15+s2] =	stream.linear.scatter [tilespmem:s1], [sflag:$0x3], $0x2710, $0x38;
	[tilespmem:$0x1F800] =	vst v63  }
0x29a: {  	_ =	swait.ge [sflag:s17], $0x2710  }
0x29b: {  	[sflag:s17] =	ssyncset.done $0x0  }
0x29c: {  	[sflag:s17] =	ssyncadd.s32 $0xFFFFD8F0  }
0x29d: {  	_ =	sfence.sel $0x180000  }
0x29e: {  	[bflag:$0x0] =	sbarrier.arrive $0xFFFF  }
0x29f: {  	_ =	strace $0x90000050  }
0x2a0: {  	s0 =	stileid.u32;
	[bflag:$0x2] =	sbarrier.arrive $0xFFFF  }
0x2a1: {  	p0 =	sne.s32 s0, $0x0;
	s0 =	rddreg [dreg:$0x2]  }
0x2a2: {  	s0 =	sadd.s32 @!p0 $0x100000, s0  }
0x2a3: {  	[sflag:s0] =	ssyncadd.tile.s32 @!p0 $0x1;
	_ =	shalt  }
.Lfunc_end2:
_tile_overlayer_lowered:
.L_overlay_start_2:
0x2a4: {  	(tag) =	ssettag $0x2  }
0x2a5: {  	s0 =	rddreg [dreg:$0x0];
	s2 =	stileid.u32  }
0x2a6: {  	s1 =	rddreg [dreg:$0x1];
	p0 =	sne.s32 s2, $0x0  }
0x2a7: {  	s3 =	rddreg [dreg:$0x2];
	[bflag:$0x3] =	sbarrier.arrive $0xFFFF;
	s2 =	simm.s32 @!p0 $0x1C03  }
0x2a8: {  	[timem:s3], [sflag:s2] =	dma.local @!p0 [hbm:s0], s1  }
0x2a9: {  	s0 =	simm.s32 @!p0 $0x3  }
0x2aa: {  	_ =	swait.ge @!p0 [sflag:s0], s1  }
0x2ab: {  	s1 =	ssub.s32 @!p0 $0x0, s1;
	[sflag:s0] =	ssyncset.done @!p0 $0x0  }
0x2ac: {  	[sflag:s0] =	ssyncadd.s32 @!p0 s1  }
0x2ad: {  	[bflag:$0x3] =	sbarrier.arrive $0xFFFF  }
0x2ae: {  	_ =	shalt  }

</sc_bundles>
